<compile_context>
chip_gen: v7x
topology: tpu7x:2x2x1
jax: 0.10.2.dev20260603
libtpu: 0.0.44.dev20260713+nightly
codegen_flags: <defaults>
</compile_context>

<pallas_src>
import functools

import jax
import jax.numpy as jnp
from jax import lax
from jax.experimental import pallas as pl
from jax.experimental.pallas import tpu as pltpu
from jax.experimental.pallas import tpu_sc as plsc

N, D, B, T = 100000, 128, 4096, 8
H1, H2 = 128, 64
S1, S2 = 5, 2
W_POS, W_NOPOS = 0.6, 0.4

NW = 32
CH = 128
G1_ROWS = S1 * T * B
A1_ROWS = S1 * T * B
H2_ROWS = S2 * A1_ROWS
NP = S1 * T
TH = T // 2
H0_PW = B // NW


def _sc_gather(x, idx1, idx2, nodes, thalf):
    mesh = plsc.VectorSubcoreMesh(core_axis_name="c", subcore_axis_name="s")
    NPH = S1 * TH
    HROWS = S1 * TH * B
    out_type = [
        jax.ShapeDtypeStruct((HROWS, D), jnp.float32),
        jax.ShapeDtypeStruct((HROWS, D), jnp.float32),
    ]
    if thalf == 0:
        out_type.append(jax.ShapeDtypeStruct((B, D), jnp.float32))

    @functools.partial(
        pl.kernel,
        out_type=tuple(out_type),
        mesh=mesh,
        scratch_types=[
            pltpu.VMEM((NPH * CH * S2,), jnp.int32),
            pltpu.VMEM((NPH * CH,), jnp.int32),
            pltpu.VMEM((NPH * CH,), jnp.int32),
            pltpu.VMEM((CH, D), jnp.float32),
            pltpu.VMEM((CH, D), jnp.float32),
            pltpu.VMEM((CH, D), jnp.float32),
            pltpu.VMEM((CH, D), jnp.float32),
            pltpu.VMEM((CH, D), jnp.float32),
            pltpu.SemaphoreType.DMA,
            pltpu.SemaphoreType.DMA,
            pltpu.SemaphoreType.DMA,
            pltpu.SemaphoreType.DMA,
        ],
        compiler_params=pltpu.CompilerParams(needs_layout_passes=False),
    )
    def k(x_hbm, idx1_hbm, idx2_hbm, nodes_hbm, *rest):
        if thalf == 0:
            g1_hbm, a1_hbm, h0_hbm = rest[:3]
            rest = rest[3:]
        else:
            g1_hbm, a1_hbm = rest[:2]
            h0_hbm = None
            rest = rest[2:]
        (iraw, ipa, ipb, buf_a, buf_b, buf_c, buf_d, obuf,
         sem_a, sem_b, sem_c, sem_d) = rest
        wid = lax.axis_index("s") * 2 + lax.axis_index("c")
        b0 = wid * CH
        iota16 = lax.iota(jnp.int32, 16)

        def st_of(c):
            return lax.shift_right_logical(c, 2), lax.bitwise_and(c, 3)

        def load_deint(idx_hbm, width, outs):
            nsub = len(outs)
            for t in range(TH):
                tg = thalf * TH + t
                pltpu.sync_copy(
                    idx_hbm.at[pl.ds(tg * B * width + b0 * width,
                                     CH * width)],
                    iraw.at[pl.ds(t * CH * width, CH * width)])

            def dbody(c, _):
                s, t = st_of(c)
                rbase = t * CH * width + s * nsub
                for kk in range(CH // 16):
                    for u, outv in enumerate(outs):
                        vals = plsc.load_gather(
                            iraw, [iota16 * width
                                   + (rbase + u + kk * 16 * width)])
                        outv[pl.ds(c * CH + kk * 16, 16)] = vals
                return 0

            lax.fori_loop(0, NPH, dbody, 0)

        def start_gather(iv, off, buf, sem):
            pltpu.async_copy(
                x_hbm.at[iv.at[pl.ds(off, CH)]], buf, sem)

        def wait_gather(iv, off, buf, sem):
            pltpu.make_async_copy(
                x_hbm.at[iv.at[pl.ds(off, CH)]], buf, sem).wait()

        def g1_phase():
            start_gather(ipa, 0, buf_a, sem_a)

            def body(g, _):
                c0 = 2 * g
                start_gather(ipa, (c0 + 1) * CH, buf_b, sem_b)
                wait_gather(ipa, c0 * CH, buf_a, sem_a)
                pltpu.sync_copy(buf_a, g1_hbm.at[pl.ds(c0 * B + b0, CH)])

                @pl.when(c0 + 2 < NPH)
                def _():
                    start_gather(ipa, (c0 + 2) * CH, buf_a, sem_a)

                wait_gather(ipa, (c0 + 1) * CH, buf_b, sem_b)
                pltpu.sync_copy(
                    buf_b, g1_hbm.at[pl.ds((c0 + 1) * B + b0, CH)])
                return 0

            lax.fori_loop(0, NPH // 2, body, 0)

        def pair_add(bufx, bufy):
            def body(r, _):
                for j in range(D // 16):
                    sl = pl.ds(j * 16, 16)
                    obuf[r, sl] = bufx[r, sl] + bufy[r, sl]
                return 0

            lax.fori_loop(0, CH, body, 0)

        def a1_start(c, bufx, bufy, semx, semy):
            start_gather(ipa, c * CH, bufx, semx)
            start_gather(ipb, c * CH, bufy, semy)

        def a1_wait(c, bufx, bufy, semx, semy):
            wait_gather(ipa, c * CH, bufx, semx)
            wait_gather(ipb, c * CH, bufy, semy)

        def a1_phase():
            a1_start(0, buf_a, buf_b, sem_a, sem_b)

            def body(g, _):
                c0 = 2 * g
                a1_start(c0 + 1, buf_c, buf_d, sem_c, sem_d)
                a1_wait(c0, buf_a, buf_b, sem_a, sem_b)
                pair_add(buf_a, buf_b)
                pltpu.sync_copy(obuf, a1_hbm.at[pl.ds(c0 * B + b0, CH)])

                @pl.when(c0 + 2 < NPH)
                def _():
                    a1_start(c0 + 2, buf_a, buf_b, sem_a, sem_b)

                a1_wait(c0 + 1, buf_c, buf_d, sem_c, sem_d)
                pair_add(buf_c, buf_d)
                pltpu.sync_copy(obuf,
                                a1_hbm.at[pl.ds((c0 + 1) * B + b0, CH)])
                return 0

            lax.fori_loop(0, NPH // 2, body, 0)

        def h0_phase():
            pltpu.sync_copy(nodes_hbm.at[pl.ds(b0, CH)],
                            ipa.at[pl.ds(0, CH)])
            start_gather(ipa, 0, buf_a, sem_a)
            wait_gather(ipa, 0, buf_a, sem_a)
            pltpu.sync_copy(buf_a, h0_hbm.at[pl.ds(b0, CH)])

        load_deint(idx1_hbm, S1, [ipa])
        g1_phase()
        load_deint(idx2_hbm, S1 * S2, [ipa, ipb])
        a1_phase()
        if thalf == 0:
            h0_phase()

    return k(x, idx1, idx2, nodes)


def _tc_half1(g1, a1, h0, w1c, w2c):
    NB = 16
    BT = B // NB

    def wrapped(g1r, a1r, h0r, w1cr, w2cr, seqr):
        z2 = _dense_z2(g1r, a1r, h0r, w1cr, w2cr, BT)
        seqr[0] = z2

    return pl.pallas_call(
        wrapped,
        grid=(NB, TH),
        in_specs=[
            pl.BlockSpec((S1, 1, BT, D), lambda b, t: (0, t, b, 0)),
            pl.BlockSpec((S1, 1, BT, D), lambda b, t: (0, t, b, 0)),
            pl.BlockSpec((BT, D), lambda b, t: (b, 0)),
            pl.BlockSpec((2 * D, H1), lambda b, t: (0, 0)),
            pl.BlockSpec((2 * H1, H2), lambda b, t: (0, 0)),
        ],
        out_specs=pl.BlockSpec((1, BT, H2), lambda b, t: (t, b, 0)),
        out_shape=jax.ShapeDtypeStruct((TH, B, H2), jnp.float32),
        compiler_params=pltpu.CompilerParams(
            dimension_semantics=("arbitrary", "arbitrary"),
        ),
    )(g1, a1, h0, w1c, w2c)


def _dense_z2(g1r, a1r, h0r, w1cr, w2cr, BT):
    w1c_ = w1cr[...]
    w2c_ = w2cr[...]
    g1f = g1r[...]
    a1f = a1r[...]
    gb = g1f.reshape(S1 * BT, D).astype(jnp.bfloat16)
    ab = (a1f.reshape(S1 * BT, D) * 0.5).astype(jnp.bfloat16)
    z1 = jnp.maximum(
        jnp.dot(jnp.concatenate([gb, ab], axis=1), w1c_,
                preferred_element_type=jnp.float32), 0.0)
    agg0 = (g1f[0, 0] + g1f[1, 0] + g1f[2, 0] + g1f[3, 0]
            + g1f[4, 0]) * (1.0 / S1)
    zin0 = jnp.concatenate([h0r[...], agg0], axis=1).astype(jnp.bfloat16)
    z0 = jnp.maximum(
        jnp.dot(zin0, w1c_, preferred_element_type=jnp.float32), 0.0)
    agg2 = (z1[0:BT] + z1[BT:2 * BT] + z1[2 * BT:3 * BT]
            + z1[3 * BT:4 * BT] + z1[4 * BT:5 * BT]) * (1.0 / S1)
    zin2 = jnp.concatenate([z0, agg2], axis=1).astype(jnp.bfloat16)
    return jnp.maximum(
        jnp.dot(zin2, w2c_, preferred_element_type=jnp.float32), 0.0)


def _tc_half2(g1, a1, h0, seq_a, w1c, w2c, awp, awn, pe, wout, bout):
    NB = 16
    BT = B // NB

    def body(g1r, a1r, h0r, seqar, w1cr, w2cr, awpr, awnr, per,
             woutr, boutr, outr, seqb):
        t = pl.program_id(1)
        z2 = _dense_z2(g1r, a1r, h0r, w1cr, w2cr, BT)
        seqb[pl.ds(t, 1)] = z2[None]

        @pl.when(t == TH - 1)
        def _():
            sq = jnp.concatenate([seqar[...], seqb[...]], axis=0)

            def attn(s_, w_):
                sc_ = jnp.sum(s_ * w_[None, None, :], axis=-1, keepdims=True)
                m = jnp.max(sc_, axis=0, keepdims=True)
                e = jnp.exp(sc_ - m)
                wt = e / jnp.sum(e, axis=0, keepdims=True)
                return jnp.sum(s_ * wt, axis=0)

            pe_ = per[...]
            awp_ = awpr[...]
            awn_ = awnr[...]
            emb0 = (attn(sq + pe_[:, None, :], awp_[0]) * W_POS
                    + attn(sq, awn_[0]) * W_NOPOS)
            sq1 = jnp.stack([sq[0], sq[2], sq[4], sq[6]])
            emb1 = (attn(sq1 + pe_[0:4][:, None, :], awp_[1]) * W_POS
                    + attn(sq1, awn_[1]) * W_NOPOS)
            stacked = (emb0 + emb1) * 0.5
            outr[...] = stacked @ woutr[...] + boutr[...]

    return pl.pallas_call(
        body,
        grid=(NB, TH),
        in_specs=[
            pl.BlockSpec((S1, 1, BT, D), lambda b, t: (0, t, b, 0)),
            pl.BlockSpec((S1, 1, BT, D), lambda b, t: (0, t, b, 0)),
            pl.BlockSpec((BT, D), lambda b, t: (b, 0)),
            pl.BlockSpec((TH, BT, H2), lambda b, t: (0, b, 0)),
            pl.BlockSpec((2 * D, H1), lambda b, t: (0, 0)),
            pl.BlockSpec((2 * H1, H2), lambda b, t: (0, 0)),
            pl.BlockSpec((2, H2), lambda b, t: (0, 0)),
            pl.BlockSpec((2, H2), lambda b, t: (0, 0)),
            pl.BlockSpec((T, H2), lambda b, t: (0, 0)),
            pl.BlockSpec((H2, D), lambda b, t: (0, 0)),
            pl.BlockSpec((1, D), lambda b, t: (0, 0)),
        ],
        out_specs=pl.BlockSpec((BT, D), lambda b, t: (b, 0)),
        out_shape=jax.ShapeDtypeStruct((B, D), jnp.float32),
        scratch_shapes=[pltpu.VMEM((TH, BT, H2), jnp.float32)],
        compiler_params=pltpu.CompilerParams(
            dimension_semantics=("arbitrary", "arbitrary"),
        ),
    )(g1, a1, h0, seq_a, w1c, w2c, awp, awn, pe, wout, bout)


def kernel(x, nodes, nbr1, nbr2, W1_self, W1_nbr, W2_self, W2_nbr,
           attn_w_pos, attn_b_pos, attn_w_nopos, attn_b_nopos, pe, Wout,
           bout):
    del attn_b_pos, attn_b_nopos
    nodes_i = nodes.astype(jnp.int32).reshape(B)
    idx1 = nbr1.astype(jnp.int32).reshape(G1_ROWS)
    idx2 = nbr2.astype(jnp.int32).reshape(H2_ROWS)
    g1a, a1a, h0 = _sc_gather(x, idx1, idx2, nodes_i, 0)
    g1b, a1b = _sc_gather(x, idx1, idx2, nodes_i, 1)
    w1c = jnp.concatenate([W1_self, W1_nbr], axis=0).astype(jnp.bfloat16)
    w2c = jnp.concatenate([W2_self, W2_nbr], axis=0).astype(jnp.bfloat16)
    seq_a = _tc_half1(g1a.reshape(S1, TH, B, D), a1a.reshape(S1, TH, B, D),
                      h0, w1c, w2c)
    return _tc_half2(
        g1b.reshape(S1, TH, B, D), a1b.reshape(S1, TH, B, D), h0, seq_a,
        w1c, w2c, attn_w_pos, attn_w_nopos, pe, Wout, bout.reshape(1, D))

# --- scband reference (transcript-rebuilt; emitter-appended) ---
"""Pipeline reference for scband-hasnn-36653250904180 (READ-ONLY COPY).

The authoritative reference and input builder live on the scoring server;
editing this copy changes nothing except your own understanding.
"""

import jax, jax.numpy as jnp
import numpy as np

N, D, B, T = 100000, 128, 4096, 8
H1, H2 = 128, 64
S1, S2 = 5, 2
W_POS, W_NOPOS = 0.6, 0.4

def sinusoid_table(n_position, d_hid):
    pos = np.arange(n_position, dtype=np.float64)[:, None]
    i = np.arange(d_hid, dtype=np.float64)[None, :]
    angle = pos / np.power(10000.0, 2.0 * np.floor(i / 2.0) / d_hid)
    table = np.where(np.arange(d_hid)[None, :] % 2 == 0, np.sin(angle), np.cos(angle))
    return jnp.asarray(table, dtype=jnp.float32)

def setup_inputs(seed: int = 0):
    key = jax.random.key(seed)
    ks = jax.random.split(key, 20)
    inp = {}
    inp["x"] = jax.random.normal(ks[0], (N, D), jnp.float32)
    inp["nodes"] = jax.random.randint(ks[1], (B,), 0, N)
    inp["nbr1"] = jax.random.randint(ks[2], (T, B * S1), 0, N)
    inp["nbr2"] = jax.random.randint(ks[3], (T, B * S1 * S2), 0, N)
    inp["W1_self"] = jax.random.normal(ks[4], (D, H1), jnp.float32) * 0.05
    inp["W1_nbr"] = jax.random.normal(ks[5], (D, H1), jnp.float32) * 0.05
    inp["W2_self"] = jax.random.normal(ks[6], (H1, H2), jnp.float32) * 0.05
    inp["W2_nbr"] = jax.random.normal(ks[7], (H1, H2), jnp.float32) * 0.05
    inp["attn_w_pos"] = jax.random.normal(ks[8], (2, H2), jnp.float32) * 0.05
    inp["attn_b_pos"] = jnp.zeros((2,), jnp.float32)
    inp["attn_w_nopos"] = jax.random.normal(ks[9], (2, H2), jnp.float32) * 0.05
    inp["attn_b_nopos"] = jnp.zeros((2,), jnp.float32)
    inp["pe"] = sinusoid_table(T, H2)
    inp["Wout"] = jax.random.normal(ks[10], (H2, D), jnp.float32) * 0.05
    inp["bout"] = jnp.zeros((D,), jnp.float32)
    return inp

def _temporal_attn(seq, w, b):
    # seq: [Tc, B, H2]; scores via linear(H2 -> 1), softmax over time, weighted sum
    sp = jnp.transpose(seq, (1, 0, 2))
    scores = sp @ w[:, None] + b
    weights = jax.nn.softmax(scores, axis=1)
    return jnp.sum(sp * weights, axis=1)

def reference(x, nodes, nbr1, nbr2, W1_self, W1_nbr, W2_self, W2_nbr, attn_w_pos, attn_b_pos, attn_w_nopos, attn_b_nopos, pe, Wout, bout):
    outs = []
    for t in range(T):
        # memory-bound random gathers from node feature table (replaces sampler + x[nbr])
        h0 = x[nodes]
        h1 = x[nbr1[t]]
        h2 = x[nbr2[t]]
        # two-layer mean-aggregation message passing (SRGA stand-in, aggr='mean')
        agg0 = h1.reshape(B, S1, D).mean(axis=1)
        z0 = jax.nn.relu(h0 @ W1_self + agg0 @ W1_nbr)
        agg1 = h2.reshape(B * S1, S2, D).mean(axis=1)
        z1 = jax.nn.relu(h1 @ W1_self + agg1 @ W1_nbr)
        agg2 = z1.reshape(B, S1, H1).mean(axis=1)
        z2 = jax.nn.relu(z0 @ W2_self + agg2 @ W2_nbr)
        outs.append(z2)
    seq_all = jnp.stack(outs, axis=0)  # [T, B, H2]
    channel_embs = []
    for c in range(2):
        # channel 0: all snapshots; channel 1: only t % time_mod == 0
        seq = seq_all if c == 0 else seq_all[::2]
        Tc = seq.shape[0]
        emb_pos = _temporal_attn(seq + pe[:Tc][:, None, :], attn_w_pos[c], attn_b_pos[c])
        emb_nopos = _temporal_attn(seq, attn_w_nopos[c], attn_b_nopos[c])
        channel_embs.append(emb_pos * W_POS + emb_nopos * W_NOPOS)
    stacked = jnp.stack(channel_embs, axis=0).mean(axis=0)
    return stacked @ Wout + bout

if __name__ == "__main__":
    import jax
    _d = setup_inputs()
    print(jax.jit(kernel)(*tuple(_d.values())))

</pallas_src>

<mosaic_0001>
#map = affine_map<(d0, d1) -> (0, 0)>
#map1 = affine_map<(d0, d1) -> (0)>
module attributes {stable_mosaic.version = 14 : i64} {
  func.func @k(%arg0: i32, %arg1: i32, %arg2: memref<100000x128xf32, #tpu.memory_space<hbm>>, %arg3: memref<163840xi32, #tpu.memory_space<hbm>>, %arg4: memref<327680xi32, #tpu.memory_space<hbm>>, %arg5: memref<4096xi32, #tpu.memory_space<hbm>>, %arg6: memref<81920x128xf32, #tpu.memory_space<hbm>>, %arg7: memref<81920x128xf32, #tpu.memory_space<hbm>>, %arg8: memref<5120xi32, #tpu.memory_space<vmem>>, %arg9: memref<2560xi32, #tpu.memory_space<vmem>>, %arg10: memref<2560xi32, #tpu.memory_space<vmem>>, %arg11: memref<128x128xf32, #tpu.memory_space<vmem>>, %arg12: memref<128x128xf32, #tpu.memory_space<vmem>>, %arg13: memref<128x128xf32, #tpu.memory_space<vmem>>, %arg14: memref<128x128xf32, #tpu.memory_space<vmem>>, %arg15: memref<128x128xf32, #tpu.memory_space<vmem>>, %arg16: memref<!tpu.dma_semaphore, #tpu.memory_space<semaphore_mem>>, %arg17: memref<!tpu.dma_semaphore, #tpu.memory_space<semaphore_mem>>, %arg18: memref<!tpu.dma_semaphore, #tpu.memory_space<semaphore_mem>>, %arg19: memref<!tpu.dma_semaphore, #tpu.memory_space<semaphore_mem>>) attributes {dimension_semantics = [#tpu.dimension_semantics<core_parallel>, #tpu.dimension_semantics<subcore_parallel>], iteration_bounds = array<i64: 2, 16>, scalar_prefetch = 0 : i64, scratch_operands = 12 : i64, tpu.core_type = #tpu.core_type<sc_vector_subcore>, window_params = [{transform_indices = #map}, {transform_indices = #map1}, {transform_indices = #map1}, {transform_indices = #map1}, {transform_indices = #map}, {transform_indices = #map}]} {
    %mul3A = arith.constant 2 : i32
    %mul3A_0 = arith.muli %arg1, %mul3A : i32
    %add3A = arith.addi %mul3A_0, %arg0 : i32
    %mul3A_1 = arith.constant 128 : i32
    %mul3A_2 = arith.muli %add3A, %mul3A_1 : i32
    %iota3A = tpu.iota {dimensions = array<i32: 0>} : vector<16xi32>
    %mul3A_3 = arith.constant 5 : i32
    %mul3A_4 = arith.muli %mul3A_2, %mul3A_3 : i32
    %add3A_5 = arith.constant 81920 : i32
    %add3A_6 = arith.addi %add3A_5, %mul3A_4 : i32
    "tpu.region"() ({
      %run_scoped3A = tpu.sem_alloc : memref<!tpu.dma_semaphore, #tpu.memory_space<semaphore_mem>>
      %dma_start3A_76 = arith.constant 0 : i32
      %dma_start3A_77 = tpu.memref_slice %arg8[%dma_start3A_76] : memref<5120xi32, #tpu.memory_space<vmem>> -> memref<640xi32, #tpu.memory_space<vmem>>
      %dma_start3A_78 = tpu.memref_slice %arg3[%add3A_6] : memref<163840xi32, #tpu.memory_space<hbm>> -> memref<640xi32, #tpu.memory_space<hbm>>
      %dma_start3A_79 = arith.constant 0 : i32
      %dma_start3A_80 = tpu.memref_slice %arg8[%dma_start3A_79] : memref<5120xi32, #tpu.memory_space<vmem>> -> memref<640xi32, #tpu.memory_space<vmem>>
      %dma_start3A_81 = tpu.memref_slice %arg3[%add3A_6] : memref<163840xi32, #tpu.memory_space<hbm>> -> memref<640xi32, #tpu.memory_space<hbm>>
      tpu.enqueue_dma source(%dma_start3A_81 : memref<640xi32, #tpu.memory_space<hbm>>) target(%dma_start3A_80 : memref<640xi32, #tpu.memory_space<vmem>>) target_semaphore(%run_scoped3A : memref<!tpu.dma_semaphore, #tpu.memory_space<semaphore_mem>>)
      %dma_wait3A = arith.constant 0 : i32
      %dma_wait3A_82 = tpu.memref_slice %arg8[%dma_wait3A] : memref<5120xi32, #tpu.memory_space<vmem>> -> memref<640xi32, #tpu.memory_space<vmem>>
      %dma_wait3A_83 = tpu.memref_slice %arg3[%add3A_6] : memref<163840xi32, #tpu.memory_space<hbm>> -> memref<640xi32, #tpu.memory_space<hbm>>
      %dma_wait3A_84 = arith.constant 0 : i32
      %dma_wait3A_85 = tpu.memref_slice %arg8[%dma_wait3A_84] : memref<5120xi32, #tpu.memory_space<vmem>> -> memref<640xi32, #tpu.memory_space<vmem>>
      %dma_wait3A_86 = tpu.memref_slice %arg3[%add3A_6] : memref<163840xi32, #tpu.memory_space<hbm>> -> memref<640xi32, #tpu.memory_space<hbm>>
      tpu.wait_dma2 semaphore(%run_scoped3A : memref<!tpu.dma_semaphore, #tpu.memory_space<semaphore_mem>>) src(%dma_wait3A_86 : memref<640xi32, #tpu.memory_space<hbm>>) dst(%dma_wait3A_85 : memref<640xi32, #tpu.memory_space<vmem>>)
      tpu.yield
    }) : () -> ()
    %mul3A_7 = arith.constant 5 : i32
    %mul3A_8 = arith.muli %mul3A_2, %mul3A_7 : i32
    %add3A_9 = arith.constant 102400 : i32
    %add3A_10 = arith.addi %add3A_9, %mul3A_8 : i32
    "tpu.region"() ({
      %run_scoped3A = tpu.sem_alloc : memref<!tpu.dma_semaphore, #tpu.memory_space<semaphore_mem>>
      %dma_start3A_76 = arith.constant 640 : i32
      %dma_start3A_77 = tpu.memref_slice %arg8[%dma_start3A_76] : memref<5120xi32, #tpu.memory_space<vmem>> -> memref<640xi32, #tpu.memory_space<vmem>>
      %dma_start3A_78 = tpu.memref_slice %arg3[%add3A_10] : memref<163840xi32, #tpu.memory_space<hbm>> -> memref<640xi32, #tpu.memory_space<hbm>>
      %dma_start3A_79 = arith.constant 640 : i32
      %dma_start3A_80 = tpu.memref_slice %arg8[%dma_start3A_79] : memref<5120xi32, #tpu.memory_space<vmem>> -> memref<640xi32, #tpu.memory_space<vmem>>
      %dma_start3A_81 = tpu.memref_slice %arg3[%add3A_10] : memref<163840xi32, #tpu.memory_space<hbm>> -> memref<640xi32, #tpu.memory_space<hbm>>
      tpu.enqueue_dma source(%dma_start3A_81 : memref<640xi32, #tpu.memory_space<hbm>>) target(%dma_start3A_80 : memref<640xi32, #tpu.memory_space<vmem>>) target_semaphore(%run_scoped3A : memref<!tpu.dma_semaphore, #tpu.memory_space<semaphore_mem>>)
      %dma_wait3A = arith.constant 640 : i32
      %dma_wait3A_82 = tpu.memref_slice %arg8[%dma_wait3A] : memref<5120xi32, #tpu.memory_space<vmem>> -> memref<640xi32, #tpu.memory_space<vmem>>
      %dma_wait3A_83 = tpu.memref_slice %arg3[%add3A_10] : memref<163840xi32, #tpu.memory_space<hbm>> -> memref<640xi32, #tpu.memory_space<hbm>>
      %dma_wait3A_84 = arith.constant 640 : i32
      %dma_wait3A_85 = tpu.memref_slice %arg8[%dma_wait3A_84] : memref<5120xi32, #tpu.memory_space<vmem>> -> memref<640xi32, #tpu.memory_space<vmem>>
      %dma_wait3A_86 = tpu.memref_slice %arg3[%add3A_10] : memref<163840xi32, #tpu.memory_space<hbm>> -> memref<640xi32, #tpu.memory_space<hbm>>
      tpu.wait_dma2 semaphore(%run_scoped3A : memref<!tpu.dma_semaphore, #tpu.memory_space<semaphore_mem>>) src(%dma_wait3A_86 : memref<640xi32, #tpu.memory_space<hbm>>) dst(%dma_wait3A_85 : memref<640xi32, #tpu.memory_space<vmem>>)
      tpu.yield
    }) : () -> ()
    %mul3A_11 = arith.constant 5 : i32
    %mul3A_12 = arith.muli %mul3A_2, %mul3A_11 : i32
    %add3A_13 = arith.constant 122880 : i32
    %add3A_14 = arith.addi %add3A_13, %mul3A_12 : i32
    "tpu.region"() ({
      %run_scoped3A = tpu.sem_alloc : memref<!tpu.dma_semaphore, #tpu.memory_space<semaphore_mem>>
      %dma_start3A_76 = arith.constant 1280 : i32
      %dma_start3A_77 = tpu.memref_slice %arg8[%dma_start3A_76] : memref<5120xi32, #tpu.memory_space<vmem>> -> memref<640xi32, #tpu.memory_space<vmem>>
      %dma_start3A_78 = tpu.memref_slice %arg3[%add3A_14] : memref<163840xi32, #tpu.memory_space<hbm>> -> memref<640xi32, #tpu.memory_space<hbm>>
      %dma_start3A_79 = arith.constant 1280 : i32
      %dma_start3A_80 = tpu.memref_slice %arg8[%dma_start3A_79] : memref<5120xi32, #tpu.memory_space<vmem>> -> memref<640xi32, #tpu.memory_space<vmem>>
      %dma_start3A_81 = tpu.memref_slice %arg3[%add3A_14] : memref<163840xi32, #tpu.memory_space<hbm>> -> memref<640xi32, #tpu.memory_space<hbm>>
      tpu.enqueue_dma source(%dma_start3A_81 : memref<640xi32, #tpu.memory_space<hbm>>) target(%dma_start3A_80 : memref<640xi32, #tpu.memory_space<vmem>>) target_semaphore(%run_scoped3A : memref<!tpu.dma_semaphore, #tpu.memory_space<semaphore_mem>>)
      %dma_wait3A = arith.constant 1280 : i32
      %dma_wait3A_82 = tpu.memref_slice %arg8[%dma_wait3A] : memref<5120xi32, #tpu.memory_space<vmem>> -> memref<640xi32, #tpu.memory_space<vmem>>
      %dma_wait3A_83 = tpu.memref_slice %arg3[%add3A_14] : memref<163840xi32, #tpu.memory_space<hbm>> -> memref<640xi32, #tpu.memory_space<hbm>>
      %dma_wait3A_84 = arith.constant 1280 : i32
      %dma_wait3A_85 = tpu.memref_slice %arg8[%dma_wait3A_84] : memref<5120xi32, #tpu.memory_space<vmem>> -> memref<640xi32, #tpu.memory_space<vmem>>
      %dma_wait3A_86 = tpu.memref_slice %arg3[%add3A_14] : memref<163840xi32, #tpu.memory_space<hbm>> -> memref<640xi32, #tpu.memory_space<hbm>>
      tpu.wait_dma2 semaphore(%run_scoped3A : memref<!tpu.dma_semaphore, #tpu.memory_space<semaphore_mem>>) src(%dma_wait3A_86 : memref<640xi32, #tpu.memory_space<hbm>>) dst(%dma_wait3A_85 : memref<640xi32, #tpu.memory_space<vmem>>)
      tpu.yield
    }) : () -> ()
    %mul3A_15 = arith.constant 5 : i32
    %mul3A_16 = arith.muli %mul3A_2, %mul3A_15 : i32
    %add3A_17 = arith.constant 143360 : i32
    %add3A_18 = arith.addi %add3A_17, %mul3A_16 : i32
    "tpu.region"() ({
      %run_scoped3A = tpu.sem_alloc : memref<!tpu.dma_semaphore, #tpu.memory_space<semaphore_mem>>
      %dma_start3A_76 = arith.constant 1920 : i32
      %dma_start3A_77 = tpu.memref_slice %arg8[%dma_start3A_76] : memref<5120xi32, #tpu.memory_space<vmem>> -> memref<640xi32, #tpu.memory_space<vmem>>
      %dma_start3A_78 = tpu.memref_slice %arg3[%add3A_18] : memref<163840xi32, #tpu.memory_space<hbm>> -> memref<640xi32, #tpu.memory_space<hbm>>
      %dma_start3A_79 = arith.constant 1920 : i32
      %dma_start3A_80 = tpu.memref_slice %arg8[%dma_start3A_79] : memref<5120xi32, #tpu.memory_space<vmem>> -> memref<640xi32, #tpu.memory_space<vmem>>
      %dma_start3A_81 = tpu.memref_slice %arg3[%add3A_18] : memref<163840xi32, #tpu.memory_space<hbm>> -> memref<640xi32, #tpu.memory_space<hbm>>
      tpu.enqueue_dma source(%dma_start3A_81 : memref<640xi32, #tpu.memory_space<hbm>>) target(%dma_start3A_80 : memref<640xi32, #tpu.memory_space<vmem>>) target_semaphore(%run_scoped3A : memref<!tpu.dma_semaphore, #tpu.memory_space<semaphore_mem>>)
      %dma_wait3A = arith.constant 1920 : i32
      %dma_wait3A_82 = tpu.memref_slice %arg8[%dma_wait3A] : memref<5120xi32, #tpu.memory_space<vmem>> -> memref<640xi32, #tpu.memory_space<vmem>>
      %dma_wait3A_83 = tpu.memref_slice %arg3[%add3A_18] : memref<163840xi32, #tpu.memory_space<hbm>> -> memref<640xi32, #tpu.memory_space<hbm>>
      %dma_wait3A_84 = arith.constant 1920 : i32
      %dma_wait3A_85 = tpu.memref_slice %arg8[%dma_wait3A_84] : memref<5120xi32, #tpu.memory_space<vmem>> -> memref<640xi32, #tpu.memory_space<vmem>>
      %dma_wait3A_86 = tpu.memref_slice %arg3[%add3A_18] : memref<163840xi32, #tpu.memory_space<hbm>> -> memref<640xi32, #tpu.memory_space<hbm>>
      tpu.wait_dma2 semaphore(%run_scoped3A : memref<!tpu.dma_semaphore, #tpu.memory_space<semaphore_mem>>) src(%dma_wait3A_86 : memref<640xi32, #tpu.memory_space<hbm>>) dst(%dma_wait3A_85 : memref<640xi32, #tpu.memory_space<vmem>>)
      tpu.yield
    }) : () -> ()
    %scan3A = arith.constant 0 : i32
    %scan3A_19 = arith.constant 0 : i32
    %scan3A_20 = arith.constant 20 : i32
    %scan3A_21 = arith.addi %scan3A_19, %scan3A_20 : i32
    %scan3A_22 = arith.constant 1 : i32
    %scan3A_23 = scf.for %scan3A_76 = %scan3A_19 to %scan3A_21 step %scan3A_22 iter_args(%scan3A_77 = %scan3A) -> (i32)  : i32 {
      %shift_right_logical3A = arith.constant 2 : i32
      %shift_right_logical3A_78 = arith.shrui %scan3A_76, %shift_right_logical3A : i32
      %and3A = arith.constant 3 : i32
      %and3A_79 = arith.andi %scan3A_76, %and3A : i32
      %mul3A_80 = arith.constant 128 : i32
      %mul3A_81 = arith.muli %and3A_79, %mul3A_80 : i32
      %mul3A_82 = arith.constant 5 : i32
      %mul3A_83 = arith.muli %mul3A_81, %mul3A_82 : i32
      %mul3A_84 = arith.constant 1 : i32
      %mul3A_85 = arith.muli %shift_right_logical3A_78, %mul3A_84 : i32
      %add3A_86 = arith.addi %mul3A_83, %mul3A_85 : i32
      %mul3A_87 = arith.constant 5 : i32
      %mul3A_88 = vector.broadcast %mul3A_87 : i32 to vector<16xi32>
      %mul3A_89 = arith.muli %iota3A, %mul3A_88 : vector<16xi32>
      %add3A_90 = arith.constant 0 : i32
      %add3A_91 = arith.addi %add3A_86, %add3A_90 : i32
      %add3A_92 = arith.constant 0 : i32
      %add3A_93 = arith.addi %add3A_91, %add3A_92 : i32
      %add3A_94 = vector.broadcast %add3A_93 : i32 to vector<16xi32>
      %add3A_95 = arith.addi %mul3A_89, %add3A_94 : vector<16xi32>
      %gather3A = tpu.vector_load_idx %arg8[%add3A_95] : memref<5120xi32, #tpu.memory_space<vmem>>[vector<16xi32>], vector<16xi32>,
      %mul3A_96 = arith.constant 128 : i32
      %mul3A_97 = arith.muli %scan3A_76, %mul3A_96 : i32
      %add3A_98 = arith.constant 0 : i32
      %add3A_99 = arith.addi %mul3A_97, %add3A_98 : i32
      %swap3A = arith.index_cast %add3A_99 : i32 to index
      %swap3A_100 = tpu.vector_load %arg9[%swap3A] {strides = array<i32>} : memref<2560xi32, #tpu.memory_space<vmem>>, vector<16xi32>,
      tpu.vector_store %arg9[%swap3A], %gather3A {strides = array<i32>} : memref<2560xi32, #tpu.memory_space<vmem>>, vector<16xi32>,
      %mul3A_101 = arith.constant 5 : i32
      %mul3A_102 = vector.broadcast %mul3A_101 : i32 to vector<16xi32>
      %mul3A_103 = arith.muli %iota3A, %mul3A_102 : vector<16xi32>
      %add3A_104 = arith.constant 0 : i32
      %add3A_105 = arith.addi %add3A_86, %add3A_104 : i32
      %add3A_106 = arith.constant 80 : i32
      %add3A_107 = arith.addi %add3A_105, %add3A_106 : i32
      %add3A_108 = vector.broadcast %add3A_107 : i32 to vector<16xi32>
      %add3A_109 = arith.addi %mul3A_103, %add3A_108 : vector<16xi32>
      %gather3A_110 = tpu.vector_load_idx %arg8[%add3A_109] : memref<5120xi32, #tpu.memory_space<vmem>>[vector<16xi32>], vector<16xi32>,
      %mul3A_111 = arith.constant 128 : i32
      %mul3A_112 = arith.muli %scan3A_76, %mul3A_111 : i32
      %add3A_113 = arith.constant 16 : i32
      %add3A_114 = arith.addi %mul3A_112, %add3A_113 : i32
      %swap3A_115 = arith.index_cast %add3A_114 : i32 to index
      %swap3A_116 = tpu.vector_load %arg9[%swap3A_115] {strides = array<i32>} : memref<2560xi32, #tpu.memory_space<vmem>>, vector<16xi32>,
      tpu.vector_store %arg9[%swap3A_115], %gather3A_110 {strides = array<i32>} : memref<2560xi32, #tpu.memory_space<vmem>>, vector<16xi32>,
      %mul3A_117 = arith.constant 5 : i32
      %mul3A_118 = vector.broadcast %mul3A_117 : i32 to vector<16xi32>
      %mul3A_119 = arith.muli %iota3A, %mul3A_118 : vector<16xi32>
      %add3A_120 = arith.constant 0 : i32
      %add3A_121 = arith.addi %add3A_86, %add3A_120 : i32
      %add3A_122 = arith.constant 160 : i32
      %add3A_123 = arith.addi %add3A_121, %add3A_122 : i32
      %add3A_124 = vector.broadcast %add3A_123 : i32 to vector<16xi32>
      %add3A_125 = arith.addi %mul3A_119, %add3A_124 : vector<16xi32>
      %gather3A_126 = tpu.vector_load_idx %arg8[%add3A_125] : memref<5120xi32, #tpu.memory_space<vmem>>[vector<16xi32>], vector<16xi32>,
      %mul3A_127 = arith.constant 128 : i32
      %mul3A_128 = arith.muli %scan3A_76, %mul3A_127 : i32
      %add3A_129 = arith.constant 32 : i32
      %add3A_130 = arith.addi %mul3A_128, %add3A_129 : i32
      %swap3A_131 = arith.index_cast %add3A_130 : i32 to index
      %swap3A_132 = tpu.vector_load %arg9[%swap3A_131] {strides = array<i32>} : memref<2560xi32, #tpu.memory_space<vmem>>, vector<16xi32>,
      tpu.vector_store %arg9[%swap3A_131], %gather3A_126 {strides = array<i32>} : memref<2560xi32, #tpu.memory_space<vmem>>, vector<16xi32>,
      %mul3A_133 = arith.constant 5 : i32
      %mul3A_134 = vector.broadcast %mul3A_133 : i32 to vector<16xi32>
      %mul3A_135 = arith.muli %iota3A, %mul3A_134 : vector<16xi32>
      %add3A_136 = arith.constant 0 : i32
      %add3A_137 = arith.addi %add3A_86, %add3A_136 : i32
      %add3A_138 = arith.constant 240 : i32
      %add3A_139 = arith.addi %add3A_137, %add3A_138 : i32
      %add3A_140 = vector.broadcast %add3A_139 : i32 to vector<16xi32>
      %add3A_141 = arith.addi %mul3A_135, %add3A_140 : vector<16xi32>
      %gather3A_142 = tpu.vector_load_idx %arg8[%add3A_141] : memref<5120xi32, #tpu.memory_space<vmem>>[vector<16xi32>], vector<16xi32>,
      %mul3A_143 = arith.constant 128 : i32
      %mul3A_144 = arith.muli %scan3A_76, %mul3A_143 : i32
      %add3A_145 = arith.constant 48 : i32
      %add3A_146 = arith.addi %mul3A_144, %add3A_145 : i32
      %swap3A_147 = arith.index_cast %add3A_146 : i32 to index
      %swap3A_148 = tpu.vector_load %arg9[%swap3A_147] {strides = array<i32>} : memref<2560xi32, #tpu.memory_space<vmem>>, vector<16xi32>,
      tpu.vector_store %arg9[%swap3A_147], %gather3A_142 {strides = array<i32>} : memref<2560xi32, #tpu.memory_space<vmem>>, vector<16xi32>,
      %mul3A_149 = arith.constant 5 : i32
      %mul3A_150 = vector.broadcast %mul3A_149 : i32 to vector<16xi32>
      %mul3A_151 = arith.muli %iota3A, %mul3A_150 : vector<16xi32>
      %add3A_152 = arith.constant 0 : i32
      %add3A_153 = arith.addi %add3A_86, %add3A_152 : i32
      %add3A_154 = arith.constant 320 : i32
      %add3A_155 = arith.addi %add3A_153, %add3A_154 : i32
      %add3A_156 = vector.broadcast %add3A_155 : i32 to vector<16xi32>
      %add3A_157 = arith.addi %mul3A_151, %add3A_156 : vector<16xi32>
      %gather3A_158 = tpu.vector_load_idx %arg8[%add3A_157] : memref<5120xi32, #tpu.memory_space<vmem>>[vector<16xi32>], vector<16xi32>,
      %mul3A_159 = arith.constant 128 : i32
      %mul3A_160 = arith.muli %scan3A_76, %mul3A_159 : i32
      %add3A_161 = arith.constant 64 : i32
      %add3A_162 = arith.addi %mul3A_160, %add3A_161 : i32
      %swap3A_163 = arith.index_cast %add3A_162 : i32 to index
      %swap3A_164 = tpu.vector_load %arg9[%swap3A_163] {strides = array<i32>} : memref<2560xi32, #tpu.memory_space<vmem>>, vector<16xi32>,
      tpu.vector_store %arg9[%swap3A_163], %gather3A_158 {strides = array<i32>} : memref<2560xi32, #tpu.memory_space<vmem>>, vector<16xi32>,
      %mul3A_165 = arith.constant 5 : i32
      %mul3A_166 = vector.broadcast %mul3A_165 : i32 to vector<16xi32>
      %mul3A_167 = arith.muli %iota3A, %mul3A_166 : vector<16xi32>
      %add3A_168 = arith.constant 0 : i32
      %add3A_169 = arith.addi %add3A_86, %add3A_168 : i32
      %add3A_170 = arith.constant 400 : i32
      %add3A_171 = arith.addi %add3A_169, %add3A_170 : i32
      %add3A_172 = vector.broadcast %add3A_171 : i32 to vector<16xi32>
      %add3A_173 = arith.addi %mul3A_167, %add3A_172 : vector<16xi32>
      %gather3A_174 = tpu.vector_load_idx %arg8[%add3A_173] : memref<5120xi32, #tpu.memory_space<vmem>>[vector<16xi32>], vector<16xi32>,
      %mul3A_175 = arith.constant 128 : i32
      %mul3A_176 = arith.muli %scan3A_76, %mul3A_175 : i32
      %add3A_177 = arith.constant 80 : i32
      %add3A_178 = arith.addi %mul3A_176, %add3A_177 : i32
      %swap3A_179 = arith.index_cast %add3A_178 : i32 to index
      %swap3A_180 = tpu.vector_load %arg9[%swap3A_179] {strides = array<i32>} : memref<2560xi32, #tpu.memory_space<vmem>>, vector<16xi32>,
      tpu.vector_store %arg9[%swap3A_179], %gather3A_174 {strides = array<i32>} : memref<2560xi32, #tpu.memory_space<vmem>>, vector<16xi32>,
      %mul3A_181 = arith.constant 5 : i32
      %mul3A_182 = vector.broadcast %mul3A_181 : i32 to vector<16xi32>
      %mul3A_183 = arith.muli %iota3A, %mul3A_182 : vector<16xi32>
      %add3A_184 = arith.constant 0 : i32
      %add3A_185 = arith.addi %add3A_86, %add3A_184 : i32
      %add3A_186 = arith.constant 480 : i32
      %add3A_187 = arith.addi %add3A_185, %add3A_186 : i32
      %add3A_188 = vector.broadcast %add3A_187 : i32 to vector<16xi32>
      %add3A_189 = arith.addi %mul3A_183, %add3A_188 : vector<16xi32>
      %gather3A_190 = tpu.vector_load_idx %arg8[%add3A_189] : memref<5120xi32, #tpu.memory_space<vmem>>[vector<16xi32>], vector<16xi32>,
      %mul3A_191 = arith.constant 128 : i32
      %mul3A_192 = arith.muli %scan3A_76, %mul3A_191 : i32
      %add3A_193 = arith.constant 96 : i32
      %add3A_194 = arith.addi %mul3A_192, %add3A_193 : i32
      %swap3A_195 = arith.index_cast %add3A_194 : i32 to index
      %swap3A_196 = tpu.vector_load %arg9[%swap3A_195] {strides = array<i32>} : memref<2560xi32, #tpu.memory_space<vmem>>, vector<16xi32>,
      tpu.vector_store %arg9[%swap3A_195], %gather3A_190 {strides = array<i32>} : memref<2560xi32, #tpu.memory_space<vmem>>, vector<16xi32>,
      %mul3A_197 = arith.constant 5 : i32
      %mul3A_198 = vector.broadcast %mul3A_197 : i32 to vector<16xi32>
      %mul3A_199 = arith.muli %iota3A, %mul3A_198 : vector<16xi32>
      %add3A_200 = arith.constant 0 : i32
      %add3A_201 = arith.addi %add3A_86, %add3A_200 : i32
      %add3A_202 = arith.constant 560 : i32
      %add3A_203 = arith.addi %add3A_201, %add3A_202 : i32
      %add3A_204 = vector.broadcast %add3A_203 : i32 to vector<16xi32>
      %add3A_205 = arith.addi %mul3A_199, %add3A_204 : vector<16xi32>
      %gather3A_206 = tpu.vector_load_idx %arg8[%add3A_205] : memref<5120xi32, #tpu.memory_space<vmem>>[vector<16xi32>], vector<16xi32>,
      %mul3A_207 = arith.constant 128 : i32
      %mul3A_208 = arith.muli %scan3A_76, %mul3A_207 : i32
      %add3A_209 = arith.constant 112 : i32
      %add3A_210 = arith.addi %mul3A_208, %add3A_209 : i32
      %swap3A_211 = arith.index_cast %add3A_210 : i32 to index
      %swap3A_212 = tpu.vector_load %arg9[%swap3A_211] {strides = array<i32>} : memref<2560xi32, #tpu.memory_space<vmem>>, vector<16xi32>,
      tpu.vector_store %arg9[%swap3A_211], %gather3A_206 {strides = array<i32>} : memref<2560xi32, #tpu.memory_space<vmem>>, vector<16xi32>,
      %scan3A_213 = arith.constant 0 : i32
      scf.yield %scan3A_213 : i32
    }
    %scan3A_24 = arith.constant 20 : i32
    %dma_start3A = arith.constant 0 : i32
    %dma_start3A_25 = tpu.memref_slice %arg9[%dma_start3A] : memref<2560xi32, #tpu.memory_space<vmem>> -> memref<128xi32, #tpu.memory_space<vmem>>
    %dma_start3A_26 = arith.constant 0 : i32
    %dma_start3A_27 = arith.constant 0 : i32
    %dma_start3A_28 = tpu.memref_slice %arg2[%dma_start3A_26, %dma_start3A_27] : memref<100000x128xf32, #tpu.memory_space<hbm>> -> memref<100000x128xf32, #tpu.memory_space<hbm>>
    tpu.enqueue_indirect_dma source(%dma_start3A_28 : memref<100000x128xf32, #tpu.memory_space<hbm>>) target(%arg11 : memref<128x128xf32, #tpu.memory_space<vmem>>) offsets(%dma_start3A_25 : memref<128xi32, #tpu.memory_space<vmem>>) semaphore(%arg16 : memref<!tpu.dma_semaphore, #tpu.memory_space<semaphore_mem>>)
    %scan3A_29 = arith.constant 0 : i32
    %scan3A_30 = arith.constant 0 : i32
    %scan3A_31 = arith.constant 10 : i32
    %scan3A_32 = arith.addi %scan3A_30, %scan3A_31 : i32
    %scan3A_33 = arith.constant 1 : i32
    %scan3A_34 = scf.for %scan3A_76 = %scan3A_30 to %scan3A_32 step %scan3A_33 iter_args(%scan3A_77 = %scan3A_29) -> (i32)  : i32 {
      %mul3A_78 = arith.constant 2 : i32
      %mul3A_79 = arith.muli %mul3A_78, %scan3A_76 : i32
      %add3A_80 = arith.constant 1 : i32
      %add3A_81 = arith.addi %mul3A_79, %add3A_80 : i32
      %mul3A_82 = arith.constant 128 : i32
      %mul3A_83 = arith.muli %add3A_81, %mul3A_82 : i32
      %dma_start3A_84 = tpu.memref_slice %arg9[%mul3A_83] : memref<2560xi32, #tpu.memory_space<vmem>> -> memref<128xi32, #tpu.memory_space<vmem>>
      %dma_start3A_85 = arith.constant 0 : i32
      %dma_start3A_86 = arith.constant 0 : i32
      %dma_start3A_87 = tpu.memref_slice %arg2[%dma_start3A_85, %dma_start3A_86] : memref<100000x128xf32, #tpu.memory_space<hbm>> -> memref<100000x128xf32, #tpu.memory_space<hbm>>
      tpu.enqueue_indirect_dma source(%dma_start3A_87 : memref<100000x128xf32, #tpu.memory_space<hbm>>) target(%arg12 : memref<128x128xf32, #tpu.memory_space<vmem>>) offsets(%dma_start3A_84 : memref<128xi32, #tpu.memory_space<vmem>>) semaphore(%arg17 : memref<!tpu.dma_semaphore, #tpu.memory_space<semaphore_mem>>)
      %mul3A_88 = arith.constant 128 : i32
      %mul3A_89 = arith.muli %mul3A_79, %mul3A_88 : i32
      %dma_wait3A = tpu.memref_slice %arg9[%mul3A_89] : memref<2560xi32, #tpu.memory_space<vmem>> -> memref<128xi32, #tpu.memory_space<vmem>>
      %dma_wait3A_90 = arith.constant 0 : i32
      %dma_wait3A_91 = arith.constant 0 : i32
      %dma_wait3A_92 = tpu.memref_slice %arg2[%dma_wait3A_90, %dma_wait3A_91] : memref<100000x128xf32, #tpu.memory_space<hbm>> -> memref<100000x128xf32, #tpu.memory_space<hbm>>
      tpu.wait_indirect_dma semaphore(%arg16 : memref<!tpu.dma_semaphore, #tpu.memory_space<semaphore_mem>>) src(%dma_wait3A_92 : memref<100000x128xf32, #tpu.memory_space<hbm>>) dst(%arg11 : memref<128x128xf32, #tpu.memory_space<vmem>>)
      %mul3A_93 = arith.constant 4096 : i32
      %mul3A_94 = arith.muli %mul3A_79, %mul3A_93 : i32
      %add3A_95 = arith.addi %mul3A_94, %mul3A_2 : i32
      "tpu.region"() ({
        %run_scoped3A = tpu.sem_alloc : memref<!tpu.dma_semaphore, #tpu.memory_space<semaphore_mem>>
        %dma_start3A_114 = arith.constant 0 : i32
        %dma_start3A_115 = tpu.memref_slice %arg6[%add3A_95, %dma_start3A_114] : memref<81920x128xf32, #tpu.memory_space<hbm>> -> memref<128x128xf32, #tpu.memory_space<hbm>>
        %dma_start3A_116 = arith.constant 0 : i32
        %dma_start3A_117 = tpu.memref_slice %arg6[%add3A_95, %dma_start3A_116] : memref<81920x128xf32, #tpu.memory_space<hbm>> -> memref<128x128xf32, #tpu.memory_space<hbm>>
        tpu.enqueue_dma source(%arg11 : memref<128x128xf32, #tpu.memory_space<vmem>>) target(%dma_start3A_117 : memref<128x128xf32, #tpu.memory_space<hbm>>) target_semaphore(%run_scoped3A : memref<!tpu.dma_semaphore, #tpu.memory_space<semaphore_mem>>)
        %dma_wait3A_118 = arith.constant 0 : i32
        %dma_wait3A_119 = tpu.memref_slice %arg6[%add3A_95, %dma_wait3A_118] : memref<81920x128xf32, #tpu.memory_space<hbm>> -> memref<128x128xf32, #tpu.memory_space<hbm>>
        %dma_wait3A_120 = arith.constant 0 : i32
        %dma_wait3A_121 = tpu.memref_slice %arg6[%add3A_95, %dma_wait3A_120] : memref<81920x128xf32, #tpu.memory_space<hbm>> -> memref<128x128xf32, #tpu.memory_space<hbm>>
        tpu.wait_dma2 semaphore(%run_scoped3A : memref<!tpu.dma_semaphore, #tpu.memory_space<semaphore_mem>>) src(%arg11 : memref<128x128xf32, #tpu.memory_space<vmem>>) dst(%dma_wait3A_121 : memref<128x128xf32, #tpu.memory_space<hbm>>)
        tpu.yield
      }) : () -> ()
      %add3A_96 = arith.constant 2 : i32
      %add3A_97 = arith.addi %mul3A_79, %add3A_96 : i32
      %lt3A = arith.constant 20 : i32
      %lt3A_98 = arith.cmpi slt, %add3A_97, %lt3A : i32
      %convert_element_type3A = arith.extui %lt3A_98 : i1 to i32
      %cond3A = arith.constant 0 : i32
      %cond3A_99 = arith.cmpi ne, %convert_element_type3A, %cond3A : i32
      scf.if %cond3A_99 {
        %add3A_114 = arith.constant 2 : i32
        %add3A_115 = arith.addi %mul3A_79, %add3A_114 : i32
        %mul3A_116 = arith.constant 128 : i32
        %mul3A_117 = arith.muli %add3A_115, %mul3A_116 : i32
        %dma_start3A_118 = tpu.memref_slice %arg9[%mul3A_117] : memref<2560xi32, #tpu.memory_space<vmem>> -> memref<128xi32, #tpu.memory_space<vmem>>
        %dma_start3A_119 = arith.constant 0 : i32
        %dma_start3A_120 = arith.constant 0 : i32
        %dma_start3A_121 = tpu.memref_slice %arg2[%dma_start3A_119, %dma_start3A_120] : memref<100000x128xf32, #tpu.memory_space<hbm>> -> memref<100000x128xf32, #tpu.memory_space<hbm>>
        tpu.enqueue_indirect_dma source(%dma_start3A_121 : memref<100000x128xf32, #tpu.memory_space<hbm>>) target(%arg11 : memref<128x128xf32, #tpu.memory_space<vmem>>) offsets(%dma_start3A_118 : memref<128xi32, #tpu.memory_space<vmem>>) semaphore(%arg16 : memref<!tpu.dma_semaphore, #tpu.memory_space<semaphore_mem>>)
      } else {
      }
      %add3A_100 = arith.constant 1 : i32
      %add3A_101 = arith.addi %mul3A_79, %add3A_100 : i32
      %mul3A_102 = arith.constant 128 : i32
      %mul3A_103 = arith.muli %add3A_101, %mul3A_102 : i32
      %dma_wait3A_104 = tpu.memref_slice %arg9[%mul3A_103] : memref<2560xi32, #tpu.memory_space<vmem>> -> memref<128xi32, #tpu.memory_space<vmem>>
      %dma_wait3A_105 = arith.constant 0 : i32
      %dma_wait3A_106 = arith.constant 0 : i32
      %dma_wait3A_107 = tpu.memref_slice %arg2[%dma_wait3A_105, %dma_wait3A_106] : memref<100000x128xf32, #tpu.memory_space<hbm>> -> memref<100000x128xf32, #tpu.memory_space<hbm>>
      tpu.wait_indirect_dma semaphore(%arg17 : memref<!tpu.dma_semaphore, #tpu.memory_space<semaphore_mem>>) src(%dma_wait3A_107 : memref<100000x128xf32, #tpu.memory_space<hbm>>) dst(%arg12 : memref<128x128xf32, #tpu.memory_space<vmem>>)
      %add3A_108 = arith.constant 1 : i32
      %add3A_109 = arith.addi %mul3A_79, %add3A_108 : i32
      %mul3A_110 = arith.constant 4096 : i32
      %mul3A_111 = arith.muli %add3A_109, %mul3A_110 : i32
      %add3A_112 = arith.addi %mul3A_111, %mul3A_2 : i32
      "tpu.region"() ({
        %run_scoped3A = tpu.sem_alloc : memref<!tpu.dma_semaphore, #tpu.memory_space<semaphore_mem>>
        %dma_start3A_114 = arith.constant 0 : i32
        %dma_start3A_115 = tpu.memref_slice %arg6[%add3A_112, %dma_start3A_114] : memref<81920x128xf32, #tpu.memory_space<hbm>> -> memref<128x128xf32, #tpu.memory_space<hbm>>
        %dma_start3A_116 = arith.constant 0 : i32
        %dma_start3A_117 = tpu.memref_slice %arg6[%add3A_112, %dma_start3A_116] : memref<81920x128xf32, #tpu.memory_space<hbm>> -> memref<128x128xf32, #tpu.memory_space<hbm>>
        tpu.enqueue_dma source(%arg12 : memref<128x128xf32, #tpu.memory_space<vmem>>) target(%dma_start3A_117 : memref<128x128xf32, #tpu.memory_space<hbm>>) target_semaphore(%run_scoped3A : memref<!tpu.dma_semaphore, #tpu.memory_space<semaphore_mem>>)
        %dma_wait3A_118 = arith.constant 0 : i32
        %dma_wait3A_119 = tpu.memref_slice %arg6[%add3A_112, %dma_wait3A_118] : memref<81920x128xf32, #tpu.memory_space<hbm>> -> memref<128x128xf32, #tpu.memory_space<hbm>>
        %dma_wait3A_120 = arith.constant 0 : i32
        %dma_wait3A_121 = tpu.memref_slice %arg6[%add3A_112, %dma_wait3A_120] : memref<81920x128xf32, #tpu.memory_space<hbm>> -> memref<128x128xf32, #tpu.memory_space<hbm>>
        tpu.wait_dma2 semaphore(%run_scoped3A : memref<!tpu.dma_semaphore, #tpu.memory_space<semaphore_mem>>) src(%arg12 : memref<128x128xf32, #tpu.memory_space<vmem>>) dst(%dma_wait3A_121 : memref<128x128xf32, #tpu.memory_space<hbm>>)
        tpu.yield
      }) : () -> ()
      %scan3A_113 = arith.constant 0 : i32
      scf.yield %scan3A_113 : i32
    }
    %scan3A_35 = arith.constant 10 : i32
    %mul3A_36 = arith.constant 10 : i32
    %mul3A_37 = arith.muli %mul3A_2, %mul3A_36 : i32
    %add3A_38 = arith.constant 163840 : i32
    %add3A_39 = arith.addi %add3A_38, %mul3A_37 : i32
    "tpu.region"() ({
      %run_scoped3A = tpu.sem_alloc : memref<!tpu.dma_semaphore, #tpu.memory_space<semaphore_mem>>
      %dma_start3A_76 = arith.constant 0 : i32
      %dma_start3A_77 = tpu.memref_slice %arg8[%dma_start3A_76] : memref<5120xi32, #tpu.memory_space<vmem>> -> memref<1280xi32, #tpu.memory_space<vmem>>
      %dma_start3A_78 = tpu.memref_slice %arg4[%add3A_39] : memref<327680xi32, #tpu.memory_space<hbm>> -> memref<1280xi32, #tpu.memory_space<hbm>>
      %dma_start3A_79 = arith.constant 0 : i32
      %dma_start3A_80 = tpu.memref_slice %arg8[%dma_start3A_79] : memref<5120xi32, #tpu.memory_space<vmem>> -> memref<1280xi32, #tpu.memory_space<vmem>>
      %dma_start3A_81 = tpu.memref_slice %arg4[%add3A_39] : memref<327680xi32, #tpu.memory_space<hbm>> -> memref<1280xi32, #tpu.memory_space<hbm>>
      tpu.enqueue_dma source(%dma_start3A_81 : memref<1280xi32, #tpu.memory_space<hbm>>) target(%dma_start3A_80 : memref<1280xi32, #tpu.memory_space<vmem>>) target_semaphore(%run_scoped3A : memref<!tpu.dma_semaphore, #tpu.memory_space<semaphore_mem>>)
      %dma_wait3A = arith.constant 0 : i32
      %dma_wait3A_82 = tpu.memref_slice %arg8[%dma_wait3A] : memref<5120xi32, #tpu.memory_space<vmem>> -> memref<1280xi32, #tpu.memory_space<vmem>>
      %dma_wait3A_83 = tpu.memref_slice %arg4[%add3A_39] : memref<327680xi32, #tpu.memory_space<hbm>> -> memref<1280xi32, #tpu.memory_space<hbm>>
      %dma_wait3A_84 = arith.constant 0 : i32
      %dma_wait3A_85 = tpu.memref_slice %arg8[%dma_wait3A_84] : memref<5120xi32, #tpu.memory_space<vmem>> -> memref<1280xi32, #tpu.memory_space<vmem>>
      %dma_wait3A_86 = tpu.memref_slice %arg4[%add3A_39] : memref<327680xi32, #tpu.memory_space<hbm>> -> memref<1280xi32, #tpu.memory_space<hbm>>
      tpu.wait_dma2 semaphore(%run_scoped3A : memref<!tpu.dma_semaphore, #tpu.memory_space<semaphore_mem>>) src(%dma_wait3A_86 : memref<1280xi32, #tpu.memory_space<hbm>>) dst(%dma_wait3A_85 : memref<1280xi32, #tpu.memory_space<vmem>>)
      tpu.yield
    }) : () -> ()
    %mul3A_40 = arith.constant 10 : i32
    %mul3A_41 = arith.muli %mul3A_2, %mul3A_40 : i32
    %add3A_42 = arith.constant 204800 : i32
    %add3A_43 = arith.addi %add3A_42, %mul3A_41 : i32
    "tpu.region"() ({
      %run_scoped3A = tpu.sem_alloc : memref<!tpu.dma_semaphore, #tpu.memory_space<semaphore_mem>>
      %dma_start3A_76 = arith.constant 1280 : i32
      %dma_start3A_77 = tpu.memref_slice %arg8[%dma_start3A_76] : memref<5120xi32, #tpu.memory_space<vmem>> -> memref<1280xi32, #tpu.memory_space<vmem>>
      %dma_start3A_78 = tpu.memref_slice %arg4[%add3A_43] : memref<327680xi32, #tpu.memory_space<hbm>> -> memref<1280xi32, #tpu.memory_space<hbm>>
      %dma_start3A_79 = arith.constant 1280 : i32
      %dma_start3A_80 = tpu.memref_slice %arg8[%dma_start3A_79] : memref<5120xi32, #tpu.memory_space<vmem>> -> memref<1280xi32, #tpu.memory_space<vmem>>
      %dma_start3A_81 = tpu.memref_slice %arg4[%add3A_43] : memref<327680xi32, #tpu.memory_space<hbm>> -> memref<1280xi32, #tpu.memory_space<hbm>>
      tpu.enqueue_dma source(%dma_start3A_81 : memref<1280xi32, #tpu.memory_space<hbm>>) target(%dma_start3A_80 : memref<1280xi32, #tpu.memory_space<vmem>>) target_semaphore(%run_scoped3A : memref<!tpu.dma_semaphore, #tpu.memory_space<semaphore_mem>>)
      %dma_wait3A = arith.constant 1280 : i32
      %dma_wait3A_82 = tpu.memref_slice %arg8[%dma_wait3A] : memref<5120xi32, #tpu.memory_space<vmem>> -> memref<1280xi32, #tpu.memory_space<vmem>>
      %dma_wait3A_83 = tpu.memref_slice %arg4[%add3A_43] : memref<327680xi32, #tpu.memory_space<hbm>> -> memref<1280xi32, #tpu.memory_space<hbm>>
      %dma_wait3A_84 = arith.constant 1280 : i32
      %dma_wait3A_85 = tpu.memref_slice %arg8[%dma_wait3A_84] : memref<5120xi32, #tpu.memory_space<vmem>> -> memref<1280xi32, #tpu.memory_space<vmem>>
      %dma_wait3A_86 = tpu.memref_slice %arg4[%add3A_43] : memref<327680xi32, #tpu.memory_space<hbm>> -> memref<1280xi32, #tpu.memory_space<hbm>>
      tpu.wait_dma2 semaphore(%run_scoped3A : memref<!tpu.dma_semaphore, #tpu.memory_space<semaphore_mem>>) src(%dma_wait3A_86 : memref<1280xi32, #tpu.memory_space<hbm>>) dst(%dma_wait3A_85 : memref<1280xi32, #tpu.memory_space<vmem>>)
      tpu.yield
    }) : () -> ()
    %mul3A_44 = arith.constant 10 : i32
    %mul3A_45 = arith.muli %mul3A_2, %mul3A_44 : i32
    %add3A_46 = arith.constant 245760 : i32
    %add3A_47 = arith.addi %add3A_46, %mul3A_45 : i32
    "tpu.region"() ({
      %run_scoped3A = tpu.sem_alloc : memref<!tpu.dma_semaphore, #tpu.memory_space<semaphore_mem>>
      %dma_start3A_76 = arith.constant 2560 : i32
      %dma_start3A_77 = tpu.memref_slice %arg8[%dma_start3A_76] : memref<5120xi32, #tpu.memory_space<vmem>> -> memref<1280xi32, #tpu.memory_space<vmem>>
      %dma_start3A_78 = tpu.memref_slice %arg4[%add3A_47] : memref<327680xi32, #tpu.memory_space<hbm>> -> memref<1280xi32, #tpu.memory_space<hbm>>
      %dma_start3A_79 = arith.constant 2560 : i32
      %dma_start3A_80 = tpu.memref_slice %arg8[%dma_start3A_79] : memref<5120xi32, #tpu.memory_space<vmem>> -> memref<1280xi32, #tpu.memory_space<vmem>>
      %dma_start3A_81 = tpu.memref_slice %arg4[%add3A_47] : memref<327680xi32, #tpu.memory_space<hbm>> -> memref<1280xi32, #tpu.memory_space<hbm>>
      tpu.enqueue_dma source(%dma_start3A_81 : memref<1280xi32, #tpu.memory_space<hbm>>) target(%dma_start3A_80 : memref<1280xi32, #tpu.memory_space<vmem>>) target_semaphore(%run_scoped3A : memref<!tpu.dma_semaphore, #tpu.memory_space<semaphore_mem>>)
      %dma_wait3A = arith.constant 2560 : i32
      %dma_wait3A_82 = tpu.memref_slice %arg8[%dma_wait3A] : memref<5120xi32, #tpu.memory_space<vmem>> -> memref<1280xi32, #tpu.memory_space<vmem>>
      %dma_wait3A_83 = tpu.memref_slice %arg4[%add3A_47] : memref<327680xi32, #tpu.memory_space<hbm>> -> memref<1280xi32, #tpu.memory_space<hbm>>
      %dma_wait3A_84 = arith.constant 2560 : i32
      %dma_wait3A_85 = tpu.memref_slice %arg8[%dma_wait3A_84] : memref<5120xi32, #tpu.memory_space<vmem>> -> memref<1280xi32, #tpu.memory_space<vmem>>
      %dma_wait3A_86 = tpu.memref_slice %arg4[%add3A_47] : memref<327680xi32, #tpu.memory_space<hbm>> -> memref<1280xi32, #tpu.memory_space<hbm>>
      tpu.wait_dma2 semaphore(%run_scoped3A : memref<!tpu.dma_semaphore, #tpu.memory_space<semaphore_mem>>) src(%dma_wait3A_86 : memref<1280xi32, #tpu.memory_space<hbm>>) dst(%dma_wait3A_85 : memref<1280xi32, #tpu.memory_space<vmem>>)
      tpu.yield
    }) : () -> ()
    %mul3A_48 = arith.constant 10 : i32
    %mul3A_49 = arith.muli %mul3A_2, %mul3A_48 : i32
    %add3A_50 = arith.constant 286720 : i32
    %add3A_51 = arith.addi %add3A_50, %mul3A_49 : i32
    "tpu.region"() ({
      %run_scoped3A = tpu.sem_alloc : memref<!tpu.dma_semaphore, #tpu.memory_space<semaphore_mem>>
      %dma_start3A_76 = arith.constant 3840 : i32
      %dma_start3A_77 = tpu.memref_slice %arg8[%dma_start3A_76] : memref<5120xi32, #tpu.memory_space<vmem>> -> memref<1280xi32, #tpu.memory_space<vmem>>
      %dma_start3A_78 = tpu.memref_slice %arg4[%add3A_51] : memref<327680xi32, #tpu.memory_space<hbm>> -> memref<1280xi32, #tpu.memory_space<hbm>>
      %dma_start3A_79 = arith.constant 3840 : i32
      %dma_start3A_80 = tpu.memref_slice %arg8[%dma_start3A_79] : memref<5120xi32, #tpu.memory_space<vmem>> -> memref<1280xi32, #tpu.memory_space<vmem>>
      %dma_start3A_81 = tpu.memref_slice %arg4[%add3A_51] : memref<327680xi32, #tpu.memory_space<hbm>> -> memref<1280xi32, #tpu.memory_space<hbm>>
      tpu.enqueue_dma source(%dma_start3A_81 : memref<1280xi32, #tpu.memory_space<hbm>>) target(%dma_start3A_80 : memref<1280xi32, #tpu.memory_space<vmem>>) target_semaphore(%run_scoped3A : memref<!tpu.dma_semaphore, #tpu.memory_space<semaphore_mem>>)
      %dma_wait3A = arith.constant 3840 : i32
      %dma_wait3A_82 = tpu.memref_slice %arg8[%dma_wait3A] : memref<5120xi32, #tpu.memory_space<vmem>> -> memref<1280xi32, #tpu.memory_space<vmem>>
      %dma_wait3A_83 = tpu.memref_slice %arg4[%add3A_51] : memref<327680xi32, #tpu.memory_space<hbm>> -> memref<1280xi32, #tpu.memory_space<hbm>>
      %dma_wait3A_84 = arith.constant 3840 : i32
      %dma_wait3A_85 = tpu.memref_slice %arg8[%dma_wait3A_84] : memref<5120xi32, #tpu.memory_space<vmem>> -> memref<1280xi32, #tpu.memory_space<vmem>>
      %dma_wait3A_86 = tpu.memref_slice %arg4[%add3A_51] : memref<327680xi32, #tpu.memory_space<hbm>> -> memref<1280xi32, #tpu.memory_space<hbm>>
      tpu.wait_dma2 semaphore(%run_scoped3A : memref<!tpu.dma_semaphore, #tpu.memory_space<semaphore_mem>>) src(%dma_wait3A_86 : memref<1280xi32, #tpu.memory_space<hbm>>) dst(%dma_wait3A_85 : memref<1280xi32, #tpu.memory_space<vmem>>)
      tpu.yield
    }) : () -> ()
    %scan3A_52 = arith.constant 0 : i32
    %scan3A_53 = arith.constant 0 : i32
    %scan3A_54 = arith.constant 20 : i32
    %scan3A_55 = arith.addi %scan3A_53, %scan3A_54 : i32
    %scan3A_56 = arith.constant 1 : i32
    %scan3A_57 = scf.for %scan3A_76 = %scan3A_53 to %scan3A_55 step %scan3A_56 iter_args(%scan3A_77 = %scan3A_52) -> (i32)  : i32 {
      %shift_right_logical3A = arith.constant 2 : i32
      %shift_right_logical3A_78 = arith.shrui %scan3A_76, %shift_right_logical3A : i32
      %and3A = arith.constant 3 : i32
      %and3A_79 = arith.andi %scan3A_76, %and3A : i32
      %mul3A_80 = arith.constant 128 : i32
      %mul3A_81 = arith.muli %and3A_79, %mul3A_80 : i32
      %mul3A_82 = arith.constant 10 : i32
      %mul3A_83 = arith.muli %mul3A_81, %mul3A_82 : i32
      %mul3A_84 = arith.constant 2 : i32
      %mul3A_85 = arith.muli %shift_right_logical3A_78, %mul3A_84 : i32
      %add3A_86 = arith.addi %mul3A_83, %mul3A_85 : i32
      %mul3A_87 = arith.constant 10 : i32
      %mul3A_88 = vector.broadcast %mul3A_87 : i32 to vector<16xi32>
      %mul3A_89 = arith.muli %iota3A, %mul3A_88 : vector<16xi32>
      %add3A_90 = arith.constant 0 : i32
      %add3A_91 = arith.addi %add3A_86, %add3A_90 : i32
      %add3A_92 = arith.constant 0 : i32
      %add3A_93 = arith.addi %add3A_91, %add3A_92 : i32
      %add3A_94 = vector.broadcast %add3A_93 : i32 to vector<16xi32>
      %add3A_95 = arith.addi %mul3A_89, %add3A_94 : vector<16xi32>
      %gather3A = tpu.vector_load_idx %arg8[%add3A_95] : memref<5120xi32, #tpu.memory_space<vmem>>[vector<16xi32>], vector<16xi32>,
      %mul3A_96 = arith.constant 128 : i32
      %mul3A_97 = arith.muli %scan3A_76, %mul3A_96 : i32
      %add3A_98 = arith.constant 0 : i32
      %add3A_99 = arith.addi %mul3A_97, %add3A_98 : i32
      %swap3A = arith.index_cast %add3A_99 : i32 to index
      %swap3A_100 = tpu.vector_load %arg9[%swap3A] {strides = array<i32>} : memref<2560xi32, #tpu.memory_space<vmem>>, vector<16xi32>,
      tpu.vector_store %arg9[%swap3A], %gather3A {strides = array<i32>} : memref<2560xi32, #tpu.memory_space<vmem>>, vector<16xi32>,
      %mul3A_101 = arith.constant 10 : i32
      %mul3A_102 = vector.broadcast %mul3A_101 : i32 to vector<16xi32>
      %mul3A_103 = arith.muli %iota3A, %mul3A_102 : vector<16xi32>
      %add3A_104 = arith.constant 1 : i32
      %add3A_105 = arith.addi %add3A_86, %add3A_104 : i32
      %add3A_106 = arith.constant 0 : i32
      %add3A_107 = arith.addi %add3A_105, %add3A_106 : i32
      %add3A_108 = vector.broadcast %add3A_107 : i32 to vector<16xi32>
      %add3A_109 = arith.addi %mul3A_103, %add3A_108 : vector<16xi32>
      %gather3A_110 = tpu.vector_load_idx %arg8[%add3A_109] : memref<5120xi32, #tpu.memory_space<vmem>>[vector<16xi32>], vector<16xi32>,
      %mul3A_111 = arith.constant 128 : i32
      %mul3A_112 = arith.muli %scan3A_76, %mul3A_111 : i32
      %add3A_113 = arith.constant 0 : i32
      %add3A_114 = arith.addi %mul3A_112, %add3A_113 : i32
      %swap3A_115 = arith.index_cast %add3A_114 : i32 to index
      %swap3A_116 = tpu.vector_load %arg10[%swap3A_115] {strides = array<i32>} : memref<2560xi32, #tpu.memory_space<vmem>>, vector<16xi32>,
      tpu.vector_store %arg10[%swap3A_115], %gather3A_110 {strides = array<i32>} : memref<2560xi32, #tpu.memory_space<vmem>>, vector<16xi32>,
      %mul3A_117 = arith.constant 10 : i32
      %mul3A_118 = vector.broadcast %mul3A_117 : i32 to vector<16xi32>
      %mul3A_119 = arith.muli %iota3A, %mul3A_118 : vector<16xi32>
      %add3A_120 = arith.constant 0 : i32
      %add3A_121 = arith.addi %add3A_86, %add3A_120 : i32
      %add3A_122 = arith.constant 160 : i32
      %add3A_123 = arith.addi %add3A_121, %add3A_122 : i32
      %add3A_124 = vector.broadcast %add3A_123 : i32 to vector<16xi32>
      %add3A_125 = arith.addi %mul3A_119, %add3A_124 : vector<16xi32>
      %gather3A_126 = tpu.vector_load_idx %arg8[%add3A_125] : memref<5120xi32, #tpu.memory_space<vmem>>[vector<16xi32>], vector<16xi32>,
      %mul3A_127 = arith.constant 128 : i32
      %mul3A_128 = arith.muli %scan3A_76, %mul3A_127 : i32
      %add3A_129 = arith.constant 16 : i32
      %add3A_130 = arith.addi %mul3A_128, %add3A_129 : i32
      %swap3A_131 = arith.index_cast %add3A_130 : i32 to index
      %swap3A_132 = tpu.vector_load %arg9[%swap3A_131] {strides = array<i32>} : memref<2560xi32, #tpu.memory_space<vmem>>, vector<16xi32>,
      tpu.vector_store %arg9[%swap3A_131], %gather3A_126 {strides = array<i32>} : memref<2560xi32, #tpu.memory_space<vmem>>, vector<16xi32>,
      %mul3A_133 = arith.constant 10 : i32
      %mul3A_134 = vector.broadcast %mul3A_133 : i32 to vector<16xi32>
      %mul3A_135 = arith.muli %iota3A, %mul3A_134 : vector<16xi32>
      %add3A_136 = arith.constant 1 : i32
      %add3A_137 = arith.addi %add3A_86, %add3A_136 : i32
      %add3A_138 = arith.constant 160 : i32
      %add3A_139 = arith.addi %add3A_137, %add3A_138 : i32
      %add3A_140 = vector.broadcast %add3A_139 : i32 to vector<16xi32>
      %add3A_141 = arith.addi %mul3A_135, %add3A_140 : vector<16xi32>
      %gather3A_142 = tpu.vector_load_idx %arg8[%add3A_141] : memref<5120xi32, #tpu.memory_space<vmem>>[vector<16xi32>], vector<16xi32>,
      %mul3A_143 = arith.constant 128 : i32
      %mul3A_144 = arith.muli %scan3A_76, %mul3A_143 : i32
      %add3A_145 = arith.constant 16 : i32
      %add3A_146 = arith.addi %mul3A_144, %add3A_145 : i32
      %swap3A_147 = arith.index_cast %add3A_146 : i32 to index
      %swap3A_148 = tpu.vector_load %arg10[%swap3A_147] {strides = array<i32>} : memref<2560xi32, #tpu.memory_space<vmem>>, vector<16xi32>,
      tpu.vector_store %arg10[%swap3A_147], %gather3A_142 {strides = array<i32>} : memref<2560xi32, #tpu.memory_space<vmem>>, vector<16xi32>,
      %mul3A_149 = arith.constant 10 : i32
      %mul3A_150 = vector.broadcast %mul3A_149 : i32 to vector<16xi32>
      %mul3A_151 = arith.muli %iota3A, %mul3A_150 : vector<16xi32>
      %add3A_152 = arith.constant 0 : i32
      %add3A_153 = arith.addi %add3A_86, %add3A_152 : i32
      %add3A_154 = arith.constant 320 : i32
      %add3A_155 = arith.addi %add3A_153, %add3A_154 : i32
      %add3A_156 = vector.broadcast %add3A_155 : i32 to vector<16xi32>
      %add3A_157 = arith.addi %mul3A_151, %add3A_156 : vector<16xi32>
      %gather3A_158 = tpu.vector_load_idx %arg8[%add3A_157] : memref<5120xi32, #tpu.memory_space<vmem>>[vector<16xi32>], vector<16xi32>,
      %mul3A_159 = arith.constant 128 : i32
      %mul3A_160 = arith.muli %scan3A_76, %mul3A_159 : i32
      %add3A_161 = arith.constant 32 : i32
      %add3A_162 = arith.addi %mul3A_160, %add3A_161 : i32
      %swap3A_163 = arith.index_cast %add3A_162 : i32 to index
      %swap3A_164 = tpu.vector_load %arg9[%swap3A_163] {strides = array<i32>} : memref<2560xi32, #tpu.memory_space<vmem>>, vector<16xi32>,
      tpu.vector_store %arg9[%swap3A_163], %gather3A_158 {strides = array<i32>} : memref<2560xi32, #tpu.memory_space<vmem>>, vector<16xi32>,
      %mul3A_165 = arith.constant 10 : i32
      %mul3A_166 = vector.broadcast %mul3A_165 : i32 to vector<16xi32>
      %mul3A_167 = arith.muli %iota3A, %mul3A_166 : vector<16xi32>
      %add3A_168 = arith.constant 1 : i32
      %add3A_169 = arith.addi %add3A_86, %add3A_168 : i32
      %add3A_170 = arith.constant 320 : i32
      %add3A_171 = arith.addi %add3A_169, %add3A_170 : i32
      %add3A_172 = vector.broadcast %add3A_171 : i32 to vector<16xi32>
      %add3A_173 = arith.addi %mul3A_167, %add3A_172 : vector<16xi32>
      %gather3A_174 = tpu.vector_load_idx %arg8[%add3A_173] : memref<5120xi32, #tpu.memory_space<vmem>>[vector<16xi32>], vector<16xi32>,
      %mul3A_175 = arith.constant 128 : i32
      %mul3A_176 = arith.muli %scan3A_76, %mul3A_175 : i32
      %add3A_177 = arith.constant 32 : i32
      %add3A_178 = arith.addi %mul3A_176, %add3A_177 : i32
      %swap3A_179 = arith.index_cast %add3A_178 : i32 to index
      %swap3A_180 = tpu.vector_load %arg10[%swap3A_179] {strides = array<i32>} : memref<2560xi32, #tpu.memory_space<vmem>>, vector<16xi32>,
      tpu.vector_store %arg10[%swap3A_179], %gather3A_174 {strides = array<i32>} : memref<2560xi32, #tpu.memory_space<vmem>>, vector<16xi32>,
      %mul3A_181 = arith.constant 10 : i32
      %mul3A_182 = vector.broadcast %mul3A_181 : i32 to vector<16xi32>
      %mul3A_183 = arith.muli %iota3A, %mul3A_182 : vector<16xi32>
      %add3A_184 = arith.constant 0 : i32
      %add3A_185 = arith.addi %add3A_86, %add3A_184 : i32
      %add3A_186 = arith.constant 480 : i32
      %add3A_187 = arith.addi %add3A_185, %add3A_186 : i32
      %add3A_188 = vector.broadcast %add3A_187 : i32 to vector<16xi32>
      %add3A_189 = arith.addi %mul3A_183, %add3A_188 : vector<16xi32>
      %gather3A_190 = tpu.vector_load_idx %arg8[%add3A_189] : memref<5120xi32, #tpu.memory_space<vmem>>[vector<16xi32>], vector<16xi32>,
      %mul3A_191 = arith.constant 128 : i32
      %mul3A_192 = arith.muli %scan3A_76, %mul3A_191 : i32
      %add3A_193 = arith.constant 48 : i32
      %add3A_194 = arith.addi %mul3A_192, %add3A_193 : i32
      %swap3A_195 = arith.index_cast %add3A_194 : i32 to index
      %swap3A_196 = tpu.vector_load %arg9[%swap3A_195] {strides = array<i32>} : memref<2560xi32, #tpu.memory_space<vmem>>, vector<16xi32>,
      tpu.vector_store %arg9[%swap3A_195], %gather3A_190 {strides = array<i32>} : memref<2560xi32, #tpu.memory_space<vmem>>, vector<16xi32>,
      %mul3A_197 = arith.constant 10 : i32
      %mul3A_198 = vector.broadcast %mul3A_197 : i32 to vector<16xi32>
      %mul3A_199 = arith.muli %iota3A, %mul3A_198 : vector<16xi32>
      %add3A_200 = arith.constant 1 : i32
      %add3A_201 = arith.addi %add3A_86, %add3A_200 : i32
      %add3A_202 = arith.constant 480 : i32
      %add3A_203 = arith.addi %add3A_201, %add3A_202 : i32
      %add3A_204 = vector.broadcast %add3A_203 : i32 to vector<16xi32>
      %add3A_205 = arith.addi %mul3A_199, %add3A_204 : vector<16xi32>
      %gather3A_206 = tpu.vector_load_idx %arg8[%add3A_205] : memref<5120xi32, #tpu.memory_space<vmem>>[vector<16xi32>], vector<16xi32>,
      %mul3A_207 = arith.constant 128 : i32
      %mul3A_208 = arith.muli %scan3A_76, %mul3A_207 : i32
      %add3A_209 = arith.constant 48 : i32
      %add3A_210 = arith.addi %mul3A_208, %add3A_209 : i32
      %swap3A_211 = arith.index_cast %add3A_210 : i32 to index
      %swap3A_212 = tpu.vector_load %arg10[%swap3A_211] {strides = array<i32>} : memref<2560xi32, #tpu.memory_space<vmem>>, vector<16xi32>,
      tpu.vector_store %arg10[%swap3A_211], %gather3A_206 {strides = array<i32>} : memref<2560xi32, #tpu.memory_space<vmem>>, vector<16xi32>,
      %mul3A_213 = arith.constant 10 : i32
      %mul3A_214 = vector.broadcast %mul3A_213 : i32 to vector<16xi32>
      %mul3A_215 = arith.muli %iota3A, %mul3A_214 : vector<16xi32>
      %add3A_216 = arith.constant 0 : i32
      %add3A_217 = arith.addi %add3A_86, %add3A_216 : i32
      %add3A_218 = arith.constant 640 : i32
      %add3A_219 = arith.addi %add3A_217, %add3A_218 : i32
      %add3A_220 = vector.broadcast %add3A_219 : i32 to vector<16xi32>
      %add3A_221 = arith.addi %mul3A_215, %add3A_220 : vector<16xi32>
      %gather3A_222 = tpu.vector_load_idx %arg8[%add3A_221] : memref<5120xi32, #tpu.memory_space<vmem>>[vector<16xi32>], vector<16xi32>,
      %mul3A_223 = arith.constant 128 : i32
      %mul3A_224 = arith.muli %scan3A_76, %mul3A_223 : i32
      %add3A_225 = arith.constant 64 : i32
      %add3A_226 = arith.addi %mul3A_224, %add3A_225 : i32
      %swap3A_227 = arith.index_cast %add3A_226 : i32 to index
      %swap3A_228 = tpu.vector_load %arg9[%swap3A_227] {strides = array<i32>} : memref<2560xi32, #tpu.memory_space<vmem>>, vector<16xi32>,
      tpu.vector_store %arg9[%swap3A_227], %gather3A_222 {strides = array<i32>} : memref<2560xi32, #tpu.memory_space<vmem>>, vector<16xi32>,
      %mul3A_229 = arith.constant 10 : i32
      %mul3A_230 = vector.broadcast %mul3A_229 : i32 to vector<16xi32>
      %mul3A_231 = arith.muli %iota3A, %mul3A_230 : vector<16xi32>
      %add3A_232 = arith.constant 1 : i32
      %add3A_233 = arith.addi %add3A_86, %add3A_232 : i32
      %add3A_234 = arith.constant 640 : i32
      %add3A_235 = arith.addi %add3A_233, %add3A_234 : i32
      %add3A_236 = vector.broadcast %add3A_235 : i32 to vector<16xi32>
      %add3A_237 = arith.addi %mul3A_231, %add3A_236 : vector<16xi32>
      %gather3A_238 = tpu.vector_load_idx %arg8[%add3A_237] : memref<5120xi32, #tpu.memory_space<vmem>>[vector<16xi32>], vector<16xi32>,
      %mul3A_239 = arith.constant 128 : i32
      %mul3A_240 = arith.muli %scan3A_76, %mul3A_239 : i32
      %add3A_241 = arith.constant 64 : i32
      %add3A_242 = arith.addi %mul3A_240, %add3A_241 : i32
      %swap3A_243 = arith.index_cast %add3A_242 : i32 to index
      %swap3A_244 = tpu.vector_load %arg10[%swap3A_243] {strides = array<i32>} : memref<2560xi32, #tpu.memory_space<vmem>>, vector<16xi32>,
      tpu.vector_store %arg10[%swap3A_243], %gather3A_238 {strides = array<i32>} : memref<2560xi32, #tpu.memory_space<vmem>>, vector<16xi32>,
      %mul3A_245 = arith.constant 10 : i32
      %mul3A_246 = vector.broadcast %mul3A_245 : i32 to vector<16xi32>
      %mul3A_247 = arith.muli %iota3A, %mul3A_246 : vector<16xi32>
      %add3A_248 = arith.constant 0 : i32
      %add3A_249 = arith.addi %add3A_86, %add3A_248 : i32
      %add3A_250 = arith.constant 800 : i32
      %add3A_251 = arith.addi %add3A_249, %add3A_250 : i32
      %add3A_252 = vector.broadcast %add3A_251 : i32 to vector<16xi32>
      %add3A_253 = arith.addi %mul3A_247, %add3A_252 : vector<16xi32>
      %gather3A_254 = tpu.vector_load_idx %arg8[%add3A_253] : memref<5120xi32, #tpu.memory_space<vmem>>[vector<16xi32>], vector<16xi32>,
      %mul3A_255 = arith.constant 128 : i32
      %mul3A_256 = arith.muli %scan3A_76, %mul3A_255 : i32
      %add3A_257 = arith.constant 80 : i32
      %add3A_258 = arith.addi %mul3A_256, %add3A_257 : i32
      %swap3A_259 = arith.index_cast %add3A_258 : i32 to index
      %swap3A_260 = tpu.vector_load %arg9[%swap3A_259] {strides = array<i32>} : memref<2560xi32, #tpu.memory_space<vmem>>, vector<16xi32>,
      tpu.vector_store %arg9[%swap3A_259], %gather3A_254 {strides = array<i32>} : memref<2560xi32, #tpu.memory_space<vmem>>, vector<16xi32>,
      %mul3A_261 = arith.constant 10 : i32
      %mul3A_262 = vector.broadcast %mul3A_261 : i32 to vector<16xi32>
      %mul3A_263 = arith.muli %iota3A, %mul3A_262 : vector<16xi32>
      %add3A_264 = arith.constant 1 : i32
      %add3A_265 = arith.addi %add3A_86, %add3A_264 : i32
      %add3A_266 = arith.constant 800 : i32
      %add3A_267 = arith.addi %add3A_265, %add3A_266 : i32
      %add3A_268 = vector.broadcast %add3A_267 : i32 to vector<16xi32>
      %add3A_269 = arith.addi %mul3A_263, %add3A_268 : vector<16xi32>
      %gather3A_270 = tpu.vector_load_idx %arg8[%add3A_269] : memref<5120xi32, #tpu.memory_space<vmem>>[vector<16xi32>], vector<16xi32>,
      %mul3A_271 = arith.constant 128 : i32
      %mul3A_272 = arith.muli %scan3A_76, %mul3A_271 : i32
      %add3A_273 = arith.constant 80 : i32
      %add3A_274 = arith.addi %mul3A_272, %add3A_273 : i32
      %swap3A_275 = arith.index_cast %add3A_274 : i32 to index
      %swap3A_276 = tpu.vector_load %arg10[%swap3A_275] {strides = array<i32>} : memref<2560xi32, #tpu.memory_space<vmem>>, vector<16xi32>,
      tpu.vector_store %arg10[%swap3A_275], %gather3A_270 {strides = array<i32>} : memref<2560xi32, #tpu.memory_space<vmem>>, vector<16xi32>,
      %mul3A_277 = arith.constant 10 : i32
      %mul3A_278 = vector.broadcast %mul3A_277 : i32 to vector<16xi32>
      %mul3A_279 = arith.muli %iota3A, %mul3A_278 : vector<16xi32>
      %add3A_280 = arith.constant 0 : i32
      %add3A_281 = arith.addi %add3A_86, %add3A_280 : i32
      %add3A_282 = arith.constant 960 : i32
      %add3A_283 = arith.addi %add3A_281, %add3A_282 : i32
      %add3A_284 = vector.broadcast %add3A_283 : i32 to vector<16xi32>
      %add3A_285 = arith.addi %mul3A_279, %add3A_284 : vector<16xi32>
      %gather3A_286 = tpu.vector_load_idx %arg8[%add3A_285] : memref<5120xi32, #tpu.memory_space<vmem>>[vector<16xi32>], vector<16xi32>,
      %mul3A_287 = arith.constant 128 : i32
      %mul3A_288 = arith.muli %scan3A_76, %mul3A_287 : i32
      %add3A_289 = arith.constant 96 : i32
      %add3A_290 = arith.addi %mul3A_288, %add3A_289 : i32
      %swap3A_291 = arith.index_cast %add3A_290 : i32 to index
      %swap3A_292 = tpu.vector_load %arg9[%swap3A_291] {strides = array<i32>} : memref<2560xi32, #tpu.memory_space<vmem>>, vector<16xi32>,
      tpu.vector_store %arg9[%swap3A_291], %gather3A_286 {strides = array<i32>} : memref<2560xi32, #tpu.memory_space<vmem>>, vector<16xi32>,
      %mul3A_293 = arith.constant 10 : i32
      %mul3A_294 = vector.broadcast %mul3A_293 : i32 to vector<16xi32>
      %mul3A_295 = arith.muli %iota3A, %mul3A_294 : vector<16xi32>
      %add3A_296 = arith.constant 1 : i32
      %add3A_297 = arith.addi %add3A_86, %add3A_296 : i32
      %add3A_298 = arith.constant 960 : i32
      %add3A_299 = arith.addi %add3A_297, %add3A_298 : i32
      %add3A_300 = vector.broadcast %add3A_299 : i32 to vector<16xi32>
      %add3A_301 = arith.addi %mul3A_295, %add3A_300 : vector<16xi32>
      %gather3A_302 = tpu.vector_load_idx %arg8[%add3A_301] : memref<5120xi32, #tpu.memory_space<vmem>>[vector<16xi32>], vector<16xi32>,
      %mul3A_303 = arith.constant 128 : i32
      %mul3A_304 = arith.muli %scan3A_76, %mul3A_303 : i32
      %add3A_305 = arith.constant 96 : i32
      %add3A_306 = arith.addi %mul3A_304, %add3A_305 : i32
      %swap3A_307 = arith.index_cast %add3A_306 : i32 to index
      %swap3A_308 = tpu.vector_load %arg10[%swap3A_307] {strides = array<i32>} : memref<2560xi32, #tpu.memory_space<vmem>>, vector<16xi32>,
      tpu.vector_store %arg10[%swap3A_307], %gather3A_302 {strides = array<i32>} : memref<2560xi32, #tpu.memory_space<vmem>>, vector<16xi32>,
      %mul3A_309 = arith.constant 10 : i32
      %mul3A_310 = vector.broadcast %mul3A_309 : i32 to vector<16xi32>
      %mul3A_311 = arith.muli %iota3A, %mul3A_310 : vector<16xi32>
      %add3A_312 = arith.constant 0 : i32
      %add3A_313 = arith.addi %add3A_86, %add3A_312 : i32
      %add3A_314 = arith.constant 1120 : i32
      %add3A_315 = arith.addi %add3A_313, %add3A_314 : i32
      %add3A_316 = vector.broadcast %add3A_315 : i32 to vector<16xi32>
      %add3A_317 = arith.addi %mul3A_311, %add3A_316 : vector<16xi32>
      %gather3A_318 = tpu.vector_load_idx %arg8[%add3A_317] : memref<5120xi32, #tpu.memory_space<vmem>>[vector<16xi32>], vector<16xi32>,
      %mul3A_319 = arith.constant 128 : i32
      %mul3A_320 = arith.muli %scan3A_76, %mul3A_319 : i32
      %add3A_321 = arith.constant 112 : i32
      %add3A_322 = arith.addi %mul3A_320, %add3A_321 : i32
      %swap3A_323 = arith.index_cast %add3A_322 : i32 to index
      %swap3A_324 = tpu.vector_load %arg9[%swap3A_323] {strides = array<i32>} : memref<2560xi32, #tpu.memory_space<vmem>>, vector<16xi32>,
      tpu.vector_store %arg9[%swap3A_323], %gather3A_318 {strides = array<i32>} : memref<2560xi32, #tpu.memory_space<vmem>>, vector<16xi32>,
      %mul3A_325 = arith.constant 10 : i32
      %mul3A_326 = vector.broadcast %mul3A_325 : i32 to vector<16xi32>
      %mul3A_327 = arith.muli %iota3A, %mul3A_326 : vector<16xi32>
      %add3A_328 = arith.constant 1 : i32
      %add3A_329 = arith.addi %add3A_86, %add3A_328 : i32
      %add3A_330 = arith.constant 1120 : i32
      %add3A_331 = arith.addi %add3A_329, %add3A_330 : i32
      %add3A_332 = vector.broadcast %add3A_331 : i32 to vector<16xi32>
      %add3A_333 = arith.addi %mul3A_327, %add3A_332 : vector<16xi32>
      %gather3A_334 = tpu.vector_load_idx %arg8[%add3A_333] : memref<5120xi32, #tpu.memory_space<vmem>>[vector<16xi32>], vector<16xi32>,
      %mul3A_335 = arith.constant 128 : i32
      %mul3A_336 = arith.muli %scan3A_76, %mul3A_335 : i32
      %add3A_337 = arith.constant 112 : i32
      %add3A_338 = arith.addi %mul3A_336, %add3A_337 : i32
      %swap3A_339 = arith.index_cast %add3A_338 : i32 to index
      %swap3A_340 = tpu.vector_load %arg10[%swap3A_339] {strides = array<i32>} : memref<2560xi32, #tpu.memory_space<vmem>>, vector<16xi32>,
      tpu.vector_store %arg10[%swap3A_339], %gather3A_334 {strides = array<i32>} : memref<2560xi32, #tpu.memory_space<vmem>>, vector<16xi32>,
      %scan3A_341 = arith.constant 0 : i32
      scf.yield %scan3A_341 : i32
    }
    %scan3A_58 = arith.constant 20 : i32
    %dma_start3A_59 = arith.constant 0 : i32
    %dma_start3A_60 = tpu.memref_slice %arg9[%dma_start3A_59] : memref<2560xi32, #tpu.memory_space<vmem>> -> memref<128xi32, #tpu.memory_space<vmem>>
    %dma_start3A_61 = arith.constant 0 : i32
    %dma_start3A_62 = arith.constant 0 : i32
    %dma_start3A_63 = tpu.memref_slice %arg2[%dma_start3A_61, %dma_start3A_62] : memref<100000x128xf32, #tpu.memory_space<hbm>> -> memref<100000x128xf32, #tpu.memory_space<hbm>>
    tpu.enqueue_indirect_dma source(%dma_start3A_63 : memref<100000x128xf32, #tpu.memory_space<hbm>>) target(%arg11 : memref<128x128xf32, #tpu.memory_space<vmem>>) offsets(%dma_start3A_60 : memref<128xi32, #tpu.memory_space<vmem>>) semaphore(%arg16 : memref<!tpu.dma_semaphore, #tpu.memory_space<semaphore_mem>>)
    %dma_start3A_64 = arith.constant 0 : i32
    %dma_start3A_65 = tpu.memref_slice %arg10[%dma_start3A_64] : memref<2560xi32, #tpu.memory_space<vmem>> -> memref<128xi32, #tpu.memory_space<vmem>>
    %dma_start3A_66 = arith.constant 0 : i32
    %dma_start3A_67 = arith.constant 0 : i32
    %dma_start3A_68 = tpu.memref_slice %arg2[%dma_start3A_66, %dma_start3A_67] : memref<100000x128xf32, #tpu.memory_space<hbm>> -> memref<100000x128xf32, #tpu.memory_space<hbm>>
    tpu.enqueue_indirect_dma source(%dma_start3A_68 : memref<100000x128xf32, #tpu.memory_space<hbm>>) target(%arg12 : memref<128x128xf32, #tpu.memory_space<vmem>>) offsets(%dma_start3A_65 : memref<128xi32, #tpu.memory_space<vmem>>) semaphore(%arg17 : memref<!tpu.dma_semaphore, #tpu.memory_space<semaphore_mem>>)
    %scan3A_69 = arith.constant 0 : i32
    %scan3A_70 = arith.constant 0 : i32
    %scan3A_71 = arith.constant 10 : i32
    %scan3A_72 = arith.addi %scan3A_70, %scan3A_71 : i32
    %scan3A_73 = arith.constant 1 : i32
    %scan3A_74 = scf.for %scan3A_76 = %scan3A_70 to %scan3A_72 step %scan3A_73 iter_args(%scan3A_77 = %scan3A_69) -> (i32)  : i32 {
      %mul3A_78 = arith.constant 2 : i32
      %mul3A_79 = arith.muli %mul3A_78, %scan3A_76 : i32
      %add3A_80 = arith.constant 1 : i32
      %add3A_81 = arith.addi %mul3A_79, %add3A_80 : i32
      %mul3A_82 = arith.constant 128 : i32
      %mul3A_83 = arith.muli %add3A_81, %mul3A_82 : i32
      %dma_start3A_84 = tpu.memref_slice %arg9[%mul3A_83] : memref<2560xi32, #tpu.memory_space<vmem>> -> memref<128xi32, #tpu.memory_space<vmem>>
      %dma_start3A_85 = arith.constant 0 : i32
      %dma_start3A_86 = arith.constant 0 : i32
      %dma_start3A_87 = tpu.memref_slice %arg2[%dma_start3A_85, %dma_start3A_86] : memref<100000x128xf32, #tpu.memory_space<hbm>> -> memref<100000x128xf32, #tpu.memory_space<hbm>>
      tpu.enqueue_indirect_dma source(%dma_start3A_87 : memref<100000x128xf32, #tpu.memory_space<hbm>>) target(%arg13 : memref<128x128xf32, #tpu.memory_space<vmem>>) offsets(%dma_start3A_84 : memref<128xi32, #tpu.memory_space<vmem>>) semaphore(%arg18 : memref<!tpu.dma_semaphore, #tpu.memory_space<semaphore_mem>>)
      %mul3A_88 = arith.constant 128 : i32
      %mul3A_89 = arith.muli %add3A_81, %mul3A_88 : i32
      %dma_start3A_90 = tpu.memref_slice %arg10[%mul3A_89] : memref<2560xi32, #tpu.memory_space<vmem>> -> memref<128xi32, #tpu.memory_space<vmem>>
      %dma_start3A_91 = arith.constant 0 : i32
      %dma_start3A_92 = arith.constant 0 : i32
      %dma_start3A_93 = tpu.memref_slice %arg2[%dma_start3A_91, %dma_start3A_92] : memref<100000x128xf32, #tpu.memory_space<hbm>> -> memref<100000x128xf32, #tpu.memory_space<hbm>>
      tpu.enqueue_indirect_dma source(%dma_start3A_93 : memref<100000x128xf32, #tpu.memory_space<hbm>>) target(%arg14 : memref<128x128xf32, #tpu.memory_space<vmem>>) offsets(%dma_start3A_90 : memref<128xi32, #tpu.memory_space<vmem>>) semaphore(%arg19 : memref<!tpu.dma_semaphore, #tpu.memory_space<semaphore_mem>>)
      %mul3A_94 = arith.constant 128 : i32
      %mul3A_95 = arith.muli %mul3A_79, %mul3A_94 : i32
      %dma_wait3A = tpu.memref_slice %arg9[%mul3A_95] : memref<2560xi32, #tpu.memory_space<vmem>> -> memref<128xi32, #tpu.memory_space<vmem>>
      %dma_wait3A_96 = arith.constant 0 : i32
      %dma_wait3A_97 = arith.constant 0 : i32
      %dma_wait3A_98 = tpu.memref_slice %arg2[%dma_wait3A_96, %dma_wait3A_97] : memref<100000x128xf32, #tpu.memory_space<hbm>> -> memref<100000x128xf32, #tpu.memory_space<hbm>>
      tpu.wait_indirect_dma semaphore(%arg16 : memref<!tpu.dma_semaphore, #tpu.memory_space<semaphore_mem>>) src(%dma_wait3A_98 : memref<100000x128xf32, #tpu.memory_space<hbm>>) dst(%arg11 : memref<128x128xf32, #tpu.memory_space<vmem>>)
      %mul3A_99 = arith.constant 128 : i32
      %mul3A_100 = arith.muli %mul3A_79, %mul3A_99 : i32
      %dma_wait3A_101 = tpu.memref_slice %arg10[%mul3A_100] : memref<2560xi32, #tpu.memory_space<vmem>> -> memref<128xi32, #tpu.memory_space<vmem>>
      %dma_wait3A_102 = arith.constant 0 : i32
      %dma_wait3A_103 = arith.constant 0 : i32
      %dma_wait3A_104 = tpu.memref_slice %arg2[%dma_wait3A_102, %dma_wait3A_103] : memref<100000x128xf32, #tpu.memory_space<hbm>> -> memref<100000x128xf32, #tpu.memory_space<hbm>>
      tpu.wait_indirect_dma semaphore(%arg17 : memref<!tpu.dma_semaphore, #tpu.memory_space<semaphore_mem>>) src(%dma_wait3A_104 : memref<100000x128xf32, #tpu.memory_space<hbm>>) dst(%arg12 : memref<128x128xf32, #tpu.memory_space<vmem>>)
      %scan3A_105 = arith.constant 0 : i32
      %scan3A_106 = arith.constant 0 : i32
      %scan3A_107 = arith.constant 128 : i32
      %scan3A_108 = arith.addi %scan3A_106, %scan3A_107 : i32
      %scan3A_109 = arith.constant 1 : i32
      %scan3A_110 = scf.for %scan3A_146 = %scan3A_106 to %scan3A_108 step %scan3A_109 iter_args(%scan3A_147 = %scan3A_105) -> (i32)  : i32 {
        %get3A = arith.index_cast %scan3A_146 : i32 to index
        %get3A_148 = arith.constant 0 : index
        %get3A_149 = tpu.vector_load %arg11[%get3A, %get3A_148] {strides = array<i32>} : memref<128x128xf32, #tpu.memory_space<vmem>>, vector<16xf32>,
        %get3A_150 = arith.index_cast %scan3A_146 : i32 to index
        %get3A_151 = arith.constant 0 : index
        %get3A_152 = tpu.vector_load %arg12[%get3A_150, %get3A_151] {strides = array<i32>} : memref<128x128xf32, #tpu.memory_space<vmem>>, vector<16xf32>,
        %add3A_153 = arith.addf %get3A_149, %get3A_152 : vector<16xf32>
        %swap3A = arith.index_cast %scan3A_146 : i32 to index
        %swap3A_154 = arith.constant 0 : index
        %swap3A_155 = tpu.vector_load %arg15[%swap3A, %swap3A_154] {strides = array<i32>} : memref<128x128xf32, #tpu.memory_space<vmem>>, vector<16xf32>,
        tpu.vector_store %arg15[%swap3A, %swap3A_154], %add3A_153 {strides = array<i32>} : memref<128x128xf32, #tpu.memory_space<vmem>>, vector<16xf32>,
        %get3A_156 = arith.index_cast %scan3A_146 : i32 to index
        %get3A_157 = arith.constant 16 : index
        %get3A_158 = tpu.vector_load %arg11[%get3A_156, %get3A_157] {strides = array<i32>} : memref<128x128xf32, #tpu.memory_space<vmem>>, vector<16xf32>,
        %get3A_159 = arith.index_cast %scan3A_146 : i32 to index
        %get3A_160 = arith.constant 16 : index
        %get3A_161 = tpu.vector_load %arg12[%get3A_159, %get3A_160] {strides = array<i32>} : memref<128x128xf32, #tpu.memory_space<vmem>>, vector<16xf32>,
        %add3A_162 = arith.addf %get3A_158, %get3A_161 : vector<16xf32>
        %swap3A_163 = arith.index_cast %scan3A_146 : i32 to index
        %swap3A_164 = arith.constant 16 : index
        %swap3A_165 = tpu.vector_load %arg15[%swap3A_163, %swap3A_164] {strides = array<i32>} : memref<128x128xf32, #tpu.memory_space<vmem>>, vector<16xf32>,
        tpu.vector_store %arg15[%swap3A_163, %swap3A_164], %add3A_162 {strides = array<i32>} : memref<128x128xf32, #tpu.memory_space<vmem>>, vector<16xf32>,
        %get3A_166 = arith.index_cast %scan3A_146 : i32 to index
        %get3A_167 = arith.constant 32 : index
        %get3A_168 = tpu.vector_load %arg11[%get3A_166, %get3A_167] {strides = array<i32>} : memref<128x128xf32, #tpu.memory_space<vmem>>, vector<16xf32>,
        %get3A_169 = arith.index_cast %scan3A_146 : i32 to index
        %get3A_170 = arith.constant 32 : index
        %get3A_171 = tpu.vector_load %arg12[%get3A_169, %get3A_170] {strides = array<i32>} : memref<128x128xf32, #tpu.memory_space<vmem>>, vector<16xf32>,
        %add3A_172 = arith.addf %get3A_168, %get3A_171 : vector<16xf32>
        %swap3A_173 = arith.index_cast %scan3A_146 : i32 to index
        %swap3A_174 = arith.constant 32 : index
        %swap3A_175 = tpu.vector_load %arg15[%swap3A_173, %swap3A_174] {strides = array<i32>} : memref<128x128xf32, #tpu.memory_space<vmem>>, vector<16xf32>,
        tpu.vector_store %arg15[%swap3A_173, %swap3A_174], %add3A_172 {strides = array<i32>} : memref<128x128xf32, #tpu.memory_space<vmem>>, vector<16xf32>,
        %get3A_176 = arith.index_cast %scan3A_146 : i32 to index
        %get3A_177 = arith.constant 48 : index
        %get3A_178 = tpu.vector_load %arg11[%get3A_176, %get3A_177] {strides = array<i32>} : memref<128x128xf32, #tpu.memory_space<vmem>>, vector<16xf32>,
        %get3A_179 = arith.index_cast %scan3A_146 : i32 to index
        %get3A_180 = arith.constant 48 : index
        %get3A_181 = tpu.vector_load %arg12[%get3A_179, %get3A_180] {strides = array<i32>} : memref<128x128xf32, #tpu.memory_space<vmem>>, vector<16xf32>,
        %add3A_182 = arith.addf %get3A_178, %get3A_181 : vector<16xf32>
        %swap3A_183 = arith.index_cast %scan3A_146 : i32 to index
        %swap3A_184 = arith.constant 48 : index
        %swap3A_185 = tpu.vector_load %arg15[%swap3A_183, %swap3A_184] {strides = array<i32>} : memref<128x128xf32, #tpu.memory_space<vmem>>, vector<16xf32>,
        tpu.vector_store %arg15[%swap3A_183, %swap3A_184], %add3A_182 {strides = array<i32>} : memref<128x128xf32, #tpu.memory_space<vmem>>, vector<16xf32>,
        %get3A_186 = arith.index_cast %scan3A_146 : i32 to index
        %get3A_187 = arith.constant 64 : index
        %get3A_188 = tpu.vector_load %arg11[%get3A_186, %get3A_187] {strides = array<i32>} : memref<128x128xf32, #tpu.memory_space<vmem>>, vector<16xf32>,
        %get3A_189 = arith.index_cast %scan3A_146 : i32 to index
        %get3A_190 = arith.constant 64 : index
        %get3A_191 = tpu.vector_load %arg12[%get3A_189, %get3A_190] {strides = array<i32>} : memref<128x128xf32, #tpu.memory_space<vmem>>, vector<16xf32>,
        %add3A_192 = arith.addf %get3A_188, %get3A_191 : vector<16xf32>
        %swap3A_193 = arith.index_cast %scan3A_146 : i32 to index
        %swap3A_194 = arith.constant 64 : index
        %swap3A_195 = tpu.vector_load %arg15[%swap3A_193, %swap3A_194] {strides = array<i32>} : memref<128x128xf32, #tpu.memory_space<vmem>>, vector<16xf32>,
        tpu.vector_store %arg15[%swap3A_193, %swap3A_194], %add3A_192 {strides = array<i32>} : memref<128x128xf32, #tpu.memory_space<vmem>>, vector<16xf32>,
        %get3A_196 = arith.index_cast %scan3A_146 : i32 to index
        %get3A_197 = arith.constant 80 : index
        %get3A_198 = tpu.vector_load %arg11[%get3A_196, %get3A_197] {strides = array<i32>} : memref<128x128xf32, #tpu.memory_space<vmem>>, vector<16xf32>,
        %get3A_199 = arith.index_cast %scan3A_146 : i32 to index
        %get3A_200 = arith.constant 80 : index
        %get3A_201 = tpu.vector_load %arg12[%get3A_199, %get3A_200] {strides = array<i32>} : memref<128x128xf32, #tpu.memory_space<vmem>>, vector<16xf32>,
        %add3A_202 = arith.addf %get3A_198, %get3A_201 : vector<16xf32>
        %swap3A_203 = arith.index_cast %scan3A_146 : i32 to index
        %swap3A_204 = arith.constant 80 : index
        %swap3A_205 = tpu.vector_load %arg15[%swap3A_203, %swap3A_204] {strides = array<i32>} : memref<128x128xf32, #tpu.memory_space<vmem>>, vector<16xf32>,
        tpu.vector_store %arg15[%swap3A_203, %swap3A_204], %add3A_202 {strides = array<i32>} : memref<128x128xf32, #tpu.memory_space<vmem>>, vector<16xf32>,
        %get3A_206 = arith.index_cast %scan3A_146 : i32 to index
        %get3A_207 = arith.constant 96 : index
        %get3A_208 = tpu.vector_load %arg11[%get3A_206, %get3A_207] {strides = array<i32>} : memref<128x128xf32, #tpu.memory_space<vmem>>, vector<16xf32>,
        %get3A_209 = arith.index_cast %scan3A_146 : i32 to index
        %get3A_210 = arith.constant 96 : index
        %get3A_211 = tpu.vector_load %arg12[%get3A_209, %get3A_210] {strides = array<i32>} : memref<128x128xf32, #tpu.memory_space<vmem>>, vector<16xf32>,
        %add3A_212 = arith.addf %get3A_208, %get3A_211 : vector<16xf32>
        %swap3A_213 = arith.index_cast %scan3A_146 : i32 to index
        %swap3A_214 = arith.constant 96 : index
        %swap3A_215 = tpu.vector_load %arg15[%swap3A_213, %swap3A_214] {strides = array<i32>} : memref<128x128xf32, #tpu.memory_space<vmem>>, vector<16xf32>,
        tpu.vector_store %arg15[%swap3A_213, %swap3A_214], %add3A_212 {strides = array<i32>} : memref<128x128xf32, #tpu.memory_space<vmem>>, vector<16xf32>,
        %get3A_216 = arith.index_cast %scan3A_146 : i32 to index
        %get3A_217 = arith.constant 112 : index
        %get3A_218 = tpu.vector_load %arg11[%get3A_216, %get3A_217] {strides = array<i32>} : memref<128x128xf32, #tpu.memory_space<vmem>>, vector<16xf32>,
        %get3A_219 = arith.index_cast %scan3A_146 : i32 to index
        %get3A_220 = arith.constant 112 : index
        %get3A_221 = tpu.vector_load %arg12[%get3A_219, %get3A_220] {strides = array<i32>} : memref<128x128xf32, #tpu.memory_space<vmem>>, vector<16xf32>,
        %add3A_222 = arith.addf %get3A_218, %get3A_221 : vector<16xf32>
        %swap3A_223 = arith.index_cast %scan3A_146 : i32 to index
        %swap3A_224 = arith.constant 112 : index
        %swap3A_225 = tpu.vector_load %arg15[%swap3A_223, %swap3A_224] {strides = array<i32>} : memref<128x128xf32, #tpu.memory_space<vmem>>, vector<16xf32>,
        tpu.vector_store %arg15[%swap3A_223, %swap3A_224], %add3A_222 {strides = array<i32>} : memref<128x128xf32, #tpu.memory_space<vmem>>, vector<16xf32>,
        %scan3A_226 = arith.constant 0 : i32
        scf.yield %scan3A_226 : i32
      }
      %scan3A_111 = arith.constant 128 : i32
      %mul3A_112 = arith.constant 4096 : i32
      %mul3A_113 = arith.muli %mul3A_79, %mul3A_112 : i32
      %add3A_114 = arith.addi %mul3A_113, %mul3A_2 : i32
      "tpu.region"() ({
        %run_scoped3A = tpu.sem_alloc : memref<!tpu.dma_semaphore, #tpu.memory_space<semaphore_mem>>
        %dma_start3A_146 = arith.constant 0 : i32
        %dma_start3A_147 = tpu.memref_slice %arg7[%add3A_114, %dma_start3A_146] : memref<81920x128xf32, #tpu.memory_space<hbm>> -> memref<128x128xf32, #tpu.memory_space<hbm>>
        %dma_start3A_148 = arith.constant 0 : i32
        %dma_start3A_149 = tpu.memref_slice %arg7[%add3A_114, %dma_start3A_148] : memref<81920x128xf32, #tpu.memory_space<hbm>> -> memref<128x128xf32, #tpu.memory_space<hbm>>
        tpu.enqueue_dma source(%arg15 : memref<128x128xf32, #tpu.memory_space<vmem>>) target(%dma_start3A_149 : memref<128x128xf32, #tpu.memory_space<hbm>>) target_semaphore(%run_scoped3A : memref<!tpu.dma_semaphore, #tpu.memory_space<semaphore_mem>>)
        %dma_wait3A_150 = arith.constant 0 : i32
        %dma_wait3A_151 = tpu.memref_slice %arg7[%add3A_114, %dma_wait3A_150] : memref<81920x128xf32, #tpu.memory_space<hbm>> -> memref<128x128xf32, #tpu.memory_space<hbm>>
        %dma_wait3A_152 = arith.constant 0 : i32
        %dma_wait3A_153 = tpu.memref_slice %arg7[%add3A_114, %dma_wait3A_152] : memref<81920x128xf32, #tpu.memory_space<hbm>> -> memref<128x128xf32, #tpu.memory_space<hbm>>
        tpu.wait_dma2 semaphore(%run_scoped3A : memref<!tpu.dma_semaphore, #tpu.memory_space<semaphore_mem>>) src(%arg15 : memref<128x128xf32, #tpu.memory_space<vmem>>) dst(%dma_wait3A_153 : memref<128x128xf32, #tpu.memory_space<hbm>>)
        tpu.yield
      }) : () -> ()
      %add3A_115 = arith.constant 2 : i32
      %add3A_116 = arith.addi %mul3A_79, %add3A_115 : i32
      %lt3A = arith.constant 20 : i32
      %lt3A_117 = arith.cmpi slt, %add3A_116, %lt3A : i32
      %convert_element_type3A = arith.extui %lt3A_117 : i1 to i32
      %cond3A = arith.constant 0 : i32
      %cond3A_118 = arith.cmpi ne, %convert_element_type3A, %cond3A : i32
      scf.if %cond3A_118 {
        %add3A_146 = arith.constant 2 : i32
        %add3A_147 = arith.addi %mul3A_79, %add3A_146 : i32
        %mul3A_148 = arith.constant 128 : i32
        %mul3A_149 = arith.muli %add3A_147, %mul3A_148 : i32
        %dma_start3A_150 = tpu.memref_slice %arg9[%mul3A_149] : memref<2560xi32, #tpu.memory_space<vmem>> -> memref<128xi32, #tpu.memory_space<vmem>>
        %dma_start3A_151 = arith.constant 0 : i32
        %dma_start3A_152 = arith.constant 0 : i32
        %dma_start3A_153 = tpu.memref_slice %arg2[%dma_start3A_151, %dma_start3A_152] : memref<100000x128xf32, #tpu.memory_space<hbm>> -> memref<100000x128xf32, #tpu.memory_space<hbm>>
        tpu.enqueue_indirect_dma source(%dma_start3A_153 : memref<100000x128xf32, #tpu.memory_space<hbm>>) target(%arg11 : memref<128x128xf32, #tpu.memory_space<vmem>>) offsets(%dma_start3A_150 : memref<128xi32, #tpu.memory_space<vmem>>) semaphore(%arg16 : memref<!tpu.dma_semaphore, #tpu.memory_space<semaphore_mem>>)
        %mul3A_154 = arith.constant 128 : i32
        %mul3A_155 = arith.muli %add3A_147, %mul3A_154 : i32
        %dma_start3A_156 = tpu.memref_slice %arg10[%mul3A_155] : memref<2560xi32, #tpu.memory_space<vmem>> -> memref<128xi32, #tpu.memory_space<vmem>>
        %dma_start3A_157 = arith.constant 0 : i32
        %dma_start3A_158 = arith.constant 0 : i32
        %dma_start3A_159 = tpu.memref_slice %arg2[%dma_start3A_157, %dma_start3A_158] : memref<100000x128xf32, #tpu.memory_space<hbm>> -> memref<100000x128xf32, #tpu.memory_space<hbm>>
        tpu.enqueue_indirect_dma source(%dma_start3A_159 : memref<100000x128xf32, #tpu.memory_space<hbm>>) target(%arg12 : memref<128x128xf32, #tpu.memory_space<vmem>>) offsets(%dma_start3A_156 : memref<128xi32, #tpu.memory_space<vmem>>) semaphore(%arg17 : memref<!tpu.dma_semaphore, #tpu.memory_space<semaphore_mem>>)
      } else {
      }
      %add3A_119 = arith.constant 1 : i32
      %add3A_120 = arith.addi %mul3A_79, %add3A_119 : i32
      %mul3A_121 = arith.constant 128 : i32
      %mul3A_122 = arith.muli %add3A_120, %mul3A_121 : i32
      %dma_wait3A_123 = tpu.memref_slice %arg9[%mul3A_122] : memref<2560xi32, #tpu.memory_space<vmem>> -> memref<128xi32, #tpu.memory_space<vmem>>
      %dma_wait3A_124 = arith.constant 0 : i32
      %dma_wait3A_125 = arith.constant 0 : i32
      %dma_wait3A_126 = tpu.memref_slice %arg2[%dma_wait3A_124, %dma_wait3A_125] : memref<100000x128xf32, #tpu.memory_space<hbm>> -> memref<100000x128xf32, #tpu.memory_space<hbm>>
      tpu.wait_indirect_dma semaphore(%arg18 : memref<!tpu.dma_semaphore, #tpu.memory_space<semaphore_mem>>) src(%dma_wait3A_126 : memref<100000x128xf32, #tpu.memory_space<hbm>>) dst(%arg13 : memref<128x128xf32, #tpu.memory_space<vmem>>)
      %mul3A_127 = arith.constant 128 : i32
      %mul3A_128 = arith.muli %add3A_120, %mul3A_127 : i32
      %dma_wait3A_129 = tpu.memref_slice %arg10[%mul3A_128] : memref<2560xi32, #tpu.memory_space<vmem>> -> memref<128xi32, #tpu.memory_space<vmem>>
      %dma_wait3A_130 = arith.constant 0 : i32
      %dma_wait3A_131 = arith.constant 0 : i32
      %dma_wait3A_132 = tpu.memref_slice %arg2[%dma_wait3A_130, %dma_wait3A_131] : memref<100000x128xf32, #tpu.memory_space<hbm>> -> memref<100000x128xf32, #tpu.memory_space<hbm>>
      tpu.wait_indirect_dma semaphore(%arg19 : memref<!tpu.dma_semaphore, #tpu.memory_space<semaphore_mem>>) src(%dma_wait3A_132 : memref<100000x128xf32, #tpu.memory_space<hbm>>) dst(%arg14 : memref<128x128xf32, #tpu.memory_space<vmem>>)
      %scan3A_133 = arith.constant 0 : i32
      %scan3A_134 = arith.constant 0 : i32
      %scan3A_135 = arith.constant 128 : i32
      %scan3A_136 = arith.addi %scan3A_134, %scan3A_135 : i32
      %scan3A_137 = arith.constant 1 : i32
      %scan3A_138 = scf.for %scan3A_146 = %scan3A_134 to %scan3A_136 step %scan3A_137 iter_args(%scan3A_147 = %scan3A_133) -> (i32)  : i32 {
        %get3A = arith.index_cast %scan3A_146 : i32 to index
        %get3A_148 = arith.constant 0 : index
        %get3A_149 = tpu.vector_load %arg13[%get3A, %get3A_148] {strides = array<i32>} : memref<128x128xf32, #tpu.memory_space<vmem>>, vector<16xf32>,
        %get3A_150 = arith.index_cast %scan3A_146 : i32 to index
        %get3A_151 = arith.constant 0 : index
        %get3A_152 = tpu.vector_load %arg14[%get3A_150, %get3A_151] {strides = array<i32>} : memref<128x128xf32, #tpu.memory_space<vmem>>, vector<16xf32>,
        %add3A_153 = arith.addf %get3A_149, %get3A_152 : vector<16xf32>
        %swap3A = arith.index_cast %scan3A_146 : i32 to index
        %swap3A_154 = arith.constant 0 : index
        %swap3A_155 = tpu.vector_load %arg15[%swap3A, %swap3A_154] {strides = array<i32>} : memref<128x128xf32, #tpu.memory_space<vmem>>, vector<16xf32>,
        tpu.vector_store %arg15[%swap3A, %swap3A_154], %add3A_153 {strides = array<i32>} : memref<128x128xf32, #tpu.memory_space<vmem>>, vector<16xf32>,
        %get3A_156 = arith.index_cast %scan3A_146 : i32 to index
        %get3A_157 = arith.constant 16 : index
        %get3A_158 = tpu.vector_load %arg13[%get3A_156, %get3A_157] {strides = array<i32>} : memref<128x128xf32, #tpu.memory_space<vmem>>, vector<16xf32>,
        %get3A_159 = arith.index_cast %scan3A_146 : i32 to index
        %get3A_160 = arith.constant 16 : index
        %get3A_161 = tpu.vector_load %arg14[%get3A_159, %get3A_160] {strides = array<i32>} : memref<128x128xf32, #tpu.memory_space<vmem>>, vector<16xf32>,
        %add3A_162 = arith.addf %get3A_158, %get3A_161 : vector<16xf32>
        %swap3A_163 = arith.index_cast %scan3A_146 : i32 to index
        %swap3A_164 = arith.constant 16 : index
        %swap3A_165 = tpu.vector_load %arg15[%swap3A_163, %swap3A_164] {strides = array<i32>} : memref<128x128xf32, #tpu.memory_space<vmem>>, vector<16xf32>,
        tpu.vector_store %arg15[%swap3A_163, %swap3A_164], %add3A_162 {strides = array<i32>} : memref<128x128xf32, #tpu.memory_space<vmem>>, vector<16xf32>,
        %get3A_166 = arith.index_cast %scan3A_146 : i32 to index
        %get3A_167 = arith.constant 32 : index
        %get3A_168 = tpu.vector_load %arg13[%get3A_166, %get3A_167] {strides = array<i32>} : memref<128x128xf32, #tpu.memory_space<vmem>>, vector<16xf32>,
        %get3A_169 = arith.index_cast %scan3A_146 : i32 to index
        %get3A_170 = arith.constant 32 : index
        %get3A_171 = tpu.vector_load %arg14[%get3A_169, %get3A_170] {strides = array<i32>} : memref<128x128xf32, #tpu.memory_space<vmem>>, vector<16xf32>,
        %add3A_172 = arith.addf %get3A_168, %get3A_171 : vector<16xf32>
        %swap3A_173 = arith.index_cast %scan3A_146 : i32 to index
        %swap3A_174 = arith.constant 32 : index
        %swap3A_175 = tpu.vector_load %arg15[%swap3A_173, %swap3A_174] {strides = array<i32>} : memref<128x128xf32, #tpu.memory_space<vmem>>, vector<16xf32>,
        tpu.vector_store %arg15[%swap3A_173, %swap3A_174], %add3A_172 {strides = array<i32>} : memref<128x128xf32, #tpu.memory_space<vmem>>, vector<16xf32>,
        %get3A_176 = arith.index_cast %scan3A_146 : i32 to index
        %get3A_177 = arith.constant 48 : index
        %get3A_178 = tpu.vector_load %arg13[%get3A_176, %get3A_177] {strides = array<i32>} : memref<128x128xf32, #tpu.memory_space<vmem>>, vector<16xf32>,
        %get3A_179 = arith.index_cast %scan3A_146 : i32 to index
        %get3A_180 = arith.constant 48 : index
        %get3A_181 = tpu.vector_load %arg14[%get3A_179, %get3A_180] {strides = array<i32>} : memref<128x128xf32, #tpu.memory_space<vmem>>, vector<16xf32>,
        %add3A_182 = arith.addf %get3A_178, %get3A_181 : vector<16xf32>
        %swap3A_183 = arith.index_cast %scan3A_146 : i32 to index
        %swap3A_184 = arith.constant 48 : index
        %swap3A_185 = tpu.vector_load %arg15[%swap3A_183, %swap3A_184] {strides = array<i32>} : memref<128x128xf32, #tpu.memory_space<vmem>>, vector<16xf32>,
        tpu.vector_store %arg15[%swap3A_183, %swap3A_184], %add3A_182 {strides = array<i32>} : memref<128x128xf32, #tpu.memory_space<vmem>>, vector<16xf32>,
        %get3A_186 = arith.index_cast %scan3A_146 : i32 to index
        %get3A_187 = arith.constant 64 : index
        %get3A_188 = tpu.vector_load %arg13[%get3A_186, %get3A_187] {strides = array<i32>} : memref<128x128xf32, #tpu.memory_space<vmem>>, vector<16xf32>,
        %get3A_189 = arith.index_cast %scan3A_146 : i32 to index
        %get3A_190 = arith.constant 64 : index
        %get3A_191 = tpu.vector_load %arg14[%get3A_189, %get3A_190] {strides = array<i32>} : memref<128x128xf32, #tpu.memory_space<vmem>>, vector<16xf32>,
        %add3A_192 = arith.addf %get3A_188, %get3A_191 : vector<16xf32>
        %swap3A_193 = arith.index_cast %scan3A_146 : i32 to index
        %swap3A_194 = arith.constant 64 : index
        %swap3A_195 = tpu.vector_load %arg15[%swap3A_193, %swap3A_194] {strides = array<i32>} : memref<128x128xf32, #tpu.memory_space<vmem>>, vector<16xf32>,
        tpu.vector_store %arg15[%swap3A_193, %swap3A_194], %add3A_192 {strides = array<i32>} : memref<128x128xf32, #tpu.memory_space<vmem>>, vector<16xf32>,
        %get3A_196 = arith.index_cast %scan3A_146 : i32 to index
        %get3A_197 = arith.constant 80 : index
        %get3A_198 = tpu.vector_load %arg13[%get3A_196, %get3A_197] {strides = array<i32>} : memref<128x128xf32, #tpu.memory_space<vmem>>, vector<16xf32>,
        %get3A_199 = arith.index_cast %scan3A_146 : i32 to index
        %get3A_200 = arith.constant 80 : index
        %get3A_201 = tpu.vector_load %arg14[%get3A_199, %get3A_200] {strides = array<i32>} : memref<128x128xf32, #tpu.memory_space<vmem>>, vector<16xf32>,
        %add3A_202 = arith.addf %get3A_198, %get3A_201 : vector<16xf32>
        %swap3A_203 = arith.index_cast %scan3A_146 : i32 to index
        %swap3A_204 = arith.constant 80 : index
        %swap3A_205 = tpu.vector_load %arg15[%swap3A_203, %swap3A_204] {strides = array<i32>} : memref<128x128xf32, #tpu.memory_space<vmem>>, vector<16xf32>,
        tpu.vector_store %arg15[%swap3A_203, %swap3A_204], %add3A_202 {strides = array<i32>} : memref<128x128xf32, #tpu.memory_space<vmem>>, vector<16xf32>,
        %get3A_206 = arith.index_cast %scan3A_146 : i32 to index
        %get3A_207 = arith.constant 96 : index
        %get3A_208 = tpu.vector_load %arg13[%get3A_206, %get3A_207] {strides = array<i32>} : memref<128x128xf32, #tpu.memory_space<vmem>>, vector<16xf32>,
        %get3A_209 = arith.index_cast %scan3A_146 : i32 to index
        %get3A_210 = arith.constant 96 : index
        %get3A_211 = tpu.vector_load %arg14[%get3A_209, %get3A_210] {strides = array<i32>} : memref<128x128xf32, #tpu.memory_space<vmem>>, vector<16xf32>,
        %add3A_212 = arith.addf %get3A_208, %get3A_211 : vector<16xf32>
        %swap3A_213 = arith.index_cast %scan3A_146 : i32 to index
        %swap3A_214 = arith.constant 96 : index
        %swap3A_215 = tpu.vector_load %arg15[%swap3A_213, %swap3A_214] {strides = array<i32>} : memref<128x128xf32, #tpu.memory_space<vmem>>, vector<16xf32>,
        tpu.vector_store %arg15[%swap3A_213, %swap3A_214], %add3A_212 {strides = array<i32>} : memref<128x128xf32, #tpu.memory_space<vmem>>, vector<16xf32>,
        %get3A_216 = arith.index_cast %scan3A_146 : i32 to index
        %get3A_217 = arith.constant 112 : index
        %get3A_218 = tpu.vector_load %arg13[%get3A_216, %get3A_217] {strides = array<i32>} : memref<128x128xf32, #tpu.memory_space<vmem>>, vector<16xf32>,
        %get3A_219 = arith.index_cast %scan3A_146 : i32 to index
        %get3A_220 = arith.constant 112 : index
        %get3A_221 = tpu.vector_load %arg14[%get3A_219, %get3A_220] {strides = array<i32>} : memref<128x128xf32, #tpu.memory_space<vmem>>, vector<16xf32>,
        %add3A_222 = arith.addf %get3A_218, %get3A_221 : vector<16xf32>
        %swap3A_223 = arith.index_cast %scan3A_146 : i32 to index
        %swap3A_224 = arith.constant 112 : index
        %swap3A_225 = tpu.vector_load %arg15[%swap3A_223, %swap3A_224] {strides = array<i32>} : memref<128x128xf32, #tpu.memory_space<vmem>>, vector<16xf32>,
        tpu.vector_store %arg15[%swap3A_223, %swap3A_224], %add3A_222 {strides = array<i32>} : memref<128x128xf32, #tpu.memory_space<vmem>>, vector<16xf32>,
        %scan3A_226 = arith.constant 0 : i32
        scf.yield %scan3A_226 : i32
      }
      %scan3A_139 = arith.constant 128 : i32
      %add3A_140 = arith.constant 1 : i32
      %add3A_141 = arith.addi %mul3A_79, %add3A_140 : i32
      %mul3A_142 = arith.constant 4096 : i32
      %mul3A_143 = arith.muli %add3A_141, %mul3A_142 : i32
      %add3A_144 = arith.addi %mul3A_143, %mul3A_2 : i32
      "tpu.region"() ({
        %run_scoped3A = tpu.sem_alloc : memref<!tpu.dma_semaphore, #tpu.memory_space<semaphore_mem>>
        %dma_start3A_146 = arith.constant 0 : i32
        %dma_start3A_147 = tpu.memref_slice %arg7[%add3A_144, %dma_start3A_146] : memref<81920x128xf32, #tpu.memory_space<hbm>> -> memref<128x128xf32, #tpu.memory_space<hbm>>
        %dma_start3A_148 = arith.constant 0 : i32
        %dma_start3A_149 = tpu.memref_slice %arg7[%add3A_144, %dma_start3A_148] : memref<81920x128xf32, #tpu.memory_space<hbm>> -> memref<128x128xf32, #tpu.memory_space<hbm>>
        tpu.enqueue_dma source(%arg15 : memref<128x128xf32, #tpu.memory_space<vmem>>) target(%dma_start3A_149 : memref<128x128xf32, #tpu.memory_space<hbm>>) target_semaphore(%run_scoped3A : memref<!tpu.dma_semaphore, #tpu.memory_space<semaphore_mem>>)
        %dma_wait3A_150 = arith.constant 0 : i32
        %dma_wait3A_151 = tpu.memref_slice %arg7[%add3A_144, %dma_wait3A_150] : memref<81920x128xf32, #tpu.memory_space<hbm>> -> memref<128x128xf32, #tpu.memory_space<hbm>>
        %dma_wait3A_152 = arith.constant 0 : i32
        %dma_wait3A_153 = tpu.memref_slice %arg7[%add3A_144, %dma_wait3A_152] : memref<81920x128xf32, #tpu.memory_space<hbm>> -> memref<128x128xf32, #tpu.memory_space<hbm>>
        tpu.wait_dma2 semaphore(%run_scoped3A : memref<!tpu.dma_semaphore, #tpu.memory_space<semaphore_mem>>) src(%arg15 : memref<128x128xf32, #tpu.memory_space<vmem>>) dst(%dma_wait3A_153 : memref<128x128xf32, #tpu.memory_space<hbm>>)
        tpu.yield
      }) : () -> ()
      %scan3A_145 = arith.constant 0 : i32
      scf.yield %scan3A_145 : i32
    }
    %scan3A_75 = arith.constant 10 : i32
    return
  }
}

#map = affine_map<(d0, d1) -> (0, 0)>
#map1 = affine_map<(d0, d1) -> (0)>
module attributes {stable_mosaic.version = 14 : i64} {
  func.func @k(%arg0: i32, %arg1: i32, %arg2: memref<100000x128xf32, #tpu.memory_space<hbm>>, %arg3: memref<163840xi32, #tpu.memory_space<hbm>>, %arg4: memref<327680xi32, #tpu.memory_space<hbm>>, %arg5: memref<4096xi32, #tpu.memory_space<hbm>>, %arg6: memref<81920x128xf32, #tpu.memory_space<hbm>>, %arg7: memref<81920x128xf32, #tpu.memory_space<hbm>>, %arg8: memref<4096x128xf32, #tpu.memory_space<hbm>>, %arg9: memref<5120xi32, #tpu.memory_space<vmem>>, %arg10: memref<2560xi32, #tpu.memory_space<vmem>>, %arg11: memref<2560xi32, #tpu.memory_space<vmem>>, %arg12: memref<128x128xf32, #tpu.memory_space<vmem>>, %arg13: memref<128x128xf32, #tpu.memory_space<vmem>>, %arg14: memref<128x128xf32, #tpu.memory_space<vmem>>, %arg15: memref<128x128xf32, #tpu.memory_space<vmem>>, %arg16: memref<128x128xf32, #tpu.memory_space<vmem>>, %arg17: memref<!tpu.dma_semaphore, #tpu.memory_space<semaphore_mem>>, %arg18: memref<!tpu.dma_semaphore, #tpu.memory_space<semaphore_mem>>, %arg19: memref<!tpu.dma_semaphore, #tpu.memory_space<semaphore_mem>>, %arg20: memref<!tpu.dma_semaphore, #tpu.memory_space<semaphore_mem>>) attributes {dimension_semantics = [#tpu.dimension_semantics<core_parallel>, #tpu.dimension_semantics<subcore_parallel>], iteration_bounds = array<i64: 2, 16>, scalar_prefetch = 0 : i64, scratch_operands = 12 : i64, tpu.core_type = #tpu.core_type<sc_vector_subcore>, window_params = [{transform_indices = #map}, {transform_indices = #map1}, {transform_indices = #map1}, {transform_indices = #map1}, {transform_indices = #map}, {transform_indices = #map}, {transform_indices = #map}]} {
    %mul3A = arith.constant 2 : i32
    %mul3A_0 = arith.muli %arg1, %mul3A : i32
    %add3A = arith.addi %mul3A_0, %arg0 : i32
    %mul3A_1 = arith.constant 128 : i32
    %mul3A_2 = arith.muli %add3A, %mul3A_1 : i32
    %iota3A = tpu.iota {dimensions = array<i32: 0>} : vector<16xi32>
    %mul3A_3 = arith.constant 5 : i32
    %mul3A_4 = arith.muli %mul3A_2, %mul3A_3 : i32
    %add3A_5 = arith.constant 0 : i32
    %add3A_6 = arith.addi %add3A_5, %mul3A_4 : i32
    "tpu.region"() ({
      %run_scoped3A = tpu.sem_alloc : memref<!tpu.dma_semaphore, #tpu.memory_space<semaphore_mem>>
      %dma_start3A_85 = arith.constant 0 : i32
      %dma_start3A_86 = tpu.memref_slice %arg9[%dma_start3A_85] : memref<5120xi32, #tpu.memory_space<vmem>> -> memref<640xi32, #tpu.memory_space<vmem>>
      %dma_start3A_87 = tpu.memref_slice %arg3[%add3A_6] : memref<163840xi32, #tpu.memory_space<hbm>> -> memref<640xi32, #tpu.memory_space<hbm>>
      %dma_start3A_88 = arith.constant 0 : i32
      %dma_start3A_89 = tpu.memref_slice %arg9[%dma_start3A_88] : memref<5120xi32, #tpu.memory_space<vmem>> -> memref<640xi32, #tpu.memory_space<vmem>>
      %dma_start3A_90 = tpu.memref_slice %arg3[%add3A_6] : memref<163840xi32, #tpu.memory_space<hbm>> -> memref<640xi32, #tpu.memory_space<hbm>>
      tpu.enqueue_dma source(%dma_start3A_90 : memref<640xi32, #tpu.memory_space<hbm>>) target(%dma_start3A_89 : memref<640xi32, #tpu.memory_space<vmem>>) target_semaphore(%run_scoped3A : memref<!tpu.dma_semaphore, #tpu.memory_space<semaphore_mem>>)
      %dma_wait3A_91 = arith.constant 0 : i32
      %dma_wait3A_92 = tpu.memref_slice %arg9[%dma_wait3A_91] : memref<5120xi32, #tpu.memory_space<vmem>> -> memref<640xi32, #tpu.memory_space<vmem>>
      %dma_wait3A_93 = tpu.memref_slice %arg3[%add3A_6] : memref<163840xi32, #tpu.memory_space<hbm>> -> memref<640xi32, #tpu.memory_space<hbm>>
      %dma_wait3A_94 = arith.constant 0 : i32
      %dma_wait3A_95 = tpu.memref_slice %arg9[%dma_wait3A_94] : memref<5120xi32, #tpu.memory_space<vmem>> -> memref<640xi32, #tpu.memory_space<vmem>>
      %dma_wait3A_96 = tpu.memref_slice %arg3[%add3A_6] : memref<163840xi32, #tpu.memory_space<hbm>> -> memref<640xi32, #tpu.memory_space<hbm>>
      tpu.wait_dma2 semaphore(%run_scoped3A : memref<!tpu.dma_semaphore, #tpu.memory_space<semaphore_mem>>) src(%dma_wait3A_96 : memref<640xi32, #tpu.memory_space<hbm>>) dst(%dma_wait3A_95 : memref<640xi32, #tpu.memory_space<vmem>>)
      tpu.yield
    }) : () -> ()
    %mul3A_7 = arith.constant 5 : i32
    %mul3A_8 = arith.muli %mul3A_2, %mul3A_7 : i32
    %add3A_9 = arith.constant 20480 : i32
    %add3A_10 = arith.addi %add3A_9, %mul3A_8 : i32
    "tpu.region"() ({
      %run_scoped3A = tpu.sem_alloc : memref<!tpu.dma_semaphore, #tpu.memory_space<semaphore_mem>>
      %dma_start3A_85 = arith.constant 640 : i32
      %dma_start3A_86 = tpu.memref_slice %arg9[%dma_start3A_85] : memref<5120xi32, #tpu.memory_space<vmem>> -> memref<640xi32, #tpu.memory_space<vmem>>
      %dma_start3A_87 = tpu.memref_slice %arg3[%add3A_10] : memref<163840xi32, #tpu.memory_space<hbm>> -> memref<640xi32, #tpu.memory_space<hbm>>
      %dma_start3A_88 = arith.constant 640 : i32
      %dma_start3A_89 = tpu.memref_slice %arg9[%dma_start3A_88] : memref<5120xi32, #tpu.memory_space<vmem>> -> memref<640xi32, #tpu.memory_space<vmem>>
      %dma_start3A_90 = tpu.memref_slice %arg3[%add3A_10] : memref<163840xi32, #tpu.memory_space<hbm>> -> memref<640xi32, #tpu.memory_space<hbm>>
      tpu.enqueue_dma source(%dma_start3A_90 : memref<640xi32, #tpu.memory_space<hbm>>) target(%dma_start3A_89 : memref<640xi32, #tpu.memory_space<vmem>>) target_semaphore(%run_scoped3A : memref<!tpu.dma_semaphore, #tpu.memory_space<semaphore_mem>>)
      %dma_wait3A_91 = arith.constant 640 : i32
      %dma_wait3A_92 = tpu.memref_slice %arg9[%dma_wait3A_91] : memref<5120xi32, #tpu.memory_space<vmem>> -> memref<640xi32, #tpu.memory_space<vmem>>
      %dma_wait3A_93 = tpu.memref_slice %arg3[%add3A_10] : memref<163840xi32, #tpu.memory_space<hbm>> -> memref<640xi32, #tpu.memory_space<hbm>>
      %dma_wait3A_94 = arith.constant 640 : i32
      %dma_wait3A_95 = tpu.memref_slice %arg9[%dma_wait3A_94] : memref<5120xi32, #tpu.memory_space<vmem>> -> memref<640xi32, #tpu.memory_space<vmem>>
      %dma_wait3A_96 = tpu.memref_slice %arg3[%add3A_10] : memref<163840xi32, #tpu.memory_space<hbm>> -> memref<640xi32, #tpu.memory_space<hbm>>
      tpu.wait_dma2 semaphore(%run_scoped3A : memref<!tpu.dma_semaphore, #tpu.memory_space<semaphore_mem>>) src(%dma_wait3A_96 : memref<640xi32, #tpu.memory_space<hbm>>) dst(%dma_wait3A_95 : memref<640xi32, #tpu.memory_space<vmem>>)
      tpu.yield
    }) : () -> ()
    %mul3A_11 = arith.constant 5 : i32
    %mul3A_12 = arith.muli %mul3A_2, %mul3A_11 : i32
    %add3A_13 = arith.constant 40960 : i32
    %add3A_14 = arith.addi %add3A_13, %mul3A_12 : i32
    "tpu.region"() ({
      %run_scoped3A = tpu.sem_alloc : memref<!tpu.dma_semaphore, #tpu.memory_space<semaphore_mem>>
      %dma_start3A_85 = arith.constant 1280 : i32
      %dma_start3A_86 = tpu.memref_slice %arg9[%dma_start3A_85] : memref<5120xi32, #tpu.memory_space<vmem>> -> memref<640xi32, #tpu.memory_space<vmem>>
      %dma_start3A_87 = tpu.memref_slice %arg3[%add3A_14] : memref<163840xi32, #tpu.memory_space<hbm>> -> memref<640xi32, #tpu.memory_space<hbm>>
      %dma_start3A_88 = arith.constant 1280 : i32
      %dma_start3A_89 = tpu.memref_slice %arg9[%dma_start3A_88] : memref<5120xi32, #tpu.memory_space<vmem>> -> memref<640xi32, #tpu.memory_space<vmem>>
      %dma_start3A_90 = tpu.memref_slice %arg3[%add3A_14] : memref<163840xi32, #tpu.memory_space<hbm>> -> memref<640xi32, #tpu.memory_space<hbm>>
      tpu.enqueue_dma source(%dma_start3A_90 : memref<640xi32, #tpu.memory_space<hbm>>) target(%dma_start3A_89 : memref<640xi32, #tpu.memory_space<vmem>>) target_semaphore(%run_scoped3A : memref<!tpu.dma_semaphore, #tpu.memory_space<semaphore_mem>>)
      %dma_wait3A_91 = arith.constant 1280 : i32
      %dma_wait3A_92 = tpu.memref_slice %arg9[%dma_wait3A_91] : memref<5120xi32, #tpu.memory_space<vmem>> -> memref<640xi32, #tpu.memory_space<vmem>>
      %dma_wait3A_93 = tpu.memref_slice %arg3[%add3A_14] : memref<163840xi32, #tpu.memory_space<hbm>> -> memref<640xi32, #tpu.memory_space<hbm>>
      %dma_wait3A_94 = arith.constant 1280 : i32
      %dma_wait3A_95 = tpu.memref_slice %arg9[%dma_wait3A_94] : memref<5120xi32, #tpu.memory_space<vmem>> -> memref<640xi32, #tpu.memory_space<vmem>>
      %dma_wait3A_96 = tpu.memref_slice %arg3[%add3A_14] : memref<163840xi32, #tpu.memory_space<hbm>> -> memref<640xi32, #tpu.memory_space<hbm>>
      tpu.wait_dma2 semaphore(%run_scoped3A : memref<!tpu.dma_semaphore, #tpu.memory_space<semaphore_mem>>) src(%dma_wait3A_96 : memref<640xi32, #tpu.memory_space<hbm>>) dst(%dma_wait3A_95 : memref<640xi32, #tpu.memory_space<vmem>>)
      tpu.yield
    }) : () -> ()
    %mul3A_15 = arith.constant 5 : i32
    %mul3A_16 = arith.muli %mul3A_2, %mul3A_15 : i32
    %add3A_17 = arith.constant 61440 : i32
    %add3A_18 = arith.addi %add3A_17, %mul3A_16 : i32
    "tpu.region"() ({
      %run_scoped3A = tpu.sem_alloc : memref<!tpu.dma_semaphore, #tpu.memory_space<semaphore_mem>>
      %dma_start3A_85 = arith.constant 1920 : i32
      %dma_start3A_86 = tpu.memref_slice %arg9[%dma_start3A_85] : memref<5120xi32, #tpu.memory_space<vmem>> -> memref<640xi32, #tpu.memory_space<vmem>>
      %dma_start3A_87 = tpu.memref_slice %arg3[%add3A_18] : memref<163840xi32, #tpu.memory_space<hbm>> -> memref<640xi32, #tpu.memory_space<hbm>>
      %dma_start3A_88 = arith.constant 1920 : i32
      %dma_start3A_89 = tpu.memref_slice %arg9[%dma_start3A_88] : memref<5120xi32, #tpu.memory_space<vmem>> -> memref<640xi32, #tpu.memory_space<vmem>>
      %dma_start3A_90 = tpu.memref_slice %arg3[%add3A_18] : memref<163840xi32, #tpu.memory_space<hbm>> -> memref<640xi32, #tpu.memory_space<hbm>>
      tpu.enqueue_dma source(%dma_start3A_90 : memref<640xi32, #tpu.memory_space<hbm>>) target(%dma_start3A_89 : memref<640xi32, #tpu.memory_space<vmem>>) target_semaphore(%run_scoped3A : memref<!tpu.dma_semaphore, #tpu.memory_space<semaphore_mem>>)
      %dma_wait3A_91 = arith.constant 1920 : i32
      %dma_wait3A_92 = tpu.memref_slice %arg9[%dma_wait3A_91] : memref<5120xi32, #tpu.memory_space<vmem>> -> memref<640xi32, #tpu.memory_space<vmem>>
      %dma_wait3A_93 = tpu.memref_slice %arg3[%add3A_18] : memref<163840xi32, #tpu.memory_space<hbm>> -> memref<640xi32, #tpu.memory_space<hbm>>
      %dma_wait3A_94 = arith.constant 1920 : i32
      %dma_wait3A_95 = tpu.memref_slice %arg9[%dma_wait3A_94] : memref<5120xi32, #tpu.memory_space<vmem>> -> memref<640xi32, #tpu.memory_space<vmem>>
      %dma_wait3A_96 = tpu.memref_slice %arg3[%add3A_18] : memref<163840xi32, #tpu.memory_space<hbm>> -> memref<640xi32, #tpu.memory_space<hbm>>
      tpu.wait_dma2 semaphore(%run_scoped3A : memref<!tpu.dma_semaphore, #tpu.memory_space<semaphore_mem>>) src(%dma_wait3A_96 : memref<640xi32, #tpu.memory_space<hbm>>) dst(%dma_wait3A_95 : memref<640xi32, #tpu.memory_space<vmem>>)
      tpu.yield
    }) : () -> ()
    %scan3A = arith.constant 0 : i32
    %scan3A_19 = arith.constant 0 : i32
    %scan3A_20 = arith.constant 20 : i32
    %scan3A_21 = arith.addi %scan3A_19, %scan3A_20 : i32
    %scan3A_22 = arith.constant 1 : i32
    %scan3A_23 = scf.for %scan3A_85 = %scan3A_19 to %scan3A_21 step %scan3A_22 iter_args(%scan3A_86 = %scan3A) -> (i32)  : i32 {
      %shift_right_logical3A = arith.constant 2 : i32
      %shift_right_logical3A_87 = arith.shrui %scan3A_85, %shift_right_logical3A : i32
      %and3A = arith.constant 3 : i32
      %and3A_88 = arith.andi %scan3A_85, %and3A : i32
      %mul3A_89 = arith.constant 128 : i32
      %mul3A_90 = arith.muli %and3A_88, %mul3A_89 : i32
      %mul3A_91 = arith.constant 5 : i32
      %mul3A_92 = arith.muli %mul3A_90, %mul3A_91 : i32
      %mul3A_93 = arith.constant 1 : i32
      %mul3A_94 = arith.muli %shift_right_logical3A_87, %mul3A_93 : i32
      %add3A_95 = arith.addi %mul3A_92, %mul3A_94 : i32
      %mul3A_96 = arith.constant 5 : i32
      %mul3A_97 = vector.broadcast %mul3A_96 : i32 to vector<16xi32>
      %mul3A_98 = arith.muli %iota3A, %mul3A_97 : vector<16xi32>
      %add3A_99 = arith.constant 0 : i32
      %add3A_100 = arith.addi %add3A_95, %add3A_99 : i32
      %add3A_101 = arith.constant 0 : i32
      %add3A_102 = arith.addi %add3A_100, %add3A_101 : i32
      %add3A_103 = vector.broadcast %add3A_102 : i32 to vector<16xi32>
      %add3A_104 = arith.addi %mul3A_98, %add3A_103 : vector<16xi32>
      %gather3A = tpu.vector_load_idx %arg9[%add3A_104] : memref<5120xi32, #tpu.memory_space<vmem>>[vector<16xi32>], vector<16xi32>,
      %mul3A_105 = arith.constant 128 : i32
      %mul3A_106 = arith.muli %scan3A_85, %mul3A_105 : i32
      %add3A_107 = arith.constant 0 : i32
      %add3A_108 = arith.addi %mul3A_106, %add3A_107 : i32
      %swap3A = arith.index_cast %add3A_108 : i32 to index
      %swap3A_109 = tpu.vector_load %arg10[%swap3A] {strides = array<i32>} : memref<2560xi32, #tpu.memory_space<vmem>>, vector<16xi32>,
      tpu.vector_store %arg10[%swap3A], %gather3A {strides = array<i32>} : memref<2560xi32, #tpu.memory_space<vmem>>, vector<16xi32>,
      %mul3A_110 = arith.constant 5 : i32
      %mul3A_111 = vector.broadcast %mul3A_110 : i32 to vector<16xi32>
      %mul3A_112 = arith.muli %iota3A, %mul3A_111 : vector<16xi32>
      %add3A_113 = arith.constant 0 : i32
      %add3A_114 = arith.addi %add3A_95, %add3A_113 : i32
      %add3A_115 = arith.constant 80 : i32
      %add3A_116 = arith.addi %add3A_114, %add3A_115 : i32
      %add3A_117 = vector.broadcast %add3A_116 : i32 to vector<16xi32>
      %add3A_118 = arith.addi %mul3A_112, %add3A_117 : vector<16xi32>
      %gather3A_119 = tpu.vector_load_idx %arg9[%add3A_118] : memref<5120xi32, #tpu.memory_space<vmem>>[vector<16xi32>], vector<16xi32>,
      %mul3A_120 = arith.constant 128 : i32
      %mul3A_121 = arith.muli %scan3A_85, %mul3A_120 : i32
      %add3A_122 = arith.constant 16 : i32
      %add3A_123 = arith.addi %mul3A_121, %add3A_122 : i32
      %swap3A_124 = arith.index_cast %add3A_123 : i32 to index
      %swap3A_125 = tpu.vector_load %arg10[%swap3A_124] {strides = array<i32>} : memref<2560xi32, #tpu.memory_space<vmem>>, vector<16xi32>,
      tpu.vector_store %arg10[%swap3A_124], %gather3A_119 {strides = array<i32>} : memref<2560xi32, #tpu.memory_space<vmem>>, vector<16xi32>,
      %mul3A_126 = arith.constant 5 : i32
      %mul3A_127 = vector.broadcast %mul3A_126 : i32 to vector<16xi32>
      %mul3A_128 = arith.muli %iota3A, %mul3A_127 : vector<16xi32>
      %add3A_129 = arith.constant 0 : i32
      %add3A_130 = arith.addi %add3A_95, %add3A_129 : i32
      %add3A_131 = arith.constant 160 : i32
      %add3A_132 = arith.addi %add3A_130, %add3A_131 : i32
      %add3A_133 = vector.broadcast %add3A_132 : i32 to vector<16xi32>
      %add3A_134 = arith.addi %mul3A_128, %add3A_133 : vector<16xi32>
      %gather3A_135 = tpu.vector_load_idx %arg9[%add3A_134] : memref<5120xi32, #tpu.memory_space<vmem>>[vector<16xi32>], vector<16xi32>,
      %mul3A_136 = arith.constant 128 : i32
      %mul3A_137 = arith.muli %scan3A_85, %mul3A_136 : i32
      %add3A_138 = arith.constant 32 : i32
      %add3A_139 = arith.addi %mul3A_137, %add3A_138 : i32
      %swap3A_140 = arith.index_cast %add3A_139 : i32 to index
      %swap3A_141 = tpu.vector_load %arg10[%swap3A_140] {strides = array<i32>} : memref<2560xi32, #tpu.memory_space<vmem>>, vector<16xi32>,
      tpu.vector_store %arg10[%swap3A_140], %gather3A_135 {strides = array<i32>} : memref<2560xi32, #tpu.memory_space<vmem>>, vector<16xi32>,
      %mul3A_142 = arith.constant 5 : i32
      %mul3A_143 = vector.broadcast %mul3A_142 : i32 to vector<16xi32>
      %mul3A_144 = arith.muli %iota3A, %mul3A_143 : vector<16xi32>
      %add3A_145 = arith.constant 0 : i32
      %add3A_146 = arith.addi %add3A_95, %add3A_145 : i32
      %add3A_147 = arith.constant 240 : i32
      %add3A_148 = arith.addi %add3A_146, %add3A_147 : i32
      %add3A_149 = vector.broadcast %add3A_148 : i32 to vector<16xi32>
      %add3A_150 = arith.addi %mul3A_144, %add3A_149 : vector<16xi32>
      %gather3A_151 = tpu.vector_load_idx %arg9[%add3A_150] : memref<5120xi32, #tpu.memory_space<vmem>>[vector<16xi32>], vector<16xi32>,
      %mul3A_152 = arith.constant 128 : i32
      %mul3A_153 = arith.muli %scan3A_85, %mul3A_152 : i32
      %add3A_154 = arith.constant 48 : i32
      %add3A_155 = arith.addi %mul3A_153, %add3A_154 : i32
      %swap3A_156 = arith.index_cast %add3A_155 : i32 to index
      %swap3A_157 = tpu.vector_load %arg10[%swap3A_156] {strides = array<i32>} : memref<2560xi32, #tpu.memory_space<vmem>>, vector<16xi32>,
      tpu.vector_store %arg10[%swap3A_156], %gather3A_151 {strides = array<i32>} : memref<2560xi32, #tpu.memory_space<vmem>>, vector<16xi32>,
      %mul3A_158 = arith.constant 5 : i32
      %mul3A_159 = vector.broadcast %mul3A_158 : i32 to vector<16xi32>
      %mul3A_160 = arith.muli %iota3A, %mul3A_159 : vector<16xi32>
      %add3A_161 = arith.constant 0 : i32
      %add3A_162 = arith.addi %add3A_95, %add3A_161 : i32
      %add3A_163 = arith.constant 320 : i32
      %add3A_164 = arith.addi %add3A_162, %add3A_163 : i32
      %add3A_165 = vector.broadcast %add3A_164 : i32 to vector<16xi32>
      %add3A_166 = arith.addi %mul3A_160, %add3A_165 : vector<16xi32>
      %gather3A_167 = tpu.vector_load_idx %arg9[%add3A_166] : memref<5120xi32, #tpu.memory_space<vmem>>[vector<16xi32>], vector<16xi32>,
      %mul3A_168 = arith.constant 128 : i32
      %mul3A_169 = arith.muli %scan3A_85, %mul3A_168 : i32
      %add3A_170 = arith.constant 64 : i32
      %add3A_171 = arith.addi %mul3A_169, %add3A_170 : i32
      %swap3A_172 = arith.index_cast %add3A_171 : i32 to index
      %swap3A_173 = tpu.vector_load %arg10[%swap3A_172] {strides = array<i32>} : memref<2560xi32, #tpu.memory_space<vmem>>, vector<16xi32>,
      tpu.vector_store %arg10[%swap3A_172], %gather3A_167 {strides = array<i32>} : memref<2560xi32, #tpu.memory_space<vmem>>, vector<16xi32>,
      %mul3A_174 = arith.constant 5 : i32
      %mul3A_175 = vector.broadcast %mul3A_174 : i32 to vector<16xi32>
      %mul3A_176 = arith.muli %iota3A, %mul3A_175 : vector<16xi32>
      %add3A_177 = arith.constant 0 : i32
      %add3A_178 = arith.addi %add3A_95, %add3A_177 : i32
      %add3A_179 = arith.constant 400 : i32
      %add3A_180 = arith.addi %add3A_178, %add3A_179 : i32
      %add3A_181 = vector.broadcast %add3A_180 : i32 to vector<16xi32>
      %add3A_182 = arith.addi %mul3A_176, %add3A_181 : vector<16xi32>
      %gather3A_183 = tpu.vector_load_idx %arg9[%add3A_182] : memref<5120xi32, #tpu.memory_space<vmem>>[vector<16xi32>], vector<16xi32>,
      %mul3A_184 = arith.constant 128 : i32
      %mul3A_185 = arith.muli %scan3A_85, %mul3A_184 : i32
      %add3A_186 = arith.constant 80 : i32
      %add3A_187 = arith.addi %mul3A_185, %add3A_186 : i32
      %swap3A_188 = arith.index_cast %add3A_187 : i32 to index
      %swap3A_189 = tpu.vector_load %arg10[%swap3A_188] {strides = array<i32>} : memref<2560xi32, #tpu.memory_space<vmem>>, vector<16xi32>,
      tpu.vector_store %arg10[%swap3A_188], %gather3A_183 {strides = array<i32>} : memref<2560xi32, #tpu.memory_space<vmem>>, vector<16xi32>,
      %mul3A_190 = arith.constant 5 : i32
      %mul3A_191 = vector.broadcast %mul3A_190 : i32 to vector<16xi32>
      %mul3A_192 = arith.muli %iota3A, %mul3A_191 : vector<16xi32>
      %add3A_193 = arith.constant 0 : i32
      %add3A_194 = arith.addi %add3A_95, %add3A_193 : i32
      %add3A_195 = arith.constant 480 : i32
      %add3A_196 = arith.addi %add3A_194, %add3A_195 : i32
      %add3A_197 = vector.broadcast %add3A_196 : i32 to vector<16xi32>
      %add3A_198 = arith.addi %mul3A_192, %add3A_197 : vector<16xi32>
      %gather3A_199 = tpu.vector_load_idx %arg9[%add3A_198] : memref<5120xi32, #tpu.memory_space<vmem>>[vector<16xi32>], vector<16xi32>,
      %mul3A_200 = arith.constant 128 : i32
      %mul3A_201 = arith.muli %scan3A_85, %mul3A_200 : i32
      %add3A_202 = arith.constant 96 : i32
      %add3A_203 = arith.addi %mul3A_201, %add3A_202 : i32
      %swap3A_204 = arith.index_cast %add3A_203 : i32 to index
      %swap3A_205 = tpu.vector_load %arg10[%swap3A_204] {strides = array<i32>} : memref<2560xi32, #tpu.memory_space<vmem>>, vector<16xi32>,
      tpu.vector_store %arg10[%swap3A_204], %gather3A_199 {strides = array<i32>} : memref<2560xi32, #tpu.memory_space<vmem>>, vector<16xi32>,
      %mul3A_206 = arith.constant 5 : i32
      %mul3A_207 = vector.broadcast %mul3A_206 : i32 to vector<16xi32>
      %mul3A_208 = arith.muli %iota3A, %mul3A_207 : vector<16xi32>
      %add3A_209 = arith.constant 0 : i32
      %add3A_210 = arith.addi %add3A_95, %add3A_209 : i32
      %add3A_211 = arith.constant 560 : i32
      %add3A_212 = arith.addi %add3A_210, %add3A_211 : i32
      %add3A_213 = vector.broadcast %add3A_212 : i32 to vector<16xi32>
      %add3A_214 = arith.addi %mul3A_208, %add3A_213 : vector<16xi32>
      %gather3A_215 = tpu.vector_load_idx %arg9[%add3A_214] : memref<5120xi32, #tpu.memory_space<vmem>>[vector<16xi32>], vector<16xi32>,
      %mul3A_216 = arith.constant 128 : i32
      %mul3A_217 = arith.muli %scan3A_85, %mul3A_216 : i32
      %add3A_218 = arith.constant 112 : i32
      %add3A_219 = arith.addi %mul3A_217, %add3A_218 : i32
      %swap3A_220 = arith.index_cast %add3A_219 : i32 to index
      %swap3A_221 = tpu.vector_load %arg10[%swap3A_220] {strides = array<i32>} : memref<2560xi32, #tpu.memory_space<vmem>>, vector<16xi32>,
      tpu.vector_store %arg10[%swap3A_220], %gather3A_215 {strides = array<i32>} : memref<2560xi32, #tpu.memory_space<vmem>>, vector<16xi32>,
      %scan3A_222 = arith.constant 0 : i32
      scf.yield %scan3A_222 : i32
    }
    %scan3A_24 = arith.constant 20 : i32
    %dma_start3A = arith.constant 0 : i32
    %dma_start3A_25 = tpu.memref_slice %arg10[%dma_start3A] : memref<2560xi32, #tpu.memory_space<vmem>> -> memref<128xi32, #tpu.memory_space<vmem>>
    %dma_start3A_26 = arith.constant 0 : i32
    %dma_start3A_27 = arith.constant 0 : i32
    %dma_start3A_28 = tpu.memref_slice %arg2[%dma_start3A_26, %dma_start3A_27] : memref<100000x128xf32, #tpu.memory_space<hbm>> -> memref<100000x128xf32, #tpu.memory_space<hbm>>
    tpu.enqueue_indirect_dma source(%dma_start3A_28 : memref<100000x128xf32, #tpu.memory_space<hbm>>) target(%arg12 : memref<128x128xf32, #tpu.memory_space<vmem>>) offsets(%dma_start3A_25 : memref<128xi32, #tpu.memory_space<vmem>>) semaphore(%arg17 : memref<!tpu.dma_semaphore, #tpu.memory_space<semaphore_mem>>)
    %scan3A_29 = arith.constant 0 : i32
    %scan3A_30 = arith.constant 0 : i32
    %scan3A_31 = arith.constant 10 : i32
    %scan3A_32 = arith.addi %scan3A_30, %scan3A_31 : i32
    %scan3A_33 = arith.constant 1 : i32
    %scan3A_34 = scf.for %scan3A_85 = %scan3A_30 to %scan3A_32 step %scan3A_33 iter_args(%scan3A_86 = %scan3A_29) -> (i32)  : i32 {
      %mul3A_87 = arith.constant 2 : i32
      %mul3A_88 = arith.muli %mul3A_87, %scan3A_85 : i32
      %add3A_89 = arith.constant 1 : i32
      %add3A_90 = arith.addi %mul3A_88, %add3A_89 : i32
      %mul3A_91 = arith.constant 128 : i32
      %mul3A_92 = arith.muli %add3A_90, %mul3A_91 : i32
      %dma_start3A_93 = tpu.memref_slice %arg10[%mul3A_92] : memref<2560xi32, #tpu.memory_space<vmem>> -> memref<128xi32, #tpu.memory_space<vmem>>
      %dma_start3A_94 = arith.constant 0 : i32
      %dma_start3A_95 = arith.constant 0 : i32
      %dma_start3A_96 = tpu.memref_slice %arg2[%dma_start3A_94, %dma_start3A_95] : memref<100000x128xf32, #tpu.memory_space<hbm>> -> memref<100000x128xf32, #tpu.memory_space<hbm>>
      tpu.enqueue_indirect_dma source(%dma_start3A_96 : memref<100000x128xf32, #tpu.memory_space<hbm>>) target(%arg13 : memref<128x128xf32, #tpu.memory_space<vmem>>) offsets(%dma_start3A_93 : memref<128xi32, #tpu.memory_space<vmem>>) semaphore(%arg18 : memref<!tpu.dma_semaphore, #tpu.memory_space<semaphore_mem>>)
      %mul3A_97 = arith.constant 128 : i32
      %mul3A_98 = arith.muli %mul3A_88, %mul3A_97 : i32
      %dma_wait3A_99 = tpu.memref_slice %arg10[%mul3A_98] : memref<2560xi32, #tpu.memory_space<vmem>> -> memref<128xi32, #tpu.memory_space<vmem>>
      %dma_wait3A_100 = arith.constant 0 : i32
      %dma_wait3A_101 = arith.constant 0 : i32
      %dma_wait3A_102 = tpu.memref_slice %arg2[%dma_wait3A_100, %dma_wait3A_101] : memref<100000x128xf32, #tpu.memory_space<hbm>> -> memref<100000x128xf32, #tpu.memory_space<hbm>>
      tpu.wait_indirect_dma semaphore(%arg17 : memref<!tpu.dma_semaphore, #tpu.memory_space<semaphore_mem>>) src(%dma_wait3A_102 : memref<100000x128xf32, #tpu.memory_space<hbm>>) dst(%arg12 : memref<128x128xf32, #tpu.memory_space<vmem>>)
      %mul3A_103 = arith.constant 4096 : i32
      %mul3A_104 = arith.muli %mul3A_88, %mul3A_103 : i32
      %add3A_105 = arith.addi %mul3A_104, %mul3A_2 : i32
      "tpu.region"() ({
        %run_scoped3A = tpu.sem_alloc : memref<!tpu.dma_semaphore, #tpu.memory_space<semaphore_mem>>
        %dma_start3A_124 = arith.constant 0 : i32
        %dma_start3A_125 = tpu.memref_slice %arg6[%add3A_105, %dma_start3A_124] : memref<81920x128xf32, #tpu.memory_space<hbm>> -> memref<128x128xf32, #tpu.memory_space<hbm>>
        %dma_start3A_126 = arith.constant 0 : i32
        %dma_start3A_127 = tpu.memref_slice %arg6[%add3A_105, %dma_start3A_126] : memref<81920x128xf32, #tpu.memory_space<hbm>> -> memref<128x128xf32, #tpu.memory_space<hbm>>
        tpu.enqueue_dma source(%arg12 : memref<128x128xf32, #tpu.memory_space<vmem>>) target(%dma_start3A_127 : memref<128x128xf32, #tpu.memory_space<hbm>>) target_semaphore(%run_scoped3A : memref<!tpu.dma_semaphore, #tpu.memory_space<semaphore_mem>>)
        %dma_wait3A_128 = arith.constant 0 : i32
        %dma_wait3A_129 = tpu.memref_slice %arg6[%add3A_105, %dma_wait3A_128] : memref<81920x128xf32, #tpu.memory_space<hbm>> -> memref<128x128xf32, #tpu.memory_space<hbm>>
        %dma_wait3A_130 = arith.constant 0 : i32
        %dma_wait3A_131 = tpu.memref_slice %arg6[%add3A_105, %dma_wait3A_130] : memref<81920x128xf32, #tpu.memory_space<hbm>> -> memref<128x128xf32, #tpu.memory_space<hbm>>
        tpu.wait_dma2 semaphore(%run_scoped3A : memref<!tpu.dma_semaphore, #tpu.memory_space<semaphore_mem>>) src(%arg12 : memref<128x128xf32, #tpu.memory_space<vmem>>) dst(%dma_wait3A_131 : memref<128x128xf32, #tpu.memory_space<hbm>>)
        tpu.yield
      }) : () -> ()
      %add3A_106 = arith.constant 2 : i32
      %add3A_107 = arith.addi %mul3A_88, %add3A_106 : i32
      %lt3A = arith.constant 20 : i32
      %lt3A_108 = arith.cmpi slt, %add3A_107, %lt3A : i32
      %convert_element_type3A = arith.extui %lt3A_108 : i1 to i32
      %cond3A = arith.constant 0 : i32
      %cond3A_109 = arith.cmpi ne, %convert_element_type3A, %cond3A : i32
      scf.if %cond3A_109 {
        %add3A_124 = arith.constant 2 : i32
        %add3A_125 = arith.addi %mul3A_88, %add3A_124 : i32
        %mul3A_126 = arith.constant 128 : i32
        %mul3A_127 = arith.muli %add3A_125, %mul3A_126 : i32
        %dma_start3A_128 = tpu.memref_slice %arg10[%mul3A_127] : memref<2560xi32, #tpu.memory_space<vmem>> -> memref<128xi32, #tpu.memory_space<vmem>>
        %dma_start3A_129 = arith.constant 0 : i32
        %dma_start3A_130 = arith.constant 0 : i32
        %dma_start3A_131 = tpu.memref_slice %arg2[%dma_start3A_129, %dma_start3A_130] : memref<100000x128xf32, #tpu.memory_space<hbm>> -> memref<100000x128xf32, #tpu.memory_space<hbm>>
        tpu.enqueue_indirect_dma source(%dma_start3A_131 : memref<100000x128xf32, #tpu.memory_space<hbm>>) target(%arg12 : memref<128x128xf32, #tpu.memory_space<vmem>>) offsets(%dma_start3A_128 : memref<128xi32, #tpu.memory_space<vmem>>) semaphore(%arg17 : memref<!tpu.dma_semaphore, #tpu.memory_space<semaphore_mem>>)
      } else {
      }
      %add3A_110 = arith.constant 1 : i32
      %add3A_111 = arith.addi %mul3A_88, %add3A_110 : i32
      %mul3A_112 = arith.constant 128 : i32
      %mul3A_113 = arith.muli %add3A_111, %mul3A_112 : i32
      %dma_wait3A_114 = tpu.memref_slice %arg10[%mul3A_113] : memref<2560xi32, #tpu.memory_space<vmem>> -> memref<128xi32, #tpu.memory_space<vmem>>
      %dma_wait3A_115 = arith.constant 0 : i32
      %dma_wait3A_116 = arith.constant 0 : i32
      %dma_wait3A_117 = tpu.memref_slice %arg2[%dma_wait3A_115, %dma_wait3A_116] : memref<100000x128xf32, #tpu.memory_space<hbm>> -> memref<100000x128xf32, #tpu.memory_space<hbm>>
      tpu.wait_indirect_dma semaphore(%arg18 : memref<!tpu.dma_semaphore, #tpu.memory_space<semaphore_mem>>) src(%dma_wait3A_117 : memref<100000x128xf32, #tpu.memory_space<hbm>>) dst(%arg13 : memref<128x128xf32, #tpu.memory_space<vmem>>)
      %add3A_118 = arith.constant 1 : i32
      %add3A_119 = arith.addi %mul3A_88, %add3A_118 : i32
      %mul3A_120 = arith.constant 4096 : i32
      %mul3A_121 = arith.muli %add3A_119, %mul3A_120 : i32
      %add3A_122 = arith.addi %mul3A_121, %mul3A_2 : i32
      "tpu.region"() ({
        %run_scoped3A = tpu.sem_alloc : memref<!tpu.dma_semaphore, #tpu.memory_space<semaphore_mem>>
        %dma_start3A_124 = arith.constant 0 : i32
        %dma_start3A_125 = tpu.memref_slice %arg6[%add3A_122, %dma_start3A_124] : memref<81920x128xf32, #tpu.memory_space<hbm>> -> memref<128x128xf32, #tpu.memory_space<hbm>>
        %dma_start3A_126 = arith.constant 0 : i32
        %dma_start3A_127 = tpu.memref_slice %arg6[%add3A_122, %dma_start3A_126] : memref<81920x128xf32, #tpu.memory_space<hbm>> -> memref<128x128xf32, #tpu.memory_space<hbm>>
        tpu.enqueue_dma source(%arg13 : memref<128x128xf32, #tpu.memory_space<vmem>>) target(%dma_start3A_127 : memref<128x128xf32, #tpu.memory_space<hbm>>) target_semaphore(%run_scoped3A : memref<!tpu.dma_semaphore, #tpu.memory_space<semaphore_mem>>)
        %dma_wait3A_128 = arith.constant 0 : i32
        %dma_wait3A_129 = tpu.memref_slice %arg6[%add3A_122, %dma_wait3A_128] : memref<81920x128xf32, #tpu.memory_space<hbm>> -> memref<128x128xf32, #tpu.memory_space<hbm>>
        %dma_wait3A_130 = arith.constant 0 : i32
        %dma_wait3A_131 = tpu.memref_slice %arg6[%add3A_122, %dma_wait3A_130] : memref<81920x128xf32, #tpu.memory_space<hbm>> -> memref<128x128xf32, #tpu.memory_space<hbm>>
        tpu.wait_dma2 semaphore(%run_scoped3A : memref<!tpu.dma_semaphore, #tpu.memory_space<semaphore_mem>>) src(%arg13 : memref<128x128xf32, #tpu.memory_space<vmem>>) dst(%dma_wait3A_131 : memref<128x128xf32, #tpu.memory_space<hbm>>)
        tpu.yield
      }) : () -> ()
      %scan3A_123 = arith.constant 0 : i32
      scf.yield %scan3A_123 : i32
    }
    %scan3A_35 = arith.constant 10 : i32
    %mul3A_36 = arith.constant 10 : i32
    %mul3A_37 = arith.muli %mul3A_2, %mul3A_36 : i32
    %add3A_38 = arith.constant 0 : i32
    %add3A_39 = arith.addi %add3A_38, %mul3A_37 : i32
    "tpu.region"() ({
      %run_scoped3A = tpu.sem_alloc : memref<!tpu.dma_semaphore, #tpu.memory_space<semaphore_mem>>
      %dma_start3A_85 = arith.constant 0 : i32
      %dma_start3A_86 = tpu.memref_slice %arg9[%dma_start3A_85] : memref<5120xi32, #tpu.memory_space<vmem>> -> memref<1280xi32, #tpu.memory_space<vmem>>
      %dma_start3A_87 = tpu.memref_slice %arg4[%add3A_39] : memref<327680xi32, #tpu.memory_space<hbm>> -> memref<1280xi32, #tpu.memory_space<hbm>>
      %dma_start3A_88 = arith.constant 0 : i32
      %dma_start3A_89 = tpu.memref_slice %arg9[%dma_start3A_88] : memref<5120xi32, #tpu.memory_space<vmem>> -> memref<1280xi32, #tpu.memory_space<vmem>>
      %dma_start3A_90 = tpu.memref_slice %arg4[%add3A_39] : memref<327680xi32, #tpu.memory_space<hbm>> -> memref<1280xi32, #tpu.memory_space<hbm>>
      tpu.enqueue_dma source(%dma_start3A_90 : memref<1280xi32, #tpu.memory_space<hbm>>) target(%dma_start3A_89 : memref<1280xi32, #tpu.memory_space<vmem>>) target_semaphore(%run_scoped3A : memref<!tpu.dma_semaphore, #tpu.memory_space<semaphore_mem>>)
      %dma_wait3A_91 = arith.constant 0 : i32
      %dma_wait3A_92 = tpu.memref_slice %arg9[%dma_wait3A_91] : memref<5120xi32, #tpu.memory_space<vmem>> -> memref<1280xi32, #tpu.memory_space<vmem>>
      %dma_wait3A_93 = tpu.memref_slice %arg4[%add3A_39] : memref<327680xi32, #tpu.memory_space<hbm>> -> memref<1280xi32, #tpu.memory_space<hbm>>
      %dma_wait3A_94 = arith.constant 0 : i32
      %dma_wait3A_95 = tpu.memref_slice %arg9[%dma_wait3A_94] : memref<5120xi32, #tpu.memory_space<vmem>> -> memref<1280xi32, #tpu.memory_space<vmem>>
      %dma_wait3A_96 = tpu.memref_slice %arg4[%add3A_39] : memref<327680xi32, #tpu.memory_space<hbm>> -> memref<1280xi32, #tpu.memory_space<hbm>>
      tpu.wait_dma2 semaphore(%run_scoped3A : memref<!tpu.dma_semaphore, #tpu.memory_space<semaphore_mem>>) src(%dma_wait3A_96 : memref<1280xi32, #tpu.memory_space<hbm>>) dst(%dma_wait3A_95 : memref<1280xi32, #tpu.memory_space<vmem>>)
      tpu.yield
    }) : () -> ()
    %mul3A_40 = arith.constant 10 : i32
    %mul3A_41 = arith.muli %mul3A_2, %mul3A_40 : i32
    %add3A_42 = arith.constant 40960 : i32
    %add3A_43 = arith.addi %add3A_42, %mul3A_41 : i32
    "tpu.region"() ({
      %run_scoped3A = tpu.sem_alloc : memref<!tpu.dma_semaphore, #tpu.memory_space<semaphore_mem>>
      %dma_start3A_85 = arith.constant 1280 : i32
      %dma_start3A_86 = tpu.memref_slice %arg9[%dma_start3A_85] : memref<5120xi32, #tpu.memory_space<vmem>> -> memref<1280xi32, #tpu.memory_space<vmem>>
      %dma_start3A_87 = tpu.memref_slice %arg4[%add3A_43] : memref<327680xi32, #tpu.memory_space<hbm>> -> memref<1280xi32, #tpu.memory_space<hbm>>
      %dma_start3A_88 = arith.constant 1280 : i32
      %dma_start3A_89 = tpu.memref_slice %arg9[%dma_start3A_88] : memref<5120xi32, #tpu.memory_space<vmem>> -> memref<1280xi32, #tpu.memory_space<vmem>>
      %dma_start3A_90 = tpu.memref_slice %arg4[%add3A_43] : memref<327680xi32, #tpu.memory_space<hbm>> -> memref<1280xi32, #tpu.memory_space<hbm>>
      tpu.enqueue_dma source(%dma_start3A_90 : memref<1280xi32, #tpu.memory_space<hbm>>) target(%dma_start3A_89 : memref<1280xi32, #tpu.memory_space<vmem>>) target_semaphore(%run_scoped3A : memref<!tpu.dma_semaphore, #tpu.memory_space<semaphore_mem>>)
      %dma_wait3A_91 = arith.constant 1280 : i32
      %dma_wait3A_92 = tpu.memref_slice %arg9[%dma_wait3A_91] : memref<5120xi32, #tpu.memory_space<vmem>> -> memref<1280xi32, #tpu.memory_space<vmem>>
      %dma_wait3A_93 = tpu.memref_slice %arg4[%add3A_43] : memref<327680xi32, #tpu.memory_space<hbm>> -> memref<1280xi32, #tpu.memory_space<hbm>>
      %dma_wait3A_94 = arith.constant 1280 : i32
      %dma_wait3A_95 = tpu.memref_slice %arg9[%dma_wait3A_94] : memref<5120xi32, #tpu.memory_space<vmem>> -> memref<1280xi32, #tpu.memory_space<vmem>>
      %dma_wait3A_96 = tpu.memref_slice %arg4[%add3A_43] : memref<327680xi32, #tpu.memory_space<hbm>> -> memref<1280xi32, #tpu.memory_space<hbm>>
      tpu.wait_dma2 semaphore(%run_scoped3A : memref<!tpu.dma_semaphore, #tpu.memory_space<semaphore_mem>>) src(%dma_wait3A_96 : memref<1280xi32, #tpu.memory_space<hbm>>) dst(%dma_wait3A_95 : memref<1280xi32, #tpu.memory_space<vmem>>)
      tpu.yield
    }) : () -> ()
    %mul3A_44 = arith.constant 10 : i32
    %mul3A_45 = arith.muli %mul3A_2, %mul3A_44 : i32
    %add3A_46 = arith.constant 81920 : i32
    %add3A_47 = arith.addi %add3A_46, %mul3A_45 : i32
    "tpu.region"() ({
      %run_scoped3A = tpu.sem_alloc : memref<!tpu.dma_semaphore, #tpu.memory_space<semaphore_mem>>
      %dma_start3A_85 = arith.constant 2560 : i32
      %dma_start3A_86 = tpu.memref_slice %arg9[%dma_start3A_85] : memref<5120xi32, #tpu.memory_space<vmem>> -> memref<1280xi32, #tpu.memory_space<vmem>>
      %dma_start3A_87 = tpu.memref_slice %arg4[%add3A_47] : memref<327680xi32, #tpu.memory_space<hbm>> -> memref<1280xi32, #tpu.memory_space<hbm>>
      %dma_start3A_88 = arith.constant 2560 : i32
      %dma_start3A_89 = tpu.memref_slice %arg9[%dma_start3A_88] : memref<5120xi32, #tpu.memory_space<vmem>> -> memref<1280xi32, #tpu.memory_space<vmem>>
      %dma_start3A_90 = tpu.memref_slice %arg4[%add3A_47] : memref<327680xi32, #tpu.memory_space<hbm>> -> memref<1280xi32, #tpu.memory_space<hbm>>
      tpu.enqueue_dma source(%dma_start3A_90 : memref<1280xi32, #tpu.memory_space<hbm>>) target(%dma_start3A_89 : memref<1280xi32, #tpu.memory_space<vmem>>) target_semaphore(%run_scoped3A : memref<!tpu.dma_semaphore, #tpu.memory_space<semaphore_mem>>)
      %dma_wait3A_91 = arith.constant 2560 : i32
      %dma_wait3A_92 = tpu.memref_slice %arg9[%dma_wait3A_91] : memref<5120xi32, #tpu.memory_space<vmem>> -> memref<1280xi32, #tpu.memory_space<vmem>>
      %dma_wait3A_93 = tpu.memref_slice %arg4[%add3A_47] : memref<327680xi32, #tpu.memory_space<hbm>> -> memref<1280xi32, #tpu.memory_space<hbm>>
      %dma_wait3A_94 = arith.constant 2560 : i32
      %dma_wait3A_95 = tpu.memref_slice %arg9[%dma_wait3A_94] : memref<5120xi32, #tpu.memory_space<vmem>> -> memref<1280xi32, #tpu.memory_space<vmem>>
      %dma_wait3A_96 = tpu.memref_slice %arg4[%add3A_47] : memref<327680xi32, #tpu.memory_space<hbm>> -> memref<1280xi32, #tpu.memory_space<hbm>>
      tpu.wait_dma2 semaphore(%run_scoped3A : memref<!tpu.dma_semaphore, #tpu.memory_space<semaphore_mem>>) src(%dma_wait3A_96 : memref<1280xi32, #tpu.memory_space<hbm>>) dst(%dma_wait3A_95 : memref<1280xi32, #tpu.memory_space<vmem>>)
      tpu.yield
    }) : () -> ()
    %mul3A_48 = arith.constant 10 : i32
    %mul3A_49 = arith.muli %mul3A_2, %mul3A_48 : i32
    %add3A_50 = arith.constant 122880 : i32
    %add3A_51 = arith.addi %add3A_50, %mul3A_49 : i32
    "tpu.region"() ({
      %run_scoped3A = tpu.sem_alloc : memref<!tpu.dma_semaphore, #tpu.memory_space<semaphore_mem>>
      %dma_start3A_85 = arith.constant 3840 : i32
      %dma_start3A_86 = tpu.memref_slice %arg9[%dma_start3A_85] : memref<5120xi32, #tpu.memory_space<vmem>> -> memref<1280xi32, #tpu.memory_space<vmem>>
      %dma_start3A_87 = tpu.memref_slice %arg4[%add3A_51] : memref<327680xi32, #tpu.memory_space<hbm>> -> memref<1280xi32, #tpu.memory_space<hbm>>
      %dma_start3A_88 = arith.constant 3840 : i32
      %dma_start3A_89 = tpu.memref_slice %arg9[%dma_start3A_88] : memref<5120xi32, #tpu.memory_space<vmem>> -> memref<1280xi32, #tpu.memory_space<vmem>>
      %dma_start3A_90 = tpu.memref_slice %arg4[%add3A_51] : memref<327680xi32, #tpu.memory_space<hbm>> -> memref<1280xi32, #tpu.memory_space<hbm>>
      tpu.enqueue_dma source(%dma_start3A_90 : memref<1280xi32, #tpu.memory_space<hbm>>) target(%dma_start3A_89 : memref<1280xi32, #tpu.memory_space<vmem>>) target_semaphore(%run_scoped3A : memref<!tpu.dma_semaphore, #tpu.memory_space<semaphore_mem>>)
      %dma_wait3A_91 = arith.constant 3840 : i32
      %dma_wait3A_92 = tpu.memref_slice %arg9[%dma_wait3A_91] : memref<5120xi32, #tpu.memory_space<vmem>> -> memref<1280xi32, #tpu.memory_space<vmem>>
      %dma_wait3A_93 = tpu.memref_slice %arg4[%add3A_51] : memref<327680xi32, #tpu.memory_space<hbm>> -> memref<1280xi32, #tpu.memory_space<hbm>>
      %dma_wait3A_94 = arith.constant 3840 : i32
      %dma_wait3A_95 = tpu.memref_slice %arg9[%dma_wait3A_94] : memref<5120xi32, #tpu.memory_space<vmem>> -> memref<1280xi32, #tpu.memory_space<vmem>>
      %dma_wait3A_96 = tpu.memref_slice %arg4[%add3A_51] : memref<327680xi32, #tpu.memory_space<hbm>> -> memref<1280xi32, #tpu.memory_space<hbm>>
      tpu.wait_dma2 semaphore(%run_scoped3A : memref<!tpu.dma_semaphore, #tpu.memory_space<semaphore_mem>>) src(%dma_wait3A_96 : memref<1280xi32, #tpu.memory_space<hbm>>) dst(%dma_wait3A_95 : memref<1280xi32, #tpu.memory_space<vmem>>)
      tpu.yield
    }) : () -> ()
    %scan3A_52 = arith.constant 0 : i32
    %scan3A_53 = arith.constant 0 : i32
    %scan3A_54 = arith.constant 20 : i32
    %scan3A_55 = arith.addi %scan3A_53, %scan3A_54 : i32
    %scan3A_56 = arith.constant 1 : i32
    %scan3A_57 = scf.for %scan3A_85 = %scan3A_53 to %scan3A_55 step %scan3A_56 iter_args(%scan3A_86 = %scan3A_52) -> (i32)  : i32 {
      %shift_right_logical3A = arith.constant 2 : i32
      %shift_right_logical3A_87 = arith.shrui %scan3A_85, %shift_right_logical3A : i32
      %and3A = arith.constant 3 : i32
      %and3A_88 = arith.andi %scan3A_85, %and3A : i32
      %mul3A_89 = arith.constant 128 : i32
      %mul3A_90 = arith.muli %and3A_88, %mul3A_89 : i32
      %mul3A_91 = arith.constant 10 : i32
      %mul3A_92 = arith.muli %mul3A_90, %mul3A_91 : i32
      %mul3A_93 = arith.constant 2 : i32
      %mul3A_94 = arith.muli %shift_right_logical3A_87, %mul3A_93 : i32
      %add3A_95 = arith.addi %mul3A_92, %mul3A_94 : i32
      %mul3A_96 = arith.constant 10 : i32
      %mul3A_97 = vector.broadcast %mul3A_96 : i32 to vector<16xi32>
      %mul3A_98 = arith.muli %iota3A, %mul3A_97 : vector<16xi32>
      %add3A_99 = arith.constant 0 : i32
      %add3A_100 = arith.addi %add3A_95, %add3A_99 : i32
      %add3A_101 = arith.constant 0 : i32
      %add3A_102 = arith.addi %add3A_100, %add3A_101 : i32
      %add3A_103 = vector.broadcast %add3A_102 : i32 to vector<16xi32>
      %add3A_104 = arith.addi %mul3A_98, %add3A_103 : vector<16xi32>
      %gather3A = tpu.vector_load_idx %arg9[%add3A_104] : memref<5120xi32, #tpu.memory_space<vmem>>[vector<16xi32>], vector<16xi32>,
      %mul3A_105 = arith.constant 128 : i32
      %mul3A_106 = arith.muli %scan3A_85, %mul3A_105 : i32
      %add3A_107 = arith.constant 0 : i32
      %add3A_108 = arith.addi %mul3A_106, %add3A_107 : i32
      %swap3A = arith.index_cast %add3A_108 : i32 to index
      %swap3A_109 = tpu.vector_load %arg10[%swap3A] {strides = array<i32>} : memref<2560xi32, #tpu.memory_space<vmem>>, vector<16xi32>,
      tpu.vector_store %arg10[%swap3A], %gather3A {strides = array<i32>} : memref<2560xi32, #tpu.memory_space<vmem>>, vector<16xi32>,
      %mul3A_110 = arith.constant 10 : i32
      %mul3A_111 = vector.broadcast %mul3A_110 : i32 to vector<16xi32>
      %mul3A_112 = arith.muli %iota3A, %mul3A_111 : vector<16xi32>
      %add3A_113 = arith.constant 1 : i32
      %add3A_114 = arith.addi %add3A_95, %add3A_113 : i32
      %add3A_115 = arith.constant 0 : i32
      %add3A_116 = arith.addi %add3A_114, %add3A_115 : i32
      %add3A_117 = vector.broadcast %add3A_116 : i32 to vector<16xi32>
      %add3A_118 = arith.addi %mul3A_112, %add3A_117 : vector<16xi32>
      %gather3A_119 = tpu.vector_load_idx %arg9[%add3A_118] : memref<5120xi32, #tpu.memory_space<vmem>>[vector<16xi32>], vector<16xi32>,
      %mul3A_120 = arith.constant 128 : i32
      %mul3A_121 = arith.muli %scan3A_85, %mul3A_120 : i32
      %add3A_122 = arith.constant 0 : i32
      %add3A_123 = arith.addi %mul3A_121, %add3A_122 : i32
      %swap3A_124 = arith.index_cast %add3A_123 : i32 to index
      %swap3A_125 = tpu.vector_load %arg11[%swap3A_124] {strides = array<i32>} : memref<2560xi32, #tpu.memory_space<vmem>>, vector<16xi32>,
      tpu.vector_store %arg11[%swap3A_124], %gather3A_119 {strides = array<i32>} : memref<2560xi32, #tpu.memory_space<vmem>>, vector<16xi32>,
      %mul3A_126 = arith.constant 10 : i32
      %mul3A_127 = vector.broadcast %mul3A_126 : i32 to vector<16xi32>
      %mul3A_128 = arith.muli %iota3A, %mul3A_127 : vector<16xi32>
      %add3A_129 = arith.constant 0 : i32
      %add3A_130 = arith.addi %add3A_95, %add3A_129 : i32
      %add3A_131 = arith.constant 160 : i32
      %add3A_132 = arith.addi %add3A_130, %add3A_131 : i32
      %add3A_133 = vector.broadcast %add3A_132 : i32 to vector<16xi32>
      %add3A_134 = arith.addi %mul3A_128, %add3A_133 : vector<16xi32>
      %gather3A_135 = tpu.vector_load_idx %arg9[%add3A_134] : memref<5120xi32, #tpu.memory_space<vmem>>[vector<16xi32>], vector<16xi32>,
      %mul3A_136 = arith.constant 128 : i32
      %mul3A_137 = arith.muli %scan3A_85, %mul3A_136 : i32
      %add3A_138 = arith.constant 16 : i32
      %add3A_139 = arith.addi %mul3A_137, %add3A_138 : i32
      %swap3A_140 = arith.index_cast %add3A_139 : i32 to index
      %swap3A_141 = tpu.vector_load %arg10[%swap3A_140] {strides = array<i32>} : memref<2560xi32, #tpu.memory_space<vmem>>, vector<16xi32>,
      tpu.vector_store %arg10[%swap3A_140], %gather3A_135 {strides = array<i32>} : memref<2560xi32, #tpu.memory_space<vmem>>, vector<16xi32>,
      %mul3A_142 = arith.constant 10 : i32
      %mul3A_143 = vector.broadcast %mul3A_142 : i32 to vector<16xi32>
      %mul3A_144 = arith.muli %iota3A, %mul3A_143 : vector<16xi32>
      %add3A_145 = arith.constant 1 : i32
      %add3A_146 = arith.addi %add3A_95, %add3A_145 : i32
      %add3A_147 = arith.constant 160 : i32
      %add3A_148 = arith.addi %add3A_146, %add3A_147 : i32
      %add3A_149 = vector.broadcast %add3A_148 : i32 to vector<16xi32>
      %add3A_150 = arith.addi %mul3A_144, %add3A_149 : vector<16xi32>
      %gather3A_151 = tpu.vector_load_idx %arg9[%add3A_150] : memref<5120xi32, #tpu.memory_space<vmem>>[vector<16xi32>], vector<16xi32>,
      %mul3A_152 = arith.constant 128 : i32
      %mul3A_153 = arith.muli %scan3A_85, %mul3A_152 : i32
      %add3A_154 = arith.constant 16 : i32
      %add3A_155 = arith.addi %mul3A_153, %add3A_154 : i32
      %swap3A_156 = arith.index_cast %add3A_155 : i32 to index
      %swap3A_157 = tpu.vector_load %arg11[%swap3A_156] {strides = array<i32>} : memref<2560xi32, #tpu.memory_space<vmem>>, vector<16xi32>,
      tpu.vector_store %arg11[%swap3A_156], %gather3A_151 {strides = array<i32>} : memref<2560xi32, #tpu.memory_space<vmem>>, vector<16xi32>,
      %mul3A_158 = arith.constant 10 : i32
      %mul3A_159 = vector.broadcast %mul3A_158 : i32 to vector<16xi32>
      %mul3A_160 = arith.muli %iota3A, %mul3A_159 : vector<16xi32>
      %add3A_161 = arith.constant 0 : i32
      %add3A_162 = arith.addi %add3A_95, %add3A_161 : i32
      %add3A_163 = arith.constant 320 : i32
      %add3A_164 = arith.addi %add3A_162, %add3A_163 : i32
      %add3A_165 = vector.broadcast %add3A_164 : i32 to vector<16xi32>
      %add3A_166 = arith.addi %mul3A_160, %add3A_165 : vector<16xi32>
      %gather3A_167 = tpu.vector_load_idx %arg9[%add3A_166] : memref<5120xi32, #tpu.memory_space<vmem>>[vector<16xi32>], vector<16xi32>,
      %mul3A_168 = arith.constant 128 : i32
      %mul3A_169 = arith.muli %scan3A_85, %mul3A_168 : i32
      %add3A_170 = arith.constant 32 : i32
      %add3A_171 = arith.addi %mul3A_169, %add3A_170 : i32
      %swap3A_172 = arith.index_cast %add3A_171 : i32 to index
      %swap3A_173 = tpu.vector_load %arg10[%swap3A_172] {strides = array<i32>} : memref<2560xi32, #tpu.memory_space<vmem>>, vector<16xi32>,
      tpu.vector_store %arg10[%swap3A_172], %gather3A_167 {strides = array<i32>} : memref<2560xi32, #tpu.memory_space<vmem>>, vector<16xi32>,
      %mul3A_174 = arith.constant 10 : i32
      %mul3A_175 = vector.broadcast %mul3A_174 : i32 to vector<16xi32>
      %mul3A_176 = arith.muli %iota3A, %mul3A_175 : vector<16xi32>
      %add3A_177 = arith.constant 1 : i32
      %add3A_178 = arith.addi %add3A_95, %add3A_177 : i32
      %add3A_179 = arith.constant 320 : i32
      %add3A_180 = arith.addi %add3A_178, %add3A_179 : i32
      %add3A_181 = vector.broadcast %add3A_180 : i32 to vector<16xi32>
      %add3A_182 = arith.addi %mul3A_176, %add3A_181 : vector<16xi32>
      %gather3A_183 = tpu.vector_load_idx %arg9[%add3A_182] : memref<5120xi32, #tpu.memory_space<vmem>>[vector<16xi32>], vector<16xi32>,
      %mul3A_184 = arith.constant 128 : i32
      %mul3A_185 = arith.muli %scan3A_85, %mul3A_184 : i32
      %add3A_186 = arith.constant 32 : i32
      %add3A_187 = arith.addi %mul3A_185, %add3A_186 : i32
      %swap3A_188 = arith.index_cast %add3A_187 : i32 to index
      %swap3A_189 = tpu.vector_load %arg11[%swap3A_188] {strides = array<i32>} : memref<2560xi32, #tpu.memory_space<vmem>>, vector<16xi32>,
      tpu.vector_store %arg11[%swap3A_188], %gather3A_183 {strides = array<i32>} : memref<2560xi32, #tpu.memory_space<vmem>>, vector<16xi32>,
      %mul3A_190 = arith.constant 10 : i32
      %mul3A_191 = vector.broadcast %mul3A_190 : i32 to vector<16xi32>
      %mul3A_192 = arith.muli %iota3A, %mul3A_191 : vector<16xi32>
      %add3A_193 = arith.constant 0 : i32
      %add3A_194 = arith.addi %add3A_95, %add3A_193 : i32
      %add3A_195 = arith.constant 480 : i32
      %add3A_196 = arith.addi %add3A_194, %add3A_195 : i32
      %add3A_197 = vector.broadcast %add3A_196 : i32 to vector<16xi32>
      %add3A_198 = arith.addi %mul3A_192, %add3A_197 : vector<16xi32>
      %gather3A_199 = tpu.vector_load_idx %arg9[%add3A_198] : memref<5120xi32, #tpu.memory_space<vmem>>[vector<16xi32>], vector<16xi32>,
      %mul3A_200 = arith.constant 128 : i32
      %mul3A_201 = arith.muli %scan3A_85, %mul3A_200 : i32
      %add3A_202 = arith.constant 48 : i32
      %add3A_203 = arith.addi %mul3A_201, %add3A_202 : i32
      %swap3A_204 = arith.index_cast %add3A_203 : i32 to index
      %swap3A_205 = tpu.vector_load %arg10[%swap3A_204] {strides = array<i32>} : memref<2560xi32, #tpu.memory_space<vmem>>, vector<16xi32>,
      tpu.vector_store %arg10[%swap3A_204], %gather3A_199 {strides = array<i32>} : memref<2560xi32, #tpu.memory_space<vmem>>, vector<16xi32>,
      %mul3A_206 = arith.constant 10 : i32
      %mul3A_207 = vector.broadcast %mul3A_206 : i32 to vector<16xi32>
      %mul3A_208 = arith.muli %iota3A, %mul3A_207 : vector<16xi32>
      %add3A_209 = arith.constant 1 : i32
      %add3A_210 = arith.addi %add3A_95, %add3A_209 : i32
      %add3A_211 = arith.constant 480 : i32
      %add3A_212 = arith.addi %add3A_210, %add3A_211 : i32
      %add3A_213 = vector.broadcast %add3A_212 : i32 to vector<16xi32>
      %add3A_214 = arith.addi %mul3A_208, %add3A_213 : vector<16xi32>
      %gather3A_215 = tpu.vector_load_idx %arg9[%add3A_214] : memref<5120xi32, #tpu.memory_space<vmem>>[vector<16xi32>], vector<16xi32>,
      %mul3A_216 = arith.constant 128 : i32
      %mul3A_217 = arith.muli %scan3A_85, %mul3A_216 : i32
      %add3A_218 = arith.constant 48 : i32
      %add3A_219 = arith.addi %mul3A_217, %add3A_218 : i32
      %swap3A_220 = arith.index_cast %add3A_219 : i32 to index
      %swap3A_221 = tpu.vector_load %arg11[%swap3A_220] {strides = array<i32>} : memref<2560xi32, #tpu.memory_space<vmem>>, vector<16xi32>,
      tpu.vector_store %arg11[%swap3A_220], %gather3A_215 {strides = array<i32>} : memref<2560xi32, #tpu.memory_space<vmem>>, vector<16xi32>,
      %mul3A_222 = arith.constant 10 : i32
      %mul3A_223 = vector.broadcast %mul3A_222 : i32 to vector<16xi32>
      %mul3A_224 = arith.muli %iota3A, %mul3A_223 : vector<16xi32>
      %add3A_225 = arith.constant 0 : i32
      %add3A_226 = arith.addi %add3A_95, %add3A_225 : i32
      %add3A_227 = arith.constant 640 : i32
      %add3A_228 = arith.addi %add3A_226, %add3A_227 : i32
      %add3A_229 = vector.broadcast %add3A_228 : i32 to vector<16xi32>
      %add3A_230 = arith.addi %mul3A_224, %add3A_229 : vector<16xi32>
      %gather3A_231 = tpu.vector_load_idx %arg9[%add3A_230] : memref<5120xi32, #tpu.memory_space<vmem>>[vector<16xi32>], vector<16xi32>,
      %mul3A_232 = arith.constant 128 : i32
      %mul3A_233 = arith.muli %scan3A_85, %mul3A_232 : i32
      %add3A_234 = arith.constant 64 : i32
      %add3A_235 = arith.addi %mul3A_233, %add3A_234 : i32
      %swap3A_236 = arith.index_cast %add3A_235 : i32 to index
      %swap3A_237 = tpu.vector_load %arg10[%swap3A_236] {strides = array<i32>} : memref<2560xi32, #tpu.memory_space<vmem>>, vector<16xi32>,
      tpu.vector_store %arg10[%swap3A_236], %gather3A_231 {strides = array<i32>} : memref<2560xi32, #tpu.memory_space<vmem>>, vector<16xi32>,
      %mul3A_238 = arith.constant 10 : i32
      %mul3A_239 = vector.broadcast %mul3A_238 : i32 to vector<16xi32>
      %mul3A_240 = arith.muli %iota3A, %mul3A_239 : vector<16xi32>
      %add3A_241 = arith.constant 1 : i32
      %add3A_242 = arith.addi %add3A_95, %add3A_241 : i32
      %add3A_243 = arith.constant 640 : i32
      %add3A_244 = arith.addi %add3A_242, %add3A_243 : i32
      %add3A_245 = vector.broadcast %add3A_244 : i32 to vector<16xi32>
      %add3A_246 = arith.addi %mul3A_240, %add3A_245 : vector<16xi32>
      %gather3A_247 = tpu.vector_load_idx %arg9[%add3A_246] : memref<5120xi32, #tpu.memory_space<vmem>>[vector<16xi32>], vector<16xi32>,
      %mul3A_248 = arith.constant 128 : i32
      %mul3A_249 = arith.muli %scan3A_85, %mul3A_248 : i32
      %add3A_250 = arith.constant 64 : i32
      %add3A_251 = arith.addi %mul3A_249, %add3A_250 : i32
      %swap3A_252 = arith.index_cast %add3A_251 : i32 to index
      %swap3A_253 = tpu.vector_load %arg11[%swap3A_252] {strides = array<i32>} : memref<2560xi32, #tpu.memory_space<vmem>>, vector<16xi32>,
      tpu.vector_store %arg11[%swap3A_252], %gather3A_247 {strides = array<i32>} : memref<2560xi32, #tpu.memory_space<vmem>>, vector<16xi32>,
      %mul3A_254 = arith.constant 10 : i32
      %mul3A_255 = vector.broadcast %mul3A_254 : i32 to vector<16xi32>
      %mul3A_256 = arith.muli %iota3A, %mul3A_255 : vector<16xi32>
      %add3A_257 = arith.constant 0 : i32
      %add3A_258 = arith.addi %add3A_95, %add3A_257 : i32
      %add3A_259 = arith.constant 800 : i32
      %add3A_260 = arith.addi %add3A_258, %add3A_259 : i32
      %add3A_261 = vector.broadcast %add3A_260 : i32 to vector<16xi32>
      %add3A_262 = arith.addi %mul3A_256, %add3A_261 : vector<16xi32>
      %gather3A_263 = tpu.vector_load_idx %arg9[%add3A_262] : memref<5120xi32, #tpu.memory_space<vmem>>[vector<16xi32>], vector<16xi32>,
      %mul3A_264 = arith.constant 128 : i32
      %mul3A_265 = arith.muli %scan3A_85, %mul3A_264 : i32
      %add3A_266 = arith.constant 80 : i32
      %add3A_267 = arith.addi %mul3A_265, %add3A_266 : i32
      %swap3A_268 = arith.index_cast %add3A_267 : i32 to index
      %swap3A_269 = tpu.vector_load %arg10[%swap3A_268] {strides = array<i32>} : memref<2560xi32, #tpu.memory_space<vmem>>, vector<16xi32>,
      tpu.vector_store %arg10[%swap3A_268], %gather3A_263 {strides = array<i32>} : memref<2560xi32, #tpu.memory_space<vmem>>, vector<16xi32>,
      %mul3A_270 = arith.constant 10 : i32
      %mul3A_271 = vector.broadcast %mul3A_270 : i32 to vector<16xi32>
      %mul3A_272 = arith.muli %iota3A, %mul3A_271 : vector<16xi32>
      %add3A_273 = arith.constant 1 : i32
      %add3A_274 = arith.addi %add3A_95, %add3A_273 : i32
      %add3A_275 = arith.constant 800 : i32
      %add3A_276 = arith.addi %add3A_274, %add3A_275 : i32
      %add3A_277 = vector.broadcast %add3A_276 : i32 to vector<16xi32>
      %add3A_278 = arith.addi %mul3A_272, %add3A_277 : vector<16xi32>
      %gather3A_279 = tpu.vector_load_idx %arg9[%add3A_278] : memref<5120xi32, #tpu.memory_space<vmem>>[vector<16xi32>], vector<16xi32>,
      %mul3A_280 = arith.constant 128 : i32
      %mul3A_281 = arith.muli %scan3A_85, %mul3A_280 : i32
      %add3A_282 = arith.constant 80 : i32
      %add3A_283 = arith.addi %mul3A_281, %add3A_282 : i32
      %swap3A_284 = arith.index_cast %add3A_283 : i32 to index
      %swap3A_285 = tpu.vector_load %arg11[%swap3A_284] {strides = array<i32>} : memref<2560xi32, #tpu.memory_space<vmem>>, vector<16xi32>,
      tpu.vector_store %arg11[%swap3A_284], %gather3A_279 {strides = array<i32>} : memref<2560xi32, #tpu.memory_space<vmem>>, vector<16xi32>,
      %mul3A_286 = arith.constant 10 : i32
      %mul3A_287 = vector.broadcast %mul3A_286 : i32 to vector<16xi32>
      %mul3A_288 = arith.muli %iota3A, %mul3A_287 : vector<16xi32>
      %add3A_289 = arith.constant 0 : i32
      %add3A_290 = arith.addi %add3A_95, %add3A_289 : i32
      %add3A_291 = arith.constant 960 : i32
      %add3A_292 = arith.addi %add3A_290, %add3A_291 : i32
      %add3A_293 = vector.broadcast %add3A_292 : i32 to vector<16xi32>
      %add3A_294 = arith.addi %mul3A_288, %add3A_293 : vector<16xi32>
      %gather3A_295 = tpu.vector_load_idx %arg9[%add3A_294] : memref<5120xi32, #tpu.memory_space<vmem>>[vector<16xi32>], vector<16xi32>,
      %mul3A_296 = arith.constant 128 : i32
      %mul3A_297 = arith.muli %scan3A_85, %mul3A_296 : i32
      %add3A_298 = arith.constant 96 : i32
      %add3A_299 = arith.addi %mul3A_297, %add3A_298 : i32
      %swap3A_300 = arith.index_cast %add3A_299 : i32 to index
      %swap3A_301 = tpu.vector_load %arg10[%swap3A_300] {strides = array<i32>} : memref<2560xi32, #tpu.memory_space<vmem>>, vector<16xi32>,
      tpu.vector_store %arg10[%swap3A_300], %gather3A_295 {strides = array<i32>} : memref<2560xi32, #tpu.memory_space<vmem>>, vector<16xi32>,
      %mul3A_302 = arith.constant 10 : i32
      %mul3A_303 = vector.broadcast %mul3A_302 : i32 to vector<16xi32>
      %mul3A_304 = arith.muli %iota3A, %mul3A_303 : vector<16xi32>
      %add3A_305 = arith.constant 1 : i32
      %add3A_306 = arith.addi %add3A_95, %add3A_305 : i32
      %add3A_307 = arith.constant 960 : i32
      %add3A_308 = arith.addi %add3A_306, %add3A_307 : i32
      %add3A_309 = vector.broadcast %add3A_308 : i32 to vector<16xi32>
      %add3A_310 = arith.addi %mul3A_304, %add3A_309 : vector<16xi32>
      %gather3A_311 = tpu.vector_load_idx %arg9[%add3A_310] : memref<5120xi32, #tpu.memory_space<vmem>>[vector<16xi32>], vector<16xi32>,
      %mul3A_312 = arith.constant 128 : i32
      %mul3A_313 = arith.muli %scan3A_85, %mul3A_312 : i32
      %add3A_314 = arith.constant 96 : i32
      %add3A_315 = arith.addi %mul3A_313, %add3A_314 : i32
      %swap3A_316 = arith.index_cast %add3A_315 : i32 to index
      %swap3A_317 = tpu.vector_load %arg11[%swap3A_316] {strides = array<i32>} : memref<2560xi32, #tpu.memory_space<vmem>>, vector<16xi32>,
      tpu.vector_store %arg11[%swap3A_316], %gather3A_311 {strides = array<i32>} : memref<2560xi32, #tpu.memory_space<vmem>>, vector<16xi32>,
      %mul3A_318 = arith.constant 10 : i32
      %mul3A_319 = vector.broadcast %mul3A_318 : i32 to vector<16xi32>
      %mul3A_320 = arith.muli %iota3A, %mul3A_319 : vector<16xi32>
      %add3A_321 = arith.constant 0 : i32
      %add3A_322 = arith.addi %add3A_95, %add3A_321 : i32
      %add3A_323 = arith.constant 1120 : i32
      %add3A_324 = arith.addi %add3A_322, %add3A_323 : i32
      %add3A_325 = vector.broadcast %add3A_324 : i32 to vector<16xi32>
      %add3A_326 = arith.addi %mul3A_320, %add3A_325 : vector<16xi32>
      %gather3A_327 = tpu.vector_load_idx %arg9[%add3A_326] : memref<5120xi32, #tpu.memory_space<vmem>>[vector<16xi32>], vector<16xi32>,
      %mul3A_328 = arith.constant 128 : i32
      %mul3A_329 = arith.muli %scan3A_85, %mul3A_328 : i32
      %add3A_330 = arith.constant 112 : i32
      %add3A_331 = arith.addi %mul3A_329, %add3A_330 : i32
      %swap3A_332 = arith.index_cast %add3A_331 : i32 to index
      %swap3A_333 = tpu.vector_load %arg10[%swap3A_332] {strides = array<i32>} : memref<2560xi32, #tpu.memory_space<vmem>>, vector<16xi32>,
      tpu.vector_store %arg10[%swap3A_332], %gather3A_327 {strides = array<i32>} : memref<2560xi32, #tpu.memory_space<vmem>>, vector<16xi32>,
      %mul3A_334 = arith.constant 10 : i32
      %mul3A_335 = vector.broadcast %mul3A_334 : i32 to vector<16xi32>
      %mul3A_336 = arith.muli %iota3A, %mul3A_335 : vector<16xi32>
      %add3A_337 = arith.constant 1 : i32
      %add3A_338 = arith.addi %add3A_95, %add3A_337 : i32
      %add3A_339 = arith.constant 1120 : i32
      %add3A_340 = arith.addi %add3A_338, %add3A_339 : i32
      %add3A_341 = vector.broadcast %add3A_340 : i32 to vector<16xi32>
      %add3A_342 = arith.addi %mul3A_336, %add3A_341 : vector<16xi32>
      %gather3A_343 = tpu.vector_load_idx %arg9[%add3A_342] : memref<5120xi32, #tpu.memory_space<vmem>>[vector<16xi32>], vector<16xi32>,
      %mul3A_344 = arith.constant 128 : i32
      %mul3A_345 = arith.muli %scan3A_85, %mul3A_344 : i32
      %add3A_346 = arith.constant 112 : i32
      %add3A_347 = arith.addi %mul3A_345, %add3A_346 : i32
      %swap3A_348 = arith.index_cast %add3A_347 : i32 to index
      %swap3A_349 = tpu.vector_load %arg11[%swap3A_348] {strides = array<i32>} : memref<2560xi32, #tpu.memory_space<vmem>>, vector<16xi32>,
      tpu.vector_store %arg11[%swap3A_348], %gather3A_343 {strides = array<i32>} : memref<2560xi32, #tpu.memory_space<vmem>>, vector<16xi32>,
      %scan3A_350 = arith.constant 0 : i32
      scf.yield %scan3A_350 : i32
    }
    %scan3A_58 = arith.constant 20 : i32
    %dma_start3A_59 = arith.constant 0 : i32
    %dma_start3A_60 = tpu.memref_slice %arg10[%dma_start3A_59] : memref<2560xi32, #tpu.memory_space<vmem>> -> memref<128xi32, #tpu.memory_space<vmem>>
    %dma_start3A_61 = arith.constant 0 : i32
    %dma_start3A_62 = arith.constant 0 : i32
    %dma_start3A_63 = tpu.memref_slice %arg2[%dma_start3A_61, %dma_start3A_62] : memref<100000x128xf32, #tpu.memory_space<hbm>> -> memref<100000x128xf32, #tpu.memory_space<hbm>>
    tpu.enqueue_indirect_dma source(%dma_start3A_63 : memref<100000x128xf32, #tpu.memory_space<hbm>>) target(%arg12 : memref<128x128xf32, #tpu.memory_space<vmem>>) offsets(%dma_start3A_60 : memref<128xi32, #tpu.memory_space<vmem>>) semaphore(%arg17 : memref<!tpu.dma_semaphore, #tpu.memory_space<semaphore_mem>>)
    %dma_start3A_64 = arith.constant 0 : i32
    %dma_start3A_65 = tpu.memref_slice %arg11[%dma_start3A_64] : memref<2560xi32, #tpu.memory_space<vmem>> -> memref<128xi32, #tpu.memory_space<vmem>>
    %dma_start3A_66 = arith.constant 0 : i32
    %dma_start3A_67 = arith.constant 0 : i32
    %dma_start3A_68 = tpu.memref_slice %arg2[%dma_start3A_66, %dma_start3A_67] : memref<100000x128xf32, #tpu.memory_space<hbm>> -> memref<100000x128xf32, #tpu.memory_space<hbm>>
    tpu.enqueue_indirect_dma source(%dma_start3A_68 : memref<100000x128xf32, #tpu.memory_space<hbm>>) target(%arg13 : memref<128x128xf32, #tpu.memory_space<vmem>>) offsets(%dma_start3A_65 : memref<128xi32, #tpu.memory_space<vmem>>) semaphore(%arg18 : memref<!tpu.dma_semaphore, #tpu.memory_space<semaphore_mem>>)
    %scan3A_69 = arith.constant 0 : i32
    %scan3A_70 = arith.constant 0 : i32
    %scan3A_71 = arith.constant 10 : i32
    %scan3A_72 = arith.addi %scan3A_70, %scan3A_71 : i32
    %scan3A_73 = arith.constant 1 : i32
    %scan3A_74 = scf.for %scan3A_85 = %scan3A_70 to %scan3A_72 step %scan3A_73 iter_args(%scan3A_86 = %scan3A_69) -> (i32)  : i32 {
      %mul3A_87 = arith.constant 2 : i32
      %mul3A_88 = arith.muli %mul3A_87, %scan3A_85 : i32
      %add3A_89 = arith.constant 1 : i32
      %add3A_90 = arith.addi %mul3A_88, %add3A_89 : i32
      %mul3A_91 = arith.constant 128 : i32
      %mul3A_92 = arith.muli %add3A_90, %mul3A_91 : i32
      %dma_start3A_93 = tpu.memref_slice %arg10[%mul3A_92] : memref<2560xi32, #tpu.memory_space<vmem>> -> memref<128xi32, #tpu.memory_space<vmem>>
      %dma_start3A_94 = arith.constant 0 : i32
      %dma_start3A_95 = arith.constant 0 : i32
      %dma_start3A_96 = tpu.memref_slice %arg2[%dma_start3A_94, %dma_start3A_95] : memref<100000x128xf32, #tpu.memory_space<hbm>> -> memref<100000x128xf32, #tpu.memory_space<hbm>>
      tpu.enqueue_indirect_dma source(%dma_start3A_96 : memref<100000x128xf32, #tpu.memory_space<hbm>>) target(%arg14 : memref<128x128xf32, #tpu.memory_space<vmem>>) offsets(%dma_start3A_93 : memref<128xi32, #tpu.memory_space<vmem>>) semaphore(%arg19 : memref<!tpu.dma_semaphore, #tpu.memory_space<semaphore_mem>>)
      %mul3A_97 = arith.constant 128 : i32
      %mul3A_98 = arith.muli %add3A_90, %mul3A_97 : i32
      %dma_start3A_99 = tpu.memref_slice %arg11[%mul3A_98] : memref<2560xi32, #tpu.memory_space<vmem>> -> memref<128xi32, #tpu.memory_space<vmem>>
      %dma_start3A_100 = arith.constant 0 : i32
      %dma_start3A_101 = arith.constant 0 : i32
      %dma_start3A_102 = tpu.memref_slice %arg2[%dma_start3A_100, %dma_start3A_101] : memref<100000x128xf32, #tpu.memory_space<hbm>> -> memref<100000x128xf32, #tpu.memory_space<hbm>>
      tpu.enqueue_indirect_dma source(%dma_start3A_102 : memref<100000x128xf32, #tpu.memory_space<hbm>>) target(%arg15 : memref<128x128xf32, #tpu.memory_space<vmem>>) offsets(%dma_start3A_99 : memref<128xi32, #tpu.memory_space<vmem>>) semaphore(%arg20 : memref<!tpu.dma_semaphore, #tpu.memory_space<semaphore_mem>>)
      %mul3A_103 = arith.constant 128 : i32
      %mul3A_104 = arith.muli %mul3A_88, %mul3A_103 : i32
      %dma_wait3A_105 = tpu.memref_slice %arg10[%mul3A_104] : memref<2560xi32, #tpu.memory_space<vmem>> -> memref<128xi32, #tpu.memory_space<vmem>>
      %dma_wait3A_106 = arith.constant 0 : i32
      %dma_wait3A_107 = arith.constant 0 : i32
      %dma_wait3A_108 = tpu.memref_slice %arg2[%dma_wait3A_106, %dma_wait3A_107] : memref<100000x128xf32, #tpu.memory_space<hbm>> -> memref<100000x128xf32, #tpu.memory_space<hbm>>
      tpu.wait_indirect_dma semaphore(%arg17 : memref<!tpu.dma_semaphore, #tpu.memory_space<semaphore_mem>>) src(%dma_wait3A_108 : memref<100000x128xf32, #tpu.memory_space<hbm>>) dst(%arg12 : memref<128x128xf32, #tpu.memory_space<vmem>>)
      %mul3A_109 = arith.constant 128 : i32
      %mul3A_110 = arith.muli %mul3A_88, %mul3A_109 : i32
      %dma_wait3A_111 = tpu.memref_slice %arg11[%mul3A_110] : memref<2560xi32, #tpu.memory_space<vmem>> -> memref<128xi32, #tpu.memory_space<vmem>>
      %dma_wait3A_112 = arith.constant 0 : i32
      %dma_wait3A_113 = arith.constant 0 : i32
      %dma_wait3A_114 = tpu.memref_slice %arg2[%dma_wait3A_112, %dma_wait3A_113] : memref<100000x128xf32, #tpu.memory_space<hbm>> -> memref<100000x128xf32, #tpu.memory_space<hbm>>
      tpu.wait_indirect_dma semaphore(%arg18 : memref<!tpu.dma_semaphore, #tpu.memory_space<semaphore_mem>>) src(%dma_wait3A_114 : memref<100000x128xf32, #tpu.memory_space<hbm>>) dst(%arg13 : memref<128x128xf32, #tpu.memory_space<vmem>>)
      %scan3A_115 = arith.constant 0 : i32
      %scan3A_116 = arith.constant 0 : i32
      %scan3A_117 = arith.constant 128 : i32
      %scan3A_118 = arith.addi %scan3A_116, %scan3A_117 : i32
      %scan3A_119 = arith.constant 1 : i32
      %scan3A_120 = scf.for %scan3A_156 = %scan3A_116 to %scan3A_118 step %scan3A_119 iter_args(%scan3A_157 = %scan3A_115) -> (i32)  : i32 {
        %get3A = arith.index_cast %scan3A_156 : i32 to index
        %get3A_158 = arith.constant 0 : index
        %get3A_159 = tpu.vector_load %arg12[%get3A, %get3A_158] {strides = array<i32>} : memref<128x128xf32, #tpu.memory_space<vmem>>, vector<16xf32>,
        %get3A_160 = arith.index_cast %scan3A_156 : i32 to index
        %get3A_161 = arith.constant 0 : index
        %get3A_162 = tpu.vector_load %arg13[%get3A_160, %get3A_161] {strides = array<i32>} : memref<128x128xf32, #tpu.memory_space<vmem>>, vector<16xf32>,
        %add3A_163 = arith.addf %get3A_159, %get3A_162 : vector<16xf32>
        %swap3A = arith.index_cast %scan3A_156 : i32 to index
        %swap3A_164 = arith.constant 0 : index
        %swap3A_165 = tpu.vector_load %arg16[%swap3A, %swap3A_164] {strides = array<i32>} : memref<128x128xf32, #tpu.memory_space<vmem>>, vector<16xf32>,
        tpu.vector_store %arg16[%swap3A, %swap3A_164], %add3A_163 {strides = array<i32>} : memref<128x128xf32, #tpu.memory_space<vmem>>, vector<16xf32>,
        %get3A_166 = arith.index_cast %scan3A_156 : i32 to index
        %get3A_167 = arith.constant 16 : index
        %get3A_168 = tpu.vector_load %arg12[%get3A_166, %get3A_167] {strides = array<i32>} : memref<128x128xf32, #tpu.memory_space<vmem>>, vector<16xf32>,
        %get3A_169 = arith.index_cast %scan3A_156 : i32 to index
        %get3A_170 = arith.constant 16 : index
        %get3A_171 = tpu.vector_load %arg13[%get3A_169, %get3A_170] {strides = array<i32>} : memref<128x128xf32, #tpu.memory_space<vmem>>, vector<16xf32>,
        %add3A_172 = arith.addf %get3A_168, %get3A_171 : vector<16xf32>
        %swap3A_173 = arith.index_cast %scan3A_156 : i32 to index
        %swap3A_174 = arith.constant 16 : index
        %swap3A_175 = tpu.vector_load %arg16[%swap3A_173, %swap3A_174] {strides = array<i32>} : memref<128x128xf32, #tpu.memory_space<vmem>>, vector<16xf32>,
        tpu.vector_store %arg16[%swap3A_173, %swap3A_174], %add3A_172 {strides = array<i32>} : memref<128x128xf32, #tpu.memory_space<vmem>>, vector<16xf32>,
        %get3A_176 = arith.index_cast %scan3A_156 : i32 to index
        %get3A_177 = arith.constant 32 : index
        %get3A_178 = tpu.vector_load %arg12[%get3A_176, %get3A_177] {strides = array<i32>} : memref<128x128xf32, #tpu.memory_space<vmem>>, vector<16xf32>,
        %get3A_179 = arith.index_cast %scan3A_156 : i32 to index
        %get3A_180 = arith.constant 32 : index
        %get3A_181 = tpu.vector_load %arg13[%get3A_179, %get3A_180] {strides = array<i32>} : memref<128x128xf32, #tpu.memory_space<vmem>>, vector<16xf32>,
        %add3A_182 = arith.addf %get3A_178, %get3A_181 : vector<16xf32>
        %swap3A_183 = arith.index_cast %scan3A_156 : i32 to index
        %swap3A_184 = arith.constant 32 : index
        %swap3A_185 = tpu.vector_load %arg16[%swap3A_183, %swap3A_184] {strides = array<i32>} : memref<128x128xf32, #tpu.memory_space<vmem>>, vector<16xf32>,
        tpu.vector_store %arg16[%swap3A_183, %swap3A_184], %add3A_182 {strides = array<i32>} : memref<128x128xf32, #tpu.memory_space<vmem>>, vector<16xf32>,
        %get3A_186 = arith.index_cast %scan3A_156 : i32 to index
        %get3A_187 = arith.constant 48 : index
        %get3A_188 = tpu.vector_load %arg12[%get3A_186, %get3A_187] {strides = array<i32>} : memref<128x128xf32, #tpu.memory_space<vmem>>, vector<16xf32>,
        %get3A_189 = arith.index_cast %scan3A_156 : i32 to index
        %get3A_190 = arith.constant 48 : index
        %get3A_191 = tpu.vector_load %arg13[%get3A_189, %get3A_190] {strides = array<i32>} : memref<128x128xf32, #tpu.memory_space<vmem>>, vector<16xf32>,
        %add3A_192 = arith.addf %get3A_188, %get3A_191 : vector<16xf32>
        %swap3A_193 = arith.index_cast %scan3A_156 : i32 to index
        %swap3A_194 = arith.constant 48 : index
        %swap3A_195 = tpu.vector_load %arg16[%swap3A_193, %swap3A_194] {strides = array<i32>} : memref<128x128xf32, #tpu.memory_space<vmem>>, vector<16xf32>,
        tpu.vector_store %arg16[%swap3A_193, %swap3A_194], %add3A_192 {strides = array<i32>} : memref<128x128xf32, #tpu.memory_space<vmem>>, vector<16xf32>,
        %get3A_196 = arith.index_cast %scan3A_156 : i32 to index
        %get3A_197 = arith.constant 64 : index
        %get3A_198 = tpu.vector_load %arg12[%get3A_196, %get3A_197] {strides = array<i32>} : memref<128x128xf32, #tpu.memory_space<vmem>>, vector<16xf32>,
        %get3A_199 = arith.index_cast %scan3A_156 : i32 to index
        %get3A_200 = arith.constant 64 : index
        %get3A_201 = tpu.vector_load %arg13[%get3A_199, %get3A_200] {strides = array<i32>} : memref<128x128xf32, #tpu.memory_space<vmem>>, vector<16xf32>,
        %add3A_202 = arith.addf %get3A_198, %get3A_201 : vector<16xf32>
        %swap3A_203 = arith.index_cast %scan3A_156 : i32 to index
        %swap3A_204 = arith.constant 64 : index
        %swap3A_205 = tpu.vector_load %arg16[%swap3A_203, %swap3A_204] {strides = array<i32>} : memref<128x128xf32, #tpu.memory_space<vmem>>, vector<16xf32>,
        tpu.vector_store %arg16[%swap3A_203, %swap3A_204], %add3A_202 {strides = array<i32>} : memref<128x128xf32, #tpu.memory_space<vmem>>, vector<16xf32>,
        %get3A_206 = arith.index_cast %scan3A_156 : i32 to index
        %get3A_207 = arith.constant 80 : index
        %get3A_208 = tpu.vector_load %arg12[%get3A_206, %get3A_207] {strides = array<i32>} : memref<128x128xf32, #tpu.memory_space<vmem>>, vector<16xf32>,
        %get3A_209 = arith.index_cast %scan3A_156 : i32 to index
        %get3A_210 = arith.constant 80 : index
        %get3A_211 = tpu.vector_load %arg13[%get3A_209, %get3A_210] {strides = array<i32>} : memref<128x128xf32, #tpu.memory_space<vmem>>, vector<16xf32>,
        %add3A_212 = arith.addf %get3A_208, %get3A_211 : vector<16xf32>
        %swap3A_213 = arith.index_cast %scan3A_156 : i32 to index
        %swap3A_214 = arith.constant 80 : index
        %swap3A_215 = tpu.vector_load %arg16[%swap3A_213, %swap3A_214] {strides = array<i32>} : memref<128x128xf32, #tpu.memory_space<vmem>>, vector<16xf32>,
        tpu.vector_store %arg16[%swap3A_213, %swap3A_214], %add3A_212 {strides = array<i32>} : memref<128x128xf32, #tpu.memory_space<vmem>>, vector<16xf32>,
        %get3A_216 = arith.index_cast %scan3A_156 : i32 to index
        %get3A_217 = arith.constant 96 : index
        %get3A_218 = tpu.vector_load %arg12[%get3A_216, %get3A_217] {strides = array<i32>} : memref<128x128xf32, #tpu.memory_space<vmem>>, vector<16xf32>,
        %get3A_219 = arith.index_cast %scan3A_156 : i32 to index
        %get3A_220 = arith.constant 96 : index
        %get3A_221 = tpu.vector_load %arg13[%get3A_219, %get3A_220] {strides = array<i32>} : memref<128x128xf32, #tpu.memory_space<vmem>>, vector<16xf32>,
        %add3A_222 = arith.addf %get3A_218, %get3A_221 : vector<16xf32>
        %swap3A_223 = arith.index_cast %scan3A_156 : i32 to index
        %swap3A_224 = arith.constant 96 : index
        %swap3A_225 = tpu.vector_load %arg16[%swap3A_223, %swap3A_224] {strides = array<i32>} : memref<128x128xf32, #tpu.memory_space<vmem>>, vector<16xf32>,
        tpu.vector_store %arg16[%swap3A_223, %swap3A_224], %add3A_222 {strides = array<i32>} : memref<128x128xf32, #tpu.memory_space<vmem>>, vector<16xf32>,
        %get3A_226 = arith.index_cast %scan3A_156 : i32 to index
        %get3A_227 = arith.constant 112 : index
        %get3A_228 = tpu.vector_load %arg12[%get3A_226, %get3A_227] {strides = array<i32>} : memref<128x128xf32, #tpu.memory_space<vmem>>, vector<16xf32>,
        %get3A_229 = arith.index_cast %scan3A_156 : i32 to index
        %get3A_230 = arith.constant 112 : index
        %get3A_231 = tpu.vector_load %arg13[%get3A_229, %get3A_230] {strides = array<i32>} : memref<128x128xf32, #tpu.memory_space<vmem>>, vector<16xf32>,
        %add3A_232 = arith.addf %get3A_228, %get3A_231 : vector<16xf32>
        %swap3A_233 = arith.index_cast %scan3A_156 : i32 to index
        %swap3A_234 = arith.constant 112 : index
        %swap3A_235 = tpu.vector_load %arg16[%swap3A_233, %swap3A_234] {strides = array<i32>} : memref<128x128xf32, #tpu.memory_space<vmem>>, vector<16xf32>,
        tpu.vector_store %arg16[%swap3A_233, %swap3A_234], %add3A_232 {strides = array<i32>} : memref<128x128xf32, #tpu.memory_space<vmem>>, vector<16xf32>,
        %scan3A_236 = arith.constant 0 : i32
        scf.yield %scan3A_236 : i32
      }
      %scan3A_121 = arith.constant 128 : i32
      %mul3A_122 = arith.constant 4096 : i32
      %mul3A_123 = arith.muli %mul3A_88, %mul3A_122 : i32
      %add3A_124 = arith.addi %mul3A_123, %mul3A_2 : i32
      "tpu.region"() ({
        %run_scoped3A = tpu.sem_alloc : memref<!tpu.dma_semaphore, #tpu.memory_space<semaphore_mem>>
        %dma_start3A_156 = arith.constant 0 : i32
        %dma_start3A_157 = tpu.memref_slice %arg7[%add3A_124, %dma_start3A_156] : memref<81920x128xf32, #tpu.memory_space<hbm>> -> memref<128x128xf32, #tpu.memory_space<hbm>>
        %dma_start3A_158 = arith.constant 0 : i32
        %dma_start3A_159 = tpu.memref_slice %arg7[%add3A_124, %dma_start3A_158] : memref<81920x128xf32, #tpu.memory_space<hbm>> -> memref<128x128xf32, #tpu.memory_space<hbm>>
        tpu.enqueue_dma source(%arg16 : memref<128x128xf32, #tpu.memory_space<vmem>>) target(%dma_start3A_159 : memref<128x128xf32, #tpu.memory_space<hbm>>) target_semaphore(%run_scoped3A : memref<!tpu.dma_semaphore, #tpu.memory_space<semaphore_mem>>)
        %dma_wait3A_160 = arith.constant 0 : i32
        %dma_wait3A_161 = tpu.memref_slice %arg7[%add3A_124, %dma_wait3A_160] : memref<81920x128xf32, #tpu.memory_space<hbm>> -> memref<128x128xf32, #tpu.memory_space<hbm>>
        %dma_wait3A_162 = arith.constant 0 : i32
        %dma_wait3A_163 = tpu.memref_slice %arg7[%add3A_124, %dma_wait3A_162] : memref<81920x128xf32, #tpu.memory_space<hbm>> -> memref<128x128xf32, #tpu.memory_space<hbm>>
        tpu.wait_dma2 semaphore(%run_scoped3A : memref<!tpu.dma_semaphore, #tpu.memory_space<semaphore_mem>>) src(%arg16 : memref<128x128xf32, #tpu.memory_space<vmem>>) dst(%dma_wait3A_163 : memref<128x128xf32, #tpu.memory_space<hbm>>)
        tpu.yield
      }) : () -> ()
      %add3A_125 = arith.constant 2 : i32
      %add3A_126 = arith.addi %mul3A_88, %add3A_125 : i32
      %lt3A = arith.constant 20 : i32
      %lt3A_127 = arith.cmpi slt, %add3A_126, %lt3A : i32
      %convert_element_type3A = arith.extui %lt3A_127 : i1 to i32
      %cond3A = arith.constant 0 : i32
      %cond3A_128 = arith.cmpi ne, %convert_element_type3A, %cond3A : i32
      scf.if %cond3A_128 {
        %add3A_156 = arith.constant 2 : i32
        %add3A_157 = arith.addi %mul3A_88, %add3A_156 : i32
        %mul3A_158 = arith.constant 128 : i32
        %mul3A_159 = arith.muli %add3A_157, %mul3A_158 : i32
        %dma_start3A_160 = tpu.memref_slice %arg10[%mul3A_159] : memref<2560xi32, #tpu.memory_space<vmem>> -> memref<128xi32, #tpu.memory_space<vmem>>
        %dma_start3A_161 = arith.constant 0 : i32
        %dma_start3A_162 = arith.constant 0 : i32
        %dma_start3A_163 = tpu.memref_slice %arg2[%dma_start3A_161, %dma_start3A_162] : memref<100000x128xf32, #tpu.memory_space<hbm>> -> memref<100000x128xf32, #tpu.memory_space<hbm>>
        tpu.enqueue_indirect_dma source(%dma_start3A_163 : memref<100000x128xf32, #tpu.memory_space<hbm>>) target(%arg12 : memref<128x128xf32, #tpu.memory_space<vmem>>) offsets(%dma_start3A_160 : memref<128xi32, #tpu.memory_space<vmem>>) semaphore(%arg17 : memref<!tpu.dma_semaphore, #tpu.memory_space<semaphore_mem>>)
        %mul3A_164 = arith.constant 128 : i32
        %mul3A_165 = arith.muli %add3A_157, %mul3A_164 : i32
        %dma_start3A_166 = tpu.memref_slice %arg11[%mul3A_165] : memref<2560xi32, #tpu.memory_space<vmem>> -> memref<128xi32, #tpu.memory_space<vmem>>
        %dma_start3A_167 = arith.constant 0 : i32
        %dma_start3A_168 = arith.constant 0 : i32
        %dma_start3A_169 = tpu.memref_slice %arg2[%dma_start3A_167, %dma_start3A_168] : memref<100000x128xf32, #tpu.memory_space<hbm>> -> memref<100000x128xf32, #tpu.memory_space<hbm>>
        tpu.enqueue_indirect_dma source(%dma_start3A_169 : memref<100000x128xf32, #tpu.memory_space<hbm>>) target(%arg13 : memref<128x128xf32, #tpu.memory_space<vmem>>) offsets(%dma_start3A_166 : memref<128xi32, #tpu.memory_space<vmem>>) semaphore(%arg18 : memref<!tpu.dma_semaphore, #tpu.memory_space<semaphore_mem>>)
      } else {
      }
      %add3A_129 = arith.constant 1 : i32
      %add3A_130 = arith.addi %mul3A_88, %add3A_129 : i32
      %mul3A_131 = arith.constant 128 : i32
      %mul3A_132 = arith.muli %add3A_130, %mul3A_131 : i32
      %dma_wait3A_133 = tpu.memref_slice %arg10[%mul3A_132] : memref<2560xi32, #tpu.memory_space<vmem>> -> memref<128xi32, #tpu.memory_space<vmem>>
      %dma_wait3A_134 = arith.constant 0 : i32
      %dma_wait3A_135 = arith.constant 0 : i32
      %dma_wait3A_136 = tpu.memref_slice %arg2[%dma_wait3A_134, %dma_wait3A_135] : memref<100000x128xf32, #tpu.memory_space<hbm>> -> memref<100000x128xf32, #tpu.memory_space<hbm>>
      tpu.wait_indirect_dma semaphore(%arg19 : memref<!tpu.dma_semaphore, #tpu.memory_space<semaphore_mem>>) src(%dma_wait3A_136 : memref<100000x128xf32, #tpu.memory_space<hbm>>) dst(%arg14 : memref<128x128xf32, #tpu.memory_space<vmem>>)
      %mul3A_137 = arith.constant 128 : i32
      %mul3A_138 = arith.muli %add3A_130, %mul3A_137 : i32
      %dma_wait3A_139 = tpu.memref_slice %arg11[%mul3A_138] : memref<2560xi32, #tpu.memory_space<vmem>> -> memref<128xi32, #tpu.memory_space<vmem>>
      %dma_wait3A_140 = arith.constant 0 : i32
      %dma_wait3A_141 = arith.constant 0 : i32
      %dma_wait3A_142 = tpu.memref_slice %arg2[%dma_wait3A_140, %dma_wait3A_141] : memref<100000x128xf32, #tpu.memory_space<hbm>> -> memref<100000x128xf32, #tpu.memory_space<hbm>>
      tpu.wait_indirect_dma semaphore(%arg20 : memref<!tpu.dma_semaphore, #tpu.memory_space<semaphore_mem>>) src(%dma_wait3A_142 : memref<100000x128xf32, #tpu.memory_space<hbm>>) dst(%arg15 : memref<128x128xf32, #tpu.memory_space<vmem>>)
      %scan3A_143 = arith.constant 0 : i32
      %scan3A_144 = arith.constant 0 : i32
      %scan3A_145 = arith.constant 128 : i32
      %scan3A_146 = arith.addi %scan3A_144, %scan3A_145 : i32
      %scan3A_147 = arith.constant 1 : i32
      %scan3A_148 = scf.for %scan3A_156 = %scan3A_144 to %scan3A_146 step %scan3A_147 iter_args(%scan3A_157 = %scan3A_143) -> (i32)  : i32 {
        %get3A = arith.index_cast %scan3A_156 : i32 to index
        %get3A_158 = arith.constant 0 : index
        %get3A_159 = tpu.vector_load %arg14[%get3A, %get3A_158] {strides = array<i32>} : memref<128x128xf32, #tpu.memory_space<vmem>>, vector<16xf32>,
        %get3A_160 = arith.index_cast %scan3A_156 : i32 to index
        %get3A_161 = arith.constant 0 : index
        %get3A_162 = tpu.vector_load %arg15[%get3A_160, %get3A_161] {strides = array<i32>} : memref<128x128xf32, #tpu.memory_space<vmem>>, vector<16xf32>,
        %add3A_163 = arith.addf %get3A_159, %get3A_162 : vector<16xf32>
        %swap3A = arith.index_cast %scan3A_156 : i32 to index
        %swap3A_164 = arith.constant 0 : index
        %swap3A_165 = tpu.vector_load %arg16[%swap3A, %swap3A_164] {strides = array<i32>} : memref<128x128xf32, #tpu.memory_space<vmem>>, vector<16xf32>,
        tpu.vector_store %arg16[%swap3A, %swap3A_164], %add3A_163 {strides = array<i32>} : memref<128x128xf32, #tpu.memory_space<vmem>>, vector<16xf32>,
        %get3A_166 = arith.index_cast %scan3A_156 : i32 to index
        %get3A_167 = arith.constant 16 : index
        %get3A_168 = tpu.vector_load %arg14[%get3A_166, %get3A_167] {strides = array<i32>} : memref<128x128xf32, #tpu.memory_space<vmem>>, vector<16xf32>,
        %get3A_169 = arith.index_cast %scan3A_156 : i32 to index
        %get3A_170 = arith.constant 16 : index
        %get3A_171 = tpu.vector_load %arg15[%get3A_169, %get3A_170] {strides = array<i32>} : memref<128x128xf32, #tpu.memory_space<vmem>>, vector<16xf32>,
        %add3A_172 = arith.addf %get3A_168, %get3A_171 : vector<16xf32>
        %swap3A_173 = arith.index_cast %scan3A_156 : i32 to index
        %swap3A_174 = arith.constant 16 : index
        %swap3A_175 = tpu.vector_load %arg16[%swap3A_173, %swap3A_174] {strides = array<i32>} : memref<128x128xf32, #tpu.memory_space<vmem>>, vector<16xf32>,
        tpu.vector_store %arg16[%swap3A_173, %swap3A_174], %add3A_172 {strides = array<i32>} : memref<128x128xf32, #tpu.memory_space<vmem>>, vector<16xf32>,
        %get3A_176 = arith.index_cast %scan3A_156 : i32 to index
        %get3A_177 = arith.constant 32 : index
        %get3A_178 = tpu.vector_load %arg14[%get3A_176, %get3A_177] {strides = array<i32>} : memref<128x128xf32, #tpu.memory_space<vmem>>, vector<16xf32>,
        %get3A_179 = arith.index_cast %scan3A_156 : i32 to index
        %get3A_180 = arith.constant 32 : index
        %get3A_181 = tpu.vector_load %arg15[%get3A_179, %get3A_180] {strides = array<i32>} : memref<128x128xf32, #tpu.memory_space<vmem>>, vector<16xf32>,
        %add3A_182 = arith.addf %get3A_178, %get3A_181 : vector<16xf32>
        %swap3A_183 = arith.index_cast %scan3A_156 : i32 to index
        %swap3A_184 = arith.constant 32 : index
        %swap3A_185 = tpu.vector_load %arg16[%swap3A_183, %swap3A_184] {strides = array<i32>} : memref<128x128xf32, #tpu.memory_space<vmem>>, vector<16xf32>,
        tpu.vector_store %arg16[%swap3A_183, %swap3A_184], %add3A_182 {strides = array<i32>} : memref<128x128xf32, #tpu.memory_space<vmem>>, vector<16xf32>,
        %get3A_186 = arith.index_cast %scan3A_156 : i32 to index
        %get3A_187 = arith.constant 48 : index
        %get3A_188 = tpu.vector_load %arg14[%get3A_186, %get3A_187] {strides = array<i32>} : memref<128x128xf32, #tpu.memory_space<vmem>>, vector<16xf32>,
        %get3A_189 = arith.index_cast %scan3A_156 : i32 to index
        %get3A_190 = arith.constant 48 : index
        %get3A_191 = tpu.vector_load %arg15[%get3A_189, %get3A_190] {strides = array<i32>} : memref<128x128xf32, #tpu.memory_space<vmem>>, vector<16xf32>,
        %add3A_192 = arith.addf %get3A_188, %get3A_191 : vector<16xf32>
        %swap3A_193 = arith.index_cast %scan3A_156 : i32 to index
        %swap3A_194 = arith.constant 48 : index
        %swap3A_195 = tpu.vector_load %arg16[%swap3A_193, %swap3A_194] {strides = array<i32>} : memref<128x128xf32, #tpu.memory_space<vmem>>, vector<16xf32>,
        tpu.vector_store %arg16[%swap3A_193, %swap3A_194], %add3A_192 {strides = array<i32>} : memref<128x128xf32, #tpu.memory_space<vmem>>, vector<16xf32>,
        %get3A_196 = arith.index_cast %scan3A_156 : i32 to index
        %get3A_197 = arith.constant 64 : index
        %get3A_198 = tpu.vector_load %arg14[%get3A_196, %get3A_197] {strides = array<i32>} : memref<128x128xf32, #tpu.memory_space<vmem>>, vector<16xf32>,
        %get3A_199 = arith.index_cast %scan3A_156 : i32 to index
        %get3A_200 = arith.constant 64 : index
        %get3A_201 = tpu.vector_load %arg15[%get3A_199, %get3A_200] {strides = array<i32>} : memref<128x128xf32, #tpu.memory_space<vmem>>, vector<16xf32>,
        %add3A_202 = arith.addf %get3A_198, %get3A_201 : vector<16xf32>
        %swap3A_203 = arith.index_cast %scan3A_156 : i32 to index
        %swap3A_204 = arith.constant 64 : index
        %swap3A_205 = tpu.vector_load %arg16[%swap3A_203, %swap3A_204] {strides = array<i32>} : memref<128x128xf32, #tpu.memory_space<vmem>>, vector<16xf32>,
        tpu.vector_store %arg16[%swap3A_203, %swap3A_204], %add3A_202 {strides = array<i32>} : memref<128x128xf32, #tpu.memory_space<vmem>>, vector<16xf32>,
        %get3A_206 = arith.index_cast %scan3A_156 : i32 to index
        %get3A_207 = arith.constant 80 : index
        %get3A_208 = tpu.vector_load %arg14[%get3A_206, %get3A_207] {strides = array<i32>} : memref<128x128xf32, #tpu.memory_space<vmem>>, vector<16xf32>,
        %get3A_209 = arith.index_cast %scan3A_156 : i32 to index
        %get3A_210 = arith.constant 80 : index
        %get3A_211 = tpu.vector_load %arg15[%get3A_209, %get3A_210] {strides = array<i32>} : memref<128x128xf32, #tpu.memory_space<vmem>>, vector<16xf32>,
        %add3A_212 = arith.addf %get3A_208, %get3A_211 : vector<16xf32>
        %swap3A_213 = arith.index_cast %scan3A_156 : i32 to index
        %swap3A_214 = arith.constant 80 : index
        %swap3A_215 = tpu.vector_load %arg16[%swap3A_213, %swap3A_214] {strides = array<i32>} : memref<128x128xf32, #tpu.memory_space<vmem>>, vector<16xf32>,
        tpu.vector_store %arg16[%swap3A_213, %swap3A_214], %add3A_212 {strides = array<i32>} : memref<128x128xf32, #tpu.memory_space<vmem>>, vector<16xf32>,
        %get3A_216 = arith.index_cast %scan3A_156 : i32 to index
        %get3A_217 = arith.constant 96 : index
        %get3A_218 = tpu.vector_load %arg14[%get3A_216, %get3A_217] {strides = array<i32>} : memref<128x128xf32, #tpu.memory_space<vmem>>, vector<16xf32>,
        %get3A_219 = arith.index_cast %scan3A_156 : i32 to index
        %get3A_220 = arith.constant 96 : index
        %get3A_221 = tpu.vector_load %arg15[%get3A_219, %get3A_220] {strides = array<i32>} : memref<128x128xf32, #tpu.memory_space<vmem>>, vector<16xf32>,
        %add3A_222 = arith.addf %get3A_218, %get3A_221 : vector<16xf32>
        %swap3A_223 = arith.index_cast %scan3A_156 : i32 to index
        %swap3A_224 = arith.constant 96 : index
        %swap3A_225 = tpu.vector_load %arg16[%swap3A_223, %swap3A_224] {strides = array<i32>} : memref<128x128xf32, #tpu.memory_space<vmem>>, vector<16xf32>,
        tpu.vector_store %arg16[%swap3A_223, %swap3A_224], %add3A_222 {strides = array<i32>} : memref<128x128xf32, #tpu.memory_space<vmem>>, vector<16xf32>,
        %get3A_226 = arith.index_cast %scan3A_156 : i32 to index
        %get3A_227 = arith.constant 112 : index
        %get3A_228 = tpu.vector_load %arg14[%get3A_226, %get3A_227] {strides = array<i32>} : memref<128x128xf32, #tpu.memory_space<vmem>>, vector<16xf32>,
        %get3A_229 = arith.index_cast %scan3A_156 : i32 to index
        %get3A_230 = arith.constant 112 : index
        %get3A_231 = tpu.vector_load %arg15[%get3A_229, %get3A_230] {strides = array<i32>} : memref<128x128xf32, #tpu.memory_space<vmem>>, vector<16xf32>,
        %add3A_232 = arith.addf %get3A_228, %get3A_231 : vector<16xf32>
        %swap3A_233 = arith.index_cast %scan3A_156 : i32 to index
        %swap3A_234 = arith.constant 112 : index
        %swap3A_235 = tpu.vector_load %arg16[%swap3A_233, %swap3A_234] {strides = array<i32>} : memref<128x128xf32, #tpu.memory_space<vmem>>, vector<16xf32>,
        tpu.vector_store %arg16[%swap3A_233, %swap3A_234], %add3A_232 {strides = array<i32>} : memref<128x128xf32, #tpu.memory_space<vmem>>, vector<16xf32>,
        %scan3A_236 = arith.constant 0 : i32
        scf.yield %scan3A_236 : i32
      }
      %scan3A_149 = arith.constant 128 : i32
      %add3A_150 = arith.constant 1 : i32
      %add3A_151 = arith.addi %mul3A_88, %add3A_150 : i32
      %mul3A_152 = arith.constant 4096 : i32
      %mul3A_153 = arith.muli %add3A_151, %mul3A_152 : i32
      %add3A_154 = arith.addi %mul3A_153, %mul3A_2 : i32
      "tpu.region"() ({
        %run_scoped3A = tpu.sem_alloc : memref<!tpu.dma_semaphore, #tpu.memory_space<semaphore_mem>>
        %dma_start3A_156 = arith.constant 0 : i32
        %dma_start3A_157 = tpu.memref_slice %arg7[%add3A_154, %dma_start3A_156] : memref<81920x128xf32, #tpu.memory_space<hbm>> -> memref<128x128xf32, #tpu.memory_space<hbm>>
        %dma_start3A_158 = arith.constant 0 : i32
        %dma_start3A_159 = tpu.memref_slice %arg7[%add3A_154, %dma_start3A_158] : memref<81920x128xf32, #tpu.memory_space<hbm>> -> memref<128x128xf32, #tpu.memory_space<hbm>>
        tpu.enqueue_dma source(%arg16 : memref<128x128xf32, #tpu.memory_space<vmem>>) target(%dma_start3A_159 : memref<128x128xf32, #tpu.memory_space<hbm>>) target_semaphore(%run_scoped3A : memref<!tpu.dma_semaphore, #tpu.memory_space<semaphore_mem>>)
        %dma_wait3A_160 = arith.constant 0 : i32
        %dma_wait3A_161 = tpu.memref_slice %arg7[%add3A_154, %dma_wait3A_160] : memref<81920x128xf32, #tpu.memory_space<hbm>> -> memref<128x128xf32, #tpu.memory_space<hbm>>
        %dma_wait3A_162 = arith.constant 0 : i32
        %dma_wait3A_163 = tpu.memref_slice %arg7[%add3A_154, %dma_wait3A_162] : memref<81920x128xf32, #tpu.memory_space<hbm>> -> memref<128x128xf32, #tpu.memory_space<hbm>>
        tpu.wait_dma2 semaphore(%run_scoped3A : memref<!tpu.dma_semaphore, #tpu.memory_space<semaphore_mem>>) src(%arg16 : memref<128x128xf32, #tpu.memory_space<vmem>>) dst(%dma_wait3A_163 : memref<128x128xf32, #tpu.memory_space<hbm>>)
        tpu.yield
      }) : () -> ()
      %scan3A_155 = arith.constant 0 : i32
      scf.yield %scan3A_155 : i32
    }
    %scan3A_75 = arith.constant 10 : i32
    "tpu.region"() ({
      %run_scoped3A = tpu.sem_alloc : memref<!tpu.dma_semaphore, #tpu.memory_space<semaphore_mem>>
      %dma_start3A_85 = arith.constant 0 : i32
      %dma_start3A_86 = tpu.memref_slice %arg10[%dma_start3A_85] : memref<2560xi32, #tpu.memory_space<vmem>> -> memref<128xi32, #tpu.memory_space<vmem>>
      %dma_start3A_87 = tpu.memref_slice %arg5[%mul3A_2] : memref<4096xi32, #tpu.memory_space<hbm>> -> memref<128xi32, #tpu.memory_space<hbm>>
      %dma_start3A_88 = arith.constant 0 : i32
      %dma_start3A_89 = tpu.memref_slice %arg10[%dma_start3A_88] : memref<2560xi32, #tpu.memory_space<vmem>> -> memref<128xi32, #tpu.memory_space<vmem>>
      %dma_start3A_90 = tpu.memref_slice %arg5[%mul3A_2] : memref<4096xi32, #tpu.memory_space<hbm>> -> memref<128xi32, #tpu.memory_space<hbm>>
      tpu.enqueue_dma source(%dma_start3A_90 : memref<128xi32, #tpu.memory_space<hbm>>) target(%dma_start3A_89 : memref<128xi32, #tpu.memory_space<vmem>>) target_semaphore(%run_scoped3A : memref<!tpu.dma_semaphore, #tpu.memory_space<semaphore_mem>>)
      %dma_wait3A_91 = arith.constant 0 : i32
      %dma_wait3A_92 = tpu.memref_slice %arg10[%dma_wait3A_91] : memref<2560xi32, #tpu.memory_space<vmem>> -> memref<128xi32, #tpu.memory_space<vmem>>
      %dma_wait3A_93 = tpu.memref_slice %arg5[%mul3A_2] : memref<4096xi32, #tpu.memory_space<hbm>> -> memref<128xi32, #tpu.memory_space<hbm>>
      %dma_wait3A_94 = arith.constant 0 : i32
      %dma_wait3A_95 = tpu.memref_slice %arg10[%dma_wait3A_94] : memref<2560xi32, #tpu.memory_space<vmem>> -> memref<128xi32, #tpu.memory_space<vmem>>
      %dma_wait3A_96 = tpu.memref_slice %arg5[%mul3A_2] : memref<4096xi32, #tpu.memory_space<hbm>> -> memref<128xi32, #tpu.memory_space<hbm>>
      tpu.wait_dma2 semaphore(%run_scoped3A : memref<!tpu.dma_semaphore, #tpu.memory_space<semaphore_mem>>) src(%dma_wait3A_96 : memref<128xi32, #tpu.memory_space<hbm>>) dst(%dma_wait3A_95 : memref<128xi32, #tpu.memory_space<vmem>>)
      tpu.yield
    }) : () -> ()
    %dma_start3A_76 = arith.constant 0 : i32
    %dma_start3A_77 = tpu.memref_slice %arg10[%dma_start3A_76] : memref<2560xi32, #tpu.memory_space<vmem>> -> memref<128xi32, #tpu.memory_space<vmem>>
    %dma_start3A_78 = arith.constant 0 : i32
    %dma_start3A_79 = arith.constant 0 : i32
    %dma_start3A_80 = tpu.memref_slice %arg2[%dma_start3A_78, %dma_start3A_79] : memref<100000x128xf32, #tpu.memory_space<hbm>> -> memref<100000x128xf32, #tpu.memory_space<hbm>>
    tpu.enqueue_indirect_dma source(%dma_start3A_80 : memref<100000x128xf32, #tpu.memory_space<hbm>>) target(%arg12 : memref<128x128xf32, #tpu.memory_space<vmem>>) offsets(%dma_start3A_77 : memref<128xi32, #tpu.memory_space<vmem>>) semaphore(%arg17 : memref<!tpu.dma_semaphore, #tpu.memory_space<semaphore_mem>>)
    %dma_wait3A = arith.constant 0 : i32
    %dma_wait3A_81 = tpu.memref_slice %arg10[%dma_wait3A] : memref<2560xi32, #tpu.memory_space<vmem>> -> memref<128xi32, #tpu.memory_space<vmem>>
    %dma_wait3A_82 = arith.constant 0 : i32
    %dma_wait3A_83 = arith.constant 0 : i32
    %dma_wait3A_84 = tpu.memref_slice %arg2[%dma_wait3A_82, %dma_wait3A_83] : memref<100000x128xf32, #tpu.memory_space<hbm>> -> memref<100000x128xf32, #tpu.memory_space<hbm>>
    tpu.wait_indirect_dma semaphore(%arg17 : memref<!tpu.dma_semaphore, #tpu.memory_space<semaphore_mem>>) src(%dma_wait3A_84 : memref<100000x128xf32, #tpu.memory_space<hbm>>) dst(%arg12 : memref<128x128xf32, #tpu.memory_space<vmem>>)
    "tpu.region"() ({
      %run_scoped3A = tpu.sem_alloc : memref<!tpu.dma_semaphore, #tpu.memory_space<semaphore_mem>>
      %dma_start3A_85 = arith.constant 0 : i32
      %dma_start3A_86 = tpu.memref_slice %arg8[%mul3A_2, %dma_start3A_85] : memref<4096x128xf32, #tpu.memory_space<hbm>> -> memref<128x128xf32, #tpu.memory_space<hbm>>
      %dma_start3A_87 = arith.constant 0 : i32
      %dma_start3A_88 = tpu.memref_slice %arg8[%mul3A_2, %dma_start3A_87] : memref<4096x128xf32, #tpu.memory_space<hbm>> -> memref<128x128xf32, #tpu.memory_space<hbm>>
      tpu.enqueue_dma source(%arg12 : memref<128x128xf32, #tpu.memory_space<vmem>>) target(%dma_start3A_88 : memref<128x128xf32, #tpu.memory_space<hbm>>) target_semaphore(%run_scoped3A : memref<!tpu.dma_semaphore, #tpu.memory_space<semaphore_mem>>)
      %dma_wait3A_89 = arith.constant 0 : i32
      %dma_wait3A_90 = tpu.memref_slice %arg8[%mul3A_2, %dma_wait3A_89] : memref<4096x128xf32, #tpu.memory_space<hbm>> -> memref<128x128xf32, #tpu.memory_space<hbm>>
      %dma_wait3A_91 = arith.constant 0 : i32
      %dma_wait3A_92 = tpu.memref_slice %arg8[%mul3A_2, %dma_wait3A_91] : memref<4096x128xf32, #tpu.memory_space<hbm>> -> memref<128x128xf32, #tpu.memory_space<hbm>>
      tpu.wait_dma2 semaphore(%run_scoped3A : memref<!tpu.dma_semaphore, #tpu.memory_space<semaphore_mem>>) src(%arg12 : memref<128x128xf32, #tpu.memory_space<vmem>>) dst(%dma_wait3A_92 : memref<128x128xf32, #tpu.memory_space<hbm>>)
      tpu.yield
    }) : () -> ()
    return
  }
}

module attributes {stable_mosaic.version = 14 : i64} {
  func.func @wrapped(%arg0: i32, %arg1: i32, %arg2: memref<5x1x256x128xf32, #tpu.memory_space<vmem>>, %arg3: memref<5x1x256x128xf32, #tpu.memory_space<vmem>>, %arg4: memref<256x128xf32, #tpu.memory_space<vmem>>, %arg5: memref<256x128xbf16, #tpu.memory_space<vmem>>, %arg6: memref<256x64xbf16, #tpu.memory_space<vmem>>, %arg7: memref<1x256x64xf32, #tpu.memory_space<vmem>>) attributes {dimension_semantics = [#tpu.dimension_semantics<arbitrary>, #tpu.dimension_semantics<arbitrary>], iteration_bounds = array<i64: 16, 4>, scalar_prefetch = 0 : i64, scratch_operands = 0 : i64, tpu.core_type = #tpu.core_type<tc>, window_params = [{transform_indices = @transform_0, window_bounds = array<i64: 5, 1, 256, 128>}, {transform_indices = @transform_1, window_bounds = array<i64: 5, 1, 256, 128>}, {transform_indices = @transform_2, window_bounds = array<i64: 256, 128>}, {pipeline_mode = #tpu.pipeline_mode<synchronous>, transform_indices = @transform_3, window_bounds = array<i64: 256, 128>}, {pipeline_mode = #tpu.pipeline_mode<synchronous>, transform_indices = @transform_4, window_bounds = array<i64: 256, 64>}, {transform_indices = @transform_5, window_bounds = array<i64: 1, 256, 64>}]} {
    %get3A = arith.constant 0 : index
    %get3A_0 = arith.constant 0 : index
    %get3A_1 = vector.load %arg5[%get3A, %get3A_0] : memref<256x128xbf16, #tpu.memory_space<vmem>>, vector<256x128xbf16>
    %get3A_2 = arith.constant 0 : index
    %get3A_3 = arith.constant 0 : index
    %get3A_4 = vector.load %arg6[%get3A_2, %get3A_3] : memref<256x64xbf16, #tpu.memory_space<vmem>>, vector<256x64xbf16>
    %get3A_5 = arith.constant 0 : index
    %get3A_6 = arith.constant 0 : index
    %get3A_7 = arith.constant 0 : index
    %get3A_8 = arith.constant 0 : index
    %get3A_9 = vector.load %arg2[%get3A_5, %get3A_6, %get3A_7, %get3A_8] : memref<5x1x256x128xf32, #tpu.memory_space<vmem>>, vector<5x1x256x128xf32>
    %get3A_10 = arith.constant 0 : index
    %get3A_11 = arith.constant 0 : index
    %get3A_12 = arith.constant 0 : index
    %get3A_13 = arith.constant 0 : index
    %get3A_14 = vector.load %arg3[%get3A_10, %get3A_11, %get3A_12, %get3A_13] : memref<5x1x256x128xf32, #tpu.memory_space<vmem>>, vector<5x1x256x128xf32>
    %reshape3A = vector.shape_cast %get3A_9 : vector<5x1x256x128xf32> to vector<1280x128xf32>
    %convert_element_type3A = arith.truncf %reshape3A : vector<1280x128xf32> to vector<1280x128xbf16>
    %reshape3A_15 = vector.shape_cast %get3A_14 : vector<5x1x256x128xf32> to vector<1280x128xf32>
    %mul3A = arith.constant 5.000000e-01 : f32
    %mul3A_16 = vector.broadcast %mul3A : f32 to vector<1280x128xf32>
    %mul3A_17 = arith.mulf %reshape3A_15, %mul3A_16 : vector<1280x128xf32>
    %convert_element_type3A_18 = arith.truncf %mul3A_17 : vector<1280x128xf32> to vector<1280x128xbf16>
    %concatenate3A = tpu.concatenate %convert_element_type3A, %convert_element_type3A_18 in 1 : vector<1280x128xbf16>, vector<1280x128xbf16> -> vector<1280x256xbf16>
    %dot_general3A = arith.constant dense<0.000000e+00> : vector<1280x128xf32>
    %dot_general3A_19 = tpu.matmul %concatenate3A, %get3A_1, %dot_general3A {dimension_numbers = #tpu.dot_dimension_numbers<[1], [0], [0], [1], [0, 0, 1, 1], [], []>, transpose_lhs_hint = false} : vector<1280x256xbf16>, vector<256x128xbf16>, vector<1280x128xf32> -> vector<1280x128xf32>
    %max3A = arith.constant 0.000000e+00 : f32
    %max3A_20 = vector.broadcast %max3A : f32 to vector<1280x128xf32>
    %max3A_21 = arith.maximumf %dot_general3A_19, %max3A_20 : vector<1280x128xf32>
    %slice3A = vector.extract_strided_slice %get3A_9 {offsets = [0, 0, 0, 0], sizes = [1, 1, 256, 128], strides = [1, 1, 1, 1]} : vector<5x1x256x128xf32> to vector<1x1x256x128xf32>
    %squeeze3A = vector.shape_cast %slice3A : vector<1x1x256x128xf32> to vector<256x128xf32>
    %slice3A_22 = vector.extract_strided_slice %get3A_9 {offsets = [1, 0, 0, 0], sizes = [1, 1, 256, 128], strides = [1, 1, 1, 1]} : vector<5x1x256x128xf32> to vector<1x1x256x128xf32>
    %squeeze3A_23 = vector.shape_cast %slice3A_22 : vector<1x1x256x128xf32> to vector<256x128xf32>
    %add3A = arith.addf %squeeze3A, %squeeze3A_23 : vector<256x128xf32>
    %slice3A_24 = vector.extract_strided_slice %get3A_9 {offsets = [2, 0, 0, 0], sizes = [1, 1, 256, 128], strides = [1, 1, 1, 1]} : vector<5x1x256x128xf32> to vector<1x1x256x128xf32>
    %squeeze3A_25 = vector.shape_cast %slice3A_24 : vector<1x1x256x128xf32> to vector<256x128xf32>
    %add3A_26 = arith.addf %add3A, %squeeze3A_25 : vector<256x128xf32>
    %slice3A_27 = vector.extract_strided_slice %get3A_9 {offsets = [3, 0, 0, 0], sizes = [1, 1, 256, 128], strides = [1, 1, 1, 1]} : vector<5x1x256x128xf32> to vector<1x1x256x128xf32>
    %squeeze3A_28 = vector.shape_cast %slice3A_27 : vector<1x1x256x128xf32> to vector<256x128xf32>
    %add3A_29 = arith.addf %add3A_26, %squeeze3A_28 : vector<256x128xf32>
    %slice3A_30 = vector.extract_strided_slice %get3A_9 {offsets = [4, 0, 0, 0], sizes = [1, 1, 256, 128], strides = [1, 1, 1, 1]} : vector<5x1x256x128xf32> to vector<1x1x256x128xf32>
    %squeeze3A_31 = vector.shape_cast %slice3A_30 : vector<1x1x256x128xf32> to vector<256x128xf32>
    %add3A_32 = arith.addf %add3A_29, %squeeze3A_31 : vector<256x128xf32>
    %mul3A_33 = arith.constant 2.000000e-01 : f32
    %mul3A_34 = vector.broadcast %mul3A_33 : f32 to vector<256x128xf32>
    %mul3A_35 = arith.mulf %add3A_32, %mul3A_34 : vector<256x128xf32>
    %get3A_36 = arith.constant 0 : index
    %get3A_37 = arith.constant 0 : index
    %get3A_38 = vector.load %arg4[%get3A_36, %get3A_37] : memref<256x128xf32, #tpu.memory_space<vmem>>, vector<256x128xf32>
    %concatenate3A_39 = tpu.concatenate %get3A_38, %mul3A_35 in 1 : vector<256x128xf32>, vector<256x128xf32> -> vector<256x256xf32>
    %convert_element_type3A_40 = arith.truncf %concatenate3A_39 : vector<256x256xf32> to vector<256x256xbf16>
    %dot_general3A_41 = arith.constant dense<0.000000e+00> : vector<256x128xf32>
    %dot_general3A_42 = tpu.matmul %convert_element_type3A_40, %get3A_1, %dot_general3A_41 {dimension_numbers = #tpu.dot_dimension_numbers<[1], [0], [0], [1], [0, 0, 1, 1], [], []>, transpose_lhs_hint = false} : vector<256x256xbf16>, vector<256x128xbf16>, vector<256x128xf32> -> vector<256x128xf32>
    %max3A_43 = arith.constant 0.000000e+00 : f32
    %max3A_44 = vector.broadcast %max3A_43 : f32 to vector<256x128xf32>
    %max3A_45 = arith.maximumf %dot_general3A_42, %max3A_44 : vector<256x128xf32>
    %slice3A_46 = vector.extract_strided_slice %max3A_21 {offsets = [0, 0], sizes = [256, 128], strides = [1, 1]} : vector<1280x128xf32> to vector<256x128xf32>
    %slice3A_47 = vector.extract_strided_slice %max3A_21 {offsets = [256, 0], sizes = [256, 128], strides = [1, 1]} : vector<1280x128xf32> to vector<256x128xf32>
    %add3A_48 = arith.addf %slice3A_46, %slice3A_47 : vector<256x128xf32>
    %slice3A_49 = vector.extract_strided_slice %max3A_21 {offsets = [512, 0], sizes = [256, 128], strides = [1, 1]} : vector<1280x128xf32> to vector<256x128xf32>
    %add3A_50 = arith.addf %add3A_48, %slice3A_49 : vector<256x128xf32>
    %slice3A_51 = vector.extract_strided_slice %max3A_21 {offsets = [768, 0], sizes = [256, 128], strides = [1, 1]} : vector<1280x128xf32> to vector<256x128xf32>
    %add3A_52 = arith.addf %add3A_50, %slice3A_51 : vector<256x128xf32>
    %slice3A_53 = vector.extract_strided_slice %max3A_21 {offsets = [1024, 0], sizes = [256, 128], strides = [1, 1]} : vector<1280x128xf32> to vector<256x128xf32>
    %add3A_54 = arith.addf %add3A_52, %slice3A_53 : vector<256x128xf32>
    %mul3A_55 = arith.constant 2.000000e-01 : f32
    %mul3A_56 = vector.broadcast %mul3A_55 : f32 to vector<256x128xf32>
    %mul3A_57 = arith.mulf %add3A_54, %mul3A_56 : vector<256x128xf32>
    %concatenate3A_58 = tpu.concatenate %max3A_45, %mul3A_57 in 1 : vector<256x128xf32>, vector<256x128xf32> -> vector<256x256xf32>
    %convert_element_type3A_59 = arith.truncf %concatenate3A_58 : vector<256x256xf32> to vector<256x256xbf16>
    %dot_general3A_60 = arith.constant dense<0.000000e+00> : vector<256x64xf32>
    %dot_general3A_61 = tpu.matmul %convert_element_type3A_59, %get3A_4, %dot_general3A_60 {dimension_numbers = #tpu.dot_dimension_numbers<[1], [0], [0], [1], [0, 0, 1, 1], [], []>, transpose_lhs_hint = false} : vector<256x256xbf16>, vector<256x64xbf16>, vector<256x64xf32> -> vector<256x64xf32>
    %max3A_62 = arith.constant 0.000000e+00 : f32
    %max3A_63 = vector.broadcast %max3A_62 : f32 to vector<256x64xf32>
    %max3A_64 = arith.maximumf %dot_general3A_61, %max3A_63 : vector<256x64xf32>
    %swap3A = arith.constant 0 : index
    %swap3A_65 = arith.constant 0 : index
    %swap3A_66 = arith.constant 0 : index
    %swap3A_67 = vector.load %arg7[%swap3A, %swap3A_65, %swap3A_66] : memref<1x256x64xf32, #tpu.memory_space<vmem>>, vector<1x256x64xf32>
    %swap3A_68 = vector.shape_cast %swap3A_67 : vector<1x256x64xf32> to vector<256x64xf32>
    %swap3A_69 = vector.shape_cast %max3A_64 : vector<256x64xf32> to vector<1x256x64xf32>
    tpu.vector_store %arg7[%swap3A, %swap3A_65, %swap3A_66], %swap3A_69 {strides = array<i32>} : memref<1x256x64xf32, #tpu.memory_space<vmem>>, vector<1x256x64xf32>,
    return
  }
  func.func @transform_0(%arg0: i32, %arg1: i32) -> (i32, i32, i32, i32) {
    %c0_i32 = arith.constant 0 : i32
    %c0_i32_0 = arith.constant 0 : i32
    %c0_i32_1 = arith.constant 0 : i32
    return %c0_i32, %arg1, %arg0, %c0_i32_0 : i32, i32, i32, i32
  }
  func.func @transform_1(%arg0: i32, %arg1: i32) -> (i32, i32, i32, i32) {
    %c0_i32 = arith.constant 0 : i32
    %c0_i32_0 = arith.constant 0 : i32
    %c0_i32_1 = arith.constant 0 : i32
    return %c0_i32, %arg1, %arg0, %c0_i32_0 : i32, i32, i32, i32
  }
  func.func @transform_2(%arg0: i32, %arg1: i32) -> (i32, i32) {
    %c0_i32 = arith.constant 0 : i32
    %c0_i32_0 = arith.constant 0 : i32
    return %arg0, %c0_i32 : i32, i32
  }
  func.func @transform_3(%arg0: i32, %arg1: i32) -> (i32, i32) {
    %c0_i32 = arith.constant 0 : i32
    %c0_i32_0 = arith.constant 0 : i32
    %c0_i32_1 = arith.constant 0 : i32
    return %c0_i32, %c0_i32_0 : i32, i32
  }
  func.func @transform_4(%arg0: i32, %arg1: i32) -> (i32, i32) {
    %c0_i32 = arith.constant 0 : i32
    %c0_i32_0 = arith.constant 0 : i32
    %c0_i32_1 = arith.constant 0 : i32
    return %c0_i32, %c0_i32_0 : i32, i32
  }
  func.func @transform_5(%arg0: i32, %arg1: i32) -> (i32, i32, i32) {
    %c0_i32 = arith.constant 0 : i32
    %c0_i32_0 = arith.constant 0 : i32
    return %arg1, %arg0, %c0_i32 : i32, i32, i32
  }
}

module attributes {stable_mosaic.version = 14 : i64} {
  func.func @body(%arg0: i32, %arg1: i32, %arg2: memref<5x1x256x128xf32, #tpu.memory_space<vmem>>, %arg3: memref<5x1x256x128xf32, #tpu.memory_space<vmem>>, %arg4: memref<256x128xf32, #tpu.memory_space<vmem>>, %arg5: memref<4x256x64xf32, #tpu.memory_space<vmem>>, %arg6: memref<256x128xbf16, #tpu.memory_space<vmem>>, %arg7: memref<256x64xbf16, #tpu.memory_space<vmem>>, %arg8: memref<2x64xf32, #tpu.memory_space<vmem>>, %arg9: memref<2x64xf32, #tpu.memory_space<vmem>>, %arg10: memref<8x64xf32, #tpu.memory_space<vmem>>, %arg11: memref<64x128xf32, #tpu.memory_space<vmem>>, %arg12: memref<1x128xf32, #tpu.memory_space<vmem>>, %arg13: memref<256x128xf32, #tpu.memory_space<vmem>>, %arg14: memref<4x256x64xf32, #tpu.memory_space<vmem>>) attributes {dimension_semantics = [#tpu.dimension_semantics<arbitrary>, #tpu.dimension_semantics<arbitrary>], iteration_bounds = array<i64: 16, 4>, scalar_prefetch = 0 : i64, scratch_operands = 1 : i64, tpu.core_type = #tpu.core_type<tc>, window_params = [{transform_indices = @transform_0, window_bounds = array<i64: 5, 1, 256, 128>}, {transform_indices = @transform_1, window_bounds = array<i64: 5, 1, 256, 128>}, {transform_indices = @transform_2, window_bounds = array<i64: 256, 128>}, {transform_indices = @transform_3, window_bounds = array<i64: 4, 256, 64>}, {pipeline_mode = #tpu.pipeline_mode<synchronous>, transform_indices = @transform_4, window_bounds = array<i64: 256, 128>}, {pipeline_mode = #tpu.pipeline_mode<synchronous>, transform_indices = @transform_5, window_bounds = array<i64: 256, 64>}, {pipeline_mode = #tpu.pipeline_mode<synchronous>, transform_indices = @transform_6, window_bounds = array<i64: 2, 64>}, {pipeline_mode = #tpu.pipeline_mode<synchronous>, transform_indices = @transform_7, window_bounds = array<i64: 2, 64>}, {pipeline_mode = #tpu.pipeline_mode<synchronous>, transform_indices = @transform_8, window_bounds = array<i64: 8, 64>}, {pipeline_mode = #tpu.pipeline_mode<synchronous>, transform_indices = @transform_9, window_bounds = array<i64: 64, 128>}, {pipeline_mode = #tpu.pipeline_mode<synchronous>, transform_indices = @transform_10, window_bounds = array<i64: 1, 128>}, {transform_indices = @transform_11, window_bounds = array<i64: 256, 128>}]} {
    %get3A = arith.constant 0 : index
    %get3A_0 = arith.constant 0 : index
    %get3A_1 = vector.load %arg6[%get3A, %get3A_0] : memref<256x128xbf16, #tpu.memory_space<vmem>>, vector<256x128xbf16>
    %get3A_2 = arith.constant 0 : index
    %get3A_3 = arith.constant 0 : index
    %get3A_4 = vector.load %arg7[%get3A_2, %get3A_3] : memref<256x64xbf16, #tpu.memory_space<vmem>>, vector<256x64xbf16>
    %get3A_5 = arith.constant 0 : index
    %get3A_6 = arith.constant 0 : index
    %get3A_7 = arith.constant 0 : index
    %get3A_8 = arith.constant 0 : index
    %get3A_9 = vector.load %arg2[%get3A_5, %get3A_6, %get3A_7, %get3A_8] : memref<5x1x256x128xf32, #tpu.memory_space<vmem>>, vector<5x1x256x128xf32>
    %get3A_10 = arith.constant 0 : index
    %get3A_11 = arith.constant 0 : index
    %get3A_12 = arith.constant 0 : index
    %get3A_13 = arith.constant 0 : index
    %get3A_14 = vector.load %arg3[%get3A_10, %get3A_11, %get3A_12, %get3A_13] : memref<5x1x256x128xf32, #tpu.memory_space<vmem>>, vector<5x1x256x128xf32>
    %reshape3A = vector.shape_cast %get3A_9 : vector<5x1x256x128xf32> to vector<1280x128xf32>
    %convert_element_type3A = arith.truncf %reshape3A : vector<1280x128xf32> to vector<1280x128xbf16>
    %reshape3A_15 = vector.shape_cast %get3A_14 : vector<5x1x256x128xf32> to vector<1280x128xf32>
    %mul3A = arith.constant 5.000000e-01 : f32
    %mul3A_16 = vector.broadcast %mul3A : f32 to vector<1280x128xf32>
    %mul3A_17 = arith.mulf %reshape3A_15, %mul3A_16 : vector<1280x128xf32>
    %convert_element_type3A_18 = arith.truncf %mul3A_17 : vector<1280x128xf32> to vector<1280x128xbf16>
    %concatenate3A = tpu.concatenate %convert_element_type3A, %convert_element_type3A_18 in 1 : vector<1280x128xbf16>, vector<1280x128xbf16> -> vector<1280x256xbf16>
    %dot_general3A = arith.constant dense<0.000000e+00> : vector<1280x128xf32>
    %dot_general3A_19 = tpu.matmul %concatenate3A, %get3A_1, %dot_general3A {dimension_numbers = #tpu.dot_dimension_numbers<[1], [0], [0], [1], [0, 0, 1, 1], [], []>, transpose_lhs_hint = false} : vector<1280x256xbf16>, vector<256x128xbf16>, vector<1280x128xf32> -> vector<1280x128xf32>
    %max3A = arith.constant 0.000000e+00 : f32
    %max3A_20 = vector.broadcast %max3A : f32 to vector<1280x128xf32>
    %max3A_21 = arith.maximumf %dot_general3A_19, %max3A_20 : vector<1280x128xf32>
    %slice3A = vector.extract_strided_slice %get3A_9 {offsets = [0, 0, 0, 0], sizes = [1, 1, 256, 128], strides = [1, 1, 1, 1]} : vector<5x1x256x128xf32> to vector<1x1x256x128xf32>
    %squeeze3A = vector.shape_cast %slice3A : vector<1x1x256x128xf32> to vector<256x128xf32>
    %slice3A_22 = vector.extract_strided_slice %get3A_9 {offsets = [1, 0, 0, 0], sizes = [1, 1, 256, 128], strides = [1, 1, 1, 1]} : vector<5x1x256x128xf32> to vector<1x1x256x128xf32>
    %squeeze3A_23 = vector.shape_cast %slice3A_22 : vector<1x1x256x128xf32> to vector<256x128xf32>
    %add3A = arith.addf %squeeze3A, %squeeze3A_23 : vector<256x128xf32>
    %slice3A_24 = vector.extract_strided_slice %get3A_9 {offsets = [2, 0, 0, 0], sizes = [1, 1, 256, 128], strides = [1, 1, 1, 1]} : vector<5x1x256x128xf32> to vector<1x1x256x128xf32>
    %squeeze3A_25 = vector.shape_cast %slice3A_24 : vector<1x1x256x128xf32> to vector<256x128xf32>
    %add3A_26 = arith.addf %add3A, %squeeze3A_25 : vector<256x128xf32>
    %slice3A_27 = vector.extract_strided_slice %get3A_9 {offsets = [3, 0, 0, 0], sizes = [1, 1, 256, 128], strides = [1, 1, 1, 1]} : vector<5x1x256x128xf32> to vector<1x1x256x128xf32>
    %squeeze3A_28 = vector.shape_cast %slice3A_27 : vector<1x1x256x128xf32> to vector<256x128xf32>
    %add3A_29 = arith.addf %add3A_26, %squeeze3A_28 : vector<256x128xf32>
    %slice3A_30 = vector.extract_strided_slice %get3A_9 {offsets = [4, 0, 0, 0], sizes = [1, 1, 256, 128], strides = [1, 1, 1, 1]} : vector<5x1x256x128xf32> to vector<1x1x256x128xf32>
    %squeeze3A_31 = vector.shape_cast %slice3A_30 : vector<1x1x256x128xf32> to vector<256x128xf32>
    %add3A_32 = arith.addf %add3A_29, %squeeze3A_31 : vector<256x128xf32>
    %mul3A_33 = arith.constant 2.000000e-01 : f32
    %mul3A_34 = vector.broadcast %mul3A_33 : f32 to vector<256x128xf32>
    %mul3A_35 = arith.mulf %add3A_32, %mul3A_34 : vector<256x128xf32>
    %get3A_36 = arith.constant 0 : index
    %get3A_37 = arith.constant 0 : index
    %get3A_38 = vector.load %arg4[%get3A_36, %get3A_37] : memref<256x128xf32, #tpu.memory_space<vmem>>, vector<256x128xf32>
    %concatenate3A_39 = tpu.concatenate %get3A_38, %mul3A_35 in 1 : vector<256x128xf32>, vector<256x128xf32> -> vector<256x256xf32>
    %convert_element_type3A_40 = arith.truncf %concatenate3A_39 : vector<256x256xf32> to vector<256x256xbf16>
    %dot_general3A_41 = arith.constant dense<0.000000e+00> : vector<256x128xf32>
    %dot_general3A_42 = tpu.matmul %convert_element_type3A_40, %get3A_1, %dot_general3A_41 {dimension_numbers = #tpu.dot_dimension_numbers<[1], [0], [0], [1], [0, 0, 1, 1], [], []>, transpose_lhs_hint = false} : vector<256x256xbf16>, vector<256x128xbf16>, vector<256x128xf32> -> vector<256x128xf32>
    %max3A_43 = arith.constant 0.000000e+00 : f32
    %max3A_44 = vector.broadcast %max3A_43 : f32 to vector<256x128xf32>
    %max3A_45 = arith.maximumf %dot_general3A_42, %max3A_44 : vector<256x128xf32>
    %slice3A_46 = vector.extract_strided_slice %max3A_21 {offsets = [0, 0], sizes = [256, 128], strides = [1, 1]} : vector<1280x128xf32> to vector<256x128xf32>
    %slice3A_47 = vector.extract_strided_slice %max3A_21 {offsets = [256, 0], sizes = [256, 128], strides = [1, 1]} : vector<1280x128xf32> to vector<256x128xf32>
    %add3A_48 = arith.addf %slice3A_46, %slice3A_47 : vector<256x128xf32>
    %slice3A_49 = vector.extract_strided_slice %max3A_21 {offsets = [512, 0], sizes = [256, 128], strides = [1, 1]} : vector<1280x128xf32> to vector<256x128xf32>
    %add3A_50 = arith.addf %add3A_48, %slice3A_49 : vector<256x128xf32>
    %slice3A_51 = vector.extract_strided_slice %max3A_21 {offsets = [768, 0], sizes = [256, 128], strides = [1, 1]} : vector<1280x128xf32> to vector<256x128xf32>
    %add3A_52 = arith.addf %add3A_50, %slice3A_51 : vector<256x128xf32>
    %slice3A_53 = vector.extract_strided_slice %max3A_21 {offsets = [1024, 0], sizes = [256, 128], strides = [1, 1]} : vector<1280x128xf32> to vector<256x128xf32>
    %add3A_54 = arith.addf %add3A_52, %slice3A_53 : vector<256x128xf32>
    %mul3A_55 = arith.constant 2.000000e-01 : f32
    %mul3A_56 = vector.broadcast %mul3A_55 : f32 to vector<256x128xf32>
    %mul3A_57 = arith.mulf %add3A_54, %mul3A_56 : vector<256x128xf32>
    %concatenate3A_58 = tpu.concatenate %max3A_45, %mul3A_57 in 1 : vector<256x128xf32>, vector<256x128xf32> -> vector<256x256xf32>
    %convert_element_type3A_59 = arith.truncf %concatenate3A_58 : vector<256x256xf32> to vector<256x256xbf16>
    %dot_general3A_60 = arith.constant dense<0.000000e+00> : vector<256x64xf32>
    %dot_general3A_61 = tpu.matmul %convert_element_type3A_59, %get3A_4, %dot_general3A_60 {dimension_numbers = #tpu.dot_dimension_numbers<[1], [0], [0], [1], [0, 0, 1, 1], [], []>, transpose_lhs_hint = false} : vector<256x256xbf16>, vector<256x64xbf16>, vector<256x64xf32> -> vector<256x64xf32>
    %max3A_62 = arith.constant 0.000000e+00 : f32
    %max3A_63 = vector.broadcast %max3A_62 : f32 to vector<256x64xf32>
    %max3A_64 = arith.maximumf %dot_general3A_61, %max3A_63 : vector<256x64xf32>
    %broadcast_in_dim3A = vector.shape_cast %max3A_64 : vector<256x64xf32> to vector<1x256x64xf32>
    %swap3A = arith.index_cast %arg1 : i32 to index
    %swap3A_65 = arith.constant 0 : index
    %swap3A_66 = arith.constant 0 : index
    %swap3A_67 = vector.load %arg14[%swap3A, %swap3A_65, %swap3A_66] : memref<4x256x64xf32, #tpu.memory_space<vmem>>, vector<1x256x64xf32>
    tpu.vector_store %arg14[%swap3A, %swap3A_65, %swap3A_66], %broadcast_in_dim3A {strides = array<i32>} : memref<4x256x64xf32, #tpu.memory_space<vmem>>, vector<1x256x64xf32>,
    %eq3A = arith.constant 3 : i32
    %eq3A_68 = arith.cmpi eq, %arg1, %eq3A : i32
    %convert_element_type3A_69 = arith.extui %eq3A_68 : i1 to i32
    %cond3A = arith.constant 0 : i32
    %cond3A_70 = arith.cmpi ne, %convert_element_type3A_69, %cond3A : i32
    scf.if %cond3A_70 {
      %get3A_71 = arith.constant 0 : index
      %get3A_72 = arith.constant 0 : index
      %get3A_73 = arith.constant 0 : index
      %get3A_74 = vector.load %arg5[%get3A_71, %get3A_72, %get3A_73] : memref<4x256x64xf32, #tpu.memory_space<vmem>>, vector<4x256x64xf32>
      %get3A_75 = arith.constant 0 : index
      %get3A_76 = arith.constant 0 : index
      %get3A_77 = arith.constant 0 : index
      %get3A_78 = vector.load %arg14[%get3A_75, %get3A_76, %get3A_77] : memref<4x256x64xf32, #tpu.memory_space<vmem>>, vector<4x256x64xf32>
      %concatenate3A_79 = tpu.concatenate %get3A_74, %get3A_78 in 0 : vector<4x256x64xf32>, vector<4x256x64xf32> -> vector<8x256x64xf32>
      %get3A_80 = arith.constant 0 : index
      %get3A_81 = arith.constant 0 : index
      %get3A_82 = vector.load %arg10[%get3A_80, %get3A_81] : memref<8x64xf32, #tpu.memory_space<vmem>>, vector<8x64xf32>
      %get3A_83 = arith.constant 0 : index
      %get3A_84 = arith.constant 0 : index
      %get3A_85 = vector.load %arg8[%get3A_83, %get3A_84] : memref<2x64xf32, #tpu.memory_space<vmem>>, vector<2x64xf32>
      %get3A_86 = arith.constant 0 : index
      %get3A_87 = arith.constant 0 : index
      %get3A_88 = vector.load %arg9[%get3A_86, %get3A_87] : memref<2x64xf32, #tpu.memory_space<vmem>>, vector<2x64xf32>
      %broadcast_in_dim3A_89 = vector.shape_cast %get3A_82 : vector<8x64xf32> to vector<8x1x64xf32>
      %add3A_90 = vector.broadcast %broadcast_in_dim3A_89 : vector<8x1x64xf32> to vector<8x256x64xf32>
      %add3A_91 = arith.addf %concatenate3A_79, %add3A_90 : vector<8x256x64xf32>
      %slice3A_92 = vector.extract_strided_slice %get3A_85 {offsets = [0, 0], sizes = [1, 64], strides = [1, 1]} : vector<2x64xf32> to vector<1x64xf32>
      %squeeze3A_93 = vector.shape_cast %slice3A_92 : vector<1x64xf32> to vector<64xf32>
      %broadcast_in_dim3A_94 = vector.shape_cast %squeeze3A_93 : vector<64xf32> to vector<1x1x64xf32>
      %mul3A_95 = vector.broadcast %broadcast_in_dim3A_94 : vector<1x1x64xf32> to vector<8x256x64xf32>
      %mul3A_96 = arith.mulf %add3A_91, %mul3A_95 : vector<8x256x64xf32>
      %reduce_sum3A = arith.constant dense<0.000000e+00> : vector<8x256xf32>
      %reduce_sum3A_97 = vector.multi_reduction <add>, %mul3A_96, %reduce_sum3A [2] : vector<8x256x64xf32> to vector<8x256xf32>
      %broadcast_in_dim3A_98 = vector.shape_cast %reduce_sum3A_97 : vector<8x256xf32> to vector<8x256x1xf32>
      %reduce_max3A = arith.constant dense<0xFF800000> : vector<256x1xf32>
      %reduce_max3A_99 = vector.multi_reduction <maximumf>, %broadcast_in_dim3A_98, %reduce_max3A [0] : vector<8x256x1xf32> to vector<256x1xf32>
      %broadcast_in_dim3A_100 = vector.shape_cast %reduce_max3A_99 : vector<256x1xf32> to vector<1x256x1xf32>
      %sub3A = vector.broadcast %broadcast_in_dim3A_100 : vector<1x256x1xf32> to vector<8x256x1xf32>
      %sub3A_101 = arith.subf %broadcast_in_dim3A_98, %sub3A : vector<8x256x1xf32>
      %exp3A = math.exp %sub3A_101 : vector<8x256x1xf32>
      %reduce_sum3A_102 = arith.constant dense<0.000000e+00> : vector<256x1xf32>
      %reduce_sum3A_103 = vector.multi_reduction <add>, %exp3A, %reduce_sum3A_102 [0] : vector<8x256x1xf32> to vector<256x1xf32>
      %broadcast_in_dim3A_104 = vector.shape_cast %reduce_sum3A_103 : vector<256x1xf32> to vector<1x256x1xf32>
      %div3A = vector.broadcast %broadcast_in_dim3A_104 : vector<1x256x1xf32> to vector<8x256x1xf32>
      %div3A_105 = arith.divf %exp3A, %div3A : vector<8x256x1xf32>
      %mul3A_106 = vector.broadcast %div3A_105 : vector<8x256x1xf32> to vector<8x256x64xf32>
      %mul3A_107 = arith.mulf %add3A_91, %mul3A_106 : vector<8x256x64xf32>
      %reduce_sum3A_108 = arith.constant dense<0.000000e+00> : vector<256x64xf32>
      %reduce_sum3A_109 = vector.multi_reduction <add>, %mul3A_107, %reduce_sum3A_108 [0] : vector<8x256x64xf32> to vector<256x64xf32>
      %mul3A_110 = arith.constant 6.000000e-01 : f32
      %mul3A_111 = vector.broadcast %mul3A_110 : f32 to vector<256x64xf32>
      %mul3A_112 = arith.mulf %reduce_sum3A_109, %mul3A_111 : vector<256x64xf32>
      %slice3A_113 = vector.extract_strided_slice %get3A_88 {offsets = [0, 0], sizes = [1, 64], strides = [1, 1]} : vector<2x64xf32> to vector<1x64xf32>
      %squeeze3A_114 = vector.shape_cast %slice3A_113 : vector<1x64xf32> to vector<64xf32>
      %broadcast_in_dim3A_115 = vector.shape_cast %squeeze3A_114 : vector<64xf32> to vector<1x1x64xf32>
      %mul3A_116 = vector.broadcast %broadcast_in_dim3A_115 : vector<1x1x64xf32> to vector<8x256x64xf32>
      %mul3A_117 = arith.mulf %concatenate3A_79, %mul3A_116 : vector<8x256x64xf32>
      %reduce_sum3A_118 = arith.constant dense<0.000000e+00> : vector<8x256xf32>
      %reduce_sum3A_119 = vector.multi_reduction <add>, %mul3A_117, %reduce_sum3A_118 [2] : vector<8x256x64xf32> to vector<8x256xf32>
      %broadcast_in_dim3A_120 = vector.shape_cast %reduce_sum3A_119 : vector<8x256xf32> to vector<8x256x1xf32>
      %reduce_max3A_121 = arith.constant dense<0xFF800000> : vector<256x1xf32>
      %reduce_max3A_122 = vector.multi_reduction <maximumf>, %broadcast_in_dim3A_120, %reduce_max3A_121 [0] : vector<8x256x1xf32> to vector<256x1xf32>
      %broadcast_in_dim3A_123 = vector.shape_cast %reduce_max3A_122 : vector<256x1xf32> to vector<1x256x1xf32>
      %sub3A_124 = vector.broadcast %broadcast_in_dim3A_123 : vector<1x256x1xf32> to vector<8x256x1xf32>
      %sub3A_125 = arith.subf %broadcast_in_dim3A_120, %sub3A_124 : vector<8x256x1xf32>
      %exp3A_126 = math.exp %sub3A_125 : vector<8x256x1xf32>
      %reduce_sum3A_127 = arith.constant dense<0.000000e+00> : vector<256x1xf32>
      %reduce_sum3A_128 = vector.multi_reduction <add>, %exp3A_126, %reduce_sum3A_127 [0] : vector<8x256x1xf32> to vector<256x1xf32>
      %broadcast_in_dim3A_129 = vector.shape_cast %reduce_sum3A_128 : vector<256x1xf32> to vector<1x256x1xf32>
      %div3A_130 = vector.broadcast %broadcast_in_dim3A_129 : vector<1x256x1xf32> to vector<8x256x1xf32>
      %div3A_131 = arith.divf %exp3A_126, %div3A_130 : vector<8x256x1xf32>
      %mul3A_132 = vector.broadcast %div3A_131 : vector<8x256x1xf32> to vector<8x256x64xf32>
      %mul3A_133 = arith.mulf %concatenate3A_79, %mul3A_132 : vector<8x256x64xf32>
      %reduce_sum3A_134 = arith.constant dense<0.000000e+00> : vector<256x64xf32>
      %reduce_sum3A_135 = vector.multi_reduction <add>, %mul3A_133, %reduce_sum3A_134 [0] : vector<8x256x64xf32> to vector<256x64xf32>
      %mul3A_136 = arith.constant 4.000000e-01 : f32
      %mul3A_137 = vector.broadcast %mul3A_136 : f32 to vector<256x64xf32>
      %mul3A_138 = arith.mulf %reduce_sum3A_135, %mul3A_137 : vector<256x64xf32>
      %add3A_139 = arith.addf %mul3A_112, %mul3A_138 : vector<256x64xf32>
      %slice3A_140 = vector.extract_strided_slice %concatenate3A_79 {offsets = [0, 0, 0], sizes = [1, 256, 64], strides = [1, 1, 1]} : vector<8x256x64xf32> to vector<1x256x64xf32>
      %squeeze3A_141 = vector.shape_cast %slice3A_140 : vector<1x256x64xf32> to vector<256x64xf32>
      %slice3A_142 = vector.extract_strided_slice %concatenate3A_79 {offsets = [2, 0, 0], sizes = [1, 256, 64], strides = [1, 1, 1]} : vector<8x256x64xf32> to vector<1x256x64xf32>
      %squeeze3A_143 = vector.shape_cast %slice3A_142 : vector<1x256x64xf32> to vector<256x64xf32>
      %slice3A_144 = vector.extract_strided_slice %concatenate3A_79 {offsets = [4, 0, 0], sizes = [1, 256, 64], strides = [1, 1, 1]} : vector<8x256x64xf32> to vector<1x256x64xf32>
      %squeeze3A_145 = vector.shape_cast %slice3A_144 : vector<1x256x64xf32> to vector<256x64xf32>
      %slice3A_146 = vector.extract_strided_slice %concatenate3A_79 {offsets = [6, 0, 0], sizes = [1, 256, 64], strides = [1, 1, 1]} : vector<8x256x64xf32> to vector<1x256x64xf32>
      %squeeze3A_147 = vector.shape_cast %slice3A_146 : vector<1x256x64xf32> to vector<256x64xf32>
      %stack3A = vector.shape_cast %squeeze3A_141 : vector<256x64xf32> to vector<1x256x64xf32>
      %stack3A_148 = vector.shape_cast %squeeze3A_143 : vector<256x64xf32> to vector<1x256x64xf32>
      %stack3A_149 = vector.shape_cast %squeeze3A_145 : vector<256x64xf32> to vector<1x256x64xf32>
      %stack3A_150 = vector.shape_cast %squeeze3A_147 : vector<256x64xf32> to vector<1x256x64xf32>
      %stack3A_151 = tpu.concatenate %stack3A, %stack3A_148, %stack3A_149, %stack3A_150 in 0 : vector<1x256x64xf32>, vector<1x256x64xf32>, vector<1x256x64xf32>, vector<1x256x64xf32> -> vector<4x256x64xf32>
      %slice3A_152 = vector.extract_strided_slice %get3A_82 {offsets = [0, 0], sizes = [4, 64], strides = [1, 1]} : vector<8x64xf32> to vector<4x64xf32>
      %broadcast_in_dim3A_153 = vector.shape_cast %slice3A_152 : vector<4x64xf32> to vector<4x1x64xf32>
      %add3A_154 = vector.broadcast %broadcast_in_dim3A_153 : vector<4x1x64xf32> to vector<4x256x64xf32>
      %add3A_155 = arith.addf %stack3A_151, %add3A_154 : vector<4x256x64xf32>
      %slice3A_156 = vector.extract_strided_slice %get3A_85 {offsets = [1, 0], sizes = [1, 64], strides = [1, 1]} : vector<2x64xf32> to vector<1x64xf32>
      %squeeze3A_157 = vector.shape_cast %slice3A_156 : vector<1x64xf32> to vector<64xf32>
      %broadcast_in_dim3A_158 = vector.shape_cast %squeeze3A_157 : vector<64xf32> to vector<1x1x64xf32>
      %mul3A_159 = vector.broadcast %broadcast_in_dim3A_158 : vector<1x1x64xf32> to vector<4x256x64xf32>
      %mul3A_160 = arith.mulf %add3A_155, %mul3A_159 : vector<4x256x64xf32>
      %reduce_sum3A_161 = arith.constant dense<0.000000e+00> : vector<4x256xf32>
      %reduce_sum3A_162 = vector.multi_reduction <add>, %mul3A_160, %reduce_sum3A_161 [2] : vector<4x256x64xf32> to vector<4x256xf32>
      %broadcast_in_dim3A_163 = vector.shape_cast %reduce_sum3A_162 : vector<4x256xf32> to vector<4x256x1xf32>
      %reduce_max3A_164 = arith.constant dense<0xFF800000> : vector<256x1xf32>
      %reduce_max3A_165 = vector.multi_reduction <maximumf>, %broadcast_in_dim3A_163, %reduce_max3A_164 [0] : vector<4x256x1xf32> to vector<256x1xf32>
      %broadcast_in_dim3A_166 = vector.shape_cast %reduce_max3A_165 : vector<256x1xf32> to vector<1x256x1xf32>
      %sub3A_167 = vector.broadcast %broadcast_in_dim3A_166 : vector<1x256x1xf32> to vector<4x256x1xf32>
      %sub3A_168 = arith.subf %broadcast_in_dim3A_163, %sub3A_167 : vector<4x256x1xf32>
      %exp3A_169 = math.exp %sub3A_168 : vector<4x256x1xf32>
      %reduce_sum3A_170 = arith.constant dense<0.000000e+00> : vector<256x1xf32>
      %reduce_sum3A_171 = vector.multi_reduction <add>, %exp3A_169, %reduce_sum3A_170 [0] : vector<4x256x1xf32> to vector<256x1xf32>
      %broadcast_in_dim3A_172 = vector.shape_cast %reduce_sum3A_171 : vector<256x1xf32> to vector<1x256x1xf32>
      %div3A_173 = vector.broadcast %broadcast_in_dim3A_172 : vector<1x256x1xf32> to vector<4x256x1xf32>
      %div3A_174 = arith.divf %exp3A_169, %div3A_173 : vector<4x256x1xf32>
      %mul3A_175 = vector.broadcast %div3A_174 : vector<4x256x1xf32> to vector<4x256x64xf32>
      %mul3A_176 = arith.mulf %add3A_155, %mul3A_175 : vector<4x256x64xf32>
      %reduce_sum3A_177 = arith.constant dense<0.000000e+00> : vector<256x64xf32>
      %reduce_sum3A_178 = vector.multi_reduction <add>, %mul3A_176, %reduce_sum3A_177 [0] : vector<4x256x64xf32> to vector<256x64xf32>
      %mul3A_179 = arith.constant 6.000000e-01 : f32
      %mul3A_180 = vector.broadcast %mul3A_179 : f32 to vector<256x64xf32>
      %mul3A_181 = arith.mulf %reduce_sum3A_178, %mul3A_180 : vector<256x64xf32>
      %slice3A_182 = vector.extract_strided_slice %get3A_88 {offsets = [1, 0], sizes = [1, 64], strides = [1, 1]} : vector<2x64xf32> to vector<1x64xf32>
      %squeeze3A_183 = vector.shape_cast %slice3A_182 : vector<1x64xf32> to vector<64xf32>
      %broadcast_in_dim3A_184 = vector.shape_cast %squeeze3A_183 : vector<64xf32> to vector<1x1x64xf32>
      %mul3A_185 = vector.broadcast %broadcast_in_dim3A_184 : vector<1x1x64xf32> to vector<4x256x64xf32>
      %mul3A_186 = arith.mulf %stack3A_151, %mul3A_185 : vector<4x256x64xf32>
      %reduce_sum3A_187 = arith.constant dense<0.000000e+00> : vector<4x256xf32>
      %reduce_sum3A_188 = vector.multi_reduction <add>, %mul3A_186, %reduce_sum3A_187 [2] : vector<4x256x64xf32> to vector<4x256xf32>
      %broadcast_in_dim3A_189 = vector.shape_cast %reduce_sum3A_188 : vector<4x256xf32> to vector<4x256x1xf32>
      %reduce_max3A_190 = arith.constant dense<0xFF800000> : vector<256x1xf32>
      %reduce_max3A_191 = vector.multi_reduction <maximumf>, %broadcast_in_dim3A_189, %reduce_max3A_190 [0] : vector<4x256x1xf32> to vector<256x1xf32>
      %broadcast_in_dim3A_192 = vector.shape_cast %reduce_max3A_191 : vector<256x1xf32> to vector<1x256x1xf32>
      %sub3A_193 = vector.broadcast %broadcast_in_dim3A_192 : vector<1x256x1xf32> to vector<4x256x1xf32>
      %sub3A_194 = arith.subf %broadcast_in_dim3A_189, %sub3A_193 : vector<4x256x1xf32>
      %exp3A_195 = math.exp %sub3A_194 : vector<4x256x1xf32>
      %reduce_sum3A_196 = arith.constant dense<0.000000e+00> : vector<256x1xf32>
      %reduce_sum3A_197 = vector.multi_reduction <add>, %exp3A_195, %reduce_sum3A_196 [0] : vector<4x256x1xf32> to vector<256x1xf32>
      %broadcast_in_dim3A_198 = vector.shape_cast %reduce_sum3A_197 : vector<256x1xf32> to vector<1x256x1xf32>
      %div3A_199 = vector.broadcast %broadcast_in_dim3A_198 : vector<1x256x1xf32> to vector<4x256x1xf32>
      %div3A_200 = arith.divf %exp3A_195, %div3A_199 : vector<4x256x1xf32>
      %mul3A_201 = vector.broadcast %div3A_200 : vector<4x256x1xf32> to vector<4x256x64xf32>
      %mul3A_202 = arith.mulf %stack3A_151, %mul3A_201 : vector<4x256x64xf32>
      %reduce_sum3A_203 = arith.constant dense<0.000000e+00> : vector<256x64xf32>
      %reduce_sum3A_204 = vector.multi_reduction <add>, %mul3A_202, %reduce_sum3A_203 [0] : vector<4x256x64xf32> to vector<256x64xf32>
      %mul3A_205 = arith.constant 4.000000e-01 : f32
      %mul3A_206 = vector.broadcast %mul3A_205 : f32 to vector<256x64xf32>
      %mul3A_207 = arith.mulf %reduce_sum3A_204, %mul3A_206 : vector<256x64xf32>
      %add3A_208 = arith.addf %mul3A_181, %mul3A_207 : vector<256x64xf32>
      %add3A_209 = arith.addf %add3A_139, %add3A_208 : vector<256x64xf32>
      %mul3A_210 = arith.constant 5.000000e-01 : f32
      %mul3A_211 = vector.broadcast %mul3A_210 : f32 to vector<256x64xf32>
      %mul3A_212 = arith.mulf %add3A_209, %mul3A_211 : vector<256x64xf32>
      %get3A_213 = arith.constant 0 : index
      %get3A_214 = arith.constant 0 : index
      %get3A_215 = vector.load %arg11[%get3A_213, %get3A_214] : memref<64x128xf32, #tpu.memory_space<vmem>>, vector<64x128xf32>
      %dot_general3A_216 = arith.constant dense<0.000000e+00> : vector<256x128xf32>
      %dot_general3A_217 = tpu.matmul %mul3A_212, %get3A_215, %dot_general3A_216 {dimension_numbers = #tpu.dot_dimension_numbers<[1], [0], [0], [1], [0, 0, 1, 1], [], []>, transpose_lhs_hint = false} : vector<256x64xf32>, vector<64x128xf32>, vector<256x128xf32> -> vector<256x128xf32>
      %get3A_218 = arith.constant 0 : index
      %get3A_219 = arith.constant 0 : index
      %get3A_220 = vector.load %arg12[%get3A_218, %get3A_219] : memref<1x128xf32, #tpu.memory_space<vmem>>, vector<1x128xf32>
      %add3A_221 = vector.broadcast %get3A_220 : vector<1x128xf32> to vector<256x128xf32>
      %add3A_222 = arith.addf %dot_general3A_217, %add3A_221 : vector<256x128xf32>
      %swap3A_223 = arith.constant 0 : index
      %swap3A_224 = arith.constant 0 : index
      %swap3A_225 = vector.load %arg13[%swap3A_223, %swap3A_224] : memref<256x128xf32, #tpu.memory_space<vmem>>, vector<256x128xf32>
      tpu.vector_store %arg13[%swap3A_223, %swap3A_224], %add3A_222 {strides = array<i32>} : memref<256x128xf32, #tpu.memory_space<vmem>>, vector<256x128xf32>,
    } else {
    }
    return
  }
  func.func @transform_0(%arg0: i32, %arg1: i32) -> (i32, i32, i32, i32) {
    %c0_i32 = arith.constant 0 : i32
    %c0_i32_0 = arith.constant 0 : i32
    %c0_i32_1 = arith.constant 0 : i32
    return %c0_i32, %arg1, %arg0, %c0_i32_0 : i32, i32, i32, i32
  }
  func.func @transform_1(%arg0: i32, %arg1: i32) -> (i32, i32, i32, i32) {
    %c0_i32 = arith.constant 0 : i32
    %c0_i32_0 = arith.constant 0 : i32
    %c0_i32_1 = arith.constant 0 : i32
    return %c0_i32, %arg1, %arg0, %c0_i32_0 : i32, i32, i32, i32
  }
  func.func @transform_2(%arg0: i32, %arg1: i32) -> (i32, i32) {
    %c0_i32 = arith.constant 0 : i32
    %c0_i32_0 = arith.constant 0 : i32
    return %arg0, %c0_i32 : i32, i32
  }
  func.func @transform_3(%arg0: i32, %arg1: i32) -> (i32, i32, i32) {
    %c0_i32 = arith.constant 0 : i32
    %c0_i32_0 = arith.constant 0 : i32
    %c0_i32_1 = arith.constant 0 : i32
    return %c0_i32, %arg0, %c0_i32_0 : i32, i32, i32
  }
  func.func @transform_4(%arg0: i32, %arg1: i32) -> (i32, i32) {
    %c0_i32 = arith.constant 0 : i32
    %c0_i32_0 = arith.constant 0 : i32
    %c0_i32_1 = arith.constant 0 : i32
    return %c0_i32, %c0_i32_0 : i32, i32
  }
  func.func @transform_5(%arg0: i32, %arg1: i32) -> (i32, i32) {
    %c0_i32 = arith.constant 0 : i32
    %c0_i32_0 = arith.constant 0 : i32
    %c0_i32_1 = arith.constant 0 : i32
    return %c0_i32, %c0_i32_0 : i32, i32
  }
  func.func @transform_6(%arg0: i32, %arg1: i32) -> (i32, i32) {
    %c0_i32 = arith.constant 0 : i32
    %c0_i32_0 = arith.constant 0 : i32
    %c0_i32_1 = arith.constant 0 : i32
    return %c0_i32, %c0_i32_0 : i32, i32
  }
  func.func @transform_7(%arg0: i32, %arg1: i32) -> (i32, i32) {
    %c0_i32 = arith.constant 0 : i32
    %c0_i32_0 = arith.constant 0 : i32
    %c0_i32_1 = arith.constant 0 : i32
    return %c0_i32, %c0_i32_0 : i32, i32
  }
  func.func @transform_8(%arg0: i32, %arg1: i32) -> (i32, i32) {
    %c0_i32 = arith.constant 0 : i32
    %c0_i32_0 = arith.constant 0 : i32
    %c0_i32_1 = arith.constant 0 : i32
    return %c0_i32, %c0_i32_0 : i32, i32
  }
  func.func @transform_9(%arg0: i32, %arg1: i32) -> (i32, i32) {
    %c0_i32 = arith.constant 0 : i32
    %c0_i32_0 = arith.constant 0 : i32
    %c0_i32_1 = arith.constant 0 : i32
    return %c0_i32, %c0_i32_0 : i32, i32
  }
  func.func @transform_10(%arg0: i32, %arg1: i32) -> (i32, i32) {
    %c0_i32 = arith.constant 0 : i32
    %c0_i32_0 = arith.constant 0 : i32
    %c0_i32_1 = arith.constant 0 : i32
    return %c0_i32, %c0_i32_0 : i32, i32
  }
  func.func @transform_11(%arg0: i32, %arg1: i32) -> (i32, i32) {
    %c0_i32 = arith.constant 0 : i32
    %c0_i32_0 = arith.constant 0 : i32
    return %arg0, %c0_i32 : i32, i32
  }
}

</mosaic_0001>

<sc_bundles>
// kernel: kernel.6.cloned.1.call-start
scs
__scs_entry_jumppad:
0x0: {  	(pc) =	sbr.rel $0x88, $3  }
0x1: {  	(tag) =	ssettag $0x0;
	lr =	simm.s32 $0x1  }
0x2: {  	[smem:$0x3F94] =	sst lr;
	_ =	strace $0xD0000000  }
0x3: {  	_ = 	snop  }
0x4: {  	_ = 	snop  }
0x5: {  	_ = 	snop  }
0x6: {  	_ = 	snop  }
0x7: {  	_ = 	snop  }
__scs_overlays_trampoline_lowered:
0x8: {  	[smem:$0x3FA3] =	sst s0  }
0x9: {  	[smem:$0x3FA4] =	sst s1  }
0xa: {  	[smem:$0x3FA5] =	sst s2  }
0xb: {  	[smem:$0x3FA6] =	sst s3  }
0xc: {  	[smem:$0x3FA7] =	sst s4  }
0xd: {  	[smem:$0x3FA8] =	sst s5  }
0xe: {  	[smem:$0x3FA9] =	sst s6  }
0xf: {  	[smem:$0x3FAA] =	sst s7  }
0x10: {  	[smem:$0x3FAB] =	sst s8  }
0x11: {  	[smem:$0x3FAC] =	sst s9;
	s0 =	simm.s32 @!p0 $0x0  }
0x12: {  	s1 =	sld [smem:$0x3F92];
	s0 =	simm.s32 @p0 $0x1  }
0x13: {  	[smem:$0x3FAD] =	sst s0;
	s0 =	simm.s32 @!p1 $0x0  }
0x14: {  	s2 =	sld [smem:$0x3F91];
	s0 =	simm.s32 @p1 $0x1  }
0x15: {  	[smem:$0x3FAE] =	sst s0;
	s0 =	simm.s32 @!p2 $0x0  }
0x16: {  	s3 =	sld [smem:$0x3FDB];
	s0 =	simm.s32 @p2 $0x1  }
0x17: {  	s4 =	simm.s32 $0x1BF5;
	[smem:$0x3FB0] =	sst s0  }
0x18: {  	s0 =	sld [smem:$0x3F93];
	_ =	swait.ge [sflag:s4], $0x0  }
0x19: {  	s7 =	sld [smem:$0x3F94]  }
0x1a: {  	s8 =	sadd.s32 $0xFFFFE003, lr  }
0x1b: {  	s9 =	sadd.s32 $0xFFFFFEF7, lr;
	s5 =	simm.s32 $0xFFFFFFFF;
	p2 =	slt.u32 s8, $0xFFFFF086  }
0x1c: {  	p1 =	slt.u32 s9, $0xF7A;
	s5 =	simm.s32 @!p2 $0x0  }
0x1d: {  	s5 =	simm.s32 @p1 $0x1;
	p0 =	seq.s32 s7, s2  }
0x1e: {  	s7 =	smul.u32 @!p0 $0xF7A, s2;
	p2 =	seq.s32 @!p0 s5, $0x0  }
0x1f: {  	s9 =	smul.u32 $0xF7A, s1;
	s8 =	simm.s32 @!p0 $0x1BF5;
	p2 =	por !p2, p0  }
0x20: {  	[sflag:s8] =	ssyncset.s32 @!p0 $0xFFFFF086;
	s6 =	sadd.s32 @!p0 s3, s7;
	s7 =	simm.s32 @!p0 $0x108  }
0x21: {  	s3 =	sadd.s32 s3, s9;
	s6 =	sadd.s32 @!p0 $0x88, s6;
	s7 =	simm.s32 @p2 $0x1082  }
0x22: {  	[simem:s7], [sflag:s8] =	dma.local @!p0 [hbm:s6], $0xF7A  }
0x23: {  	s9 =	sor.u32 $0xD0000000, s2;
	s6 =	simm.s32 $0x108;
	_ =	swait.ge @!p0 [sflag:s8], $0x0  }
0x24: {  	s3 =	sadd.s32 $0x88, s3;
	s6 =	simm.s32 @!p1 $0x1082;
	[sflag:s4] =	ssyncset.s32 $0xFFFFF086  }
0x25: {  	[simem:s6], [sflag:s4] =	dma.local [hbm:s3], $0xF7A  }
0x26: {  	[smem:$0x3F94] =	sst s1;
	(tag) =	ssettag s2;
	_ =	strace s9  }
0x27: {  	s1 =	sld [smem:$0x3FA4]  }
0x28: {  	s2 =	sld [smem:$0x3FA5]  }
0x29: {  	s4 =	sld [smem:$0x3FA7]  }
0x2a: {  	p0 =	seq.s32 s5, $0x0;
	s5 =	sld [smem:$0x3FA8]  }
0x2b: {  	s6 =	sld [smem:$0x3FA9]  }
0x2c: {  	s7 =	sld [smem:$0x3FAA]  }
0x2d: {  	s3 =	simm.s32 $0x108;
	s8 =	sld [smem:$0x3FAB]  }
0x2e: {  	s3 =	simm.s32 @!p0 $0x1082;
	s9 =	sld [smem:$0x3FAC]  }
0x2f: {  	lr =	sadd.s32 s0, s3;
	s0 =	sld [smem:$0x3FA3]  }
0x30: {  	s3 =	sld [smem:$0x3FA6]  }
0x31: {  	[smem:$0x3FAF] =	sst s10  }
0x32: {  	s10 =	sld [smem:$0x3FAD];
	_ =	sdelay $0x3  }
0x33: {  	p0 =	seq.s32 s10, $0x1;
	s10 =	sld [smem:$0x3FAF];
	_ =	sdelay $0x3  }
0x34: {  	[smem:$0x3FAF] =	sst s10  }
0x35: {  	s10 =	sld [smem:$0x3FAE];
	_ =	sdelay $0x3  }
0x36: {  	p1 =	seq.s32 s10, $0x1;
	s10 =	sld [smem:$0x3FAF];
	_ =	sdelay $0x3  }
0x37: {  	[smem:$0x3FAF] =	sst s10  }
0x38: {  	s10 =	sld [smem:$0x3FB0]  }
0x39: {  	_ = 	snop;
	(pc) =	sbr.ind lr, $3  }
0x3a: {  	_ = 	snop  }
0x3b: {  	_ = 	snop  }
0x3c: {  	p2 =	seq.s32 s10, $0x1;
	s10 =	sld [smem:$0x3FAF]  }
0x3d: {  	_ =	shalt  }
0x3e: {  	_ =	shalt  }
0x3f: {  	_ =	shalt  }
0x40: {  	_ =	shalt  }
0x41: {  	_ =	shalt  }
0x42: {  	_ =	shalt  }
0x43: {  	_ =	shalt  }
0x44: {  	_ =	shalt  }
0x45: {  	_ =	shalt  }
0x46: {  	_ =	shalt  }
0x47: {  	_ =	shalt  }
0x48: {  	_ =	shalt  }
0x49: {  	_ =	shalt  }
0x4a: {  	_ =	shalt  }
0x4b: {  	_ =	shalt  }
0x4c: {  	_ =	shalt  }
0x4d: {  	_ =	shalt  }
0x4e: {  	_ =	shalt  }
0x4f: {  	_ =	shalt  }
0x50: {  	_ =	shalt  }
0x51: {  	_ =	shalt  }
0x52: {  	_ =	shalt  }
0x53: {  	_ =	shalt  }
0x54: {  	_ =	shalt  }
0x55: {  	_ =	shalt  }
0x56: {  	_ =	shalt  }
0x57: {  	_ =	shalt  }
0x58: {  	_ =	shalt  }
0x59: {  	_ =	shalt  }
0x5a: {  	_ =	shalt  }
0x5b: {  	_ =	shalt  }
0x5c: {  	_ =	shalt  }
0x5d: {  	_ =	shalt  }
0x5e: {  	_ =	shalt  }
0x5f: {  	_ =	shalt  }
0x60: {  	_ =	shalt  }
0x61: {  	_ =	shalt  }
0x62: {  	_ =	shalt  }
0x63: {  	_ =	shalt  }
0x64: {  	_ =	shalt  }
0x65: {  	_ =	shalt  }
0x66: {  	_ =	shalt  }
0x67: {  	_ =	shalt  }
0x68: {  	_ =	shalt  }
0x69: {  	_ =	shalt  }
0x6a: {  	_ =	shalt  }
0x6b: {  	_ =	shalt  }
0x6c: {  	_ =	shalt  }
0x6d: {  	_ =	shalt  }
0x6e: {  	_ =	shalt  }
0x6f: {  	_ =	shalt  }
0x70: {  	_ =	shalt  }
0x71: {  	_ =	shalt  }
0x72: {  	_ =	shalt  }
0x73: {  	_ =	shalt  }
0x74: {  	_ =	shalt  }
0x75: {  	_ =	shalt  }
0x76: {  	_ =	shalt  }
0x77: {  	_ =	shalt  }
0x78: {  	_ =	shalt  }
0x79: {  	_ =	shalt  }
0x7a: {  	_ =	shalt  }
0x7b: {  	_ =	shalt  }
0x7c: {  	_ =	shalt  }
0x7d: {  	_ =	shalt  }
0x7e: {  	_ =	shalt  }
0x7f: {  	_ =	shalt  }
0x80: {  	_ =	shalt  }
0x81: {  	_ =	shalt  }
0x82: {  	_ =	shalt  }
0x83: {  	_ =	shalt  }
0x84: {  	_ =	shalt  }
0x85: {  	_ =	shalt  }
0x86: {  	_ =	shalt  }
0x87: {  	_ =	shalt  }
.Lfunc_end0:
.L_simem_size_0:
called_computation_lowered:
.L_overlay_start_0:
0x88: {  	s2 =	sld [smem:$0x3FD9]  }
0x89: {  	s3 =	sld [smem:$0x3FFE];
	_ =	sdelay $0x1  }
0x8a: {  	s1 =	srdreg.scid  }
0x8b: {  	s0 =	sand.u32 $0x1, s1  }
0x8c: {  	s17 =	sshll.u32 s0, $0xA;
	s2 =	sadd.s32 s3, s2  }
0x8d: {  	s2 =	sadd.s32 s2, s17  }
0x8e: {  	[smem:$0x3FBB] =	sst s2  }
0x8f: {  	_ = 	snop  }
0x90: {  	s2 =	sld [smem:$0x3FC9]  }
0x91: {  	s18 =	sld [smem:$0x3FC8]  }
0x92: {  	s4 =	sld [smem:$0x3FD0];
	(tm) =	ssettm $0x1  }
0x93: {  	s5 =	sld [smem:$0x3FFB];
	_ =	sdelay $0x3  }
0x94: {  	_ =	strace s5  }
0x95: {  	s5 =	sld [smem:$0x3FFC];
	_ =	sdelay $0x3  }
0x96: {  	_ =	strace s5  }
0x97: {  	s5 =	sld [smem:$0x3FFD];
	_ =	sdelay $0x3  }
0x98: {  	_ =	strace s5  }
0x99: {  	_ =	strace $0x8FFFFFFF  }
0x9a: {  	s19 =	sld [smem:$0x3FDB];
	_ =	sdelay $0x1  }
0x9b: {  	s6 =	simm.s32 $_scs_section_size  }
0x9c: {  	s7 =	simm.s32 $_size__tile_overlayer_lowered;
	s8 =	simm.s32 $_tile_overlayer_lowered  }
0x9d: {  	s22 =	simm.s32 $0x1BFF;
	s21 =	sshll.u32 s8, $0x1;
	s5 =	sadd.s32 s6, s19  }
0x9e: {  	s9 =	simm.s32 $0x0;
	s20 =	sshll.u32 s7, $0x1;
	s7 =	sadd.s32 s21, s5  }
0x9f: {  	[timem:s9], [sflag:s22] =	dma.local [hbm:s7], s20  }
0xa0: {  	_ =	swait.ge [sflag:s22], s20  }
0xa1: {  	s6 =	ssub.s32 $0x0, s20;
	[sflag:s22] =	ssyncset.done $0x0  }
0xa2: {  	[sflag:s22] =	ssyncadd.s32 s6;
	_ =	sdelay $0x1  }
0xa3: {  	s23 =	simm.s32 $0x1B8B  }
0xa4: {  	_ =	swait.ge [sflag:s23], $0x1  }
0xa5: {  	[sflag:s23] =	ssyncset.done $0x0  }
0xa6: {  	s25 =	simm.s32 $0x1B8E;
	s24 =	sld [smem:$0x3FFE];
	[sflag:s23] =	ssyncadd.s32 $0xFFFFFFFF  }
0xa7: {  	s26 =	simm.s32 $execute0_lowered;
	[smem:$0x3FD2] =	sst s25  }
0xa8: {  	s7 =	sshll.u32 s26, $0x1;
	_ =	strace $0x80000046;
	[dreg:$0x1] =	wrdreg $0xFFFFFFFF  }
0xa9: {  	s28 =	simm.s32 $_size_execute0_lowered;
	s5 =	sadd.s32 s5, s7;
	[dreg:$0x0] =	wrdreg $0x0  }
0xaa: {  	s7 =	sshll.u32 s28, $0x1;
	[dreg:$0x2] =	wrdreg s5  }
0xab: {  	[dreg:$0x3] =	wrdreg s7  }
0xac: {  	[dreg:$0x4] =	wrdreg $0xC0  }
0xad: {  	_ =	task [dreg:s9], $0x5FFFF  }
0xae: {  	[dreg:$0x1] =	wrdreg $0xFFFFFFFF  }
0xaf: {  	[dreg:$0x0] =	wrdreg $0x60  }
0xb0: {  	[dreg:$0x2] =	wrdreg s2  }
0xb1: {  	[dreg:$0x3] =	wrdreg s24  }
0xb2: {  	[dreg:$0x4] =	wrdreg s18  }
0xb3: {  	[dreg:$0x5] =	wrdreg s4  }
0xb4: {  	[dreg:$0x6] =	wrdreg $0x9  }
0xb5: {  	_ =	task.clear_ibuf [dreg:s9], $0x7FFFF;
	_ =	strace $0x90000046  }
0xb6: {  	s29 =	simm.s32 $0x9;
	_ =	strace $0x80000048  }
0xb7: {  	_ =	swait.ge [sflag:s29], $0x1  }
0xb8: {  	[sflag:s29] =	ssyncadd.s32 $0xFFFFFFFF  }
0xb9: {  	_ =	strace $0x90000048  }
0xba: {  	_ =	sfence  }
0xbb: {  	s30 =	sld [smem:$0x0];
	_ =	sdelay $0x2  }
0xbc: {  	s31 =	sshll.u32 s1, $0xD;
	s1 =	sshrl.u32 s1, $0x2  }
0xbd: {  	s3 =	sand.u32 $0x4000, s31;
	s1 =	sadd.s32 s1, s30  }
0xbe: {  	s0 =	sor.u32 s3, s0;
	s1 =	sshll.u32 s1, $0x11  }
0xbf: {  	s0 =	sor.u32 s1, s0  }
0xc0: {  	s0 =	sadd.s32 $0x8F2B, s0  }
0xc1: {  	[sflag:s0] =	ssyncadd.remote.s32 $0x1  }
0xc2: {  	_ =	sfence.sel $0xFFFF  }
0xc3: {  	[dreg:$0x0] =	wrdreg $0xFFFFFFFF;
	(pc) =	sbr.abs _section_cstart, $3  }
0xc4: {  	[dreg:$0x1] =	wrdreg $0xFFFFFFFF  }
0xc5: {  	_ =	task.clear_ibuf [dreg:s9], $0x2FFFF;
	_ =	strace $0x9FFFFFFF  }
0xc6: {  	(tm) =	ssettm $0x7FFFFFFF  }
0xc7: {  	_ =	shalt  }
tec
execute0_lowered:
.L_overlay_start_1:
0x0: {  	(tag) =	ssettag $0x1  }
0x1: {  	s1 =	rddreg [dreg:$0x0]  }
0x2: {  	s2 =	rddreg [dreg:$0x1]  }
0x3: {  	s0 =	srdreg.scid;
	s4 =	rddreg [dreg:$0x2]  }
0x4: {  	s17 =	stileid.u32;
	s6 =	rddreg [dreg:$0x3];
	s19 =	simm.s32 $0x5  }
0x5: {  	s28 =	simm.s32 $0x1;
	s29 =	simm.s32 $0x2;
	s30 =	simm.s32 $0x12800  }
0x6: {  	s31 =	simm.s32 $0x3;
	s0 =	sand.u32 $0x1, s0;
	s3 =	sshll.u32 s17, $0x1  }
0x7: {  	s18 =	sadd.s32 $0x11400, s2;
	s26 =	sshll.u32 s17, $0xC;
	s5 =	sor.u32 s0, s3  }
0x8: {  	s3 =	simm.s32 $0x0;
	s9 =	ssub.s32 $0x2, s0;
	s7 =	smul.u32 $0x280, s5  }
0x9: {  	s0 =	sshll.u32 s0, $0xB;
	s8 =	smul.u32 $0x500, s5;
	[smem:$0x7FF] =	sst s3  }
0xa: {  	s14 =	sshll.u32 s5, $0xB;
	s10 =	sshrl.u32 s9, $0x1;
	s5 =	sshll.u32 s5, $0x4  }
0xb: {  	_ =	strace $0x80000047;
	s15 =	ssub.s32 s9, s10;
	s23 =	sadd.s32 s18, s14  }
0xc: {  	s13 =	sadd.s32 s4, s5;
	s7 =	sshrl.u32 s7, $0x3;
	s8 =	sshrl.u32 s8, $0x3  }
0xd: {  	s15 =	smax.u32 s15, $0x1;
	s16 =	sadd.s32 $0x120000, s23;
	s17 =	sadd.s32 $0x130000, s23  }
0xe: {  	s23 =	simm.s32 $0x80;
	s7 =	sadd.s32 s7, s2;
	s8 =	sadd.s32 s8, s2  }
0xf: {  	s2 =	sadd.s32 s14, s2;
	s14 =	sadd.s32 s6, s14;
	s20 =	sadd.s32 $0xC400, s7  }
0x10: {  	s21 =	sadd.s32 $0xCE00, s7;
	s22 =	sadd.s32 $0xD800, s7;
	[dreg:$0x5] =	wrdreg s20  }
0x11: {  	s7 =	sadd.s32 $0xE200, s7;
	s24 =	sadd.s32 $0x2400, s8;
	[dreg:$0x6] =	wrdreg s21  }
0x12: {  	s25 =	sadd.s32 $0x3800, s8;
	s10 =	sadd.s32 $0x4C00, s8;
	[dreg:$0x7] =	wrdreg s22  }
0x13: {  	s11 =	sadd.s32 $0x6000, s8;
	s12 =	sadd.s32 $0x151400, s2;
	[dreg:$0x8] =	wrdreg s7  }
0x14: {  	s2 =	sadd.s32 s26, s18;
	s26 =	simm.s32 $0x6800;
	[dreg:$0x9] =	wrdreg s24  }
0x15: {  	[dreg:$0xa] =	wrdreg s25;
	s18 =	sadd.s32 s0, s2;
	s21 =	simm.s32 $0x500  }
0x16: {  	v1 =	vlaneseq.u32;
	s24 =	simm.s32 $0x1400;
	s25 =	simm.s32 $0x2800;
	s20 =	simm.s32 $0xA800  }
0x17: {  	v0 =	vmul.u32 $0x5, v1;
	v1 =	vmul.u32 $0xA, v1;
	s22 =	simm.s32 $0xE800;
	s2 =	simm.s32 $0x4;
	s0 =	simm.s32 $0x0  }
.LBB2_1:
0x18: {  	s4 =	rddreg [dreg:$0x5]  }
0x19: {  	[tilespmem:s3], [sflag:$0x5] =	stream.linear.gather [hbm4b:s4+s3], $0x280, $0x38;
	[tilespmem:$0x16800] =	vst v63  }
0x1a: {  	_ =	swait.ge [sflag:s19], $0x280  }
0x1b: {  	[sflag:s19] =	ssyncset.done $0x0  }
0x1c: {  	s5 =	simm.s32 $0x280;
	s9 =	rddreg [dreg:$0x6];
	[sflag:s19] =	ssyncadd.s32 $0xFFFFFD80  }
0x1d: {  	[tilespmem:s5], [sflag:$0x5] =	stream.linear.gather [hbm4b:s9+s3], $0x280, $0x38;
	[tilespmem:$0x16800] =	vst v63  }
0x1e: {  	_ =	swait.ge [sflag:s19], $0x280  }
0x1f: {  	s7 =	sand.u32 $0x3, s3;
	[sflag:s19] =	ssyncset.done $0x0  }
0x20: {  	s4 =	smul.u32 $0x280, s7;
	s6 =	rddreg [dreg:$0x7];
	[sflag:s19] =	ssyncadd.s32 $0xFFFFFD80  }
0x21: {  	[tilespmem:s21], [sflag:$0x5] =	stream.linear.gather [hbm4b:s6+s3], $0x280, $0x38;
	[tilespmem:$0x16800] =	vst v63  }
0x22: {  	_ =	swait.ge [sflag:s19], $0x280  }
0x23: {  	s6 =	sadd.s32 $0x0, s4;
	[sflag:s19] =	ssyncset.done $0x0  }
0x24: {  	s9 =	simm.s32 $0x780;
	v2 =	vadd.s32 s6, v0;
	s8 =	rddreg [dreg:$0x8];
	[sflag:s19] =	ssyncadd.s32 $0xFFFFFD80  }
0x25: {  	[tilespmem:s9], [sflag:$0x5] =	stream.linear.gather [hbm4b:s8+s3], $0x280, $0x38;
	[tilespmem:$0x16800] =	vst v63  }
0x26: {  	_ =	swait.ge [sflag:s19], $0x280  }
0x27: {  	[sflag:s19] =	ssyncset.done $0x0  }
0x28: {  	[sflag:s19] =	ssyncadd.s32 $0xFFFFFD80  }
0x29: {  	s7 =	sor.u32 $0x50, s6;
	v2 =	vld.idx.msk [tilespmem:v2+s3+$0x0], $0xffff  }
0x2a: {  	v3 =	vadd.s32 s7, v0;
	_ =	sdelay $0x2  }
0x2b: {  	s4 =	simm.s32 $0x1440  }
0x2c: {  	[tilespmem:s4+$0xFFFFFFC0] =	vst v2  }
0x2d: {  	s8 =	sadd.s32 $0xA0, s6;
	v2 =	vld.idx.msk [tilespmem:v3+s3+$0x0], $0xffff  }
0x2e: {  	v3 =	vadd.s32 s8, v0;
	_ =	sdelay $0x3  }
0x2f: {  	[tilespmem:s4+$0xFFFFFFD0] =	vst v2  }
0x30: {  	s9 =	sadd.s32 $0xF0, s6;
	v2 =	vld.idx.msk [tilespmem:v3+s3+$0x0], $0xffff  }
0x31: {  	v3 =	vadd.s32 s9, v0;
	_ =	sdelay $0x3  }
0x32: {  	[tilespmem:s4+$0xFFFFFFE0] =	vst v2  }
0x33: {  	s7 =	sadd.s32 $0x140, s6;
	v2 =	vld.idx.msk [tilespmem:v3+s3+$0x0], $0xffff  }
0x34: {  	v3 =	vadd.s32 s7, v0;
	_ =	sdelay $0x3  }
0x35: {  	[tilespmem:s4+$0xFFFFFFF0] =	vst v2  }
0x36: {  	s8 =	sadd.s32 $0x190, s6;
	v2 =	vld.idx.msk [tilespmem:v3+s3+$0x0], $0xffff  }
0x37: {  	v3 =	vadd.s32 s8, v0;
	_ =	sdelay $0x3  }
0x38: {  	[tilespmem:s4+$0x0] =	vst v2  }
0x39: {  	s9 =	sadd.s32 $0x1E0, s6;
	v2 =	vld.idx.msk [tilespmem:v3+s3+$0x0], $0xffff  }
0x3a: {  	v3 =	vadd.s32 s9, v0;
	_ =	sdelay $0x3  }
0x3b: {  	[tilespmem:s4+$0x10] =	vst v2  }
0x3c: {  	s6 =	sadd.s32 $0x230, s6;
	v2 =	vld.idx.msk [tilespmem:v3+s3+$0x0], $0xffff  }
0x3d: {  	v3 =	vadd.s32 s6, v0;
	_ =	sdelay $0x1  }
0x3e: {  	s5 =	simm.s32 $0x1  }
0x3f: {  	s7 =	sand.u32 $0x3, s5;
	s6 =	simm.s32 $0x2  }
.LBB2_2:
0x40: {  	p0 =	sne.s32 s6, $0x13;
	s7 =	smul.u32 $0x280, s7;
	[tilespmem:s4+$0x20] =	vst v2  }
0x41: {  	s8 =	sshrl.u32 s5, $0x2;
	s5 =	smov.u32 s6;
	v2 =	vld.idx.msk [tilespmem:v3+s3+$0x0], $0xffff  }
0x42: {  	s7 =	sadd.s32 s8, s7  }
0x43: {  	v3 =	vadd.s32 s7, v0;
	_ =	sdelay $0x3  }
0x44: {  	[tilespmem:s4+$0x30] =	vst v2  }
0x45: {  	v2 =	vld.idx.msk [tilespmem:v3+s3+$0x0], $0xffff  }
0x46: {  	s8 =	sor.u32 $0x50, s7  }
0x47: {  	v3 =	vadd.s32 s8, v0;
	_ =	sdelay $0x2  }
0x48: {  	s4 =	sadd.s32 $0x80, s4  }
0x49: {  	[tilespmem:s4+$0xFFFFFFC0] =	vst v2  }
0x4a: {  	v2 =	vld.idx.msk [tilespmem:v3+s3+$0x0], $0xffff  }
0x4b: {  	s8 =	sadd.s32 $0xA0, s7  }
0x4c: {  	v3 =	vadd.s32 s8, v0;
	_ =	sdelay $0x3  }
0x4d: {  	[tilespmem:s4+$0xFFFFFFD0] =	vst v2  }
0x4e: {  	v2 =	vld.idx.msk [tilespmem:v3+s3+$0x0], $0xffff  }
0x4f: {  	s8 =	sadd.s32 $0xF0, s7  }
0x50: {  	v3 =	vadd.s32 s8, v0;
	_ =	sdelay $0x3  }
0x51: {  	[tilespmem:s4+$0xFFFFFFE0] =	vst v2  }
0x52: {  	v2 =	vld.idx.msk [tilespmem:v3+s3+$0x0], $0xffff  }
0x53: {  	s8 =	sadd.s32 $0x140, s7  }
0x54: {  	v3 =	vadd.s32 s8, v0;
	_ =	sdelay $0x3  }
0x55: {  	[tilespmem:s4+$0xFFFFFFF0] =	vst v2  }
0x56: {  	v2 =	vld.idx.msk [tilespmem:v3+s3+$0x0], $0xffff  }
0x57: {  	s8 =	sadd.s32 $0x190, s7  }
0x58: {  	v3 =	vadd.s32 s8, v0;
	_ =	sdelay $0x3  }
0x59: {  	[tilespmem:s4+$0x0] =	vst v2  }
0x5a: {  	v2 =	vld.idx.msk [tilespmem:v3+s3+$0x0], $0xffff  }
0x5b: {  	s8 =	sadd.s32 $0x1E0, s7  }
0x5c: {  	v3 =	vadd.s32 s8, v0;
	_ =	sdelay $0x3  }
0x5d: {  	[tilespmem:s4+$0x10] =	vst v2  }
0x5e: {  	v2 =	vld.idx.msk [tilespmem:v3+s3+$0x0], $0xffff  }
.Ltmp0:
0x5f: {  	s7 =	sadd.s32 $0x230, s7;
	(pc) =	sbr.rel @p0 .LBB2_2-.Ltmp0, $2  }
0x60: {  	v3 =	vadd.s32 s7, v0;
	_ =	sdelay $0x2  }
0x61: {  	s6 =	sadd.s32 $0x1, s6;
	s7 =	sand.u32 $0x3, s5  }
0x62: {  	_ =	sdelay $0x1  }
0x63: {  	s6 =	smul.u32 $0x280, s7  }
0x64: {  	[tilespmem:s4+$0x20] =	vst v2;
	s5 =	sshrl.u32 s5, $0x2  }
0x65: {  	v2 =	vld.idx.msk [tilespmem:v3+s3+$0x0], $0xffff;
	s5 =	sadd.s32 s5, s6  }
0x66: {  	v3 =	vadd.s32 s5, v0;
	_ =	sdelay $0x3  }
0x67: {  	[tilespmem:s4+$0x30] =	vst v2  }
0x68: {  	s6 =	sor.u32 $0x50, s5;
	v2 =	vld.idx.msk [tilespmem:v3+s3+$0x0], $0xffff  }
0x69: {  	v3 =	vadd.s32 s6, v0;
	_ =	sdelay $0x2  }
0x6a: {  	s4 =	sadd.s32 $0x80, s4  }
0x6b: {  	[tilespmem:s4+$0xFFFFFFC0] =	vst v2  }
0x6c: {  	s9 =	sadd.s32 $0xA0, s5;
	v2 =	vld.idx.msk [tilespmem:v3+s3+$0x0], $0xffff  }
0x6d: {  	v3 =	vadd.s32 s9, v0;
	_ =	sdelay $0x3  }
0x6e: {  	[tilespmem:s4+$0xFFFFFFD0] =	vst v2  }
0x6f: {  	s7 =	sadd.s32 $0xF0, s5;
	v2 =	vld.idx.msk [tilespmem:v3+s3+$0x0], $0xffff  }
0x70: {  	v3 =	vadd.s32 s7, v0;
	_ =	sdelay $0x3  }
0x71: {  	[tilespmem:s4+$0xFFFFFFE0] =	vst v2  }
0x72: {  	s8 =	sadd.s32 $0x140, s5;
	v2 =	vld.idx.msk [tilespmem:v3+s3+$0x0], $0xffff  }
0x73: {  	v3 =	vadd.s32 s8, v0;
	_ =	sdelay $0x3  }
0x74: {  	[tilespmem:s4+$0xFFFFFFF0] =	vst v2  }
0x75: {  	s9 =	sadd.s32 $0x190, s5;
	v2 =	vld.idx.msk [tilespmem:v3+s3+$0x0], $0xffff  }
0x76: {  	v3 =	vadd.s32 s9, v0;
	_ =	sdelay $0x3  }
0x77: {  	[tilespmem:s4+$0x0] =	vst v2  }
0x78: {  	s7 =	sadd.s32 $0x1E0, s5;
	v2 =	vld.idx.msk [tilespmem:v3+s3+$0x0], $0xffff  }
0x79: {  	v3 =	vadd.s32 s7, v0;
	_ =	sdelay $0x3  }
0x7a: {  	[tilespmem:s4+$0x10] =	vst v2  }
0x7b: {  	s5 =	sadd.s32 $0x230, s5;
	v2 =	vld.idx.msk [tilespmem:v3+s3+$0x0], $0xffff  }
0x7c: {  	v3 =	vadd.s32 s5, v0;
	_ =	sdelay $0x3  }
0x7d: {  	[tilespmem:s4+$0x20] =	vst v2  }
0x7e: {  	v2 =	vld.idx.msk [tilespmem:v3+s3+$0x0], $0xffff;
	_ =	sdelay $0x4  }
0x7f: {  	[tilespmem:s4+$0x30] =	vst v2  }
0x80: {  	[tilespmem:s25], [sflag:$0x1] =	stream.indirect.gather [hbm4b:s1+s23], $0x80, s24, s23, $0xb8;
	[tilespmem:$0x16800] =	vst v63  }
0x81: {  	s4 =	simm.s32 $0x1480  }
0x82: {  	[tilespmem:s26], [sflag:$0x2] =	stream.indirect.gather [hbm4b:s1+s23], $0x80, s4, s23, $0xb8;
	[tilespmem:$0x16800] =	vst v63  }
0x83: {  	_ =	swait.ge [sflag:s28], $0x4000  }
0x84: {  	[sflag:s28] =	ssyncset.done $0x0  }
0x85: {  	s8 =	sadd.s32 $0x0, s18;
	[sflag:s28] =	ssyncadd.s32 $0xFFFFC000  }
0x86: {  	[hbm4b:s8+s3] =	stream.linear.scatter [tilespmem:s25], [sflag:$0x5], $0x4000, $0x38;
	[tilespmem:$0x16800] =	vst v63  }
0x87: {  	_ =	swait.ge [sflag:s19], $0x4000  }
0x88: {  	[sflag:s19] =	ssyncset.done $0x0  }
0x89: {  	s9 =	simm.s32 $0x1500;
	[sflag:s19] =	ssyncadd.s32 $0xFFFFC000  }
0x8a: {  	[tilespmem:s25], [sflag:$0x1] =	stream.indirect.gather [hbm4b:s1+s23], $0x80, s9, s23, $0xb8;
	[tilespmem:$0x16800] =	vst v63  }
0x8b: {  	_ =	swait.ge [sflag:s29], $0x4000  }
0x8c: {  	[sflag:s29] =	ssyncset.done $0x0  }
0x8d: {  	s5 =	sadd.s32 $0x10000, s8;
	[sflag:s29] =	ssyncadd.s32 $0xFFFFC000  }
0x8e: {  	[hbm4b:s5+s3] =	stream.linear.scatter [tilespmem:s26], [sflag:$0x5], $0x4000, $0x38;
	[tilespmem:$0x16800] =	vst v63  }
0x8f: {  	_ =	swait.ge [sflag:s19], $0x4000  }
0x90: {  	s5 =	simm.s32 $0x20000;
	[sflag:s19] =	ssyncset.done $0x0  }
.LBB2_4:
0x91: {  	p0 =	sne.s32 s5, $0x100000;
	[sflag:s19] =	ssyncadd.s32 $0xFFFFC000;
	s4 =	sadd.s32 $0x100, s4  }
0x92: {  	[tilespmem:s26], [sflag:$0x2] =	stream.indirect.gather [hbm4b:s1+s23], $0x80, s4, s23, $0xb8;
	[tilespmem:$0x16800] =	vst v63  }
0x93: {  	s6 =	smov.u32 s5;
	s5 =	sadd.s32 $0x20000, s5;
	_ =	swait.ge [sflag:s28], $0x4000  }
0x94: {  	[sflag:s28] =	ssyncset.done $0x0  }
0x95: {  	s6 =	sadd.s32 s6, s18;
	[sflag:s28] =	ssyncadd.s32 $0xFFFFC000  }
0x96: {  	[hbm4b:s6+s3] =	stream.linear.scatter [tilespmem:s25], [sflag:$0x5], $0x4000, $0x38;
	[tilespmem:$0x16800] =	vst v63  }
0x97: {  	_ =	swait.ge [sflag:s19], $0x4000  }
0x98: {  	[sflag:s19] =	ssyncset.done $0x0  }
0x99: {  	s7 =	sadd.s32 $0x80, s4;
	[sflag:s19] =	ssyncadd.s32 $0xFFFFC000  }
0x9a: {  	[tilespmem:s25], [sflag:$0x1] =	stream.indirect.gather [hbm4b:s1+s23], $0x80, s7, s23, $0xb8;
	[tilespmem:$0x16800] =	vst v63  }
0x9b: {  	_ =	swait.ge [sflag:s29], $0x4000  }
.Ltmp1:
0x9c: {  	[sflag:s29] =	ssyncset.done $0x0;
	(pc) =	sbr.rel @p0 .LBB2_4-.Ltmp1, $4  }
0x9d: {  	s6 =	sadd.s32 $0x10000, s6;
	[sflag:s29] =	ssyncadd.s32 $0xFFFFC000  }
0x9e: {  	[hbm4b:s6+s3] =	stream.linear.scatter [tilespmem:s26], [sflag:$0x5], $0x4000, $0x38;
	[tilespmem:$0x16800] =	vst v63  }
0x9f: {  	_ =	swait.ge [sflag:s19], $0x4000  }
0xa0: {  	[sflag:s19] =	ssyncset.done $0x0  }
0xa1: {  	[sflag:s19] =	ssyncadd.s32 $0xFFFFC000;
	s4 =	simm.s32 $0x1D80  }
0xa2: {  	[tilespmem:s26], [sflag:$0x2] =	stream.indirect.gather [hbm4b:s1+s23], $0x80, s4, s23, $0xb8;
	[tilespmem:$0x16800] =	vst v63  }
0xa3: {  	_ =	swait.ge [sflag:s28], $0x4000  }
0xa4: {  	[sflag:s28] =	ssyncset.done $0x0  }
0xa5: {  	s4 =	simm.s32 $0x0;
	[sflag:s28] =	ssyncadd.s32 $0xFFFFC000  }
0xa6: {  	[hbm4b:s16+s4] =	stream.linear.scatter [tilespmem:s25], [sflag:$0x5], $0x4000, $0x38;
	[tilespmem:$0x16800] =	vst v63  }
0xa7: {  	_ =	swait.ge [sflag:s19], $0x4000  }
0xa8: {  	[sflag:s19] =	ssyncset.done $0x0  }
0xa9: {  	[sflag:s19] =	ssyncadd.s32 $0xFFFFC000  }
0xaa: {  	_ =	swait.ge [sflag:s29], $0x4000  }
0xab: {  	[sflag:s29] =	ssyncset.done $0x0  }
0xac: {  	[sflag:s29] =	ssyncadd.s32 $0xFFFFC000  }
0xad: {  	[hbm4b:s17+s4] =	stream.linear.scatter [tilespmem:s26], [sflag:$0x5], $0x4000, $0x38;
	[tilespmem:$0x16800] =	vst v63  }
0xae: {  	_ =	swait.ge [sflag:s19], $0x4000  }
0xaf: {  	[sflag:s19] =	ssyncset.done $0x0  }
0xb0: {  	s5 =	rddreg [dreg:$0x9];
	[sflag:s19] =	ssyncadd.s32 $0xFFFFC000  }
0xb1: {  	[tilespmem:s4], [sflag:$0x5] =	stream.linear.gather [hbm4b:s5+s4], $0x500, $0x38;
	[tilespmem:$0x16800] =	vst v63  }
0xb2: {  	_ =	swait.ge [sflag:s19], $0x500  }
0xb3: {  	[sflag:s19] =	ssyncset.done $0x0  }
0xb4: {  	s6 =	rddreg [dreg:$0xa];
	[sflag:s19] =	ssyncadd.s32 $0xFFFFFB00  }
0xb5: {  	[tilespmem:s21], [sflag:$0x5] =	stream.linear.gather [hbm4b:s6+s4], $0x500, $0x38;
	[tilespmem:$0x16800] =	vst v63  }
0xb6: {  	_ =	swait.ge [sflag:s19], $0x500  }
0xb7: {  	s7 =	simm.s32 $0xA00;
	s8 =	sand.u32 $0x3, s4;
	[sflag:s19] =	ssyncset.done $0x0  }
0xb8: {  	s5 =	smul.u32 $0x500, s8;
	s6 =	simm.s32 $0x0;
	[sflag:s19] =	ssyncadd.s32 $0xFFFFFB00  }
0xb9: {  	[tilespmem:s7], [sflag:$0x5] =	stream.linear.gather [hbm4b:s10+s4], $0x500, $0x38;
	[tilespmem:$0x16800] =	vst v63  }
0xba: {  	s6 =	sand.u32 $0xE, s6;
	_ =	swait.ge [sflag:s19], $0x500  }
0xbb: {  	s7 =	sor.u32 s6, s5;
	[sflag:s19] =	ssyncset.done $0x0  }
0xbc: {  	s9 =	simm.s32 $0xF00;
	v2 =	vadd.s32 s7, v1;
	[sflag:s19] =	ssyncadd.s32 $0xFFFFFB00  }
0xbd: {  	[tilespmem:s9], [sflag:$0x5] =	stream.linear.gather [hbm4b:s11+s4], $0x500, $0x38;
	[tilespmem:$0x16800] =	vst v63  }
0xbe: {  	_ =	swait.ge [sflag:s19], $0x500  }
0xbf: {  	[sflag:s19] =	ssyncset.done $0x0  }
0xc0: {  	[sflag:s19] =	ssyncadd.s32 $0xFFFFFB00  }
0xc1: {  	s6 =	sor.u32 $0x1, s7;
	v2 =	vld.idx.msk [tilespmem:v2+s3+$0x0], $0xffff  }
0xc2: {  	v3 =	vadd.s32 s6, v1;
	_ =	sdelay $0x2  }
0xc3: {  	s4 =	simm.s32 $0x1440  }
0xc4: {  	[tilespmem:s4+$0xFFFFFFC0] =	vst v2  }
0xc5: {  	s8 =	sor.u32 $0xA0, s7;
	v2 =	vld.idx.msk [tilespmem:v3+s3+$0x0], $0xffff  }
0xc6: {  	v3 =	vadd.s32 s8, v1;
	_ =	sdelay $0x2  }
0xc7: {  	s5 =	simm.s32 $0x1E40  }
0xc8: {  	[tilespmem:s5+$0xFFFFFFC0] =	vst v2  }
0xc9: {  	s6 =	sor.u32 $0xA1, s7;
	v2 =	vld.idx.msk [tilespmem:v3+s3+$0x0], $0xffff  }
0xca: {  	v3 =	vadd.s32 s6, v1;
	_ =	sdelay $0x3  }
0xcb: {  	[tilespmem:s4+$0xFFFFFFD0] =	vst v2  }
0xcc: {  	s9 =	sadd.s32 $0x140, s7;
	v2 =	vld.idx.msk [tilespmem:v3+s3+$0x0], $0xffff  }
0xcd: {  	v3 =	vadd.s32 s9, v1;
	_ =	sdelay $0x3  }
0xce: {  	[tilespmem:s5+$0xFFFFFFD0] =	vst v2  }
0xcf: {  	s8 =	sadd.s32 $0x141, s7;
	v2 =	vld.idx.msk [tilespmem:v3+s3+$0x0], $0xffff  }
0xd0: {  	v3 =	vadd.s32 s8, v1;
	_ =	sdelay $0x3  }
0xd1: {  	[tilespmem:s4+$0xFFFFFFE0] =	vst v2  }
0xd2: {  	s9 =	sadd.s32 $0x1E0, s7;
	v2 =	vld.idx.msk [tilespmem:v3+s3+$0x0], $0xffff  }
0xd3: {  	v3 =	vadd.s32 s9, v1;
	_ =	sdelay $0x3  }
0xd4: {  	[tilespmem:s5+$0xFFFFFFE0] =	vst v2  }
0xd5: {  	s8 =	sadd.s32 $0x1E1, s7;
	v2 =	vld.idx.msk [tilespmem:v3+s3+$0x0], $0xffff  }
0xd6: {  	v3 =	vadd.s32 s8, v1;
	_ =	sdelay $0x3  }
0xd7: {  	[tilespmem:s4+$0xFFFFFFF0] =	vst v2  }
0xd8: {  	s9 =	sadd.s32 $0x280, s7;
	v2 =	vld.idx.msk [tilespmem:v3+s3+$0x0], $0xffff  }
0xd9: {  	v3 =	vadd.s32 s9, v1;
	_ =	sdelay $0x3  }
0xda: {  	[tilespmem:s5+$0xFFFFFFF0] =	vst v2  }
0xdb: {  	s8 =	sadd.s32 $0x281, s7;
	v2 =	vld.idx.msk [tilespmem:v3+s3+$0x0], $0xffff  }
0xdc: {  	v3 =	vadd.s32 s8, v1;
	_ =	sdelay $0x3  }
0xdd: {  	[tilespmem:s4+$0x0] =	vst v2  }
0xde: {  	s9 =	sadd.s32 $0x320, s7;
	v2 =	vld.idx.msk [tilespmem:v3+s3+$0x0], $0xffff  }
0xdf: {  	v3 =	vadd.s32 s9, v1;
	_ =	sdelay $0x3  }
0xe0: {  	[tilespmem:s5+$0x0] =	vst v2  }
0xe1: {  	s8 =	sadd.s32 $0x321, s7;
	v2 =	vld.idx.msk [tilespmem:v3+s3+$0x0], $0xffff  }
0xe2: {  	v3 =	vadd.s32 s8, v1;
	_ =	sdelay $0x3  }
0xe3: {  	[tilespmem:s4+$0x10] =	vst v2  }
0xe4: {  	s9 =	sadd.s32 $0x3C0, s7;
	v2 =	vld.idx.msk [tilespmem:v3+s3+$0x0], $0xffff  }
0xe5: {  	v3 =	vadd.s32 s9, v1;
	_ =	sdelay $0x3  }
0xe6: {  	[tilespmem:s5+$0x10] =	vst v2  }
0xe7: {  	s8 =	sadd.s32 $0x3C1, s7;
	v2 =	vld.idx.msk [tilespmem:v3+s3+$0x0], $0xffff  }
0xe8: {  	v3 =	vadd.s32 s8, v1;
	_ =	sdelay $0x3  }
0xe9: {  	[tilespmem:s4+$0x20] =	vst v2  }
0xea: {  	s9 =	sadd.s32 $0x460, s7;
	v2 =	vld.idx.msk [tilespmem:v3+s3+$0x0], $0xffff  }
0xeb: {  	v3 =	vadd.s32 s9, v1;
	_ =	sdelay $0x3  }
0xec: {  	[tilespmem:s5+$0x20] =	vst v2  }
0xed: {  	s7 =	sadd.s32 $0x461, s7;
	v2 =	vld.idx.msk [tilespmem:v3+s3+$0x0], $0xffff  }
0xee: {  	v3 =	vadd.s32 s7, v1;
	_ =	sdelay $0x1  }
0xef: {  	s6 =	simm.s32 $0x1  }
0xf0: {  	s8 =	sand.u32 $0x3, s6;
	s7 =	simm.s32 $0x2  }
.LBB2_6:
0xf1: {  	p0 =	sne.s32 s7, $0x13;
	s8 =	smul.u32 $0x500, s8;
	s6 =	sshrl.u32 s6, $0x1;
	[tilespmem:s4+$0x30] =	vst v2  }
0xf2: {  	s9 =	sand.u32 $0xE, s6;
	v2 =	vld.idx.msk [tilespmem:v3+s3+$0x0], $0xffff;
	s6 =	smov.u32 s7  }
0xf3: {  	s8 =	sor.u32 s9, s8  }
0xf4: {  	v3 =	vadd.s32 s8, v1;
	_ =	sdelay $0x3  }
0xf5: {  	[tilespmem:s5+$0x30] =	vst v2  }
0xf6: {  	v2 =	vld.idx.msk [tilespmem:v3+s3+$0x0], $0xffff  }
0xf7: {  	s9 =	sor.u32 $0x1, s8  }
0xf8: {  	v3 =	vadd.s32 s9, v1;
	_ =	sdelay $0x2  }
0xf9: {  	s4 =	sadd.s32 $0x80, s4  }
0xfa: {  	[tilespmem:s4+$0xFFFFFFC0] =	vst v2  }
0xfb: {  	v2 =	vld.idx.msk [tilespmem:v3+s3+$0x0], $0xffff  }
0xfc: {  	s9 =	sor.u32 $0xA0, s8  }
0xfd: {  	v3 =	vadd.s32 s9, v1;
	_ =	sdelay $0x2  }
0xfe: {  	s5 =	sadd.s32 $0x80, s5  }
0xff: {  	[tilespmem:s5+$0xFFFFFFC0] =	vst v2  }
0x100: {  	v2 =	vld.idx.msk [tilespmem:v3+s3+$0x0], $0xffff  }
0x101: {  	s9 =	sor.u32 $0xA1, s8  }
0x102: {  	v3 =	vadd.s32 s9, v1;
	_ =	sdelay $0x3  }
0x103: {  	[tilespmem:s4+$0xFFFFFFD0] =	vst v2  }
0x104: {  	v2 =	vld.idx.msk [tilespmem:v3+s3+$0x0], $0xffff  }
0x105: {  	s9 =	sadd.s32 $0x140, s8  }
0x106: {  	v3 =	vadd.s32 s9, v1;
	_ =	sdelay $0x3  }
0x107: {  	[tilespmem:s5+$0xFFFFFFD0] =	vst v2  }
0x108: {  	v2 =	vld.idx.msk [tilespmem:v3+s3+$0x0], $0xffff  }
0x109: {  	s9 =	sadd.s32 $0x141, s8  }
0x10a: {  	v3 =	vadd.s32 s9, v1;
	_ =	sdelay $0x3  }
0x10b: {  	[tilespmem:s4+$0xFFFFFFE0] =	vst v2  }
0x10c: {  	v2 =	vld.idx.msk [tilespmem:v3+s3+$0x0], $0xffff  }
0x10d: {  	s9 =	sadd.s32 $0x1E0, s8  }
0x10e: {  	v3 =	vadd.s32 s9, v1;
	_ =	sdelay $0x3  }
0x10f: {  	[tilespmem:s5+$0xFFFFFFE0] =	vst v2  }
0x110: {  	v2 =	vld.idx.msk [tilespmem:v3+s3+$0x0], $0xffff  }
0x111: {  	s9 =	sadd.s32 $0x1E1, s8  }
0x112: {  	v3 =	vadd.s32 s9, v1;
	_ =	sdelay $0x3  }
0x113: {  	[tilespmem:s4+$0xFFFFFFF0] =	vst v2  }
0x114: {  	v2 =	vld.idx.msk [tilespmem:v3+s3+$0x0], $0xffff  }
0x115: {  	s9 =	sadd.s32 $0x280, s8  }
0x116: {  	v3 =	vadd.s32 s9, v1;
	_ =	sdelay $0x3  }
0x117: {  	[tilespmem:s5+$0xFFFFFFF0] =	vst v2  }
0x118: {  	v2 =	vld.idx.msk [tilespmem:v3+s3+$0x0], $0xffff  }
0x119: {  	s9 =	sadd.s32 $0x281, s8  }
0x11a: {  	v3 =	vadd.s32 s9, v1;
	_ =	sdelay $0x3  }
0x11b: {  	[tilespmem:s4+$0x0] =	vst v2  }
0x11c: {  	v2 =	vld.idx.msk [tilespmem:v3+s3+$0x0], $0xffff  }
0x11d: {  	s9 =	sadd.s32 $0x320, s8  }
0x11e: {  	v3 =	vadd.s32 s9, v1;
	_ =	sdelay $0x3  }
0x11f: {  	[tilespmem:s5+$0x0] =	vst v2  }
0x120: {  	v2 =	vld.idx.msk [tilespmem:v3+s3+$0x0], $0xffff  }
0x121: {  	s9 =	sadd.s32 $0x321, s8  }
0x122: {  	v3 =	vadd.s32 s9, v1;
	_ =	sdelay $0x3  }
0x123: {  	[tilespmem:s4+$0x10] =	vst v2  }
0x124: {  	v2 =	vld.idx.msk [tilespmem:v3+s3+$0x0], $0xffff  }
0x125: {  	s9 =	sadd.s32 $0x3C0, s8  }
0x126: {  	v3 =	vadd.s32 s9, v1;
	_ =	sdelay $0x3  }
0x127: {  	[tilespmem:s5+$0x10] =	vst v2  }
0x128: {  	v2 =	vld.idx.msk [tilespmem:v3+s3+$0x0], $0xffff  }
0x129: {  	s9 =	sadd.s32 $0x3C1, s8  }
0x12a: {  	v3 =	vadd.s32 s9, v1;
	_ =	sdelay $0x3  }
0x12b: {  	[tilespmem:s4+$0x20] =	vst v2  }
0x12c: {  	v2 =	vld.idx.msk [tilespmem:v3+s3+$0x0], $0xffff  }
0x12d: {  	s9 =	sadd.s32 $0x460, s8  }
0x12e: {  	v3 =	vadd.s32 s9, v1;
	_ =	sdelay $0x3  }
0x12f: {  	[tilespmem:s5+$0x20] =	vst v2  }
0x130: {  	v2 =	vld.idx.msk [tilespmem:v3+s3+$0x0], $0xffff  }
.Ltmp2:
0x131: {  	s8 =	sadd.s32 $0x461, s8;
	(pc) =	sbr.rel @p0 .LBB2_6-.Ltmp2, $2  }
0x132: {  	v3 =	vadd.s32 s8, v1;
	_ =	sdelay $0x2  }
0x133: {  	s7 =	sadd.s32 $0x1, s7;
	s8 =	sand.u32 $0x3, s6  }
0x134: {  	_ =	sdelay $0x1  }
0x135: {  	s7 =	smul.u32 $0x500, s8;
	s6 =	sshrl.u32 s6, $0x1  }
0x136: {  	[tilespmem:s4+$0x30] =	vst v2;
	s6 =	sand.u32 $0xE, s6  }
0x137: {  	v2 =	vld.idx.msk [tilespmem:v3+s3+$0x0], $0xffff;
	s6 =	sor.u32 s6, s7  }
0x138: {  	v3 =	vadd.s32 s6, v1;
	_ =	sdelay $0x3  }
0x139: {  	[tilespmem:s5+$0x30] =	vst v2  }
0x13a: {  	s7 =	sor.u32 $0x1, s6;
	v2 =	vld.idx.msk [tilespmem:v3+s3+$0x0], $0xffff  }
0x13b: {  	v3 =	vadd.s32 s7, v1;
	_ =	sdelay $0x2  }
0x13c: {  	s4 =	sadd.s32 $0x80, s4  }
0x13d: {  	[tilespmem:s4+$0xFFFFFFC0] =	vst v2  }
0x13e: {  	s8 =	sor.u32 $0xA0, s6;
	v2 =	vld.idx.msk [tilespmem:v3+s3+$0x0], $0xffff  }
0x13f: {  	v3 =	vadd.s32 s8, v1;
	_ =	sdelay $0x2  }
0x140: {  	s5 =	sadd.s32 $0x80, s5  }
0x141: {  	[tilespmem:s5+$0xFFFFFFC0] =	vst v2  }
0x142: {  	s9 =	sor.u32 $0xA1, s6;
	v2 =	vld.idx.msk [tilespmem:v3+s3+$0x0], $0xffff  }
0x143: {  	v3 =	vadd.s32 s9, v1;
	_ =	sdelay $0x3  }
0x144: {  	[tilespmem:s4+$0xFFFFFFD0] =	vst v2  }
0x145: {  	s8 =	sadd.s32 $0x140, s6;
	v2 =	vld.idx.msk [tilespmem:v3+s3+$0x0], $0xffff  }
0x146: {  	v3 =	vadd.s32 s8, v1;
	_ =	sdelay $0x3  }
0x147: {  	[tilespmem:s5+$0xFFFFFFD0] =	vst v2  }
0x148: {  	s9 =	sadd.s32 $0x141, s6;
	v2 =	vld.idx.msk [tilespmem:v3+s3+$0x0], $0xffff  }
0x149: {  	v3 =	vadd.s32 s9, v1;
	_ =	sdelay $0x3  }
0x14a: {  	[tilespmem:s4+$0xFFFFFFE0] =	vst v2  }
0x14b: {  	s8 =	sadd.s32 $0x1E0, s6;
	v2 =	vld.idx.msk [tilespmem:v3+s3+$0x0], $0xffff  }
0x14c: {  	v3 =	vadd.s32 s8, v1;
	_ =	sdelay $0x3  }
0x14d: {  	[tilespmem:s5+$0xFFFFFFE0] =	vst v2  }
0x14e: {  	s9 =	sadd.s32 $0x1E1, s6;
	v2 =	vld.idx.msk [tilespmem:v3+s3+$0x0], $0xffff  }
0x14f: {  	v3 =	vadd.s32 s9, v1;
	_ =	sdelay $0x3  }
0x150: {  	[tilespmem:s4+$0xFFFFFFF0] =	vst v2  }
0x151: {  	s8 =	sadd.s32 $0x280, s6;
	v2 =	vld.idx.msk [tilespmem:v3+s3+$0x0], $0xffff  }
0x152: {  	v3 =	vadd.s32 s8, v1;
	_ =	sdelay $0x3  }
0x153: {  	[tilespmem:s5+$0xFFFFFFF0] =	vst v2  }
0x154: {  	s9 =	sadd.s32 $0x281, s6;
	v2 =	vld.idx.msk [tilespmem:v3+s3+$0x0], $0xffff  }
0x155: {  	v3 =	vadd.s32 s9, v1;
	_ =	sdelay $0x3  }
0x156: {  	[tilespmem:s4+$0x0] =	vst v2  }
0x157: {  	s8 =	sadd.s32 $0x320, s6;
	v2 =	vld.idx.msk [tilespmem:v3+s3+$0x0], $0xffff  }
0x158: {  	v3 =	vadd.s32 s8, v1;
	_ =	sdelay $0x3  }
0x159: {  	[tilespmem:s5+$0x0] =	vst v2  }
0x15a: {  	s9 =	sadd.s32 $0x321, s6;
	v2 =	vld.idx.msk [tilespmem:v3+s3+$0x0], $0xffff  }
0x15b: {  	v3 =	vadd.s32 s9, v1;
	_ =	sdelay $0x3  }
0x15c: {  	[tilespmem:s4+$0x10] =	vst v2  }
0x15d: {  	s8 =	sadd.s32 $0x3C0, s6;
	v2 =	vld.idx.msk [tilespmem:v3+s3+$0x0], $0xffff  }
0x15e: {  	v3 =	vadd.s32 s8, v1;
	_ =	sdelay $0x3  }
0x15f: {  	[tilespmem:s5+$0x10] =	vst v2  }
0x160: {  	s9 =	sadd.s32 $0x3C1, s6;
	v2 =	vld.idx.msk [tilespmem:v3+s3+$0x0], $0xffff  }
0x161: {  	v3 =	vadd.s32 s9, v1;
	_ =	sdelay $0x3  }
0x162: {  	[tilespmem:s4+$0x20] =	vst v2  }
0x163: {  	s8 =	sadd.s32 $0x460, s6;
	v2 =	vld.idx.msk [tilespmem:v3+s3+$0x0], $0xffff  }
0x164: {  	v3 =	vadd.s32 s8, v1;
	_ =	sdelay $0x3  }
0x165: {  	[tilespmem:s5+$0x20] =	vst v2  }
0x166: {  	s6 =	sadd.s32 $0x461, s6;
	v2 =	vld.idx.msk [tilespmem:v3+s3+$0x0], $0xffff  }
0x167: {  	v3 =	vadd.s32 s6, v1;
	_ =	sdelay $0x3  }
0x168: {  	[tilespmem:s4+$0x30] =	vst v2  }
0x169: {  	v2 =	vld.idx.msk [tilespmem:v3+s3+$0x0], $0xffff;
	_ =	sdelay $0x4  }
0x16a: {  	[tilespmem:s5+$0x30] =	vst v2  }
0x16b: {  	[tilespmem:s25], [sflag:$0x1] =	stream.indirect.gather [hbm4b:s1+s23], $0x80, s24, s23, $0xb8;
	[tilespmem:$0x16800] =	vst v63  }
0x16c: {  	s9 =	simm.s32 $0x1E00;
	s4 =	simm.s32 $0x0  }
0x16d: {  	[tilespmem:s26], [sflag:$0x2] =	stream.indirect.gather [hbm4b:s1+s23], $0x80, s9, s23, $0xb8;
	[tilespmem:$0x16800] =	vst v63  }
.LBB2_8:
0x16e: {  	s5 =	sshllo.u32 s4, $0x1  }
0x16f: {  	s6 =	sshll.u32 s5, $0x7  }
0x170: {  	s7 =	sadd.s32 $0x1400, s6  }
0x171: {  	[tilespmem:s20], [sflag:$0x3] =	stream.indirect.gather [hbm4b:s1+s23], $0x80, s7, s23, $0xb8;
	[tilespmem:$0x16800] =	vst v63  }
0x172: {  	s6 =	sadd.s32 $0x1E00, s6  }
0x173: {  	[tilespmem:s22], [sflag:$0x4] =	stream.indirect.gather [hbm4b:s1+s23], $0x80, s6, s23, $0xb8;
	[tilespmem:$0x16800] =	vst v63  }
0x174: {  	_ =	swait.ge [sflag:s28], $0x4000  }
0x175: {  	[sflag:s28] =	ssyncset.done $0x0  }
0x176: {  	[sflag:s28] =	ssyncadd.s32 $0xFFFFC000  }
0x177: {  	_ =	swait.ge [sflag:s29], $0x4000  }
0x178: {  	[sflag:s29] =	ssyncset.done $0x0  }
0x179: {  	s6 =	simm.s32 $0x0;
	[sflag:s29] =	ssyncadd.s32 $0xFFFFC000  }
0x17a: {  	v2 =	vld [tilespmem:s6+$0x2870]  }
0x17b: {  	v3 =	vld [tilespmem:s6+$0x6870]  }
0x17c: {  	v4 =	vld [tilespmem:s6+$0x2800]  }
0x17d: {  	v5 =	vld [tilespmem:s6+$0x6800]  }
0x17e: {  	v6 =	vld [tilespmem:s6+$0x2810]  }
0x17f: {  	v7 =	vld [tilespmem:s6+$0x6810]  }
0x180: {  	v8 =	vld [tilespmem:s6+$0x2820]  }
0x181: {  	v9 =	vld [tilespmem:s6+$0x2830]  }
0x182: {  	v2 =	vadd.f32 v3, v2;
	v3 =	vld [tilespmem:s6+$0x6820]  }
0x183: {  	v10 =	vld [tilespmem:s6+$0x6830]  }
0x184: {  	v11 =	vld [tilespmem:s6+$0x6840];
	v4 =	vadd.f32 v5, v4  }
0x185: {  	[tilespmem:s6+$0x12870] =	vst v2;
	v2 =	vadd.f32 v7, v6;
	v7 =	vld [tilespmem:s6+$0x2840]  }
0x186: {  	v5 =	vld [tilespmem:s6+$0x6850];
	[tilespmem:s6+$0x12800] =	vst v4  }
0x187: {  	v4 =	vld [tilespmem:s6+$0x2850];
	[tilespmem:s6+$0x12810] =	vst v2;
	v2 =	vadd.f32 v3, v8  }
0x188: {  	v6 =	vld [tilespmem:s6+$0x6860];
	v8 =	vadd.f32 v10, v9  }
0x189: {  	s7 =	simm.s32 $0x80;
	[tilespmem:s6+$0x12820] =	vst v2;
	v2 =	vld [tilespmem:s6+$0x2860]  }
0x18a: {  	s8 =	simm.s32 $0x400;
	v7 =	vadd.f32 v11, v7;
	v3 =	vld [tilespmem:s7+$0x2870];
	[tilespmem:s6+$0x12830] =	vst v8  }
.LBB2_9:
0x18b: {  	p0 =	sne.s32 s8, $0xFE00;
	v8 =	vld [tilespmem:s7+$0x6870]  }
0x18c: {  	v9 =	vld [tilespmem:s7+$0x2800];
	[tilespmem:s6+$0x12840] =	vst v7;
	v4 =	vadd.f32 v5, v4  }
0x18d: {  	v5 =	vld [tilespmem:s7+$0x6800]  }
0x18e: {  	v7 =	vld [tilespmem:s7+$0x2810];
	[tilespmem:s6+$0x12850] =	vst v4;
	v2 =	vadd.f32 v6, v2  }
0x18f: {  	v4 =	vld [tilespmem:s7+$0x6810]  }
0x190: {  	v6 =	vld [tilespmem:s7+$0x2820];
	v3 =	vadd.f32 v8, v3;
	[tilespmem:s6+$0x12860] =	vst v2;
	s6 =	smov.u32 s7  }
0x191: {  	v2 =	vld [tilespmem:s6+$0x6820]  }
0x192: {  	v5 =	vadd.f32 v5, v9;
	v8 =	vld [tilespmem:s6+$0x2830];
	[tilespmem:s6+$0x12870] =	vst v3  }
0x193: {  	v3 =	vld [tilespmem:s6+$0x6830]  }
0x194: {  	[tilespmem:s6+$0x12800] =	vst v5;
	v4 =	vadd.f32 v4, v7;
	v7 =	vld [tilespmem:s6+$0x2840]  }
0x195: {  	v9 =	vld [tilespmem:s6+$0x6840]  }
.Ltmp3:
0x196: {  	[tilespmem:s6+$0x12810] =	vst v4;
	v2 =	vadd.f32 v2, v6;
	v4 =	vld [tilespmem:s6+$0x2850];
	(pc) =	sbr.rel @p0 .LBB2_9-.Ltmp3, $4  }
0x197: {  	v5 =	vld [tilespmem:s6+$0x6850]  }
0x198: {  	[tilespmem:s6+$0x12820] =	vst v2;
	v8 =	vadd.f32 v3, v8;
	v2 =	vld [tilespmem:s6+$0x2860]  }
0x199: {  	s7 =	sshra.s32 s8, $0x2;
	v6 =	vld [tilespmem:s6+$0x6860]  }
0x19a: {  	s8 =	sadd.s32 $0x200, s8;
	v3 =	vld [tilespmem:s7+$0x2870];
	[tilespmem:s6+$0x12830] =	vst v8;
	v7 =	vadd.f32 v9, v7  }
0x19b: {  	v8 =	vld [tilespmem:s7+$0x6870]  }
0x19c: {  	v9 =	vld [tilespmem:s7+$0x2800];
	[tilespmem:s6+$0x12840] =	vst v7;
	v4 =	vadd.f32 v5, v4  }
0x19d: {  	v5 =	vld [tilespmem:s7+$0x6800]  }
0x19e: {  	v7 =	vld [tilespmem:s7+$0x2810];
	[tilespmem:s6+$0x12850] =	vst v4;
	v2 =	vadd.f32 v6, v2  }
0x19f: {  	v4 =	vld [tilespmem:s7+$0x6810]  }
0x1a0: {  	v6 =	vld [tilespmem:s7+$0x2820];
	[tilespmem:s6+$0x12860] =	vst v2  }
0x1a1: {  	v2 =	vadd.f32 v8, v3;
	v3 =	vld [tilespmem:s7+$0x6820]  }
0x1a2: {  	v8 =	vld [tilespmem:s7+$0x2830]  }
0x1a3: {  	v62 =	vld [tilespmem:s7+$0x6860];
	v5 =	vadd.f32 v5, v9  }
0x1a4: {  	[tilespmem:s7+$0x12870] =	vst v2;
	v2 =	vld [tilespmem:s7+$0x6830]  }
0x1a5: {  	[tilespmem:s7+$0x12800] =	vst v5;
	v4 =	vadd.f32 v4, v7;
	v5 =	vld [tilespmem:s7+$0x2840]  }
0x1a6: {  	v7 =	vld [tilespmem:s7+$0x6840]  }
0x1a7: {  	[tilespmem:s7+$0x12810] =	vst v4;
	v3 =	vadd.f32 v3, v6;
	v4 =	vld [tilespmem:s7+$0x2850]  }
0x1a8: {  	v6 =	vld [tilespmem:s7+$0x6850]  }
0x1a9: {  	[tilespmem:s7+$0x12820] =	vst v3;
	v3 =	vld [tilespmem:s7+$0x2860];
	_ =	sdelay $0x1  }
0x1aa: {  	v2 =	vadd.f32 v2, v8  }
0x1ab: {  	v5 =	vadd.f32 v7, v5  }
0x1ac: {  	[tilespmem:s7+$0x12830] =	vst v2;
	v2 =	vadd.f32 v6, v4  }
0x1ad: {  	[tilespmem:s7+$0x12840] =	vst v5;
	v3 =	vadd.f32 v62, v3  }
0x1ae: {  	s9 =	sshll.u32 s4, $0x11;
	[tilespmem:s7+$0x12850] =	vst v2  }
0x1af: {  	s6 =	sadd.s32 s9, s12;
	[tilespmem:s7+$0x12860] =	vst v3  }
0x1b0: {  	[hbm4b:s6+s3] =	stream.linear.scatter [tilespmem:s30], [sflag:$0x5], $0x4000, $0x38;
	[tilespmem:$0x16800] =	vst v63  }
0x1b1: {  	p0 =	seq.s32 s4, $0x9;
	_ =	swait.ge [sflag:s19], $0x4000  }
0x1b2: {  	s8 =	simm.s32 @!p0 $0x80;
	s6 =	sshll.u32 @!p0 s4, $0x8;
	[sflag:s19] =	ssyncset.done $0x0  }
0x1b3: {  	s9 =	simm.s32 @!p0 $0x2800;
	s7 =	sadd.s32 @!p0 $0x1500, s6;
	[sflag:s19] =	ssyncadd.s32 $0xFFFFC000  }
0x1b4: {  	[tilespmem:s9], [sflag:$0x1] =	stream.indirect.gather @!p0 [hbm4b:s1+s8], $0x80, s7, s8, $0xb8;
	[tilespmem:$0x16800] =	vst v63  }
0x1b5: {  	s6 =	sadd.s32 @!p0 $0x1F00, s6;
	s7 =	simm.s32 @!p0 $0x6800  }
0x1b6: {  	[tilespmem:s7], [sflag:$0x2] =	stream.indirect.gather @!p0 [hbm4b:s1+s8], $0x80, s6, s8, $0xb8;
	[tilespmem:$0x16800] =	vst v63  }
0x1b7: {  	_ =	swait.ge [sflag:s31], $0x4000  }
0x1b8: {  	[sflag:s31] =	ssyncset.done $0x0  }
0x1b9: {  	[sflag:s31] =	ssyncadd.s32 $0xFFFFC000  }
0x1ba: {  	_ =	swait.ge [sflag:s2], $0x4000  }
0x1bb: {  	[sflag:s2] =	ssyncset.done $0x0  }
0x1bc: {  	s6 =	simm.s32 $0x0;
	[sflag:s2] =	ssyncadd.s32 $0xFFFFC000  }
0x1bd: {  	v2 =	vld [tilespmem:s6+$0xA870]  }
0x1be: {  	v3 =	vld [tilespmem:s6+$0xE870]  }
0x1bf: {  	v4 =	vld [tilespmem:s6+$0xA800]  }
0x1c0: {  	v5 =	vld [tilespmem:s6+$0xE800]  }
0x1c1: {  	v6 =	vld [tilespmem:s6+$0xA810]  }
0x1c2: {  	v7 =	vld [tilespmem:s6+$0xE810]  }
0x1c3: {  	v8 =	vld [tilespmem:s6+$0xA820]  }
0x1c4: {  	v63 =	vld [tilespmem:s6+$0xA830]  }
0x1c5: {  	v2 =	vadd.f32 v3, v2;
	v3 =	vld [tilespmem:s6+$0xE820]  }
0x1c6: {  	v10 =	vld [tilespmem:s6+$0xE830]  }
0x1c7: {  	v11 =	vld [tilespmem:s6+$0xE840];
	v4 =	vadd.f32 v5, v4  }
0x1c8: {  	[tilespmem:s6+$0x12870] =	vst v2;
	v2 =	vadd.f32 v7, v6;
	v7 =	vld [tilespmem:s6+$0xA840]  }
0x1c9: {  	v5 =	vld [tilespmem:s6+$0xE850];
	[tilespmem:s6+$0x12800] =	vst v4  }
0x1ca: {  	v4 =	vld [tilespmem:s6+$0xA850];
	[tilespmem:s6+$0x12810] =	vst v2;
	v2 =	vadd.f32 v3, v8  }
0x1cb: {  	v6 =	vld [tilespmem:s6+$0xE860];
	v8 =	vadd.f32 v10, v63  }
0x1cc: {  	s7 =	simm.s32 $0x80;
	[tilespmem:s6+$0x12820] =	vst v2;
	v2 =	vld [tilespmem:s6+$0xA860]  }
0x1cd: {  	s8 =	simm.s32 $0x400;
	v7 =	vadd.f32 v11, v7;
	v3 =	vld [tilespmem:s7+$0xA870];
	[tilespmem:s6+$0x12830] =	vst v8  }
.LBB2_11:
0x1ce: {  	p0 =	sne.s32 s8, $0xFE00;
	v8 =	vld [tilespmem:s7+$0xE870]  }
0x1cf: {  	v9 =	vld [tilespmem:s7+$0xA800];
	[tilespmem:s6+$0x12840] =	vst v7;
	v4 =	vadd.f32 v5, v4  }
0x1d0: {  	v5 =	vld [tilespmem:s7+$0xE800]  }
0x1d1: {  	v7 =	vld [tilespmem:s7+$0xA810];
	[tilespmem:s6+$0x12850] =	vst v4;
	v2 =	vadd.f32 v6, v2  }
0x1d2: {  	v4 =	vld [tilespmem:s7+$0xE810]  }
0x1d3: {  	v6 =	vld [tilespmem:s7+$0xA820];
	v3 =	vadd.f32 v8, v3;
	[tilespmem:s6+$0x12860] =	vst v2;
	s6 =	smov.u32 s7  }
0x1d4: {  	v2 =	vld [tilespmem:s6+$0xE820]  }
0x1d5: {  	v5 =	vadd.f32 v5, v9;
	v8 =	vld [tilespmem:s6+$0xA830];
	[tilespmem:s6+$0x12870] =	vst v3  }
0x1d6: {  	v3 =	vld [tilespmem:s6+$0xE830]  }
0x1d7: {  	[tilespmem:s6+$0x12800] =	vst v5;
	v4 =	vadd.f32 v4, v7;
	v7 =	vld [tilespmem:s6+$0xA840]  }
0x1d8: {  	v9 =	vld [tilespmem:s6+$0xE840]  }
.Ltmp4:
0x1d9: {  	[tilespmem:s6+$0x12810] =	vst v4;
	v2 =	vadd.f32 v2, v6;
	v4 =	vld [tilespmem:s6+$0xA850];
	(pc) =	sbr.rel @p0 .LBB2_11-.Ltmp4, $4  }
0x1da: {  	v5 =	vld [tilespmem:s6+$0xE850]  }
0x1db: {  	[tilespmem:s6+$0x12820] =	vst v2;
	v8 =	vadd.f32 v3, v8;
	v2 =	vld [tilespmem:s6+$0xA860]  }
0x1dc: {  	s7 =	sshra.s32 s8, $0x2;
	v6 =	vld [tilespmem:s6+$0xE860]  }
0x1dd: {  	s8 =	sadd.s32 $0x200, s8;
	v3 =	vld [tilespmem:s7+$0xA870];
	[tilespmem:s6+$0x12830] =	vst v8;
	v7 =	vadd.f32 v9, v7  }
0x1de: {  	v8 =	vld [tilespmem:s7+$0xE870]  }
0x1df: {  	v9 =	vld [tilespmem:s7+$0xA800];
	[tilespmem:s6+$0x12840] =	vst v7;
	v4 =	vadd.f32 v5, v4  }
0x1e0: {  	v56 =	vld [tilespmem:s7+$0xE800]  }
0x1e1: {  	v7 =	vld [tilespmem:s7+$0xA810];
	[tilespmem:s6+$0x12850] =	vst v4;
	v2 =	vadd.f32 v6, v2  }
0x1e2: {  	v4 =	vld [tilespmem:s7+$0xE810]  }
0x1e3: {  	v57 =	vld [tilespmem:s7+$0xA820];
	[tilespmem:s6+$0x12860] =	vst v2  }
0x1e4: {  	v2 =	vadd.f32 v8, v3;
	v3 =	vld [tilespmem:s7+$0xE820]  }
0x1e5: {  	v58 =	vld [tilespmem:s7+$0xA830]  }
0x1e6: {  	v59 =	vld [tilespmem:s7+$0xA840]  }
0x1e7: {  	v60 =	vld [tilespmem:s7+$0xE840]  }
0x1e8: {  	v61 =	vld [tilespmem:s7+$0xA850]  }
0x1e9: {  	[tilespmem:s7+$0x12870] =	vst v2;
	v2 =	vld [tilespmem:s7+$0xE830]  }
0x1ea: {  	v62 =	vld [tilespmem:s7+$0xE850];
	v3 =	vadd.f32 v3, v57  }
0x1eb: {  	v63 =	vld [tilespmem:s7+$0xE860]  }
0x1ec: {  	v5 =	vadd.f32 v56, v9;
	[tilespmem:s7+$0x12820] =	vst v3;
	v3 =	vld [tilespmem:s7+$0xA860]  }
0x1ed: {  	v4 =	vadd.f32 v4, v7  }
0x1ee: {  	[tilespmem:s7+$0x12800] =	vst v5;
	v2 =	vadd.f32 v2, v58  }
0x1ef: {  	[tilespmem:s7+$0x12810] =	vst v4;
	v5 =	vadd.f32 v60, v59  }
0x1f0: {  	[tilespmem:s7+$0x12830] =	vst v2;
	v2 =	vadd.f32 v62, v61  }
0x1f1: {  	s4 =	sadd.s32 $0x1, s4;
	[tilespmem:s7+$0x12840] =	vst v5;
	v3 =	vadd.f32 v63, v3  }
0x1f2: {  	s5 =	sshll.u32 s5, $0x10;
	p0 =	sne.s32 s4, $0xA;
	[tilespmem:s7+$0x12850] =	vst v2  }
.Ltmp5:
0x1f3: {  	s5 =	sadd.s32 s5, s12;
	[tilespmem:s7+$0x12860] =	vst v3;
	(pc) =	sbr.rel @p0 .LBB2_8-.Ltmp5, $4  }
0x1f4: {  	[hbm4b:s5+s3] =	stream.linear.scatter [tilespmem:s30], [sflag:$0x5], $0x4000, $0x38;
	[tilespmem:$0x16800] =	vst v63  }
0x1f5: {  	_ =	swait.ge [sflag:s19], $0x4000  }
0x1f6: {  	[sflag:s19] =	ssyncset.done $0x0  }
0x1f7: {  	[sflag:s19] =	ssyncadd.s32 $0xFFFFC000  }
0x1f8: {  	[tilespmem:s24], [sflag:$0x5] =	stream.linear.gather [hbm4b:s13+s3], $0x80, $0x38;
	[tilespmem:$0x16800] =	vst v63  }
0x1f9: {  	_ =	swait.ge [sflag:s19], $0x80  }
0x1fa: {  	[sflag:s19] =	ssyncset.done $0x0  }
0x1fb: {  	[sflag:s19] =	ssyncadd.s32 $0xFFFFFF80  }
0x1fc: {  	[tilespmem:s25], [sflag:$0x1] =	stream.indirect.gather [hbm4b:s1+s23], $0x80, s24, s23, $0xb8;
	[tilespmem:$0x16800] =	vst v63  }
0x1fd: {  	s0 =	sadd.s32 $0x1, s0;
	_ =	swait.ge [sflag:s28], $0x4000  }
0x1fe: {  	p0 =	sne.s32 s0, s15;
	[sflag:s28] =	ssyncset.done $0x0  }
.Ltmp6:
0x1ff: {  	[sflag:s28] =	ssyncadd.s32 $0xFFFFC000;
	(pc) =	sbr.rel @p0 .LBB2_1-.Ltmp6, $4  }
0x200: {  	[hbm4b:s14+s3] =	stream.linear.scatter [tilespmem:s25], [sflag:$0x5], $0x4000, $0x38;
	[tilespmem:$0x16800] =	vst v63  }
0x201: {  	_ =	swait.ge [sflag:s19], $0x4000  }
0x202: {  	[sflag:s19] =	ssyncset.done $0x0  }
0x203: {  	[sflag:s19] =	ssyncadd.s32 $0xFFFFC000  }
0x204: {  	_ =	sfence.sel $0x180000  }
0x205: {  	[bflag:$0x0] =	sbarrier.arrive $0xFFFF  }
0x206: {  	_ =	strace $0x90000047  }
0x207: {  	s0 =	stileid.u32;
	[bflag:$0x2] =	sbarrier.arrive $0xFFFF  }
0x208: {  	p0 =	sne.s32 s0, $0x0;
	s0 =	rddreg [dreg:$0x4]  }
0x209: {  	s0 =	sadd.s32 @!p0 $0x100000, s0  }
0x20a: {  	[sflag:s0] =	ssyncadd.tile.s32 @!p0 $0x1;
	_ =	shalt  }
.Lfunc_end2:
_tile_overlayer_lowered:
.L_overlay_start_2:
0x20b: {  	(tag) =	ssettag $0x2  }
0x20c: {  	s0 =	rddreg [dreg:$0x0];
	s2 =	stileid.u32  }
0x20d: {  	s1 =	rddreg [dreg:$0x1];
	p0 =	sne.s32 s2, $0x0  }
0x20e: {  	s3 =	rddreg [dreg:$0x2];
	[bflag:$0x3] =	sbarrier.arrive $0xFFFF;
	s2 =	simm.s32 @!p0 $0x1C05  }
0x20f: {  	[timem:s3], [sflag:s2] =	dma.local @!p0 [hbm:s0], s1  }
0x210: {  	s0 =	simm.s32 @!p0 $0x5  }
0x211: {  	_ =	swait.ge @!p0 [sflag:s0], s1  }
0x212: {  	s1 =	ssub.s32 @!p0 $0x0, s1;
	[sflag:s0] =	ssyncset.done @!p0 $0x0  }
0x213: {  	[sflag:s0] =	ssyncadd.s32 @!p0 s1  }
0x214: {  	[bflag:$0x3] =	sbarrier.arrive $0xFFFF  }
0x215: {  	_ =	shalt  }

// kernel: kernel.9.cloned.1.call-start
scs
__scs_entry_jumppad:
0x0: {  	(pc) =	sbr.rel $0x88, $3  }
0x1: {  	(tag) =	ssettag $0x0;
	lr =	simm.s32 $0x1  }
0x2: {  	[smem:$0x3F94] =	sst lr;
	_ =	strace $0xD0000000  }
0x3: {  	_ = 	snop  }
0x4: {  	_ = 	snop  }
0x5: {  	_ = 	snop  }
0x6: {  	_ = 	snop  }
0x7: {  	_ = 	snop  }
__scs_overlays_trampoline_lowered:
0x8: {  	[smem:$0x3FA3] =	sst s0  }
0x9: {  	[smem:$0x3FA4] =	sst s1  }
0xa: {  	[smem:$0x3FA5] =	sst s2  }
0xb: {  	[smem:$0x3FA6] =	sst s3  }
0xc: {  	[smem:$0x3FA7] =	sst s4  }
0xd: {  	[smem:$0x3FA8] =	sst s5  }
0xe: {  	[smem:$0x3FA9] =	sst s6  }
0xf: {  	[smem:$0x3FAA] =	sst s7  }
0x10: {  	[smem:$0x3FAB] =	sst s8  }
0x11: {  	[smem:$0x3FAC] =	sst s9;
	s0 =	simm.s32 @!p0 $0x0  }
0x12: {  	s1 =	sld [smem:$0x3F92];
	s0 =	simm.s32 @p0 $0x1  }
0x13: {  	[smem:$0x3FAD] =	sst s0;
	s0 =	simm.s32 @!p1 $0x0  }
0x14: {  	s2 =	sld [smem:$0x3F91];
	s0 =	simm.s32 @p1 $0x1  }
0x15: {  	[smem:$0x3FAE] =	sst s0;
	s0 =	simm.s32 @!p2 $0x0  }
0x16: {  	s3 =	sld [smem:$0x3FDB];
	s0 =	simm.s32 @p2 $0x1  }
0x17: {  	s4 =	simm.s32 $0x1BF5;
	[smem:$0x3FB0] =	sst s0  }
0x18: {  	s0 =	sld [smem:$0x3F93];
	_ =	swait.ge [sflag:s4], $0x0  }
0x19: {  	s7 =	sld [smem:$0x3F94]  }
0x1a: {  	s8 =	sadd.s32 $0xFFFFE003, lr  }
0x1b: {  	s9 =	sadd.s32 $0xFFFFFEF7, lr;
	s5 =	simm.s32 $0xFFFFFFFF;
	p2 =	slt.u32 s8, $0xFFFFF086  }
0x1c: {  	p1 =	slt.u32 s9, $0xF7A;
	s5 =	simm.s32 @!p2 $0x0  }
0x1d: {  	s5 =	simm.s32 @p1 $0x1;
	p0 =	seq.s32 s7, s2  }
0x1e: {  	s7 =	smul.u32 @!p0 $0xF7A, s2;
	p2 =	seq.s32 @!p0 s5, $0x0  }
0x1f: {  	s9 =	smul.u32 $0xF7A, s1;
	s8 =	simm.s32 @!p0 $0x1BF5;
	p2 =	por !p2, p0  }
0x20: {  	[sflag:s8] =	ssyncset.s32 @!p0 $0xFFFFF086;
	s6 =	sadd.s32 @!p0 s3, s7;
	s7 =	simm.s32 @!p0 $0x108  }
0x21: {  	s3 =	sadd.s32 s3, s9;
	s6 =	sadd.s32 @!p0 $0x88, s6;
	s7 =	simm.s32 @p2 $0x1082  }
0x22: {  	[simem:s7], [sflag:s8] =	dma.local @!p0 [hbm:s6], $0xF7A  }
0x23: {  	s9 =	sor.u32 $0xD0000000, s2;
	s6 =	simm.s32 $0x108;
	_ =	swait.ge @!p0 [sflag:s8], $0x0  }
0x24: {  	s3 =	sadd.s32 $0x88, s3;
	s6 =	simm.s32 @!p1 $0x1082;
	[sflag:s4] =	ssyncset.s32 $0xFFFFF086  }
0x25: {  	[simem:s6], [sflag:s4] =	dma.local [hbm:s3], $0xF7A  }
0x26: {  	[smem:$0x3F94] =	sst s1;
	(tag) =	ssettag s2;
	_ =	strace s9  }
0x27: {  	s1 =	sld [smem:$0x3FA4]  }
0x28: {  	s2 =	sld [smem:$0x3FA5]  }
0x29: {  	s4 =	sld [smem:$0x3FA7]  }
0x2a: {  	p0 =	seq.s32 s5, $0x0;
	s5 =	sld [smem:$0x3FA8]  }
0x2b: {  	s6 =	sld [smem:$0x3FA9]  }
0x2c: {  	s7 =	sld [smem:$0x3FAA]  }
0x2d: {  	s3 =	simm.s32 $0x108;
	s8 =	sld [smem:$0x3FAB]  }
0x2e: {  	s3 =	simm.s32 @!p0 $0x1082;
	s9 =	sld [smem:$0x3FAC]  }
0x2f: {  	lr =	sadd.s32 s0, s3;
	s0 =	sld [smem:$0x3FA3]  }
0x30: {  	s3 =	sld [smem:$0x3FA6]  }
0x31: {  	[smem:$0x3FAF] =	sst s10  }
0x32: {  	s10 =	sld [smem:$0x3FAD];
	_ =	sdelay $0x3  }
0x33: {  	p0 =	seq.s32 s10, $0x1;
	s10 =	sld [smem:$0x3FAF];
	_ =	sdelay $0x3  }
0x34: {  	[smem:$0x3FAF] =	sst s10  }
0x35: {  	s10 =	sld [smem:$0x3FAE];
	_ =	sdelay $0x3  }
0x36: {  	p1 =	seq.s32 s10, $0x1;
	s10 =	sld [smem:$0x3FAF];
	_ =	sdelay $0x3  }
0x37: {  	[smem:$0x3FAF] =	sst s10  }
0x38: {  	s10 =	sld [smem:$0x3FB0]  }
0x39: {  	_ = 	snop;
	(pc) =	sbr.ind lr, $3  }
0x3a: {  	_ = 	snop  }
0x3b: {  	_ = 	snop  }
0x3c: {  	p2 =	seq.s32 s10, $0x1;
	s10 =	sld [smem:$0x3FAF]  }
0x3d: {  	_ =	shalt  }
0x3e: {  	_ =	shalt  }
0x3f: {  	_ =	shalt  }
0x40: {  	_ =	shalt  }
0x41: {  	_ =	shalt  }
0x42: {  	_ =	shalt  }
0x43: {  	_ =	shalt  }
0x44: {  	_ =	shalt  }
0x45: {  	_ =	shalt  }
0x46: {  	_ =	shalt  }
0x47: {  	_ =	shalt  }
0x48: {  	_ =	shalt  }
0x49: {  	_ =	shalt  }
0x4a: {  	_ =	shalt  }
0x4b: {  	_ =	shalt  }
0x4c: {  	_ =	shalt  }
0x4d: {  	_ =	shalt  }
0x4e: {  	_ =	shalt  }
0x4f: {  	_ =	shalt  }
0x50: {  	_ =	shalt  }
0x51: {  	_ =	shalt  }
0x52: {  	_ =	shalt  }
0x53: {  	_ =	shalt  }
0x54: {  	_ =	shalt  }
0x55: {  	_ =	shalt  }
0x56: {  	_ =	shalt  }
0x57: {  	_ =	shalt  }
0x58: {  	_ =	shalt  }
0x59: {  	_ =	shalt  }
0x5a: {  	_ =	shalt  }
0x5b: {  	_ =	shalt  }
0x5c: {  	_ =	shalt  }
0x5d: {  	_ =	shalt  }
0x5e: {  	_ =	shalt  }
0x5f: {  	_ =	shalt  }
0x60: {  	_ =	shalt  }
0x61: {  	_ =	shalt  }
0x62: {  	_ =	shalt  }
0x63: {  	_ =	shalt  }
0x64: {  	_ =	shalt  }
0x65: {  	_ =	shalt  }
0x66: {  	_ =	shalt  }
0x67: {  	_ =	shalt  }
0x68: {  	_ =	shalt  }
0x69: {  	_ =	shalt  }
0x6a: {  	_ =	shalt  }
0x6b: {  	_ =	shalt  }
0x6c: {  	_ =	shalt  }
0x6d: {  	_ =	shalt  }
0x6e: {  	_ =	shalt  }
0x6f: {  	_ =	shalt  }
0x70: {  	_ =	shalt  }
0x71: {  	_ =	shalt  }
0x72: {  	_ =	shalt  }
0x73: {  	_ =	shalt  }
0x74: {  	_ =	shalt  }
0x75: {  	_ =	shalt  }
0x76: {  	_ =	shalt  }
0x77: {  	_ =	shalt  }
0x78: {  	_ =	shalt  }
0x79: {  	_ =	shalt  }
0x7a: {  	_ =	shalt  }
0x7b: {  	_ =	shalt  }
0x7c: {  	_ =	shalt  }
0x7d: {  	_ =	shalt  }
0x7e: {  	_ =	shalt  }
0x7f: {  	_ =	shalt  }
0x80: {  	_ =	shalt  }
0x81: {  	_ =	shalt  }
0x82: {  	_ =	shalt  }
0x83: {  	_ =	shalt  }
0x84: {  	_ =	shalt  }
0x85: {  	_ =	shalt  }
0x86: {  	_ =	shalt  }
0x87: {  	_ =	shalt  }
.Lfunc_end0:
.L_simem_size_0:
called_computation.1_lowered:
.L_overlay_start_0:
0x88: {  	s2 =	sld [smem:$0x3FD9]  }
0x89: {  	s3 =	sld [smem:$0x3FFE];
	_ =	sdelay $0x1  }
0x8a: {  	s1 =	srdreg.scid  }
0x8b: {  	s0 =	sand.u32 $0x1, s1  }
0x8c: {  	s17 =	sshll.u32 s0, $0xA;
	s2 =	sadd.s32 s3, s2  }
0x8d: {  	s2 =	sadd.s32 s2, s17  }
0x8e: {  	[smem:$0x3FBB] =	sst s2  }
0x8f: {  	_ = 	snop  }
0x90: {  	s18 =	sld [smem:$0x3FC9];
	(tm) =	ssettm $0x1  }
0x91: {  	s19 =	sld [smem:$0x3FFB];
	_ =	sdelay $0x3  }
0x92: {  	_ =	strace s19  }
0x93: {  	s2 =	sld [smem:$0x3FFC];
	_ =	sdelay $0x3  }
0x94: {  	_ =	strace s2  }
0x95: {  	s2 =	sld [smem:$0x3FFD];
	_ =	sdelay $0x3  }
0x96: {  	_ =	strace s2  }
0x97: {  	_ =	strace $0x8FFFFFFF  }
0x98: {  	s20 =	sld [smem:$0x3FDB];
	_ =	sdelay $0x1  }
0x99: {  	s4 =	simm.s32 $_scs_section_size  }
0x9a: {  	s5 =	simm.s32 $_size__tile_overlayer_lowered;
	s6 =	simm.s32 $_tile_overlayer_lowered  }
0x9b: {  	s7 =	simm.s32 $0x1BFF;
	s21 =	sshll.u32 s6, $0x1;
	s4 =	sadd.s32 s4, s20  }
0x9c: {  	s22 =	simm.s32 $0x0;
	s5 =	sshll.u32 s5, $0x1;
	s6 =	sadd.s32 s21, s4  }
0x9d: {  	[timem:s22], [sflag:s7] =	dma.local [hbm:s6], s5  }
0x9e: {  	_ =	swait.ge [sflag:s7], s5  }
0x9f: {  	s5 =	ssub.s32 $0x0, s5;
	[sflag:s7] =	ssyncset.done $0x0  }
0xa0: {  	[sflag:s7] =	ssyncadd.s32 s5;
	_ =	sdelay $0x1  }
0xa1: {  	s23 =	simm.s32 $0x1B8B  }
0xa2: {  	_ =	swait.ge [sflag:s23], $0x1  }
0xa3: {  	[sflag:s23] =	ssyncset.done $0x0  }
0xa4: {  	[sflag:s23] =	ssyncadd.s32 $0xFFFFFFFF  }
0xa5: {  	s5 =	sld [smem:$0x0]  }
0xa6: {  	s6 =	sand.u32 $0xFFFFFFFE, s1  }
0xa7: {  	p0 =	sne.s32 s1, s6  }
0xa8: {  	s6 =	sshll.u32 @p0 s6, $0xE  }
0xa9: {  	s6 =	sadd.s32 @p0 $0x11B8D, s6;
	s7 =	sshll.u32 @p0 s5, $0x11  }
0xaa: {  	s6 =	sor.u32 @p0 s7, s6  }
0xab: {  	[sflag:s6] =	ssyncadd.remote.s32 @p0 $0x1;
	_ =	sdelay $0x1  }
0xac: {  	s6 =	simm.s32 @p0 $0x1B8D  }
0xad: {  	_ =	swait.eq @p0 [sflag:s6], $0x1  }
0xae: {  	[sflag:s6] =	ssyncadd.s32 @p0 $0xFFFFFFFF  }
0xaf: {  	s7 =	sshll.u32 @!p0 s1, $0xE  }
0xb0: {  	s7 =	sor.u32 @!p0 $0x4000, s7;
	s6 =	simm.s32 @!p0 $0x1B8D  }
0xb1: {  	s5 =	sshll.u32 @!p0 s5, $0x11;
	s7 =	sadd.s32 @!p0 $0x11B8D, s7;
	_ =	swait.eq @!p0 [sflag:s6], $0x1  }
0xb2: {  	s5 =	sor.u32 @!p0 s5, s7;
	[sflag:s6] =	ssyncadd.s32 @!p0 $0xFFFFFFFF  }
0xb3: {  	s25 =	simm.s32 $0x1B8E;
	s24 =	sld [smem:$0x3FFE];
	[sflag:s5] =	ssyncadd.remote.s32 @!p0 $0x1  }
0xb4: {  	s26 =	simm.s32 $execute0_lowered;
	[smem:$0x3FD2] =	sst s25  }
0xb5: {  	s6 =	sshll.u32 s26, $0x1;
	_ =	strace $0x80000049;
	[dreg:$0x1] =	wrdreg $0xFFFFFFFF  }
0xb6: {  	s28 =	simm.s32 $_size_execute0_lowered;
	s4 =	sadd.s32 s4, s6;
	[dreg:$0x0] =	wrdreg $0x0  }
0xb7: {  	s6 =	sshll.u32 s28, $0x1;
	[dreg:$0x2] =	wrdreg s4  }
0xb8: {  	[dreg:$0x3] =	wrdreg s6  }
0xb9: {  	[dreg:$0x4] =	wrdreg $0xC0  }
0xba: {  	_ =	task [dreg:s22], $0x5FFFF  }
0xbb: {  	[dreg:$0x1] =	wrdreg $0xFFFFFFFF  }
0xbc: {  	[dreg:$0x0] =	wrdreg $0x60  }
0xbd: {  	[dreg:$0x2] =	wrdreg s18  }
0xbe: {  	[dreg:$0x3] =	wrdreg s24  }
0xbf: {  	[dreg:$0x4] =	wrdreg $0xA  }
0xc0: {  	_ =	task.clear_ibuf [dreg:s22], $0x5FFFF;
	_ =	strace $0x90000049  }
0xc1: {  	s29 =	simm.s32 $0xA;
	_ =	strace $0x8000004B  }
0xc2: {  	_ =	swait.ge [sflag:s29], $0x1  }
0xc3: {  	[sflag:s29] =	ssyncadd.s32 $0xFFFFFFFF  }
0xc4: {  	_ =	strace $0x9000004B  }
0xc5: {  	_ =	sfence  }
0xc6: {  	s30 =	sld [smem:$0x0];
	_ =	sdelay $0x2  }
0xc7: {  	s31 =	sshll.u32 s1, $0xD;
	s1 =	sshrl.u32 s1, $0x2  }
0xc8: {  	s4 =	sand.u32 $0x4000, s31;
	s1 =	sadd.s32 s1, s30  }
0xc9: {  	s0 =	sor.u32 s4, s0;
	s1 =	sshll.u32 s1, $0x11  }
0xca: {  	s0 =	sor.u32 s1, s0  }
0xcb: {  	s0 =	sadd.s32 $0x8F2B, s0  }
0xcc: {  	[sflag:s0] =	ssyncadd.remote.s32 $0x1  }
0xcd: {  	_ =	sfence.sel $0xFFFF  }
0xce: {  	[dreg:$0x0] =	wrdreg $0xFFFFFFFF;
	(pc) =	sbr.abs _section_cstart, $3  }
0xcf: {  	[dreg:$0x1] =	wrdreg $0xFFFFFFFF  }
0xd0: {  	_ =	task.clear_ibuf [dreg:s22], $0x2FFFF;
	_ =	strace $0x9FFFFFFF  }
0xd1: {  	(tm) =	ssettm $0x7FFFFFFF  }
tec
execute0_lowered:
.L_overlay_start_1:
0x0: {  	(tag) =	ssettag $0x1  }
0x1: {  	s0 =	srdreg.scid  }
0x2: {  	s15 =	stileid.u32;
	s2 =	rddreg [dreg:$0x0]  }
0x3: {  	s4 =	rddreg [dreg:$0x1];
	s3 =	simm.s32 $0x0;
	s17 =	simm.s32 $0x5  }
0x4: {  	s19 =	simm.s32 $0x500;
	s21 =	simm.s32 $0x80;
	s22 =	simm.s32 $0x1400  }
0x5: {  	s23 =	simm.s32 $0x2800;
	s18 =	simm.s32 $0x12800;
	s20 =	simm.s32 $0x3  }
0x6: {  	s28 =	simm.s32 $0x4;
	s29 =	simm.s32 $0x0;
	s0 =	sand.u32 $0x1, s0  }
0x7: {  	s1 =	sshll.u32 s15, $0x1;
	[smem:$0x7FF] =	sst s3;
	s16 =	sadd.s32 $0x291400, s4  }
0x8: {  	s30 =	sshll.u32 s15, $0xC;
	s1 =	sor.u32 s0, s1;
	_ =	strace $0x8000004A  }
0x9: {  	s7 =	ssub.s32 $0x2, s0;
	s31 =	sadd.s32 s30, s16;
	s5 =	smul.u32 $0x280, s1  }
0xa: {  	s0 =	sshll.u32 s0, $0xB;
	s6 =	smul.u32 $0x500, s1;
	s8 =	sshrl.u32 s7, $0x1  }
0xb: {  	s1 =	sshll.u32 s1, $0xB;
	s13 =	ssub.s32 s7, s8;
	s5 =	sshrl.u32 s5, $0x3  }
0xc: {  	s6 =	sshrl.u32 s6, $0x3;
	s13 =	smax.u32 s13, $0x1;
	s5 =	sadd.s32 s5, s4  }
0xd: {  	s6 =	sadd.s32 s6, s4;
	s4 =	sadd.s32 s1, s4;
	s1 =	sadd.s32 s16, s1  }
0xe: {  	s16 =	sadd.s32 s0, s31;
	s0 =	simm.s32 $0xE800;
	s24 =	sadd.s32 $0xEC00, s5  }
0xf: {  	s25 =	sadd.s32 $0xF600, s5;
	s26 =	sadd.s32 $0x10000, s5;
	s5 =	sadd.s32 $0x10A00, s5  }
0x10: {  	s8 =	sadd.s32 $0x7400, s6;
	s9 =	sadd.s32 $0x8800, s6;
	[dreg:$0x3] =	wrdreg s24  }
0x11: {  	s10 =	sadd.s32 $0x9C00, s6;
	s11 =	sadd.s32 $0xB000, s6;
	[dreg:$0x4] =	wrdreg s25  }
0x12: {  	s12 =	sadd.s32 $0x3D1400, s4;
	s14 =	sadd.s32 $0x120000, s1;
	[dreg:$0x5] =	wrdreg s26  }
0x13: {  	v1 =	vlaneseq.u32;
	s15 =	sadd.s32 $0x130000, s1;
	s1 =	simm.s32 $0xA800;
	[dreg:$0x6] =	wrdreg s5  }
0x14: {  	v0 =	vmul.u32 $0x5, v1;
	v1 =	vmul.u32 $0xA, v1;
	s24 =	simm.s32 $0x6800;
	s25 =	simm.s32 $0x1;
	s26 =	simm.s32 $0x2  }
.LBB2_1:
0x15: {  	s4 =	rddreg [dreg:$0x3]  }
0x16: {  	[tilespmem:s3], [sflag:$0x5] =	stream.linear.gather [hbm4b:s4+s3], $0x280, $0x38;
	[tilespmem:$0x16800] =	vst v63  }
0x17: {  	_ =	swait.ge [sflag:s17], $0x280  }
0x18: {  	[sflag:s17] =	ssyncset.done $0x0  }
0x19: {  	s5 =	simm.s32 $0x280;
	s31 =	rddreg [dreg:$0x4];
	[sflag:s17] =	ssyncadd.s32 $0xFFFFFD80  }
0x1a: {  	[tilespmem:s5], [sflag:$0x5] =	stream.linear.gather [hbm4b:s31+s3], $0x280, $0x38;
	[tilespmem:$0x16800] =	vst v63  }
0x1b: {  	_ =	swait.ge [sflag:s17], $0x280  }
0x1c: {  	s6 =	sand.u32 $0x3, s3;
	[sflag:s17] =	ssyncset.done $0x0  }
0x1d: {  	s4 =	smul.u32 $0x280, s6;
	s5 =	rddreg [dreg:$0x5];
	[sflag:s17] =	ssyncadd.s32 $0xFFFFFD80  }
0x1e: {  	[tilespmem:s19], [sflag:$0x5] =	stream.linear.gather [hbm4b:s5+s3], $0x280, $0x38;
	[tilespmem:$0x16800] =	vst v63  }
0x1f: {  	_ =	swait.ge [sflag:s17], $0x280  }
0x20: {  	s6 =	sadd.s32 $0x0, s4;
	[sflag:s17] =	ssyncset.done $0x0  }
0x21: {  	v2 =	vadd.s32 s6, v0;
	s31 =	simm.s32 $0x780;
	s7 =	rddreg [dreg:$0x6];
	[sflag:s17] =	ssyncadd.s32 $0xFFFFFD80  }
0x22: {  	[tilespmem:s31], [sflag:$0x5] =	stream.linear.gather [hbm4b:s7+s3], $0x280, $0x38;
	[tilespmem:$0x16800] =	vst v63  }
0x23: {  	_ =	swait.ge [sflag:s17], $0x280  }
0x24: {  	[sflag:s17] =	ssyncset.done $0x0  }
0x25: {  	[sflag:s17] =	ssyncadd.s32 $0xFFFFFD80  }
0x26: {  	s7 =	sor.u32 $0x50, s6;
	v2 =	vld.idx.msk [tilespmem:v2+s3+$0x0], $0xffff  }
0x27: {  	v3 =	vadd.s32 s7, v0;
	_ =	sdelay $0x2  }
0x28: {  	s4 =	simm.s32 $0x1440  }
0x29: {  	[tilespmem:s4+$0xFFFFFFC0] =	vst v2  }
0x2a: {  	s31 =	sadd.s32 $0xA0, s6;
	v2 =	vld.idx.msk [tilespmem:v3+s3+$0x0], $0xffff  }
0x2b: {  	v3 =	vadd.s32 s31, v0;
	_ =	sdelay $0x3  }
0x2c: {  	[tilespmem:s4+$0xFFFFFFD0] =	vst v2  }
0x2d: {  	s7 =	sadd.s32 $0xF0, s6;
	v2 =	vld.idx.msk [tilespmem:v3+s3+$0x0], $0xffff  }
0x2e: {  	v3 =	vadd.s32 s7, v0;
	_ =	sdelay $0x3  }
0x2f: {  	[tilespmem:s4+$0xFFFFFFE0] =	vst v2  }
0x30: {  	s31 =	sadd.s32 $0x140, s6;
	v2 =	vld.idx.msk [tilespmem:v3+s3+$0x0], $0xffff  }
0x31: {  	v3 =	vadd.s32 s31, v0;
	_ =	sdelay $0x3  }
0x32: {  	[tilespmem:s4+$0xFFFFFFF0] =	vst v2  }
0x33: {  	s7 =	sadd.s32 $0x190, s6;
	v2 =	vld.idx.msk [tilespmem:v3+s3+$0x0], $0xffff  }
0x34: {  	v3 =	vadd.s32 s7, v0;
	_ =	sdelay $0x3  }
0x35: {  	[tilespmem:s4+$0x0] =	vst v2  }
0x36: {  	s31 =	sadd.s32 $0x1E0, s6;
	v2 =	vld.idx.msk [tilespmem:v3+s3+$0x0], $0xffff  }
0x37: {  	v3 =	vadd.s32 s31, v0;
	_ =	sdelay $0x3  }
0x38: {  	[tilespmem:s4+$0x10] =	vst v2  }
0x39: {  	s6 =	sadd.s32 $0x230, s6;
	v2 =	vld.idx.msk [tilespmem:v3+s3+$0x0], $0xffff  }
0x3a: {  	v3 =	vadd.s32 s6, v0;
	_ =	sdelay $0x1  }
0x3b: {  	s5 =	simm.s32 $0x1  }
0x3c: {  	s30 =	sand.u32 $0x3, s5;
	s6 =	simm.s32 $0x2  }
.LBB2_2:
0x3d: {  	p0 =	sne.s32 s6, $0x13;
	s30 =	smul.u32 $0x280, s30;
	[tilespmem:s4+$0x20] =	vst v2  }
0x3e: {  	s31 =	sshrl.u32 s5, $0x2;
	s5 =	smov.u32 s6;
	v2 =	vld.idx.msk [tilespmem:v3+s3+$0x0], $0xffff  }
0x3f: {  	s30 =	sadd.s32 s31, s30  }
0x40: {  	v3 =	vadd.s32 s30, v0;
	_ =	sdelay $0x3  }
0x41: {  	[tilespmem:s4+$0x30] =	vst v2  }
0x42: {  	v2 =	vld.idx.msk [tilespmem:v3+s3+$0x0], $0xffff  }
0x43: {  	s31 =	sor.u32 $0x50, s30  }
0x44: {  	v3 =	vadd.s32 s31, v0;
	_ =	sdelay $0x2  }
0x45: {  	s4 =	sadd.s32 $0x80, s4  }
0x46: {  	[tilespmem:s4+$0xFFFFFFC0] =	vst v2  }
0x47: {  	v2 =	vld.idx.msk [tilespmem:v3+s3+$0x0], $0xffff  }
0x48: {  	s31 =	sadd.s32 $0xA0, s30  }
0x49: {  	v3 =	vadd.s32 s31, v0;
	_ =	sdelay $0x3  }
0x4a: {  	[tilespmem:s4+$0xFFFFFFD0] =	vst v2  }
0x4b: {  	v2 =	vld.idx.msk [tilespmem:v3+s3+$0x0], $0xffff  }
0x4c: {  	s31 =	sadd.s32 $0xF0, s30  }
0x4d: {  	v3 =	vadd.s32 s31, v0;
	_ =	sdelay $0x3  }
0x4e: {  	[tilespmem:s4+$0xFFFFFFE0] =	vst v2  }
0x4f: {  	v2 =	vld.idx.msk [tilespmem:v3+s3+$0x0], $0xffff  }
0x50: {  	s31 =	sadd.s32 $0x140, s30  }
0x51: {  	v3 =	vadd.s32 s31, v0;
	_ =	sdelay $0x3  }
0x52: {  	[tilespmem:s4+$0xFFFFFFF0] =	vst v2  }
0x53: {  	v2 =	vld.idx.msk [tilespmem:v3+s3+$0x0], $0xffff  }
0x54: {  	s31 =	sadd.s32 $0x190, s30  }
0x55: {  	v3 =	vadd.s32 s31, v0;
	_ =	sdelay $0x3  }
0x56: {  	[tilespmem:s4+$0x0] =	vst v2  }
0x57: {  	v2 =	vld.idx.msk [tilespmem:v3+s3+$0x0], $0xffff  }
0x58: {  	s31 =	sadd.s32 $0x1E0, s30  }
0x59: {  	v3 =	vadd.s32 s31, v0;
	_ =	sdelay $0x3  }
0x5a: {  	[tilespmem:s4+$0x10] =	vst v2  }
0x5b: {  	v2 =	vld.idx.msk [tilespmem:v3+s3+$0x0], $0xffff  }
.Ltmp0:
0x5c: {  	s30 =	sadd.s32 $0x230, s30;
	(pc) =	sbr.rel @p0 .LBB2_2-.Ltmp0, $2  }
0x5d: {  	v3 =	vadd.s32 s30, v0;
	_ =	sdelay $0x2  }
0x5e: {  	s6 =	sadd.s32 $0x1, s6;
	s30 =	sand.u32 $0x3, s5  }
0x5f: {  	_ =	sdelay $0x1  }
0x60: {  	s6 =	smul.u32 $0x280, s30  }
0x61: {  	[tilespmem:s4+$0x20] =	vst v2;
	s5 =	sshrl.u32 s5, $0x2  }
0x62: {  	v2 =	vld.idx.msk [tilespmem:v3+s3+$0x0], $0xffff;
	s5 =	sadd.s32 s5, s6  }
0x63: {  	v3 =	vadd.s32 s5, v0;
	_ =	sdelay $0x3  }
0x64: {  	[tilespmem:s4+$0x30] =	vst v2  }
0x65: {  	s6 =	sor.u32 $0x50, s5;
	v2 =	vld.idx.msk [tilespmem:v3+s3+$0x0], $0xffff  }
0x66: {  	v3 =	vadd.s32 s6, v0;
	_ =	sdelay $0x2  }
0x67: {  	s4 =	sadd.s32 $0x80, s4  }
0x68: {  	[tilespmem:s4+$0xFFFFFFC0] =	vst v2  }
0x69: {  	s31 =	sadd.s32 $0xA0, s5;
	v2 =	vld.idx.msk [tilespmem:v3+s3+$0x0], $0xffff  }
0x6a: {  	v3 =	vadd.s32 s31, v0;
	_ =	sdelay $0x3  }
0x6b: {  	[tilespmem:s4+$0xFFFFFFD0] =	vst v2  }
0x6c: {  	s7 =	sadd.s32 $0xF0, s5;
	v2 =	vld.idx.msk [tilespmem:v3+s3+$0x0], $0xffff  }
0x6d: {  	v3 =	vadd.s32 s7, v0;
	_ =	sdelay $0x3  }
0x6e: {  	[tilespmem:s4+$0xFFFFFFE0] =	vst v2  }
0x6f: {  	s30 =	sadd.s32 $0x140, s5;
	v2 =	vld.idx.msk [tilespmem:v3+s3+$0x0], $0xffff  }
0x70: {  	v3 =	vadd.s32 s30, v0;
	_ =	sdelay $0x3  }
0x71: {  	[tilespmem:s4+$0xFFFFFFF0] =	vst v2  }
0x72: {  	s31 =	sadd.s32 $0x190, s5;
	v2 =	vld.idx.msk [tilespmem:v3+s3+$0x0], $0xffff  }
0x73: {  	v3 =	vadd.s32 s31, v0;
	_ =	sdelay $0x3  }
0x74: {  	[tilespmem:s4+$0x0] =	vst v2  }
0x75: {  	s7 =	sadd.s32 $0x1E0, s5;
	v2 =	vld.idx.msk [tilespmem:v3+s3+$0x0], $0xffff  }
0x76: {  	v3 =	vadd.s32 s7, v0;
	_ =	sdelay $0x3  }
0x77: {  	[tilespmem:s4+$0x10] =	vst v2  }
0x78: {  	s5 =	sadd.s32 $0x230, s5;
	v2 =	vld.idx.msk [tilespmem:v3+s3+$0x0], $0xffff  }
0x79: {  	v3 =	vadd.s32 s5, v0;
	_ =	sdelay $0x3  }
0x7a: {  	[tilespmem:s4+$0x20] =	vst v2  }
0x7b: {  	v2 =	vld.idx.msk [tilespmem:v3+s3+$0x0], $0xffff;
	_ =	sdelay $0x4  }
0x7c: {  	[tilespmem:s4+$0x30] =	vst v2  }
0x7d: {  	[tilespmem:s23], [sflag:$0x1] =	stream.indirect.gather [hbm4b:s2+s21], $0x80, s22, s21, $0xb8;
	[tilespmem:$0x16800] =	vst v63  }
0x7e: {  	s4 =	simm.s32 $0x1480  }
0x7f: {  	[tilespmem:s24], [sflag:$0x2] =	stream.indirect.gather [hbm4b:s2+s21], $0x80, s4, s21, $0xb8;
	[tilespmem:$0x16800] =	vst v63  }
0x80: {  	_ =	swait.ge [sflag:s25], $0x4000  }
0x81: {  	[sflag:s25] =	ssyncset.done $0x0  }
0x82: {  	s30 =	sadd.s32 $0x0, s16;
	[sflag:s25] =	ssyncadd.s32 $0xFFFFC000  }
0x83: {  	[hbm4b:s30+s3] =	stream.linear.scatter [tilespmem:s23], [sflag:$0x5], $0x4000, $0x38;
	[tilespmem:$0x16800] =	vst v63  }
0x84: {  	_ =	swait.ge [sflag:s17], $0x4000  }
0x85: {  	[sflag:s17] =	ssyncset.done $0x0  }
0x86: {  	s31 =	simm.s32 $0x1500;
	[sflag:s17] =	ssyncadd.s32 $0xFFFFC000  }
0x87: {  	[tilespmem:s23], [sflag:$0x1] =	stream.indirect.gather [hbm4b:s2+s21], $0x80, s31, s21, $0xb8;
	[tilespmem:$0x16800] =	vst v63  }
0x88: {  	_ =	swait.ge [sflag:s26], $0x4000  }
0x89: {  	[sflag:s26] =	ssyncset.done $0x0  }
0x8a: {  	s5 =	sadd.s32 $0x10000, s30;
	[sflag:s26] =	ssyncadd.s32 $0xFFFFC000  }
0x8b: {  	[hbm4b:s5+s3] =	stream.linear.scatter [tilespmem:s24], [sflag:$0x5], $0x4000, $0x38;
	[tilespmem:$0x16800] =	vst v63  }
0x8c: {  	_ =	swait.ge [sflag:s17], $0x4000  }
0x8d: {  	s5 =	simm.s32 $0x20000;
	[sflag:s17] =	ssyncset.done $0x0  }
.LBB2_4:
0x8e: {  	p0 =	sne.s32 s5, $0x100000;
	[sflag:s17] =	ssyncadd.s32 $0xFFFFC000;
	s4 =	sadd.s32 $0x100, s4  }
0x8f: {  	[tilespmem:s24], [sflag:$0x2] =	stream.indirect.gather [hbm4b:s2+s21], $0x80, s4, s21, $0xb8;
	[tilespmem:$0x16800] =	vst v63  }
0x90: {  	s6 =	smov.u32 s5;
	s5 =	sadd.s32 $0x20000, s5;
	_ =	swait.ge [sflag:s25], $0x4000  }
0x91: {  	[sflag:s25] =	ssyncset.done $0x0  }
0x92: {  	s6 =	sadd.s32 s6, s16;
	[sflag:s25] =	ssyncadd.s32 $0xFFFFC000  }
0x93: {  	[hbm4b:s6+s3] =	stream.linear.scatter [tilespmem:s23], [sflag:$0x5], $0x4000, $0x38;
	[tilespmem:$0x16800] =	vst v63  }
0x94: {  	_ =	swait.ge [sflag:s17], $0x4000  }
0x95: {  	[sflag:s17] =	ssyncset.done $0x0  }
0x96: {  	s30 =	sadd.s32 $0x80, s4;
	[sflag:s17] =	ssyncadd.s32 $0xFFFFC000  }
0x97: {  	[tilespmem:s23], [sflag:$0x1] =	stream.indirect.gather [hbm4b:s2+s21], $0x80, s30, s21, $0xb8;
	[tilespmem:$0x16800] =	vst v63  }
0x98: {  	_ =	swait.ge [sflag:s26], $0x4000  }
.Ltmp1:
0x99: {  	[sflag:s26] =	ssyncset.done $0x0;
	(pc) =	sbr.rel @p0 .LBB2_4-.Ltmp1, $4  }
0x9a: {  	s6 =	sadd.s32 $0x10000, s6;
	[sflag:s26] =	ssyncadd.s32 $0xFFFFC000  }
0x9b: {  	[hbm4b:s6+s3] =	stream.linear.scatter [tilespmem:s24], [sflag:$0x5], $0x4000, $0x38;
	[tilespmem:$0x16800] =	vst v63  }
0x9c: {  	_ =	swait.ge [sflag:s17], $0x4000  }
0x9d: {  	[sflag:s17] =	ssyncset.done $0x0  }
0x9e: {  	[sflag:s17] =	ssyncadd.s32 $0xFFFFC000;
	s4 =	simm.s32 $0x1D80  }
0x9f: {  	[tilespmem:s24], [sflag:$0x2] =	stream.indirect.gather [hbm4b:s2+s21], $0x80, s4, s21, $0xb8;
	[tilespmem:$0x16800] =	vst v63  }
0xa0: {  	_ =	swait.ge [sflag:s25], $0x4000  }
0xa1: {  	[sflag:s25] =	ssyncset.done $0x0  }
0xa2: {  	s4 =	simm.s32 $0x0;
	[sflag:s25] =	ssyncadd.s32 $0xFFFFC000  }
0xa3: {  	[hbm4b:s14+s4] =	stream.linear.scatter [tilespmem:s23], [sflag:$0x5], $0x4000, $0x38;
	[tilespmem:$0x16800] =	vst v63  }
0xa4: {  	_ =	swait.ge [sflag:s17], $0x4000  }
0xa5: {  	[sflag:s17] =	ssyncset.done $0x0  }
0xa6: {  	[sflag:s17] =	ssyncadd.s32 $0xFFFFC000  }
0xa7: {  	_ =	swait.ge [sflag:s26], $0x4000  }
0xa8: {  	[sflag:s26] =	ssyncset.done $0x0  }
0xa9: {  	[sflag:s26] =	ssyncadd.s32 $0xFFFFC000  }
0xaa: {  	[hbm4b:s15+s4] =	stream.linear.scatter [tilespmem:s24], [sflag:$0x5], $0x4000, $0x38;
	[tilespmem:$0x16800] =	vst v63  }
0xab: {  	_ =	swait.ge [sflag:s17], $0x4000  }
0xac: {  	[sflag:s17] =	ssyncset.done $0x0  }
0xad: {  	[sflag:s17] =	ssyncadd.s32 $0xFFFFC000  }
0xae: {  	[tilespmem:s4], [sflag:$0x5] =	stream.linear.gather [hbm4b:s8+s4], $0x500, $0x38;
	[tilespmem:$0x16800] =	vst v63  }
0xaf: {  	_ =	swait.ge [sflag:s17], $0x500  }
0xb0: {  	[sflag:s17] =	ssyncset.done $0x0  }
0xb1: {  	[sflag:s17] =	ssyncadd.s32 $0xFFFFFB00  }
0xb2: {  	[tilespmem:s19], [sflag:$0x5] =	stream.linear.gather [hbm4b:s9+s4], $0x500, $0x38;
	[tilespmem:$0x16800] =	vst v63  }
0xb3: {  	_ =	swait.ge [sflag:s17], $0x500  }
0xb4: {  	[sflag:s17] =	ssyncset.done $0x0  }
0xb5: {  	s5 =	simm.s32 $0xA00;
	s6 =	sand.u32 $0x3, s4;
	[sflag:s17] =	ssyncadd.s32 $0xFFFFFB00  }
0xb6: {  	[tilespmem:s5], [sflag:$0x5] =	stream.linear.gather [hbm4b:s10+s4], $0x500, $0x38;
	[tilespmem:$0x16800] =	vst v63  }
0xb7: {  	s5 =	smul.u32 $0x500, s6;
	s6 =	simm.s32 $0x0  }
0xb8: {  	_ =	swait.ge [sflag:s17], $0x500;
	s6 =	sand.u32 $0xE, s6  }
0xb9: {  	[sflag:s17] =	ssyncset.done $0x0;
	s5 =	sor.u32 s6, s5  }
0xba: {  	s7 =	simm.s32 $0xF00;
	[sflag:s17] =	ssyncadd.s32 $0xFFFFFB00;
	v2 =	vadd.s32 s5, v1  }
0xbb: {  	[tilespmem:s7], [sflag:$0x5] =	stream.linear.gather [hbm4b:s11+s4], $0x500, $0x38;
	[tilespmem:$0x16800] =	vst v63  }
0xbc: {  	_ =	swait.ge [sflag:s17], $0x500  }
0xbd: {  	[sflag:s17] =	ssyncset.done $0x0  }
0xbe: {  	[sflag:s17] =	ssyncadd.s32 $0xFFFFFB00  }
0xbf: {  	s6 =	sor.u32 $0x1, s5;
	v2 =	vld.idx.msk [tilespmem:v2+s3+$0x0], $0xffff  }
0xc0: {  	v3 =	vadd.s32 s6, v1;
	_ =	sdelay $0x2  }
0xc1: {  	s30 =	simm.s32 $0x1440  }
0xc2: {  	[tilespmem:s30+$0xFFFFFFC0] =	vst v2  }
0xc3: {  	s7 =	sor.u32 $0xA0, s5;
	v2 =	vld.idx.msk [tilespmem:v3+s3+$0x0], $0xffff  }
0xc4: {  	v3 =	vadd.s32 s7, v1;
	_ =	sdelay $0x2  }
0xc5: {  	s31 =	simm.s32 $0x1E40  }
0xc6: {  	[tilespmem:s31+$0xFFFFFFC0] =	vst v2  }
0xc7: {  	s6 =	sor.u32 $0xA1, s5;
	v2 =	vld.idx.msk [tilespmem:v3+s3+$0x0], $0xffff  }
0xc8: {  	v3 =	vadd.s32 s6, v1;
	_ =	sdelay $0x3  }
0xc9: {  	[tilespmem:s30+$0xFFFFFFD0] =	vst v2  }
0xca: {  	s7 =	sadd.s32 $0x140, s5;
	v2 =	vld.idx.msk [tilespmem:v3+s3+$0x0], $0xffff  }
0xcb: {  	v3 =	vadd.s32 s7, v1;
	_ =	sdelay $0x3  }
0xcc: {  	[tilespmem:s31+$0xFFFFFFD0] =	vst v2  }
0xcd: {  	s6 =	sadd.s32 $0x141, s5;
	v2 =	vld.idx.msk [tilespmem:v3+s3+$0x0], $0xffff  }
0xce: {  	v3 =	vadd.s32 s6, v1;
	_ =	sdelay $0x3  }
0xcf: {  	[tilespmem:s30+$0xFFFFFFE0] =	vst v2  }
0xd0: {  	s7 =	sadd.s32 $0x1E0, s5;
	v2 =	vld.idx.msk [tilespmem:v3+s3+$0x0], $0xffff  }
0xd1: {  	v3 =	vadd.s32 s7, v1;
	_ =	sdelay $0x3  }
0xd2: {  	[tilespmem:s31+$0xFFFFFFE0] =	vst v2  }
0xd3: {  	s6 =	sadd.s32 $0x1E1, s5;
	v2 =	vld.idx.msk [tilespmem:v3+s3+$0x0], $0xffff  }
0xd4: {  	v3 =	vadd.s32 s6, v1;
	_ =	sdelay $0x3  }
0xd5: {  	[tilespmem:s30+$0xFFFFFFF0] =	vst v2  }
0xd6: {  	s7 =	sadd.s32 $0x280, s5;
	v2 =	vld.idx.msk [tilespmem:v3+s3+$0x0], $0xffff  }
0xd7: {  	v3 =	vadd.s32 s7, v1;
	_ =	sdelay $0x3  }
0xd8: {  	[tilespmem:s31+$0xFFFFFFF0] =	vst v2  }
0xd9: {  	s6 =	sadd.s32 $0x281, s5;
	v2 =	vld.idx.msk [tilespmem:v3+s3+$0x0], $0xffff  }
0xda: {  	v3 =	vadd.s32 s6, v1;
	_ =	sdelay $0x3  }
0xdb: {  	[tilespmem:s30+$0x0] =	vst v2  }
0xdc: {  	s7 =	sadd.s32 $0x320, s5;
	v2 =	vld.idx.msk [tilespmem:v3+s3+$0x0], $0xffff  }
0xdd: {  	v3 =	vadd.s32 s7, v1;
	_ =	sdelay $0x3  }
0xde: {  	[tilespmem:s31+$0x0] =	vst v2  }
0xdf: {  	s6 =	sadd.s32 $0x321, s5;
	v2 =	vld.idx.msk [tilespmem:v3+s3+$0x0], $0xffff  }
0xe0: {  	v3 =	vadd.s32 s6, v1;
	_ =	sdelay $0x3  }
0xe1: {  	[tilespmem:s30+$0x10] =	vst v2  }
0xe2: {  	s7 =	sadd.s32 $0x3C0, s5;
	v2 =	vld.idx.msk [tilespmem:v3+s3+$0x0], $0xffff  }
0xe3: {  	v3 =	vadd.s32 s7, v1;
	_ =	sdelay $0x3  }
0xe4: {  	[tilespmem:s31+$0x10] =	vst v2  }
0xe5: {  	s6 =	sadd.s32 $0x3C1, s5;
	v2 =	vld.idx.msk [tilespmem:v3+s3+$0x0], $0xffff  }
0xe6: {  	v3 =	vadd.s32 s6, v1;
	_ =	sdelay $0x3  }
0xe7: {  	[tilespmem:s30+$0x20] =	vst v2  }
0xe8: {  	s7 =	sadd.s32 $0x460, s5;
	v2 =	vld.idx.msk [tilespmem:v3+s3+$0x0], $0xffff  }
0xe9: {  	v3 =	vadd.s32 s7, v1;
	_ =	sdelay $0x3  }
0xea: {  	[tilespmem:s31+$0x20] =	vst v2  }
0xeb: {  	s5 =	sadd.s32 $0x461, s5;
	v2 =	vld.idx.msk [tilespmem:v3+s3+$0x0], $0xffff  }
0xec: {  	v3 =	vadd.s32 s5, v1;
	_ =	sdelay $0x1  }
0xed: {  	s4 =	simm.s32 $0x1  }
0xee: {  	s6 =	sand.u32 $0x3, s4;
	s5 =	simm.s32 $0x2  }
.LBB2_6:
0xef: {  	p0 =	sne.s32 s5, $0x13;
	s6 =	smul.u32 $0x500, s6;
	s4 =	sshrl.u32 s4, $0x1;
	[tilespmem:s30+$0x30] =	vst v2  }
0xf0: {  	s7 =	sand.u32 $0xE, s4;
	v2 =	vld.idx.msk [tilespmem:v3+s3+$0x0], $0xffff;
	s4 =	smov.u32 s5  }
0xf1: {  	s6 =	sor.u32 s7, s6  }
0xf2: {  	v3 =	vadd.s32 s6, v1;
	_ =	sdelay $0x3  }
0xf3: {  	[tilespmem:s31+$0x30] =	vst v2  }
0xf4: {  	v2 =	vld.idx.msk [tilespmem:v3+s3+$0x0], $0xffff  }
0xf5: {  	s7 =	sor.u32 $0x1, s6  }
0xf6: {  	v3 =	vadd.s32 s7, v1;
	_ =	sdelay $0x2  }
0xf7: {  	s30 =	sadd.s32 $0x80, s30  }
0xf8: {  	[tilespmem:s30+$0xFFFFFFC0] =	vst v2  }
0xf9: {  	v2 =	vld.idx.msk [tilespmem:v3+s3+$0x0], $0xffff  }
0xfa: {  	s7 =	sor.u32 $0xA0, s6  }
0xfb: {  	v3 =	vadd.s32 s7, v1;
	_ =	sdelay $0x2  }
0xfc: {  	s31 =	sadd.s32 $0x80, s31  }
0xfd: {  	[tilespmem:s31+$0xFFFFFFC0] =	vst v2  }
0xfe: {  	v2 =	vld.idx.msk [tilespmem:v3+s3+$0x0], $0xffff  }
0xff: {  	s7 =	sor.u32 $0xA1, s6  }
0x100: {  	v3 =	vadd.s32 s7, v1;
	_ =	sdelay $0x3  }
0x101: {  	[tilespmem:s30+$0xFFFFFFD0] =	vst v2  }
0x102: {  	v2 =	vld.idx.msk [tilespmem:v3+s3+$0x0], $0xffff  }
0x103: {  	s7 =	sadd.s32 $0x140, s6  }
0x104: {  	v3 =	vadd.s32 s7, v1;
	_ =	sdelay $0x3  }
0x105: {  	[tilespmem:s31+$0xFFFFFFD0] =	vst v2  }
0x106: {  	v2 =	vld.idx.msk [tilespmem:v3+s3+$0x0], $0xffff  }
0x107: {  	s7 =	sadd.s32 $0x141, s6  }
0x108: {  	v3 =	vadd.s32 s7, v1;
	_ =	sdelay $0x3  }
0x109: {  	[tilespmem:s30+$0xFFFFFFE0] =	vst v2  }
0x10a: {  	v2 =	vld.idx.msk [tilespmem:v3+s3+$0x0], $0xffff  }
0x10b: {  	s7 =	sadd.s32 $0x1E0, s6  }
0x10c: {  	v3 =	vadd.s32 s7, v1;
	_ =	sdelay $0x3  }
0x10d: {  	[tilespmem:s31+$0xFFFFFFE0] =	vst v2  }
0x10e: {  	v2 =	vld.idx.msk [tilespmem:v3+s3+$0x0], $0xffff  }
0x10f: {  	s7 =	sadd.s32 $0x1E1, s6  }
0x110: {  	v3 =	vadd.s32 s7, v1;
	_ =	sdelay $0x3  }
0x111: {  	[tilespmem:s30+$0xFFFFFFF0] =	vst v2  }
0x112: {  	v2 =	vld.idx.msk [tilespmem:v3+s3+$0x0], $0xffff  }
0x113: {  	s7 =	sadd.s32 $0x280, s6  }
0x114: {  	v3 =	vadd.s32 s7, v1;
	_ =	sdelay $0x3  }
0x115: {  	[tilespmem:s31+$0xFFFFFFF0] =	vst v2  }
0x116: {  	v2 =	vld.idx.msk [tilespmem:v3+s3+$0x0], $0xffff  }
0x117: {  	s7 =	sadd.s32 $0x281, s6  }
0x118: {  	v3 =	vadd.s32 s7, v1;
	_ =	sdelay $0x3  }
0x119: {  	[tilespmem:s30+$0x0] =	vst v2  }
0x11a: {  	v2 =	vld.idx.msk [tilespmem:v3+s3+$0x0], $0xffff  }
0x11b: {  	s7 =	sadd.s32 $0x320, s6  }
0x11c: {  	v3 =	vadd.s32 s7, v1;
	_ =	sdelay $0x3  }
0x11d: {  	[tilespmem:s31+$0x0] =	vst v2  }
0x11e: {  	v2 =	vld.idx.msk [tilespmem:v3+s3+$0x0], $0xffff  }
0x11f: {  	s7 =	sadd.s32 $0x321, s6  }
0x120: {  	v3 =	vadd.s32 s7, v1;
	_ =	sdelay $0x3  }
0x121: {  	[tilespmem:s30+$0x10] =	vst v2  }
0x122: {  	v2 =	vld.idx.msk [tilespmem:v3+s3+$0x0], $0xffff  }
0x123: {  	s7 =	sadd.s32 $0x3C0, s6  }
0x124: {  	v3 =	vadd.s32 s7, v1;
	_ =	sdelay $0x3  }
0x125: {  	[tilespmem:s31+$0x10] =	vst v2  }
0x126: {  	v2 =	vld.idx.msk [tilespmem:v3+s3+$0x0], $0xffff  }
0x127: {  	s7 =	sadd.s32 $0x3C1, s6  }
0x128: {  	v3 =	vadd.s32 s7, v1;
	_ =	sdelay $0x3  }
0x129: {  	[tilespmem:s30+$0x20] =	vst v2  }
0x12a: {  	v2 =	vld.idx.msk [tilespmem:v3+s3+$0x0], $0xffff  }
0x12b: {  	s7 =	sadd.s32 $0x460, s6  }
0x12c: {  	v3 =	vadd.s32 s7, v1;
	_ =	sdelay $0x3  }
0x12d: {  	[tilespmem:s31+$0x20] =	vst v2  }
0x12e: {  	v2 =	vld.idx.msk [tilespmem:v3+s3+$0x0], $0xffff  }
.Ltmp2:
0x12f: {  	s6 =	sadd.s32 $0x461, s6;
	(pc) =	sbr.rel @p0 .LBB2_6-.Ltmp2, $2  }
0x130: {  	v3 =	vadd.s32 s6, v1;
	_ =	sdelay $0x2  }
0x131: {  	s5 =	sadd.s32 $0x1, s5;
	s6 =	sand.u32 $0x3, s4  }
0x132: {  	_ =	sdelay $0x1  }
0x133: {  	s5 =	smul.u32 $0x500, s6;
	s4 =	sshrl.u32 s4, $0x1  }
0x134: {  	[tilespmem:s30+$0x30] =	vst v2;
	s4 =	sand.u32 $0xE, s4  }
0x135: {  	v2 =	vld.idx.msk [tilespmem:v3+s3+$0x0], $0xffff;
	s4 =	sor.u32 s4, s5  }
0x136: {  	v3 =	vadd.s32 s4, v1;
	_ =	sdelay $0x3  }
0x137: {  	[tilespmem:s31+$0x30] =	vst v2  }
0x138: {  	s5 =	sor.u32 $0x1, s4;
	v2 =	vld.idx.msk [tilespmem:v3+s3+$0x0], $0xffff  }
0x139: {  	v3 =	vadd.s32 s5, v1;
	_ =	sdelay $0x2  }
0x13a: {  	s5 =	sadd.s32 $0x80, s30  }
0x13b: {  	[tilespmem:s5+$0xFFFFFFC0] =	vst v2  }
0x13c: {  	s7 =	sor.u32 $0xA0, s4;
	v2 =	vld.idx.msk [tilespmem:v3+s3+$0x0], $0xffff  }
0x13d: {  	v3 =	vadd.s32 s7, v1;
	_ =	sdelay $0x2  }
0x13e: {  	s6 =	sadd.s32 $0x80, s31  }
0x13f: {  	[tilespmem:s6+$0xFFFFFFC0] =	vst v2  }
0x140: {  	s7 =	sor.u32 $0xA1, s4;
	v2 =	vld.idx.msk [tilespmem:v3+s3+$0x0], $0xffff  }
0x141: {  	v3 =	vadd.s32 s7, v1;
	_ =	sdelay $0x3  }
0x142: {  	[tilespmem:s5+$0xFFFFFFD0] =	vst v2  }
0x143: {  	s31 =	sadd.s32 $0x140, s4;
	v2 =	vld.idx.msk [tilespmem:v3+s3+$0x0], $0xffff  }
0x144: {  	v3 =	vadd.s32 s31, v1;
	_ =	sdelay $0x3  }
0x145: {  	[tilespmem:s6+$0xFFFFFFD0] =	vst v2  }
0x146: {  	s31 =	sadd.s32 $0x141, s4;
	v2 =	vld.idx.msk [tilespmem:v3+s3+$0x0], $0xffff  }
0x147: {  	v3 =	vadd.s32 s31, v1;
	_ =	sdelay $0x3  }
0x148: {  	[tilespmem:s5+$0xFFFFFFE0] =	vst v2  }
0x149: {  	s31 =	sadd.s32 $0x1E0, s4;
	v2 =	vld.idx.msk [tilespmem:v3+s3+$0x0], $0xffff  }
0x14a: {  	v3 =	vadd.s32 s31, v1;
	_ =	sdelay $0x3  }
0x14b: {  	[tilespmem:s6+$0xFFFFFFE0] =	vst v2  }
0x14c: {  	s31 =	sadd.s32 $0x1E1, s4;
	v2 =	vld.idx.msk [tilespmem:v3+s3+$0x0], $0xffff  }
0x14d: {  	v3 =	vadd.s32 s31, v1;
	_ =	sdelay $0x3  }
0x14e: {  	[tilespmem:s5+$0xFFFFFFF0] =	vst v2  }
0x14f: {  	s31 =	sadd.s32 $0x280, s4;
	v2 =	vld.idx.msk [tilespmem:v3+s3+$0x0], $0xffff  }
0x150: {  	v3 =	vadd.s32 s31, v1;
	_ =	sdelay $0x3  }
0x151: {  	[tilespmem:s6+$0xFFFFFFF0] =	vst v2  }
0x152: {  	s31 =	sadd.s32 $0x281, s4;
	v2 =	vld.idx.msk [tilespmem:v3+s3+$0x0], $0xffff  }
0x153: {  	v3 =	vadd.s32 s31, v1;
	_ =	sdelay $0x3  }
0x154: {  	[tilespmem:s5+$0x0] =	vst v2  }
0x155: {  	s31 =	sadd.s32 $0x320, s4;
	v2 =	vld.idx.msk [tilespmem:v3+s3+$0x0], $0xffff  }
0x156: {  	v3 =	vadd.s32 s31, v1;
	_ =	sdelay $0x3  }
0x157: {  	[tilespmem:s6+$0x0] =	vst v2  }
0x158: {  	s31 =	sadd.s32 $0x321, s4;
	v2 =	vld.idx.msk [tilespmem:v3+s3+$0x0], $0xffff  }
0x159: {  	v3 =	vadd.s32 s31, v1;
	_ =	sdelay $0x3  }
0x15a: {  	[tilespmem:s5+$0x10] =	vst v2  }
0x15b: {  	s31 =	sadd.s32 $0x3C0, s4;
	v2 =	vld.idx.msk [tilespmem:v3+s3+$0x0], $0xffff  }
0x15c: {  	v3 =	vadd.s32 s31, v1;
	_ =	sdelay $0x3  }
0x15d: {  	[tilespmem:s6+$0x10] =	vst v2  }
0x15e: {  	s31 =	sadd.s32 $0x3C1, s4;
	v2 =	vld.idx.msk [tilespmem:v3+s3+$0x0], $0xffff  }
0x15f: {  	v3 =	vadd.s32 s31, v1;
	_ =	sdelay $0x3  }
0x160: {  	[tilespmem:s5+$0x20] =	vst v2  }
0x161: {  	s31 =	sadd.s32 $0x460, s4;
	v2 =	vld.idx.msk [tilespmem:v3+s3+$0x0], $0xffff  }
0x162: {  	v3 =	vadd.s32 s31, v1;
	_ =	sdelay $0x3  }
0x163: {  	[tilespmem:s6+$0x20] =	vst v2  }
0x164: {  	s4 =	sadd.s32 $0x461, s4;
	v2 =	vld.idx.msk [tilespmem:v3+s3+$0x0], $0xffff  }
0x165: {  	v3 =	vadd.s32 s4, v1;
	_ =	sdelay $0x3  }
0x166: {  	[tilespmem:s5+$0x30] =	vst v2  }
0x167: {  	v2 =	vld.idx.msk [tilespmem:v3+s3+$0x0], $0xffff;
	_ =	sdelay $0x4  }
0x168: {  	[tilespmem:s6+$0x30] =	vst v2  }
0x169: {  	[tilespmem:s23], [sflag:$0x1] =	stream.indirect.gather [hbm4b:s2+s21], $0x80, s22, s21, $0xb8;
	[tilespmem:$0x16800] =	vst v63  }
0x16a: {  	s30 =	simm.s32 $0x0;
	s31 =	simm.s32 $0x1E00  }
0x16b: {  	[tilespmem:s24], [sflag:$0x2] =	stream.indirect.gather [hbm4b:s2+s21], $0x80, s31, s21, $0xb8;
	[tilespmem:$0x16800] =	vst v63  }
.LBB2_8:
0x16c: {  	s31 =	sshllo.u32 s30, $0x1  }
0x16d: {  	s4 =	sshll.u32 s31, $0x7  }
0x16e: {  	s5 =	sadd.s32 $0x1400, s4  }
0x16f: {  	[tilespmem:s1], [sflag:$0x3] =	stream.indirect.gather [hbm4b:s2+s21], $0x80, s5, s21, $0xb8;
	[tilespmem:$0x16800] =	vst v63  }
0x170: {  	s4 =	sadd.s32 $0x1E00, s4  }
0x171: {  	[tilespmem:s0], [sflag:$0x4] =	stream.indirect.gather [hbm4b:s2+s21], $0x80, s4, s21, $0xb8;
	[tilespmem:$0x16800] =	vst v63  }
0x172: {  	_ =	swait.ge [sflag:s25], $0x4000  }
0x173: {  	[sflag:s25] =	ssyncset.done $0x0  }
0x174: {  	[sflag:s25] =	ssyncadd.s32 $0xFFFFC000  }
0x175: {  	_ =	swait.ge [sflag:s26], $0x4000  }
0x176: {  	[sflag:s26] =	ssyncset.done $0x0  }
0x177: {  	s4 =	simm.s32 $0x0;
	[sflag:s26] =	ssyncadd.s32 $0xFFFFC000  }
0x178: {  	v2 =	vld [tilespmem:s4+$0x2870]  }
0x179: {  	v3 =	vld [tilespmem:s4+$0x6870]  }
0x17a: {  	v4 =	vld [tilespmem:s4+$0x2800]  }
0x17b: {  	v5 =	vld [tilespmem:s4+$0x6800]  }
0x17c: {  	v6 =	vld [tilespmem:s4+$0x2810]  }
0x17d: {  	v7 =	vld [tilespmem:s4+$0x6810]  }
0x17e: {  	v8 =	vld [tilespmem:s4+$0x2820]  }
0x17f: {  	v9 =	vld [tilespmem:s4+$0x2830]  }
0x180: {  	v2 =	vadd.f32 v3, v2;
	v3 =	vld [tilespmem:s4+$0x6820]  }
0x181: {  	v10 =	vld [tilespmem:s4+$0x6830]  }
0x182: {  	v11 =	vld [tilespmem:s4+$0x6840];
	v4 =	vadd.f32 v5, v4  }
0x183: {  	[tilespmem:s4+$0x12870] =	vst v2;
	v2 =	vadd.f32 v7, v6;
	v7 =	vld [tilespmem:s4+$0x2840]  }
0x184: {  	v5 =	vld [tilespmem:s4+$0x6850];
	[tilespmem:s4+$0x12800] =	vst v4  }
0x185: {  	v4 =	vld [tilespmem:s4+$0x2850];
	[tilespmem:s4+$0x12810] =	vst v2;
	v2 =	vadd.f32 v3, v8  }
0x186: {  	v6 =	vld [tilespmem:s4+$0x6860];
	v8 =	vadd.f32 v10, v9  }
0x187: {  	s5 =	simm.s32 $0x80;
	[tilespmem:s4+$0x12820] =	vst v2;
	v2 =	vld [tilespmem:s4+$0x2860]  }
0x188: {  	s6 =	simm.s32 $0x400;
	v7 =	vadd.f32 v11, v7;
	v3 =	vld [tilespmem:s5+$0x2870];
	[tilespmem:s4+$0x12830] =	vst v8  }
.LBB2_9:
0x189: {  	p0 =	sne.s32 s6, $0xFE00;
	v8 =	vld [tilespmem:s5+$0x6870]  }
0x18a: {  	v9 =	vld [tilespmem:s5+$0x2800];
	[tilespmem:s4+$0x12840] =	vst v7;
	v4 =	vadd.f32 v5, v4  }
0x18b: {  	v5 =	vld [tilespmem:s5+$0x6800]  }
0x18c: {  	v7 =	vld [tilespmem:s5+$0x2810];
	[tilespmem:s4+$0x12850] =	vst v4;
	v2 =	vadd.f32 v6, v2  }
0x18d: {  	v4 =	vld [tilespmem:s5+$0x6810]  }
0x18e: {  	v6 =	vld [tilespmem:s5+$0x2820];
	v3 =	vadd.f32 v8, v3;
	[tilespmem:s4+$0x12860] =	vst v2;
	s4 =	smov.u32 s5  }
0x18f: {  	v2 =	vld [tilespmem:s4+$0x6820]  }
0x190: {  	v5 =	vadd.f32 v5, v9;
	v8 =	vld [tilespmem:s4+$0x2830];
	[tilespmem:s4+$0x12870] =	vst v3  }
0x191: {  	v3 =	vld [tilespmem:s4+$0x6830]  }
0x192: {  	[tilespmem:s4+$0x12800] =	vst v5;
	v4 =	vadd.f32 v4, v7;
	v7 =	vld [tilespmem:s4+$0x2840]  }
0x193: {  	v9 =	vld [tilespmem:s4+$0x6840]  }
.Ltmp3:
0x194: {  	[tilespmem:s4+$0x12810] =	vst v4;
	v2 =	vadd.f32 v2, v6;
	v4 =	vld [tilespmem:s4+$0x2850];
	(pc) =	sbr.rel @p0 .LBB2_9-.Ltmp3, $4  }
0x195: {  	v5 =	vld [tilespmem:s4+$0x6850]  }
0x196: {  	[tilespmem:s4+$0x12820] =	vst v2;
	v8 =	vadd.f32 v3, v8;
	v2 =	vld [tilespmem:s4+$0x2860]  }
0x197: {  	s5 =	sshra.s32 s6, $0x2;
	v6 =	vld [tilespmem:s4+$0x6860]  }
0x198: {  	s6 =	sadd.s32 $0x200, s6;
	v3 =	vld [tilespmem:s5+$0x2870];
	[tilespmem:s4+$0x12830] =	vst v8;
	v7 =	vadd.f32 v9, v7  }
0x199: {  	v8 =	vld [tilespmem:s5+$0x6870]  }
0x19a: {  	v9 =	vld [tilespmem:s5+$0x2800];
	[tilespmem:s4+$0x12840] =	vst v7;
	v4 =	vadd.f32 v5, v4  }
0x19b: {  	v5 =	vld [tilespmem:s5+$0x6800]  }
0x19c: {  	v7 =	vld [tilespmem:s5+$0x2810];
	[tilespmem:s4+$0x12850] =	vst v4;
	v2 =	vadd.f32 v6, v2  }
0x19d: {  	v4 =	vld [tilespmem:s5+$0x6810]  }
0x19e: {  	v6 =	vld [tilespmem:s5+$0x2820];
	[tilespmem:s4+$0x12860] =	vst v2  }
0x19f: {  	v2 =	vadd.f32 v8, v3;
	v3 =	vld [tilespmem:s5+$0x6820]  }
0x1a0: {  	v8 =	vld [tilespmem:s5+$0x2830]  }
0x1a1: {  	v62 =	vld [tilespmem:s5+$0x6860];
	v5 =	vadd.f32 v5, v9  }
0x1a2: {  	[tilespmem:s5+$0x12870] =	vst v2;
	v2 =	vld [tilespmem:s5+$0x6830]  }
0x1a3: {  	[tilespmem:s5+$0x12800] =	vst v5;
	v4 =	vadd.f32 v4, v7;
	v5 =	vld [tilespmem:s5+$0x2840]  }
0x1a4: {  	v7 =	vld [tilespmem:s5+$0x6840]  }
0x1a5: {  	[tilespmem:s5+$0x12810] =	vst v4;
	v3 =	vadd.f32 v3, v6;
	v4 =	vld [tilespmem:s5+$0x2850]  }
0x1a6: {  	v6 =	vld [tilespmem:s5+$0x6850]  }
0x1a7: {  	[tilespmem:s5+$0x12820] =	vst v3;
	v3 =	vld [tilespmem:s5+$0x2860];
	_ =	sdelay $0x1  }
0x1a8: {  	v2 =	vadd.f32 v2, v8  }
0x1a9: {  	v5 =	vadd.f32 v7, v5  }
0x1aa: {  	[tilespmem:s5+$0x12830] =	vst v2;
	v2 =	vadd.f32 v6, v4  }
0x1ab: {  	[tilespmem:s5+$0x12840] =	vst v5;
	v3 =	vadd.f32 v62, v3  }
0x1ac: {  	s7 =	sshll.u32 s30, $0x11;
	[tilespmem:s5+$0x12850] =	vst v2  }
0x1ad: {  	s4 =	sadd.s32 s7, s12;
	[tilespmem:s5+$0x12860] =	vst v3  }
0x1ae: {  	[hbm4b:s4+s3] =	stream.linear.scatter [tilespmem:s18], [sflag:$0x5], $0x4000, $0x38;
	[tilespmem:$0x16800] =	vst v63  }
0x1af: {  	p0 =	seq.s32 s30, $0x9;
	_ =	swait.ge [sflag:s17], $0x4000  }
0x1b0: {  	s6 =	simm.s32 @!p0 $0x80;
	s4 =	sshll.u32 @!p0 s30, $0x8;
	[sflag:s17] =	ssyncset.done $0x0  }
0x1b1: {  	s7 =	simm.s32 @!p0 $0x2800;
	s5 =	sadd.s32 @!p0 $0x1500, s4;
	[sflag:s17] =	ssyncadd.s32 $0xFFFFC000  }
0x1b2: {  	[tilespmem:s7], [sflag:$0x1] =	stream.indirect.gather @!p0 [hbm4b:s2+s6], $0x80, s5, s6, $0xb8;
	[tilespmem:$0x16800] =	vst v63  }
0x1b3: {  	s4 =	sadd.s32 @!p0 $0x1F00, s4;
	s5 =	simm.s32 @!p0 $0x6800  }
0x1b4: {  	[tilespmem:s5], [sflag:$0x2] =	stream.indirect.gather @!p0 [hbm4b:s2+s6], $0x80, s4, s6, $0xb8;
	[tilespmem:$0x16800] =	vst v63  }
0x1b5: {  	_ =	swait.ge [sflag:s20], $0x4000  }
0x1b6: {  	[sflag:s20] =	ssyncset.done $0x0  }
0x1b7: {  	[sflag:s20] =	ssyncadd.s32 $0xFFFFC000  }
0x1b8: {  	_ =	swait.ge [sflag:s28], $0x4000  }
0x1b9: {  	[sflag:s28] =	ssyncset.done $0x0  }
0x1ba: {  	s4 =	simm.s32 $0x0;
	[sflag:s28] =	ssyncadd.s32 $0xFFFFC000  }
0x1bb: {  	v2 =	vld [tilespmem:s4+$0xA870]  }
0x1bc: {  	v3 =	vld [tilespmem:s4+$0xE870]  }
0x1bd: {  	v4 =	vld [tilespmem:s4+$0xA800]  }
0x1be: {  	v5 =	vld [tilespmem:s4+$0xE800]  }
0x1bf: {  	v6 =	vld [tilespmem:s4+$0xA810]  }
0x1c0: {  	v7 =	vld [tilespmem:s4+$0xE810]  }
0x1c1: {  	v8 =	vld [tilespmem:s4+$0xA820]  }
0x1c2: {  	v63 =	vld [tilespmem:s4+$0xA830]  }
0x1c3: {  	v2 =	vadd.f32 v3, v2;
	v3 =	vld [tilespmem:s4+$0xE820]  }
0x1c4: {  	v10 =	vld [tilespmem:s4+$0xE830]  }
0x1c5: {  	v11 =	vld [tilespmem:s4+$0xE840];
	v4 =	vadd.f32 v5, v4  }
0x1c6: {  	[tilespmem:s4+$0x12870] =	vst v2;
	v2 =	vadd.f32 v7, v6;
	v7 =	vld [tilespmem:s4+$0xA840]  }
0x1c7: {  	v5 =	vld [tilespmem:s4+$0xE850];
	[tilespmem:s4+$0x12800] =	vst v4  }
0x1c8: {  	v4 =	vld [tilespmem:s4+$0xA850];
	[tilespmem:s4+$0x12810] =	vst v2;
	v2 =	vadd.f32 v3, v8  }
0x1c9: {  	v6 =	vld [tilespmem:s4+$0xE860];
	v8 =	vadd.f32 v10, v63  }
0x1ca: {  	s5 =	simm.s32 $0x80;
	[tilespmem:s4+$0x12820] =	vst v2;
	v2 =	vld [tilespmem:s4+$0xA860]  }
0x1cb: {  	s6 =	simm.s32 $0x400;
	v7 =	vadd.f32 v11, v7;
	v3 =	vld [tilespmem:s5+$0xA870];
	[tilespmem:s4+$0x12830] =	vst v8  }
.LBB2_11:
0x1cc: {  	p0 =	sne.s32 s6, $0xFE00;
	v8 =	vld [tilespmem:s5+$0xE870]  }
0x1cd: {  	v9 =	vld [tilespmem:s5+$0xA800];
	[tilespmem:s4+$0x12840] =	vst v7;
	v4 =	vadd.f32 v5, v4  }
0x1ce: {  	v5 =	vld [tilespmem:s5+$0xE800]  }
0x1cf: {  	v7 =	vld [tilespmem:s5+$0xA810];
	[tilespmem:s4+$0x12850] =	vst v4;
	v2 =	vadd.f32 v6, v2  }
0x1d0: {  	v4 =	vld [tilespmem:s5+$0xE810]  }
0x1d1: {  	v6 =	vld [tilespmem:s5+$0xA820];
	v3 =	vadd.f32 v8, v3;
	[tilespmem:s4+$0x12860] =	vst v2;
	s4 =	smov.u32 s5  }
0x1d2: {  	v2 =	vld [tilespmem:s4+$0xE820]  }
0x1d3: {  	v5 =	vadd.f32 v5, v9;
	v8 =	vld [tilespmem:s4+$0xA830];
	[tilespmem:s4+$0x12870] =	vst v3  }
0x1d4: {  	v3 =	vld [tilespmem:s4+$0xE830]  }
0x1d5: {  	[tilespmem:s4+$0x12800] =	vst v5;
	v4 =	vadd.f32 v4, v7;
	v7 =	vld [tilespmem:s4+$0xA840]  }
0x1d6: {  	v9 =	vld [tilespmem:s4+$0xE840]  }
.Ltmp4:
0x1d7: {  	[tilespmem:s4+$0x12810] =	vst v4;
	v2 =	vadd.f32 v2, v6;
	v4 =	vld [tilespmem:s4+$0xA850];
	(pc) =	sbr.rel @p0 .LBB2_11-.Ltmp4, $4  }
0x1d8: {  	v5 =	vld [tilespmem:s4+$0xE850]  }
0x1d9: {  	[tilespmem:s4+$0x12820] =	vst v2;
	v8 =	vadd.f32 v3, v8;
	v2 =	vld [tilespmem:s4+$0xA860]  }
0x1da: {  	s5 =	sshra.s32 s6, $0x2;
	v6 =	vld [tilespmem:s4+$0xE860]  }
0x1db: {  	s6 =	sadd.s32 $0x200, s6;
	v3 =	vld [tilespmem:s5+$0xA870];
	[tilespmem:s4+$0x12830] =	vst v8;
	v7 =	vadd.f32 v9, v7  }
0x1dc: {  	v8 =	vld [tilespmem:s5+$0xE870]  }
0x1dd: {  	v9 =	vld [tilespmem:s5+$0xA800];
	[tilespmem:s4+$0x12840] =	vst v7;
	v4 =	vadd.f32 v5, v4  }
0x1de: {  	v56 =	vld [tilespmem:s5+$0xE800]  }
0x1df: {  	v7 =	vld [tilespmem:s5+$0xA810];
	[tilespmem:s4+$0x12850] =	vst v4;
	v2 =	vadd.f32 v6, v2  }
0x1e0: {  	v4 =	vld [tilespmem:s5+$0xE810]  }
0x1e1: {  	v57 =	vld [tilespmem:s5+$0xA820];
	[tilespmem:s4+$0x12860] =	vst v2  }
0x1e2: {  	v2 =	vadd.f32 v8, v3;
	v3 =	vld [tilespmem:s5+$0xE820]  }
0x1e3: {  	v58 =	vld [tilespmem:s5+$0xA830]  }
0x1e4: {  	v59 =	vld [tilespmem:s5+$0xA840]  }
0x1e5: {  	v60 =	vld [tilespmem:s5+$0xE840]  }
0x1e6: {  	v61 =	vld [tilespmem:s5+$0xA850]  }
0x1e7: {  	[tilespmem:s5+$0x12870] =	vst v2;
	v2 =	vld [tilespmem:s5+$0xE830]  }
0x1e8: {  	v62 =	vld [tilespmem:s5+$0xE850];
	v3 =	vadd.f32 v3, v57  }
0x1e9: {  	v63 =	vld [tilespmem:s5+$0xE860]  }
0x1ea: {  	v5 =	vadd.f32 v56, v9;
	[tilespmem:s5+$0x12820] =	vst v3;
	v3 =	vld [tilespmem:s5+$0xA860]  }
0x1eb: {  	v4 =	vadd.f32 v4, v7  }
0x1ec: {  	[tilespmem:s5+$0x12800] =	vst v5;
	v2 =	vadd.f32 v2, v58  }
0x1ed: {  	[tilespmem:s5+$0x12810] =	vst v4;
	v5 =	vadd.f32 v60, v59  }
0x1ee: {  	[tilespmem:s5+$0x12830] =	vst v2;
	v2 =	vadd.f32 v62, v61  }
0x1ef: {  	s30 =	sadd.s32 $0x1, s30;
	[tilespmem:s5+$0x12840] =	vst v5;
	v3 =	vadd.f32 v63, v3  }
0x1f0: {  	s31 =	sshll.u32 s31, $0x10;
	p0 =	sne.s32 s30, $0xA;
	[tilespmem:s5+$0x12850] =	vst v2  }
.Ltmp5:
0x1f1: {  	s4 =	sadd.s32 s31, s12;
	[tilespmem:s5+$0x12860] =	vst v3;
	(pc) =	sbr.rel @p0 .LBB2_8-.Ltmp5, $4  }
0x1f2: {  	[hbm4b:s4+s3] =	stream.linear.scatter [tilespmem:s18], [sflag:$0x5], $0x4000, $0x38;
	[tilespmem:$0x16800] =	vst v63  }
0x1f3: {  	_ =	swait.ge [sflag:s17], $0x4000  }
0x1f4: {  	[sflag:s17] =	ssyncset.done $0x0  }
0x1f5: {  	[sflag:s17] =	ssyncadd.s32 $0xFFFFC000  }
0x1f6: {  	s29 =	sadd.s32 $0x1, s29  }
0x1f7: {  	p0 =	sne.s32 s29, s13  }
.Ltmp6:
0x1f8: {  	_ = 	snop;
	(pc) =	sbr.rel @p0 .LBB2_1-.Ltmp6, $1  }
0x1f9: {  	_ =	sdelay $0x3  }
0x1fa: {  	_ =	sfence.sel $0x180000  }
0x1fb: {  	[bflag:$0x0] =	sbarrier.arrive $0xFFFF  }
0x1fc: {  	_ =	strace $0x9000004A  }
0x1fd: {  	s0 =	stileid.u32;
	[bflag:$0x2] =	sbarrier.arrive $0xFFFF  }
0x1fe: {  	p0 =	sne.s32 s0, $0x0;
	s0 =	rddreg [dreg:$0x2]  }
0x1ff: {  	s0 =	sadd.s32 @!p0 $0x100000, s0  }
0x200: {  	[sflag:s0] =	ssyncadd.tile.s32 @!p0 $0x1;
	_ =	shalt  }
.Lfunc_end2:
_tile_overlayer_lowered:
.L_overlay_start_2:
0x201: {  	(tag) =	ssettag $0x2  }
0x202: {  	s0 =	rddreg [dreg:$0x0];
	s2 =	stileid.u32  }
0x203: {  	s1 =	rddreg [dreg:$0x1];
	p0 =	sne.s32 s2, $0x0  }
0x204: {  	s3 =	rddreg [dreg:$0x2];
	[bflag:$0x3] =	sbarrier.arrive $0xFFFF;
	s2 =	simm.s32 @!p0 $0x1C05  }
0x205: {  	[timem:s3], [sflag:s2] =	dma.local @!p0 [hbm:s0], s1  }
0x206: {  	s0 =	simm.s32 @!p0 $0x5  }
0x207: {  	_ =	swait.ge @!p0 [sflag:s0], s1  }
0x208: {  	s1 =	ssub.s32 @!p0 $0x0, s1;
	[sflag:s0] =	ssyncset.done @!p0 $0x0  }
0x209: {  	[sflag:s0] =	ssyncadd.s32 @!p0 s1  }
0x20a: {  	[bflag:$0x3] =	sbarrier.arrive $0xFFFF  }
0x20b: {  	_ =	shalt  }

</sc_bundles>
